<compile_context>
chip_gen: v7x
topology: tpu7x:2x2x1
jax: 0.10.2.dev20260603
libtpu: 0.0.44.dev20260713+nightly
codegen_flags: <defaults>
</compile_context>

<pallas_src>
import jax
import jax.numpy as jnp
from jax import lax
from jax.experimental import pallas as pl
from jax.experimental.pallas import tpu as pltpu
from jax.experimental.pallas import tpu_sc as plsc

NZ, NY, NX = 2, 496, 432
NCH = 64
NW = 32
YT = NY // 8
UNITS = 2 * NZ * YT
UBASE = UNITS // NW
UEXTRA = UNITS % NW
UPOS = 8 * NX
CC = 8
NCC = NCH // CC
UGRP = UPOS // 16
XGRP = NX // 16
LISTCAP = UPOS
SUB = 192
VC = 1280


def _body(vf_hbm, pk_hbm, out_hbm, claim, cbuf, plist, parlist, poslist,
          gbuf, block, sem_g, sem_s0, sem_s1):
    wid = lax.axis_index("c") * 16 + lax.axis_index("s")
    u0 = wid * UBASE + jnp.minimum(wid, UEXTRA)
    nu = UBASE + jnp.where(wid < UEXTRA, 1, 0)
    ciota = lax.iota(jnp.int32, 16)
    zeros_f = jnp.zeros((16,), jnp.float32)
    zeros_i = jnp.zeros((16,), jnp.int32)
    P = pk_hbm.shape[0]

    neg1 = jnp.full((16,), -1, jnp.int32)

    def _init_claim(i, _):
        claim[pl.ds(i * 16, 16)] = neg1
        return 0
    lax.fori_loop(0, (UBASE + 1) * UPOS // 16, _init_claim, 0)

    def _init_plist(i, _):
        plist[pl.ds(i * 16, 16)] = i * 16 + ciota
        return 0
    lax.fori_loop(0, LISTCAP // 16, _init_plist, 0)

    def _init_block(i, _):
        bi = i // (CC * UPOS // 16)
        r = i % (CC * UPOS // 16)
        block[bi, r // UGRP, (r % UGRP) // XGRP,
              pl.ds(((r % UGRP) % XGRP) * 16, 16)] = zeros_f
        return 0
    lax.fori_loop(0, 2 * CC * UPOS // 16, _init_block, 0)

    def _claim_grp(base, pk, verify):
        xvec = pk & 511
        yvec = (pk >> 9) & 511
        bz = pk >> 18
        urel = bz * YT + (yvec >> 3) - u0
        m = (urel >= 0) & (urel < nu)
        cidx = jnp.where(m, urel * UPOS + (yvec & 7) * NX + xvec, 0)
        pv = base + ciota
        if not verify:
            plsc.store_scatter(claim, [cidx], pv, mask=m)
        q = plsc.load_gather(claim, [cidx], mask=m)
        lost = (jnp.where(m, q, pv) < pv) & m
        if not verify:
            return lost.astype(jnp.int32)

        def _w_cond(nd):
            return jnp.max(nd) > 0

        def _w_body(nd):
            mm = nd > 0
            plsc.store_scatter(claim, [cidx], pv, mask=mm)
            q2 = plsc.load_gather(claim, [cidx], mask=mm)
            return ((jnp.where(mm, q2, pv) < pv) & mm).astype(jnp.int32)

        lax.while_loop(_w_cond, _w_body, lost.astype(jnp.int32))
        return None

    def _chunk(ci, _):
        pltpu.sync_copy(pk_hbm.at[pl.ds(ci * VC, VC)], cbuf)

        def _grp(t, acc):
            for sub in range(4):
                gi = t * 4 + sub
                pk = cbuf[pl.ds(gi * 16, 16)]
                acc = acc | _claim_grp(ci * VC + gi * 16, pk, False)
            return acc

        lostacc = lax.fori_loop(0, VC // 64, _grp, zeros_i)

        @pl.when(jnp.max(lostacc) > 0)
        def _():
            def _grp_fix(gi, _2):
                pk = cbuf[pl.ds(gi * 16, 16)]
                _claim_grp(ci * VC + gi * 16, pk, True)
                return 0

            lax.fori_loop(0, VC // 16, _grp_fix, 0)
        return 0

    lax.fori_loop(0, P // VC, _chunk, 0)

    def _unit(ui, kprev):
        u = u0 + ui
        bb = u // (NZ * YT)
        zz = (u % (NZ * YT)) // YT
        y0 = (u % YT) * 8

        @pl.when(ui > 0)
        def _():
            pltpu.make_async_copy(
                block.at[0], out_hbm.at[0, pl.ds(0, CC), 0, pl.ds(0, 8), :],
                sem_s0).wait()
            pltpu.make_async_copy(
                block.at[1], out_hbm.at[0, pl.ds(0, CC), 0, pl.ds(0, 8), :],
                sem_s1).wait()

            def _rz(jg, _2):
                posv = poslist[pl.ds(jg * 16, 16)]
                yv = posv >> 9
                xv = posv & 511
                mz = (jg * 16 + ciota) < kprev
                for bi in range(2):
                    bv = zeros_i + bi
                    for c in range(CC):
                        cv_ = zeros_i + c
                        plsc.store_scatter(block, [bv, cv_, yv, xv],
                                           zeros_f, mask=mz)
                return 0
            lax.fori_loop(0, (kprev + 15) // 16, _rz, 0)

        cb0 = ui * UPOS

        def _cg(g, cnt):
            cv = claim[pl.ds(cb0 + g * 16, 16)]
            mv = cv >= 0
            ranks = plsc.cumsum(mv.astype(jnp.int32))
            pos = jnp.where(mv, cnt + ranks - 1, LISTCAP - 1)
            plsc.store_scatter(plist, [pos], cv >> 1, mask=mv)
            plsc.store_scatter(parlist, [pos], (cv & 1) * NCH, mask=mv)
            packed = (g // XGRP) * 512 + (g % XGRP) * 16 + ciota
            plsc.store_scatter(poslist, [pos], packed, mask=mv)
            return cnt + plsc.all_reduce_population_count(mv)

        cnt = lax.fori_loop(0, UGRP, _cg, zeros_i)
        k = jnp.max(cnt)
        nsub = (k + SUB - 1) // SUB

        def _cc(cc, _2):
            buf = cc % 2
            bufv = zeros_i + buf
            c0 = cc * CC

            @pl.when((cc >= 2) & (buf == 0))
            def _():
                pltpu.make_async_copy(
                    block.at[0],
                    out_hbm.at[0, pl.ds(0, CC), 0, pl.ds(0, 8), :],
                    sem_s0).wait()

                def _rzc(jg, _3):
                    posv = poslist[pl.ds(jg * 16, 16)]
                    mz = (jg * 16 + ciota) < k
                    yv = posv >> 9
                    xv = posv & 511
                    for c in range(CC):
                        cv_ = zeros_i + c
                        plsc.store_scatter(block, [zeros_i, cv_, yv, xv],
                                           zeros_f, mask=mz)
                    return 0
                lax.fori_loop(0, (k + 15) // 16, _rzc, 0)

            @pl.when((cc >= 2) & (buf == 1))
            def _():
                pltpu.make_async_copy(
                    block.at[1],
                    out_hbm.at[0, pl.ds(0, CC), 0, pl.ds(0, 8), :],
                    sem_s1).wait()

                def _rzc(jg, _3):
                    posv = poslist[pl.ds(jg * 16, 16)]
                    mz = (jg * 16 + ciota) < k
                    yv = posv >> 9
                    xv = posv & 511
                    for c in range(CC):
                        cv_ = zeros_i + c
                        plsc.store_scatter(block, [zeros_i + 1, cv_, yv, xv],
                                           zeros_f, mask=mz)
                    return 0
                lax.fori_loop(0, (k + 15) // 16, _rzc, 0)

            def _sub(sc, _3):
                sbase = sc * SUB
                trips = (jnp.minimum(k - sbase, SUB) + 15) // 16

                @pl.when((cc == 0) | (k > SUB))
                def _():
                    def _gi(g, _4):
                        pltpu.async_copy(
                            vf_hbm.at[plist.at[pl.ds(sbase + g * 16, 16)]],
                            gbuf.at[pl.ds(g * 16, 16)], sem_g)
                        return 0
                    lax.fori_loop(0, trips, _gi, 0)

                    def _gw(g, _4):
                        pltpu.make_async_copy(
                            vf_hbm.at[plist.at[pl.ds(0, 16)]],
                            gbuf.at[pl.ds(0, 16)], sem_g).wait()
                        return 0
                    lax.fori_loop(0, trips, _gw, 0)

                def _sc_g(jg, _4):
                    jv = jg * 16 + ciota
                    msk = (sbase + jv) < k
                    posv = poslist[pl.ds(sbase + jg * 16, 16)]
                    parv = parlist[pl.ds(sbase + jg * 16, 16)]
                    yv = posv >> 9
                    xv = posv & 511
                    for c in range(CC):
                        cv_ = zeros_i + c
                        w = plsc.load_gather(gbuf, [jv, parv + (c0 + c)],
                                             mask=msk)
                        plsc.store_scatter(block, [bufv, cv_, yv, xv], w,
                                           mask=msk)
                    return 0
                lax.fori_loop(0, SUB // 16, _sc_g, 0)
                return 0

            lax.fori_loop(0, nsub, _sub, 0)

            @pl.when(buf == 0)
            def _():
                pltpu.async_copy(
                    block.at[0],
                    out_hbm.at[bb, pl.ds(c0, CC), zz, pl.ds(y0, 8), :],
                    sem_s0)

            @pl.when(buf == 1)
            def _():
                pltpu.async_copy(
                    block.at[1],
                    out_hbm.at[bb, pl.ds(c0, CC), zz, pl.ds(y0, 8), :],
                    sem_s1)
            return 0

        lax.fori_loop(0, NCC, _cc, 0)
        return k

    lax.fori_loop(0, nu, _unit, jnp.int32(0))

    pltpu.make_async_copy(
        block.at[0], out_hbm.at[0, pl.ds(0, CC), 0, pl.ds(0, 8), :],
        sem_s0).wait()
    pltpu.make_async_copy(
        block.at[1], out_hbm.at[0, pl.ds(0, CC), 0, pl.ds(0, 8), :],
        sem_s1).wait()


@jax.jit
def _voxel_scatter(voxel_features, coords_t):
    mesh = plsc.VectorSubcoreMesh(core_axis_name="c", subcore_axis_name="s")
    fn = pl.kernel(
        _body,
        out_type=jax.ShapeDtypeStruct((2, NCH, NZ, NY, NX), jnp.float32),
        mesh=mesh,
        compiler_params=pltpu.CompilerParams(needs_layout_passes=False),
        scratch_types=[
            pltpu.VMEM(((UBASE + 1) * UPOS,), jnp.int32),
            pltpu.VMEM((VC,), jnp.int32),
            pltpu.VMEM((LISTCAP,), jnp.int32),
            pltpu.VMEM((LISTCAP,), jnp.int32),
            pltpu.VMEM((LISTCAP,), jnp.int32),
            pltpu.VMEM((SUB, 2 * NCH), jnp.float32),
            pltpu.VMEM((2, CC, 8, NX), jnp.float32),
            pltpu.SemaphoreType.DMA,
            pltpu.SemaphoreType.DMA,
            pltpu.SemaphoreType.DMA,
        ],
    )
    return fn(voxel_features, coords_t)


def kernel(voxel_features, coords, batch_size):
    vf2 = voxel_features.reshape(-1, 2 * NCH)
    pk = ((coords[:, 0] * 2 + coords[:, 1]) << 18) | (coords[:, 2] << 9) \
        | coords[:, 3]
    out = _voxel_scatter(vf2, pk)
    return out.reshape(2, NCH * NZ, NY, NX)

# --- scband reference (transcript-rebuilt; emitter-appended) ---
"""Pipeline reference for scband-voxel-scatter-1425929142949 (READ-ONLY COPY).

The authoritative reference and input builder live on the scoring server;
editing this copy changes nothing except your own understanding.
"""

import jax, jax.numpy as jnp
import numpy as np

NZ, NY, NX = 2, 496, 432
NCH = 64
P = 32000
BATCH = 2


def setup_inputs(seed: int = 0) -> dict:
    key = jax.random.key(seed)
    k1, k2, k3, k4, k5 = jax.random.split(key, 5)
    voxel_features = jax.random.normal(k1, (P, NCH), dtype=jnp.float32)
    cb = jax.random.randint(k2, (P, 1), 0, BATCH)
    cz = jax.random.randint(k3, (P, 1), 0, NZ)
    cy = jax.random.randint(k4, (P, 1), 0, NY)
    cx = jax.random.randint(k5, (P, 1), 0, NX)
    coords = jnp.concatenate([cb, cz, cy, cx], axis=1).astype(jnp.int32)
    return {"voxel_features": voxel_features, "coords": coords, "batch_size": BATCH}


def reference(voxel_features, coords, batch_size):
    # Faithful JAX port of PointPillars VoxelScatter.forward
    S = NX * NY * NZ
    indices = coords[:, 1] * (NX * NY) + coords[:, 2] * NX + coords[:, 3]
    batch_canvas = []
    for batch_itt in range(BATCH):
        batch_mask = (coords[:, 0] == batch_itt) & (batch_itt < batch_size)
        # voxels not belonging to this batch item are routed to an
        # out-of-range slot and dropped by the scatter (emulates boolean
        # masking with static shapes)
        idx = jnp.where(batch_mask, indices, S)
        canvas = jnp.zeros((NCH, S), dtype=voxel_features.dtype)
        canvas = canvas.at[:, idx].set(voxel_features.T, mode='drop')
        batch_canvas.append(canvas)
    out = jnp.stack(batch_canvas, 0)
    out = out.reshape(BATCH, NCH * NZ, NY, NX)
    return out

if __name__ == "__main__":
    import jax
    _d = setup_inputs()
    print(jax.jit(kernel)(*tuple(_d.values())))

</pallas_src>

<mosaic_0001>
#map = affine_map<(d0, d1) -> (0, 0)>
#map1 = affine_map<(d0, d1) -> (0)>
#map2 = affine_map<(d0, d1) -> (0, 0, 0, 0, 0)>
module attributes {stable_mosaic.version = 14 : i64} {
  func.func @_body(%arg0: i32, %arg1: i32, %arg2: memref<16000x128xf32, #tpu.memory_space<hbm>>, %arg3: memref<32000xi32, #tpu.memory_space<hbm>>, %arg4: memref<2x64x2x496x432xf32, #tpu.memory_space<hbm>>, %arg5: memref<27648xi32, #tpu.memory_space<vmem>>, %arg6: memref<1280xi32, #tpu.memory_space<vmem>>, %arg7: memref<3456xi32, #tpu.memory_space<vmem>>, %arg8: memref<3456xi32, #tpu.memory_space<vmem>>, %arg9: memref<3456xi32, #tpu.memory_space<vmem>>, %arg10: memref<192x128xf32, #tpu.memory_space<vmem>>, %arg11: memref<2x8x8x432xf32, #tpu.memory_space<vmem>>, %arg12: memref<!tpu.dma_semaphore, #tpu.memory_space<semaphore_mem>>, %arg13: memref<!tpu.dma_semaphore, #tpu.memory_space<semaphore_mem>>, %arg14: memref<!tpu.dma_semaphore, #tpu.memory_space<semaphore_mem>>) attributes {dimension_semantics = [#tpu.dimension_semantics<core_parallel>, #tpu.dimension_semantics<subcore_parallel>], iteration_bounds = array<i64: 2, 16>, scalar_prefetch = 0 : i64, scratch_operands = 10 : i64, tpu.core_type = #tpu.core_type<sc_vector_subcore>, window_params = [{transform_indices = #map}, {transform_indices = #map1}, {transform_indices = #map2}]} {
    %mul3A = arith.constant 16 : i32
    %mul3A_0 = arith.muli %arg0, %mul3A : i32
    %add3A = arith.addi %mul3A_0, %arg1 : i32
    %mul3A_1 = arith.constant 7 : i32
    %mul3A_2 = arith.muli %add3A, %mul3A_1 : i32
    %min3A = arith.constant 24 : i32
    %min3A_3 = arith.minsi %add3A, %min3A : i32
    %add3A_4 = arith.addi %mul3A_2, %min3A_3 : i32
    %lt3A = arith.constant 24 : i32
    %lt3A_5 = arith.cmpi slt, %add3A, %lt3A : i32
    %jit3A = arith.constant 1 : i32
    %jit3A_6 = arith.constant 0 : i32
    %select_n3A = arith.select %lt3A_5, %jit3A, %jit3A_6 : i32
    %add3A_7 = arith.constant 7 : i32
    %add3A_8 = arith.addi %add3A_7, %select_n3A : i32
    %iota3A = tpu.iota {dimensions = array<i32: 0>} : vector<16xi32>
    %broadcast_in_dim3A = arith.constant 0.000000e+00 : f32
    %broadcast_in_dim3A_9 = vector.broadcast %broadcast_in_dim3A : f32 to vector<16xf32>
    %broadcast_in_dim3A_10 = arith.constant 0 : i32
    %broadcast_in_dim3A_11 = vector.broadcast %broadcast_in_dim3A_10 : i32 to vector<16xi32>
    %broadcast_in_dim3A_12 = arith.constant -1 : i32
    %broadcast_in_dim3A_13 = vector.broadcast %broadcast_in_dim3A_12 : i32 to vector<16xi32>
    %scan3A = arith.constant 0 : i32
    %scan3A_14 = arith.constant 0 : i32
    %scan3A_15 = arith.constant 1728 : i32
    %scan3A_16 = arith.addi %scan3A_14, %scan3A_15 : i32
    %scan3A_17 = arith.constant 1 : i32
    %scan3A_18 = scf.for %scan3A_97 = %scan3A_14 to %scan3A_16 step %scan3A_17 iter_args(%scan3A_98 = %scan3A) -> (i32)  : i32 {
      %mul3A_99 = arith.constant 16 : i32
      %mul3A_100 = arith.muli %scan3A_97, %mul3A_99 : i32
      %swap3A = arith.index_cast %mul3A_100 : i32 to index
      %swap3A_101 = tpu.vector_load %arg5[%swap3A] {strides = array<i32>} : memref<27648xi32, #tpu.memory_space<vmem>>, vector<16xi32>,
      tpu.vector_store %arg5[%swap3A], %broadcast_in_dim3A_13 {strides = array<i32>} : memref<27648xi32, #tpu.memory_space<vmem>>, vector<16xi32>,
      %scan3A_102 = arith.constant 0 : i32
      scf.yield %scan3A_102 : i32
    }
    %scan3A_19 = arith.constant 1728 : i32
    %scan3A_20 = arith.constant 0 : i32
    %scan3A_21 = arith.constant 0 : i32
    %scan3A_22 = arith.constant 216 : i32
    %scan3A_23 = arith.addi %scan3A_21, %scan3A_22 : i32
    %scan3A_24 = arith.constant 1 : i32
    %scan3A_25 = scf.for %scan3A_97 = %scan3A_21 to %scan3A_23 step %scan3A_24 iter_args(%scan3A_98 = %scan3A_20) -> (i32)  : i32 {
      %mul3A_99 = arith.constant 16 : i32
      %mul3A_100 = arith.muli %scan3A_97, %mul3A_99 : i32
      %add3A_101 = vector.broadcast %mul3A_100 : i32 to vector<16xi32>
      %add3A_102 = arith.addi %add3A_101, %iota3A : vector<16xi32>
      %mul3A_103 = arith.constant 16 : i32
      %mul3A_104 = arith.muli %scan3A_97, %mul3A_103 : i32
      %swap3A = arith.index_cast %mul3A_104 : i32 to index
      %swap3A_105 = tpu.vector_load %arg7[%swap3A] {strides = array<i32>} : memref<3456xi32, #tpu.memory_space<vmem>>, vector<16xi32>,
      tpu.vector_store %arg7[%swap3A], %add3A_102 {strides = array<i32>} : memref<3456xi32, #tpu.memory_space<vmem>>, vector<16xi32>,
      %scan3A_106 = arith.constant 0 : i32
      scf.yield %scan3A_106 : i32
    }
    %scan3A_26 = arith.constant 216 : i32
    %scan3A_27 = arith.constant 0 : i32
    %scan3A_28 = arith.constant 0 : i32
    %scan3A_29 = arith.constant 3456 : i32
    %scan3A_30 = arith.addi %scan3A_28, %scan3A_29 : i32
    %scan3A_31 = arith.constant 1 : i32
    %scan3A_32 = scf.for %scan3A_97 = %scan3A_28 to %scan3A_30 step %scan3A_31 iter_args(%scan3A_98 = %scan3A_27) -> (i32)  : i32 {
      %jit3A_99 = arith.constant 1728 : i32
      %div3A = arith.divsi %scan3A_97, %jit3A_99 : i32
      %sign3A = arith.constant 0 : i32
      %sign3A_100 = arith.cmpi sgt, %scan3A_97, %sign3A : i32
      %sign3A_101 = arith.extui %sign3A_100 : i1 to i32
      %sign3A_102 = arith.constant 0 : i32
      %sign3A_103 = arith.cmpi slt, %scan3A_97, %sign3A_102 : i32
      %sign3A_104 = arith.extui %sign3A_103 : i1 to i32
      %sign3A_105 = arith.subi %sign3A_101, %sign3A_104 : i32
      %sign3A_106 = arith.constant 0 : i32
      %sign3A_107 = arith.cmpi sgt, %jit3A_99, %sign3A_106 : i32
      %sign3A_108 = arith.extui %sign3A_107 : i1 to i32
      %sign3A_109 = arith.constant 0 : i32
      %sign3A_110 = arith.cmpi slt, %jit3A_99, %sign3A_109 : i32
      %sign3A_111 = arith.extui %sign3A_110 : i1 to i32
      %sign3A_112 = arith.subi %sign3A_108, %sign3A_111 : i32
      %ne3A = arith.cmpi ne, %sign3A_105, %sign3A_112 : i32
      %rem3A = arith.remsi %scan3A_97, %jit3A_99 : i32
      %ne3A_113 = arith.constant 0 : i32
      %ne3A_114 = arith.cmpi ne, %rem3A, %ne3A_113 : i32
      %and3A = arith.andi %ne3A, %ne3A_114 : i1
      %sub3A = arith.constant 1 : i32
      %sub3A_115 = arith.subi %div3A, %sub3A : i32
      %select_n3A_116 = arith.select %and3A, %sub3A_115, %div3A : i32
      %jit3A_117 = arith.constant 1728 : i32
      %eq3A = arith.constant 0 : i32
      %eq3A_118 = arith.cmpi eq, %jit3A_117, %eq3A : i32
      %jit3A_119 = arith.constant 1 : i32
      %select_n3A_120 = arith.select %eq3A_118, %jit3A_119, %jit3A_117 : i32
      %rem3A_121 = arith.remsi %scan3A_97, %select_n3A_120 : i32
      %ne3A_122 = arith.constant 0 : i32
      %ne3A_123 = arith.cmpi ne, %rem3A_121, %ne3A_122 : i32
      %lt3A_124 = arith.constant 0 : i32
      %lt3A_125 = arith.cmpi slt, %rem3A_121, %lt3A_124 : i32
      %lt3A_126 = arith.constant 0 : i32
      %lt3A_127 = arith.cmpi slt, %select_n3A_120, %lt3A_126 : i32
      %ne3A_128 = arith.xori %lt3A_125, %lt3A_127 : i1
      %and3A_129 = arith.andi %ne3A_128, %ne3A_123 : i1
      %add3A_130 = arith.addi %rem3A_121, %select_n3A_120 : i32
      %select_n3A_131 = arith.select %and3A_129, %add3A_130, %rem3A_121 : i32
      %jit3A_132 = arith.constant 216 : i32
      %div3A_133 = arith.divsi %select_n3A_131, %jit3A_132 : i32
      %sign3A_134 = arith.constant 0 : i32
      %sign3A_135 = arith.cmpi sgt, %select_n3A_131, %sign3A_134 : i32
      %sign3A_136 = arith.extui %sign3A_135 : i1 to i32
      %sign3A_137 = arith.constant 0 : i32
      %sign3A_138 = arith.cmpi slt, %select_n3A_131, %sign3A_137 : i32
      %sign3A_139 = arith.extui %sign3A_138 : i1 to i32
      %sign3A_140 = arith.subi %sign3A_136, %sign3A_139 : i32
      %sign3A_141 = arith.constant 0 : i32
      %sign3A_142 = arith.cmpi sgt, %jit3A_132, %sign3A_141 : i32
      %sign3A_143 = arith.extui %sign3A_142 : i1 to i32
      %sign3A_144 = arith.constant 0 : i32
      %sign3A_145 = arith.cmpi slt, %jit3A_132, %sign3A_144 : i32
      %sign3A_146 = arith.extui %sign3A_145 : i1 to i32
      %sign3A_147 = arith.subi %sign3A_143, %sign3A_146 : i32
      %ne3A_148 = arith.cmpi ne, %sign3A_140, %sign3A_147 : i32
      %rem3A_149 = arith.remsi %select_n3A_131, %jit3A_132 : i32
      %ne3A_150 = arith.constant 0 : i32
      %ne3A_151 = arith.cmpi ne, %rem3A_149, %ne3A_150 : i32
      %and3A_152 = arith.andi %ne3A_148, %ne3A_151 : i1
      %sub3A_153 = arith.constant 1 : i32
      %sub3A_154 = arith.subi %div3A_133, %sub3A_153 : i32
      %select_n3A_155 = arith.select %and3A_152, %sub3A_154, %div3A_133 : i32
      %jit3A_156 = arith.constant 216 : i32
      %eq3A_157 = arith.constant 0 : i32
      %eq3A_158 = arith.cmpi eq, %jit3A_156, %eq3A_157 : i32
      %jit3A_159 = arith.constant 1 : i32
      %select_n3A_160 = arith.select %eq3A_158, %jit3A_159, %jit3A_156 : i32
      %rem3A_161 = arith.remsi %select_n3A_131, %select_n3A_160 : i32
      %ne3A_162 = arith.constant 0 : i32
      %ne3A_163 = arith.cmpi ne, %rem3A_161, %ne3A_162 : i32
      %lt3A_164 = arith.constant 0 : i32
      %lt3A_165 = arith.cmpi slt, %rem3A_161, %lt3A_164 : i32
      %lt3A_166 = arith.constant 0 : i32
      %lt3A_167 = arith.cmpi slt, %select_n3A_160, %lt3A_166 : i32
      %ne3A_168 = arith.xori %lt3A_165, %lt3A_167 : i1
      %and3A_169 = arith.andi %ne3A_168, %ne3A_163 : i1
      %add3A_170 = arith.addi %rem3A_161, %select_n3A_160 : i32
      %select_n3A_171 = arith.select %and3A_169, %add3A_170, %rem3A_161 : i32
      %jit3A_172 = arith.constant 27 : i32
      %div3A_173 = arith.divsi %select_n3A_171, %jit3A_172 : i32
      %sign3A_174 = arith.constant 0 : i32
      %sign3A_175 = arith.cmpi sgt, %select_n3A_171, %sign3A_174 : i32
      %sign3A_176 = arith.extui %sign3A_175 : i1 to i32
      %sign3A_177 = arith.constant 0 : i32
      %sign3A_178 = arith.cmpi slt, %select_n3A_171, %sign3A_177 : i32
      %sign3A_179 = arith.extui %sign3A_178 : i1 to i32
      %sign3A_180 = arith.subi %sign3A_176, %sign3A_179 : i32
      %sign3A_181 = arith.constant 0 : i32
      %sign3A_182 = arith.cmpi sgt, %jit3A_172, %sign3A_181 : i32
      %sign3A_183 = arith.extui %sign3A_182 : i1 to i32
      %sign3A_184 = arith.constant 0 : i32
      %sign3A_185 = arith.cmpi slt, %jit3A_172, %sign3A_184 : i32
      %sign3A_186 = arith.extui %sign3A_185 : i1 to i32
      %sign3A_187 = arith.subi %sign3A_183, %sign3A_186 : i32
      %ne3A_188 = arith.cmpi ne, %sign3A_180, %sign3A_187 : i32
      %rem3A_189 = arith.remsi %select_n3A_171, %jit3A_172 : i32
      %ne3A_190 = arith.constant 0 : i32
      %ne3A_191 = arith.cmpi ne, %rem3A_189, %ne3A_190 : i32
      %and3A_192 = arith.andi %ne3A_188, %ne3A_191 : i1
      %sub3A_193 = arith.constant 1 : i32
      %sub3A_194 = arith.subi %div3A_173, %sub3A_193 : i32
      %select_n3A_195 = arith.select %and3A_192, %sub3A_194, %div3A_173 : i32
      %jit3A_196 = arith.constant 216 : i32
      %eq3A_197 = arith.constant 0 : i32
      %eq3A_198 = arith.cmpi eq, %jit3A_196, %eq3A_197 : i32
      %jit3A_199 = arith.constant 1 : i32
      %select_n3A_200 = arith.select %eq3A_198, %jit3A_199, %jit3A_196 : i32
      %rem3A_201 = arith.remsi %select_n3A_131, %select_n3A_200 : i32
      %ne3A_202 = arith.constant 0 : i32
      %ne3A_203 = arith.cmpi ne, %rem3A_201, %ne3A_202 : i32
      %lt3A_204 = arith.constant 0 : i32
      %lt3A_205 = arith.cmpi slt, %rem3A_201, %lt3A_204 : i32
      %lt3A_206 = arith.constant 0 : i32
      %lt3A_207 = arith.cmpi slt, %select_n3A_200, %lt3A_206 : i32
      %ne3A_208 = arith.xori %lt3A_205, %lt3A_207 : i1
      %and3A_209 = arith.andi %ne3A_208, %ne3A_203 : i1
      %add3A_210 = arith.addi %rem3A_201, %select_n3A_200 : i32
      %select_n3A_211 = arith.select %and3A_209, %add3A_210, %rem3A_201 : i32
      %jit3A_212 = arith.constant 27 : i32
      %eq3A_213 = arith.constant 0 : i32
      %eq3A_214 = arith.cmpi eq, %jit3A_212, %eq3A_213 : i32
      %jit3A_215 = arith.constant 1 : i32
      %select_n3A_216 = arith.select %eq3A_214, %jit3A_215, %jit3A_212 : i32
      %rem3A_217 = arith.remsi %select_n3A_211, %select_n3A_216 : i32
      %ne3A_218 = arith.constant 0 : i32
      %ne3A_219 = arith.cmpi ne, %rem3A_217, %ne3A_218 : i32
      %lt3A_220 = arith.constant 0 : i32
      %lt3A_221 = arith.cmpi slt, %rem3A_217, %lt3A_220 : i32
      %lt3A_222 = arith.constant 0 : i32
      %lt3A_223 = arith.cmpi slt, %select_n3A_216, %lt3A_222 : i32
      %ne3A_224 = arith.xori %lt3A_221, %lt3A_223 : i1
      %and3A_225 = arith.andi %ne3A_224, %ne3A_219 : i1
      %add3A_226 = arith.addi %rem3A_217, %select_n3A_216 : i32
      %select_n3A_227 = arith.select %and3A_225, %add3A_226, %rem3A_217 : i32
      %mul3A_228 = arith.constant 16 : i32
      %mul3A_229 = arith.muli %select_n3A_227, %mul3A_228 : i32
      %swap3A = arith.index_cast %select_n3A_116 : i32 to index
      %swap3A_230 = arith.index_cast %select_n3A_155 : i32 to index
      %swap3A_231 = arith.index_cast %select_n3A_195 : i32 to index
      %swap3A_232 = arith.index_cast %mul3A_229 : i32 to index
      %swap3A_233 = tpu.vector_load %arg11[%swap3A, %swap3A_230, %swap3A_231, %swap3A_232] {strides = array<i32>} : memref<2x8x8x432xf32, #tpu.memory_space<vmem>>, vector<16xf32>,
      tpu.vector_store %arg11[%swap3A, %swap3A_230, %swap3A_231, %swap3A_232], %broadcast_in_dim3A_9 {strides = array<i32>} : memref<2x8x8x432xf32, #tpu.memory_space<vmem>>, vector<16xf32>,
      %scan3A_234 = arith.constant 0 : i32
      scf.yield %scan3A_234 : i32
    }
    %scan3A_33 = arith.constant 3456 : i32
    %scan3A_34 = arith.constant 0 : i32
    %scan3A_35 = arith.constant 0 : i32
    %scan3A_36 = arith.constant 25 : i32
    %scan3A_37 = arith.addi %scan3A_35, %scan3A_36 : i32
    %scan3A_38 = arith.constant 1 : i32
    %scan3A_39 = scf.for %scan3A_97 = %scan3A_35 to %scan3A_37 step %scan3A_38 iter_args(%scan3A_98 = %scan3A_34) -> (i32)  : i32 {
      %mul3A_99 = arith.constant 1280 : i32
      %mul3A_100 = arith.muli %scan3A_97, %mul3A_99 : i32
      "tpu.region"() ({
        %run_scoped3A = tpu.sem_alloc : memref<!tpu.dma_semaphore, #tpu.memory_space<semaphore_mem>>
        %dma_start3A = tpu.memref_slice %arg3[%mul3A_100] : memref<32000xi32, #tpu.memory_space<hbm>> -> memref<1280xi32, #tpu.memory_space<hbm>>
        %dma_start3A_117 = tpu.memref_slice %arg3[%mul3A_100] : memref<32000xi32, #tpu.memory_space<hbm>> -> memref<1280xi32, #tpu.memory_space<hbm>>
        tpu.enqueue_dma source(%dma_start3A_117 : memref<1280xi32, #tpu.memory_space<hbm>>) target(%arg6 : memref<1280xi32, #tpu.memory_space<vmem>>) target_semaphore(%run_scoped3A : memref<!tpu.dma_semaphore, #tpu.memory_space<semaphore_mem>>)
        %dma_wait3A_118 = tpu.memref_slice %arg3[%mul3A_100] : memref<32000xi32, #tpu.memory_space<hbm>> -> memref<1280xi32, #tpu.memory_space<hbm>>
        %dma_wait3A_119 = tpu.memref_slice %arg3[%mul3A_100] : memref<32000xi32, #tpu.memory_space<hbm>> -> memref<1280xi32, #tpu.memory_space<hbm>>
        tpu.wait_dma2 semaphore(%run_scoped3A : memref<!tpu.dma_semaphore, #tpu.memory_space<semaphore_mem>>) src(%dma_wait3A_119 : memref<1280xi32, #tpu.memory_space<hbm>>) dst(%arg6 : memref<1280xi32, #tpu.memory_space<vmem>>)
        tpu.yield
      }) : () -> ()
      %scan3A_101 = arith.constant 0 : i32
      %scan3A_102 = arith.constant 20 : i32
      %scan3A_103 = arith.addi %scan3A_101, %scan3A_102 : i32
      %scan3A_104 = arith.constant 1 : i32
      %scan3A_105 = scf.for %scan3A_117 = %scan3A_101 to %scan3A_103 step %scan3A_104 iter_args(%scan3A_118 = %broadcast_in_dim3A_11) -> (vector<16xi32>)  : i32 {
        %mul3A_119 = arith.constant 4 : i32
        %mul3A_120 = arith.muli %scan3A_117, %mul3A_119 : i32
        %add3A_121 = arith.constant 0 : i32
        %add3A_122 = arith.addi %mul3A_120, %add3A_121 : i32
        %mul3A_123 = arith.constant 16 : i32
        %mul3A_124 = arith.muli %add3A_122, %mul3A_123 : i32
        %get3A = arith.index_cast %mul3A_124 : i32 to index
        %get3A_125 = tpu.vector_load %arg6[%get3A] {strides = array<i32>} : memref<1280xi32, #tpu.memory_space<vmem>>, vector<16xi32>,
        %mul3A_126 = arith.constant 1280 : i32
        %mul3A_127 = arith.muli %scan3A_97, %mul3A_126 : i32
        %mul3A_128 = arith.constant 16 : i32
        %mul3A_129 = arith.muli %add3A_122, %mul3A_128 : i32
        %add3A_130 = arith.addi %mul3A_127, %mul3A_129 : i32
        %and3A = arith.constant 511 : i32
        %and3A_131 = vector.broadcast %and3A : i32 to vector<16xi32>
        %and3A_132 = arith.andi %get3A_125, %and3A_131 : vector<16xi32>
        %shift_right_arithmetic3A = arith.constant 9 : i32
        %shift_right_arithmetic3A_133 = vector.broadcast %shift_right_arithmetic3A : i32 to vector<16xi32>
        %shift_right_arithmetic3A_134 = arith.shrsi %get3A_125, %shift_right_arithmetic3A_133 : vector<16xi32>
        %and3A_135 = arith.constant 511 : i32
        %and3A_136 = vector.broadcast %and3A_135 : i32 to vector<16xi32>
        %and3A_137 = arith.andi %shift_right_arithmetic3A_134, %and3A_136 : vector<16xi32>
        %shift_right_arithmetic3A_138 = arith.constant 18 : i32
        %shift_right_arithmetic3A_139 = vector.broadcast %shift_right_arithmetic3A_138 : i32 to vector<16xi32>
        %shift_right_arithmetic3A_140 = arith.shrsi %get3A_125, %shift_right_arithmetic3A_139 : vector<16xi32>
        %mul3A_141 = arith.constant 62 : i32
        %mul3A_142 = vector.broadcast %mul3A_141 : i32 to vector<16xi32>
        %mul3A_143 = arith.muli %shift_right_arithmetic3A_140, %mul3A_142 : vector<16xi32>
        %shift_right_arithmetic3A_144 = arith.constant 3 : i32
        %shift_right_arithmetic3A_145 = vector.broadcast %shift_right_arithmetic3A_144 : i32 to vector<16xi32>
        %shift_right_arithmetic3A_146 = arith.shrsi %and3A_137, %shift_right_arithmetic3A_145 : vector<16xi32>
        %add3A_147 = arith.addi %mul3A_143, %shift_right_arithmetic3A_146 : vector<16xi32>
        %sub3A = vector.broadcast %add3A_4 : i32 to vector<16xi32>
        %sub3A_148 = arith.subi %add3A_147, %sub3A : vector<16xi32>
        %ge3A = arith.constant 0 : i32
        %ge3A_149 = vector.broadcast %ge3A : i32 to vector<16xi32>
        %ge3A_150 = arith.cmpi sge, %sub3A_148, %ge3A_149 : vector<16xi32>
        %lt3A_151 = vector.broadcast %add3A_8 : i32 to vector<16xi32>
        %lt3A_152 = arith.cmpi slt, %sub3A_148, %lt3A_151 : vector<16xi32>
        %and3A_153 = arith.andi %ge3A_150, %lt3A_152 : vector<16xi1>
        %mul3A_154 = arith.constant 3456 : i32
        %mul3A_155 = vector.broadcast %mul3A_154 : i32 to vector<16xi32>
        %mul3A_156 = arith.muli %sub3A_148, %mul3A_155 : vector<16xi32>
        %and3A_157 = arith.constant 7 : i32
        %and3A_158 = vector.broadcast %and3A_157 : i32 to vector<16xi32>
        %and3A_159 = arith.andi %and3A_137, %and3A_158 : vector<16xi32>
        %mul3A_160 = arith.constant 432 : i32
        %mul3A_161 = vector.broadcast %mul3A_160 : i32 to vector<16xi32>
        %mul3A_162 = arith.muli %and3A_159, %mul3A_161 : vector<16xi32>
        %add3A_163 = arith.addi %mul3A_156, %mul3A_162 : vector<16xi32>
        %add3A_164 = arith.addi %add3A_163, %and3A_132 : vector<16xi32>
        %jit3A_165 = arith.constant 0 : i32
        %broadcast_in_dim3A_166 = vector.broadcast %jit3A_165 : i32 to vector<16xi32>
        %select_n3A_167 = arith.select %and3A_153, %add3A_164, %broadcast_in_dim3A_166 : vector<16xi1>, vector<16xi32>
        %add3A_168 = vector.broadcast %add3A_130 : i32 to vector<16xi32>
        %add3A_169 = arith.addi %add3A_168, %iota3A : vector<16xi32>
        tpu.vector_store_idx %arg5[%select_n3A_167], %add3A_169 masked %and3A_153 : memref<27648xi32, #tpu.memory_space<vmem>>[vector<16xi32>], vector<16xi32>, vector<16xi1>
        %gather3A = tpu.vector_load_idx %arg5[%select_n3A_167] masked %and3A_153 : memref<27648xi32, #tpu.memory_space<vmem>>[vector<16xi32>], vector<16xi32>, vector<16xi1>
        %select_n3A_170 = arith.select %and3A_153, %gather3A, %add3A_169 : vector<16xi1>, vector<16xi32>
        %lt3A_171 = arith.cmpi slt, %select_n3A_170, %add3A_169 : vector<16xi32>
        %and3A_172 = arith.andi %lt3A_171, %and3A_153 : vector<16xi1>
        %convert_element_type3A_173 = arith.extui %and3A_172 : vector<16xi1> to vector<16xi32>
        %or3A = arith.ori %scan3A_118, %convert_element_type3A_173 : vector<16xi32>
        %mul3A_174 = arith.constant 4 : i32
        %mul3A_175 = arith.muli %scan3A_117, %mul3A_174 : i32
        %add3A_176 = arith.constant 1 : i32
        %add3A_177 = arith.addi %mul3A_175, %add3A_176 : i32
        %mul3A_178 = arith.constant 16 : i32
        %mul3A_179 = arith.muli %add3A_177, %mul3A_178 : i32
        %get3A_180 = arith.index_cast %mul3A_179 : i32 to index
        %get3A_181 = tpu.vector_load %arg6[%get3A_180] {strides = array<i32>} : memref<1280xi32, #tpu.memory_space<vmem>>, vector<16xi32>,
        %mul3A_182 = arith.constant 1280 : i32
        %mul3A_183 = arith.muli %scan3A_97, %mul3A_182 : i32
        %mul3A_184 = arith.constant 16 : i32
        %mul3A_185 = arith.muli %add3A_177, %mul3A_184 : i32
        %add3A_186 = arith.addi %mul3A_183, %mul3A_185 : i32
        %and3A_187 = arith.constant 511 : i32
        %and3A_188 = vector.broadcast %and3A_187 : i32 to vector<16xi32>
        %and3A_189 = arith.andi %get3A_181, %and3A_188 : vector<16xi32>
        %shift_right_arithmetic3A_190 = arith.constant 9 : i32
        %shift_right_arithmetic3A_191 = vector.broadcast %shift_right_arithmetic3A_190 : i32 to vector<16xi32>
        %shift_right_arithmetic3A_192 = arith.shrsi %get3A_181, %shift_right_arithmetic3A_191 : vector<16xi32>
        %and3A_193 = arith.constant 511 : i32
        %and3A_194 = vector.broadcast %and3A_193 : i32 to vector<16xi32>
        %and3A_195 = arith.andi %shift_right_arithmetic3A_192, %and3A_194 : vector<16xi32>
        %shift_right_arithmetic3A_196 = arith.constant 18 : i32
        %shift_right_arithmetic3A_197 = vector.broadcast %shift_right_arithmetic3A_196 : i32 to vector<16xi32>
        %shift_right_arithmetic3A_198 = arith.shrsi %get3A_181, %shift_right_arithmetic3A_197 : vector<16xi32>
        %mul3A_199 = arith.constant 62 : i32
        %mul3A_200 = vector.broadcast %mul3A_199 : i32 to vector<16xi32>
        %mul3A_201 = arith.muli %shift_right_arithmetic3A_198, %mul3A_200 : vector<16xi32>
        %shift_right_arithmetic3A_202 = arith.constant 3 : i32
        %shift_right_arithmetic3A_203 = vector.broadcast %shift_right_arithmetic3A_202 : i32 to vector<16xi32>
        %shift_right_arithmetic3A_204 = arith.shrsi %and3A_195, %shift_right_arithmetic3A_203 : vector<16xi32>
        %add3A_205 = arith.addi %mul3A_201, %shift_right_arithmetic3A_204 : vector<16xi32>
        %sub3A_206 = vector.broadcast %add3A_4 : i32 to vector<16xi32>
        %sub3A_207 = arith.subi %add3A_205, %sub3A_206 : vector<16xi32>
        %ge3A_208 = arith.constant 0 : i32
        %ge3A_209 = vector.broadcast %ge3A_208 : i32 to vector<16xi32>
        %ge3A_210 = arith.cmpi sge, %sub3A_207, %ge3A_209 : vector<16xi32>
        %lt3A_211 = vector.broadcast %add3A_8 : i32 to vector<16xi32>
        %lt3A_212 = arith.cmpi slt, %sub3A_207, %lt3A_211 : vector<16xi32>
        %and3A_213 = arith.andi %ge3A_210, %lt3A_212 : vector<16xi1>
        %mul3A_214 = arith.constant 3456 : i32
        %mul3A_215 = vector.broadcast %mul3A_214 : i32 to vector<16xi32>
        %mul3A_216 = arith.muli %sub3A_207, %mul3A_215 : vector<16xi32>
        %and3A_217 = arith.constant 7 : i32
        %and3A_218 = vector.broadcast %and3A_217 : i32 to vector<16xi32>
        %and3A_219 = arith.andi %and3A_195, %and3A_218 : vector<16xi32>
        %mul3A_220 = arith.constant 432 : i32
        %mul3A_221 = vector.broadcast %mul3A_220 : i32 to vector<16xi32>
        %mul3A_222 = arith.muli %and3A_219, %mul3A_221 : vector<16xi32>
        %add3A_223 = arith.addi %mul3A_216, %mul3A_222 : vector<16xi32>
        %add3A_224 = arith.addi %add3A_223, %and3A_189 : vector<16xi32>
        %jit3A_225 = arith.constant 0 : i32
        %broadcast_in_dim3A_226 = vector.broadcast %jit3A_225 : i32 to vector<16xi32>
        %select_n3A_227 = arith.select %and3A_213, %add3A_224, %broadcast_in_dim3A_226 : vector<16xi1>, vector<16xi32>
        %add3A_228 = vector.broadcast %add3A_186 : i32 to vector<16xi32>
        %add3A_229 = arith.addi %add3A_228, %iota3A : vector<16xi32>
        tpu.vector_store_idx %arg5[%select_n3A_227], %add3A_229 masked %and3A_213 : memref<27648xi32, #tpu.memory_space<vmem>>[vector<16xi32>], vector<16xi32>, vector<16xi1>
        %gather3A_230 = tpu.vector_load_idx %arg5[%select_n3A_227] masked %and3A_213 : memref<27648xi32, #tpu.memory_space<vmem>>[vector<16xi32>], vector<16xi32>, vector<16xi1>
        %select_n3A_231 = arith.select %and3A_213, %gather3A_230, %add3A_229 : vector<16xi1>, vector<16xi32>
        %lt3A_232 = arith.cmpi slt, %select_n3A_231, %add3A_229 : vector<16xi32>
        %and3A_233 = arith.andi %lt3A_232, %and3A_213 : vector<16xi1>
        %convert_element_type3A_234 = arith.extui %and3A_233 : vector<16xi1> to vector<16xi32>
        %or3A_235 = arith.ori %or3A, %convert_element_type3A_234 : vector<16xi32>
        %mul3A_236 = arith.constant 4 : i32
        %mul3A_237 = arith.muli %scan3A_117, %mul3A_236 : i32
        %add3A_238 = arith.constant 2 : i32
        %add3A_239 = arith.addi %mul3A_237, %add3A_238 : i32
        %mul3A_240 = arith.constant 16 : i32
        %mul3A_241 = arith.muli %add3A_239, %mul3A_240 : i32
        %get3A_242 = arith.index_cast %mul3A_241 : i32 to index
        %get3A_243 = tpu.vector_load %arg6[%get3A_242] {strides = array<i32>} : memref<1280xi32, #tpu.memory_space<vmem>>, vector<16xi32>,
        %mul3A_244 = arith.constant 1280 : i32
        %mul3A_245 = arith.muli %scan3A_97, %mul3A_244 : i32
        %mul3A_246 = arith.constant 16 : i32
        %mul3A_247 = arith.muli %add3A_239, %mul3A_246 : i32
        %add3A_248 = arith.addi %mul3A_245, %mul3A_247 : i32
        %and3A_249 = arith.constant 511 : i32
        %and3A_250 = vector.broadcast %and3A_249 : i32 to vector<16xi32>
        %and3A_251 = arith.andi %get3A_243, %and3A_250 : vector<16xi32>
        %shift_right_arithmetic3A_252 = arith.constant 9 : i32
        %shift_right_arithmetic3A_253 = vector.broadcast %shift_right_arithmetic3A_252 : i32 to vector<16xi32>
        %shift_right_arithmetic3A_254 = arith.shrsi %get3A_243, %shift_right_arithmetic3A_253 : vector<16xi32>
        %and3A_255 = arith.constant 511 : i32
        %and3A_256 = vector.broadcast %and3A_255 : i32 to vector<16xi32>
        %and3A_257 = arith.andi %shift_right_arithmetic3A_254, %and3A_256 : vector<16xi32>
        %shift_right_arithmetic3A_258 = arith.constant 18 : i32
        %shift_right_arithmetic3A_259 = vector.broadcast %shift_right_arithmetic3A_258 : i32 to vector<16xi32>
        %shift_right_arithmetic3A_260 = arith.shrsi %get3A_243, %shift_right_arithmetic3A_259 : vector<16xi32>
        %mul3A_261 = arith.constant 62 : i32
        %mul3A_262 = vector.broadcast %mul3A_261 : i32 to vector<16xi32>
        %mul3A_263 = arith.muli %shift_right_arithmetic3A_260, %mul3A_262 : vector<16xi32>
        %shift_right_arithmetic3A_264 = arith.constant 3 : i32
        %shift_right_arithmetic3A_265 = vector.broadcast %shift_right_arithmetic3A_264 : i32 to vector<16xi32>
        %shift_right_arithmetic3A_266 = arith.shrsi %and3A_257, %shift_right_arithmetic3A_265 : vector<16xi32>
        %add3A_267 = arith.addi %mul3A_263, %shift_right_arithmetic3A_266 : vector<16xi32>
        %sub3A_268 = vector.broadcast %add3A_4 : i32 to vector<16xi32>
        %sub3A_269 = arith.subi %add3A_267, %sub3A_268 : vector<16xi32>
        %ge3A_270 = arith.constant 0 : i32
        %ge3A_271 = vector.broadcast %ge3A_270 : i32 to vector<16xi32>
        %ge3A_272 = arith.cmpi sge, %sub3A_269, %ge3A_271 : vector<16xi32>
        %lt3A_273 = vector.broadcast %add3A_8 : i32 to vector<16xi32>
        %lt3A_274 = arith.cmpi slt, %sub3A_269, %lt3A_273 : vector<16xi32>
        %and3A_275 = arith.andi %ge3A_272, %lt3A_274 : vector<16xi1>
        %mul3A_276 = arith.constant 3456 : i32
        %mul3A_277 = vector.broadcast %mul3A_276 : i32 to vector<16xi32>
        %mul3A_278 = arith.muli %sub3A_269, %mul3A_277 : vector<16xi32>
        %and3A_279 = arith.constant 7 : i32
        %and3A_280 = vector.broadcast %and3A_279 : i32 to vector<16xi32>
        %and3A_281 = arith.andi %and3A_257, %and3A_280 : vector<16xi32>
        %mul3A_282 = arith.constant 432 : i32
        %mul3A_283 = vector.broadcast %mul3A_282 : i32 to vector<16xi32>
        %mul3A_284 = arith.muli %and3A_281, %mul3A_283 : vector<16xi32>
        %add3A_285 = arith.addi %mul3A_278, %mul3A_284 : vector<16xi32>
        %add3A_286 = arith.addi %add3A_285, %and3A_251 : vector<16xi32>
        %jit3A_287 = arith.constant 0 : i32
        %broadcast_in_dim3A_288 = vector.broadcast %jit3A_287 : i32 to vector<16xi32>
        %select_n3A_289 = arith.select %and3A_275, %add3A_286, %broadcast_in_dim3A_288 : vector<16xi1>, vector<16xi32>
        %add3A_290 = vector.broadcast %add3A_248 : i32 to vector<16xi32>
        %add3A_291 = arith.addi %add3A_290, %iota3A : vector<16xi32>
        tpu.vector_store_idx %arg5[%select_n3A_289], %add3A_291 masked %and3A_275 : memref<27648xi32, #tpu.memory_space<vmem>>[vector<16xi32>], vector<16xi32>, vector<16xi1>
        %gather3A_292 = tpu.vector_load_idx %arg5[%select_n3A_289] masked %and3A_275 : memref<27648xi32, #tpu.memory_space<vmem>>[vector<16xi32>], vector<16xi32>, vector<16xi1>
        %select_n3A_293 = arith.select %and3A_275, %gather3A_292, %add3A_291 : vector<16xi1>, vector<16xi32>
        %lt3A_294 = arith.cmpi slt, %select_n3A_293, %add3A_291 : vector<16xi32>
        %and3A_295 = arith.andi %lt3A_294, %and3A_275 : vector<16xi1>
        %convert_element_type3A_296 = arith.extui %and3A_295 : vector<16xi1> to vector<16xi32>
        %or3A_297 = arith.ori %or3A_235, %convert_element_type3A_296 : vector<16xi32>
        %mul3A_298 = arith.constant 4 : i32
        %mul3A_299 = arith.muli %scan3A_117, %mul3A_298 : i32
        %add3A_300 = arith.constant 3 : i32
        %add3A_301 = arith.addi %mul3A_299, %add3A_300 : i32
        %mul3A_302 = arith.constant 16 : i32
        %mul3A_303 = arith.muli %add3A_301, %mul3A_302 : i32
        %get3A_304 = arith.index_cast %mul3A_303 : i32 to index
        %get3A_305 = tpu.vector_load %arg6[%get3A_304] {strides = array<i32>} : memref<1280xi32, #tpu.memory_space<vmem>>, vector<16xi32>,
        %mul3A_306 = arith.constant 1280 : i32
        %mul3A_307 = arith.muli %scan3A_97, %mul3A_306 : i32
        %mul3A_308 = arith.constant 16 : i32
        %mul3A_309 = arith.muli %add3A_301, %mul3A_308 : i32
        %add3A_310 = arith.addi %mul3A_307, %mul3A_309 : i32
        %and3A_311 = arith.constant 511 : i32
        %and3A_312 = vector.broadcast %and3A_311 : i32 to vector<16xi32>
        %and3A_313 = arith.andi %get3A_305, %and3A_312 : vector<16xi32>
        %shift_right_arithmetic3A_314 = arith.constant 9 : i32
        %shift_right_arithmetic3A_315 = vector.broadcast %shift_right_arithmetic3A_314 : i32 to vector<16xi32>
        %shift_right_arithmetic3A_316 = arith.shrsi %get3A_305, %shift_right_arithmetic3A_315 : vector<16xi32>
        %and3A_317 = arith.constant 511 : i32
        %and3A_318 = vector.broadcast %and3A_317 : i32 to vector<16xi32>
        %and3A_319 = arith.andi %shift_right_arithmetic3A_316, %and3A_318 : vector<16xi32>
        %shift_right_arithmetic3A_320 = arith.constant 18 : i32
        %shift_right_arithmetic3A_321 = vector.broadcast %shift_right_arithmetic3A_320 : i32 to vector<16xi32>
        %shift_right_arithmetic3A_322 = arith.shrsi %get3A_305, %shift_right_arithmetic3A_321 : vector<16xi32>
        %mul3A_323 = arith.constant 62 : i32
        %mul3A_324 = vector.broadcast %mul3A_323 : i32 to vector<16xi32>
        %mul3A_325 = arith.muli %shift_right_arithmetic3A_322, %mul3A_324 : vector<16xi32>
        %shift_right_arithmetic3A_326 = arith.constant 3 : i32
        %shift_right_arithmetic3A_327 = vector.broadcast %shift_right_arithmetic3A_326 : i32 to vector<16xi32>
        %shift_right_arithmetic3A_328 = arith.shrsi %and3A_319, %shift_right_arithmetic3A_327 : vector<16xi32>
        %add3A_329 = arith.addi %mul3A_325, %shift_right_arithmetic3A_328 : vector<16xi32>
        %sub3A_330 = vector.broadcast %add3A_4 : i32 to vector<16xi32>
        %sub3A_331 = arith.subi %add3A_329, %sub3A_330 : vector<16xi32>
        %ge3A_332 = arith.constant 0 : i32
        %ge3A_333 = vector.broadcast %ge3A_332 : i32 to vector<16xi32>
        %ge3A_334 = arith.cmpi sge, %sub3A_331, %ge3A_333 : vector<16xi32>
        %lt3A_335 = vector.broadcast %add3A_8 : i32 to vector<16xi32>
        %lt3A_336 = arith.cmpi slt, %sub3A_331, %lt3A_335 : vector<16xi32>
        %and3A_337 = arith.andi %ge3A_334, %lt3A_336 : vector<16xi1>
        %mul3A_338 = arith.constant 3456 : i32
        %mul3A_339 = vector.broadcast %mul3A_338 : i32 to vector<16xi32>
        %mul3A_340 = arith.muli %sub3A_331, %mul3A_339 : vector<16xi32>
        %and3A_341 = arith.constant 7 : i32
        %and3A_342 = vector.broadcast %and3A_341 : i32 to vector<16xi32>
        %and3A_343 = arith.andi %and3A_319, %and3A_342 : vector<16xi32>
        %mul3A_344 = arith.constant 432 : i32
        %mul3A_345 = vector.broadcast %mul3A_344 : i32 to vector<16xi32>
        %mul3A_346 = arith.muli %and3A_343, %mul3A_345 : vector<16xi32>
        %add3A_347 = arith.addi %mul3A_340, %mul3A_346 : vector<16xi32>
        %add3A_348 = arith.addi %add3A_347, %and3A_313 : vector<16xi32>
        %jit3A_349 = arith.constant 0 : i32
        %broadcast_in_dim3A_350 = vector.broadcast %jit3A_349 : i32 to vector<16xi32>
        %select_n3A_351 = arith.select %and3A_337, %add3A_348, %broadcast_in_dim3A_350 : vector<16xi1>, vector<16xi32>
        %add3A_352 = vector.broadcast %add3A_310 : i32 to vector<16xi32>
        %add3A_353 = arith.addi %add3A_352, %iota3A : vector<16xi32>
        tpu.vector_store_idx %arg5[%select_n3A_351], %add3A_353 masked %and3A_337 : memref<27648xi32, #tpu.memory_space<vmem>>[vector<16xi32>], vector<16xi32>, vector<16xi1>
        %gather3A_354 = tpu.vector_load_idx %arg5[%select_n3A_351] masked %and3A_337 : memref<27648xi32, #tpu.memory_space<vmem>>[vector<16xi32>], vector<16xi32>, vector<16xi1>
        %select_n3A_355 = arith.select %and3A_337, %gather3A_354, %add3A_353 : vector<16xi1>, vector<16xi32>
        %lt3A_356 = arith.cmpi slt, %select_n3A_355, %add3A_353 : vector<16xi32>
        %and3A_357 = arith.andi %lt3A_356, %and3A_337 : vector<16xi1>
        %convert_element_type3A_358 = arith.extui %and3A_357 : vector<16xi1> to vector<16xi32>
        %or3A_359 = arith.ori %or3A_297, %convert_element_type3A_358 : vector<16xi32>
        scf.yield %or3A_359 : vector<16xi32>
      }
      %scan3A_106 = arith.constant 20 : i32
      %reduce_max3A = arith.constant true
      %reduce_max3A_107 = vector.broadcast %reduce_max3A : i1 to vector<16xi1>
      %reduce_max3A_108 = arith.constant -2147483648 : i32
      %reduce_max3A_109 = vector.broadcast %reduce_max3A_108 : i32 to vector<16xi32>
      %reduce_max3A_110 = arith.xori %scan3A_105, %reduce_max3A_109 : vector<16xi32>
      %reduce_max3A_111 = tpu.scan <max>, %reduce_max3A_110 masked %reduce_max3A_107 : vector<16xi32>, vector<16xi1> -> vector<16xi32>
      %reduce_max3A_112 = arith.xori %reduce_max3A_111, %reduce_max3A_109 : vector<16xi32>
      %reduce_max3A_113 = vector.extract %reduce_max3A_112[15] : i32 from vector<16xi32>
      %gt3A = arith.constant 0 : i32
      %gt3A_114 = arith.cmpi sgt, %reduce_max3A_113, %gt3A : i32
      %convert_element_type3A = arith.extui %gt3A_114 : i1 to i32
      %cond3A = arith.constant 0 : i32
      %cond3A_115 = arith.cmpi ne, %convert_element_type3A, %cond3A : i32
      scf.if %cond3A_115 {
        %scan3A_117 = arith.constant 0 : i32
        %scan3A_118 = arith.constant 0 : i32
        %scan3A_119 = arith.constant 80 : i32
        %scan3A_120 = arith.addi %scan3A_118, %scan3A_119 : i32
        %scan3A_121 = arith.constant 1 : i32
        %scan3A_122 = scf.for %scan3A_124 = %scan3A_118 to %scan3A_120 step %scan3A_121 iter_args(%scan3A_125 = %scan3A_117) -> (i32)  : i32 {
          %mul3A_126 = arith.constant 16 : i32
          %mul3A_127 = arith.muli %scan3A_124, %mul3A_126 : i32
          %get3A = arith.index_cast %mul3A_127 : i32 to index
          %get3A_128 = tpu.vector_load %arg6[%get3A] {strides = array<i32>} : memref<1280xi32, #tpu.memory_space<vmem>>, vector<16xi32>,
          %mul3A_129 = arith.constant 1280 : i32
          %mul3A_130 = arith.muli %scan3A_97, %mul3A_129 : i32
          %mul3A_131 = arith.constant 16 : i32
          %mul3A_132 = arith.muli %scan3A_124, %mul3A_131 : i32
          %add3A_133 = arith.addi %mul3A_130, %mul3A_132 : i32
          %and3A = arith.constant 511 : i32
          %and3A_134 = vector.broadcast %and3A : i32 to vector<16xi32>
          %and3A_135 = arith.andi %get3A_128, %and3A_134 : vector<16xi32>
          %shift_right_arithmetic3A = arith.constant 9 : i32
          %shift_right_arithmetic3A_136 = vector.broadcast %shift_right_arithmetic3A : i32 to vector<16xi32>
          %shift_right_arithmetic3A_137 = arith.shrsi %get3A_128, %shift_right_arithmetic3A_136 : vector<16xi32>
          %and3A_138 = arith.constant 511 : i32
          %and3A_139 = vector.broadcast %and3A_138 : i32 to vector<16xi32>
          %and3A_140 = arith.andi %shift_right_arithmetic3A_137, %and3A_139 : vector<16xi32>
          %shift_right_arithmetic3A_141 = arith.constant 18 : i32
          %shift_right_arithmetic3A_142 = vector.broadcast %shift_right_arithmetic3A_141 : i32 to vector<16xi32>
          %shift_right_arithmetic3A_143 = arith.shrsi %get3A_128, %shift_right_arithmetic3A_142 : vector<16xi32>
          %mul3A_144 = arith.constant 62 : i32
          %mul3A_145 = vector.broadcast %mul3A_144 : i32 to vector<16xi32>
          %mul3A_146 = arith.muli %shift_right_arithmetic3A_143, %mul3A_145 : vector<16xi32>
          %shift_right_arithmetic3A_147 = arith.constant 3 : i32
          %shift_right_arithmetic3A_148 = vector.broadcast %shift_right_arithmetic3A_147 : i32 to vector<16xi32>
          %shift_right_arithmetic3A_149 = arith.shrsi %and3A_140, %shift_right_arithmetic3A_148 : vector<16xi32>
          %add3A_150 = arith.addi %mul3A_146, %shift_right_arithmetic3A_149 : vector<16xi32>
          %sub3A = vector.broadcast %add3A_4 : i32 to vector<16xi32>
          %sub3A_151 = arith.subi %add3A_150, %sub3A : vector<16xi32>
          %ge3A = arith.constant 0 : i32
          %ge3A_152 = vector.broadcast %ge3A : i32 to vector<16xi32>
          %ge3A_153 = arith.cmpi sge, %sub3A_151, %ge3A_152 : vector<16xi32>
          %lt3A_154 = vector.broadcast %add3A_8 : i32 to vector<16xi32>
          %lt3A_155 = arith.cmpi slt, %sub3A_151, %lt3A_154 : vector<16xi32>
          %and3A_156 = arith.andi %ge3A_153, %lt3A_155 : vector<16xi1>
          %mul3A_157 = arith.constant 3456 : i32
          %mul3A_158 = vector.broadcast %mul3A_157 : i32 to vector<16xi32>
          %mul3A_159 = arith.muli %sub3A_151, %mul3A_158 : vector<16xi32>
          %and3A_160 = arith.constant 7 : i32
          %and3A_161 = vector.broadcast %and3A_160 : i32 to vector<16xi32>
          %and3A_162 = arith.andi %and3A_140, %and3A_161 : vector<16xi32>
          %mul3A_163 = arith.constant 432 : i32
          %mul3A_164 = vector.broadcast %mul3A_163 : i32 to vector<16xi32>
          %mul3A_165 = arith.muli %and3A_162, %mul3A_164 : vector<16xi32>
          %add3A_166 = arith.addi %mul3A_159, %mul3A_165 : vector<16xi32>
          %add3A_167 = arith.addi %add3A_166, %and3A_135 : vector<16xi32>
          %jit3A_168 = arith.constant 0 : i32
          %broadcast_in_dim3A_169 = vector.broadcast %jit3A_168 : i32 to vector<16xi32>
          %select_n3A_170 = arith.select %and3A_156, %add3A_167, %broadcast_in_dim3A_169 : vector<16xi1>, vector<16xi32>
          %add3A_171 = vector.broadcast %add3A_133 : i32 to vector<16xi32>
          %add3A_172 = arith.addi %add3A_171, %iota3A : vector<16xi32>
          %gather3A = tpu.vector_load_idx %arg5[%select_n3A_170] masked %and3A_156 : memref<27648xi32, #tpu.memory_space<vmem>>[vector<16xi32>], vector<16xi32>, vector<16xi1>
          %select_n3A_173 = arith.select %and3A_156, %gather3A, %add3A_172 : vector<16xi1>, vector<16xi32>
          %lt3A_174 = arith.cmpi slt, %select_n3A_173, %add3A_172 : vector<16xi32>
          %and3A_175 = arith.andi %lt3A_174, %and3A_156 : vector<16xi1>
          %convert_element_type3A_176 = arith.extui %and3A_175 : vector<16xi1> to vector<16xi32>
          %while3A_177 = scf.while (%while3A_179 = %convert_element_type3A_176) : (vector<16xi32>) -> vector<16xi32> {
            %reduce_max3A_180 = arith.constant true
            %reduce_max3A_181 = vector.broadcast %reduce_max3A_180 : i1 to vector<16xi1>
            %reduce_max3A_182 = arith.constant -2147483648 : i32
            %reduce_max3A_183 = vector.broadcast %reduce_max3A_182 : i32 to vector<16xi32>
            %reduce_max3A_184 = arith.xori %while3A_179, %reduce_max3A_183 : vector<16xi32>
            %reduce_max3A_185 = tpu.scan <max>, %reduce_max3A_184 masked %reduce_max3A_181 : vector<16xi32>, vector<16xi1> -> vector<16xi32>
            %reduce_max3A_186 = arith.xori %reduce_max3A_185, %reduce_max3A_183 : vector<16xi32>
            %reduce_max3A_187 = vector.extract %reduce_max3A_186[15] : i32 from vector<16xi32>
            %gt3A_188 = arith.constant 0 : i32
            %gt3A_189 = arith.cmpi sgt, %reduce_max3A_187, %gt3A_188 : i32
            scf.condition(%gt3A_189) %while3A_179 : vector<16xi32>
          } do {
          ^bb0(%while3A_179: vector<16xi32>):
            %gt3A_180 = arith.constant 0 : i32
            %gt3A_181 = vector.broadcast %gt3A_180 : i32 to vector<16xi32>
            %gt3A_182 = arith.cmpi sgt, %while3A_179, %gt3A_181 : vector<16xi32>
            tpu.vector_store_idx %arg5[%select_n3A_170], %add3A_172 masked %gt3A_182 : memref<27648xi32, #tpu.memory_space<vmem>>[vector<16xi32>], vector<16xi32>, vector<16xi1>
            %gather3A_183 = tpu.vector_load_idx %arg5[%select_n3A_170] masked %gt3A_182 : memref<27648xi32, #tpu.memory_space<vmem>>[vector<16xi32>], vector<16xi32>, vector<16xi1>
            %select_n3A_184 = arith.select %gt3A_182, %gather3A_183, %add3A_172 : vector<16xi1>, vector<16xi32>
            %lt3A_185 = arith.cmpi slt, %select_n3A_184, %add3A_172 : vector<16xi32>
            %and3A_186 = arith.andi %lt3A_185, %gt3A_182 : vector<16xi1>
            %convert_element_type3A_187 = arith.extui %and3A_186 : vector<16xi1> to vector<16xi32>
            scf.yield %convert_element_type3A_187 : vector<16xi32>
          }
          %scan3A_178 = arith.constant 0 : i32
          scf.yield %scan3A_178 : i32
        }
        %scan3A_123 = arith.constant 80 : i32
      } else {
      }
      %scan3A_116 = arith.constant 0 : i32
      scf.yield %scan3A_116 : i32
    }
    %scan3A_40 = arith.constant 25 : i32
    %while3A = arith.constant 0 : i32
    %while3A_41 = arith.constant 0 : i32
    %while3A_42 = arith.subi %add3A_8, %while3A : i32
    %while3A_43 = arith.addi %while3A, %while3A_42 : i32
    %while3A_44 = arith.constant 1 : i32
    %while3A_45 = arith.divsi %while3A_42, %while3A_44 : i32
    %while3A_46 = arith.muli %while3A_45, %while3A_44 : i32
    %while3A_47 = arith.addi %while3A, %while3A_46 : i32
    %while3A_48 = arith.constant 1 : i32
    %while3A_49 = scf.for %while3A_97 = %while3A to %while3A_47 step %while3A_48 iter_args(%while3A_98 = %while3A_41) -> (i32)  : i32 {
      %add3A_99 = arith.addi %add3A_4, %while3A_97 : i32
      %jit3A_100 = arith.constant 124 : i32
      %div3A = arith.divsi %add3A_99, %jit3A_100 : i32
      %sign3A = arith.constant 0 : i32
      %sign3A_101 = arith.cmpi sgt, %add3A_99, %sign3A : i32
      %sign3A_102 = arith.extui %sign3A_101 : i1 to i32
      %sign3A_103 = arith.constant 0 : i32
      %sign3A_104 = arith.cmpi slt, %add3A_99, %sign3A_103 : i32
      %sign3A_105 = arith.extui %sign3A_104 : i1 to i32
      %sign3A_106 = arith.subi %sign3A_102, %sign3A_105 : i32
      %sign3A_107 = arith.constant 0 : i32
      %sign3A_108 = arith.cmpi sgt, %jit3A_100, %sign3A_107 : i32
      %sign3A_109 = arith.extui %sign3A_108 : i1 to i32
      %sign3A_110 = arith.constant 0 : i32
      %sign3A_111 = arith.cmpi slt, %jit3A_100, %sign3A_110 : i32
      %sign3A_112 = arith.extui %sign3A_111 : i1 to i32
      %sign3A_113 = arith.subi %sign3A_109, %sign3A_112 : i32
      %ne3A = arith.cmpi ne, %sign3A_106, %sign3A_113 : i32
      %rem3A = arith.remsi %add3A_99, %jit3A_100 : i32
      %ne3A_114 = arith.constant 0 : i32
      %ne3A_115 = arith.cmpi ne, %rem3A, %ne3A_114 : i32
      %and3A = arith.andi %ne3A, %ne3A_115 : i1
      %sub3A = arith.constant 1 : i32
      %sub3A_116 = arith.subi %div3A, %sub3A : i32
      %select_n3A_117 = arith.select %and3A, %sub3A_116, %div3A : i32
      %jit3A_118 = arith.constant 124 : i32
      %eq3A = arith.constant 0 : i32
      %eq3A_119 = arith.cmpi eq, %jit3A_118, %eq3A : i32
      %jit3A_120 = arith.constant 1 : i32
      %select_n3A_121 = arith.select %eq3A_119, %jit3A_120, %jit3A_118 : i32
      %rem3A_122 = arith.remsi %add3A_99, %select_n3A_121 : i32
      %ne3A_123 = arith.constant 0 : i32
      %ne3A_124 = arith.cmpi ne, %rem3A_122, %ne3A_123 : i32
      %lt3A_125 = arith.constant 0 : i32
      %lt3A_126 = arith.cmpi slt, %rem3A_122, %lt3A_125 : i32
      %lt3A_127 = arith.constant 0 : i32
      %lt3A_128 = arith.cmpi slt, %select_n3A_121, %lt3A_127 : i32
      %ne3A_129 = arith.xori %lt3A_126, %lt3A_128 : i1
      %and3A_130 = arith.andi %ne3A_129, %ne3A_124 : i1
      %add3A_131 = arith.addi %rem3A_122, %select_n3A_121 : i32
      %select_n3A_132 = arith.select %and3A_130, %add3A_131, %rem3A_122 : i32
      %jit3A_133 = arith.constant 62 : i32
      %div3A_134 = arith.divsi %select_n3A_132, %jit3A_133 : i32
      %sign3A_135 = arith.constant 0 : i32
      %sign3A_136 = arith.cmpi sgt, %select_n3A_132, %sign3A_135 : i32
      %sign3A_137 = arith.extui %sign3A_136 : i1 to i32
      %sign3A_138 = arith.constant 0 : i32
      %sign3A_139 = arith.cmpi slt, %select_n3A_132, %sign3A_138 : i32
      %sign3A_140 = arith.extui %sign3A_139 : i1 to i32
      %sign3A_141 = arith.subi %sign3A_137, %sign3A_140 : i32
      %sign3A_142 = arith.constant 0 : i32
      %sign3A_143 = arith.cmpi sgt, %jit3A_133, %sign3A_142 : i32
      %sign3A_144 = arith.extui %sign3A_143 : i1 to i32
      %sign3A_145 = arith.constant 0 : i32
      %sign3A_146 = arith.cmpi slt, %jit3A_133, %sign3A_145 : i32
      %sign3A_147 = arith.extui %sign3A_146 : i1 to i32
      %sign3A_148 = arith.subi %sign3A_144, %sign3A_147 : i32
      %ne3A_149 = arith.cmpi ne, %sign3A_141, %sign3A_148 : i32
      %rem3A_150 = arith.remsi %select_n3A_132, %jit3A_133 : i32
      %ne3A_151 = arith.constant 0 : i32
      %ne3A_152 = arith.cmpi ne, %rem3A_150, %ne3A_151 : i32
      %and3A_153 = arith.andi %ne3A_149, %ne3A_152 : i1
      %sub3A_154 = arith.constant 1 : i32
      %sub3A_155 = arith.subi %div3A_134, %sub3A_154 : i32
      %select_n3A_156 = arith.select %and3A_153, %sub3A_155, %div3A_134 : i32
      %jit3A_157 = arith.constant 62 : i32
      %eq3A_158 = arith.constant 0 : i32
      %eq3A_159 = arith.cmpi eq, %jit3A_157, %eq3A_158 : i32
      %jit3A_160 = arith.constant 1 : i32
      %select_n3A_161 = arith.select %eq3A_159, %jit3A_160, %jit3A_157 : i32
      %rem3A_162 = arith.remsi %add3A_99, %select_n3A_161 : i32
      %ne3A_163 = arith.constant 0 : i32
      %ne3A_164 = arith.cmpi ne, %rem3A_162, %ne3A_163 : i32
      %lt3A_165 = arith.constant 0 : i32
      %lt3A_166 = arith.cmpi slt, %rem3A_162, %lt3A_165 : i32
      %lt3A_167 = arith.constant 0 : i32
      %lt3A_168 = arith.cmpi slt, %select_n3A_161, %lt3A_167 : i32
      %ne3A_169 = arith.xori %lt3A_166, %lt3A_168 : i1
      %and3A_170 = arith.andi %ne3A_169, %ne3A_164 : i1
      %add3A_171 = arith.addi %rem3A_162, %select_n3A_161 : i32
      %select_n3A_172 = arith.select %and3A_170, %add3A_171, %rem3A_162 : i32
      %mul3A_173 = arith.constant 8 : i32
      %mul3A_174 = arith.muli %select_n3A_172, %mul3A_173 : i32
      %gt3A = arith.constant 0 : i32
      %gt3A_175 = arith.cmpi sgt, %while3A_97, %gt3A : i32
      %convert_element_type3A = arith.extui %gt3A_175 : i1 to i32
      %cond3A = arith.constant 0 : i32
      %cond3A_176 = arith.cmpi ne, %convert_element_type3A, %cond3A : i32
      scf.if %cond3A_176 {
        %dma_wait3A_227 = arith.constant 0 : i32
        %dma_wait3A_228 = arith.constant 0 : i32
        %dma_wait3A_229 = arith.constant 0 : i32
        %dma_wait3A_230 = arith.constant 0 : i32
        %dma_wait3A_231 = arith.constant 0 : i32
        %dma_wait3A_232 = arith.constant 0 : i32
        %dma_wait3A_233 = tpu.memref_slice %arg11[%dma_wait3A_227, %dma_wait3A_230, %dma_wait3A_231, %dma_wait3A_232] : memref<2x8x8x432xf32, #tpu.memory_space<vmem>> -> memref<1x8x8x432xf32, #tpu.memory_space<vmem>>
        %dma_wait3A_234 = tpu.memref_squeeze %dma_wait3A_233 : memref<1x8x8x432xf32, #tpu.memory_space<vmem>> -> memref<8x8x432xf32, #tpu.memory_space<vmem>>
        %dma_wait3A_235 = arith.constant 0 : i32
        %dma_wait3A_236 = arith.constant 0 : i32
        %dma_wait3A_237 = arith.constant 0 : i32
        %dma_wait3A_238 = tpu.memref_slice %arg4[%dma_wait3A_228, %dma_wait3A_235, %dma_wait3A_229, %dma_wait3A_236, %dma_wait3A_237] : memref<2x64x2x496x432xf32, #tpu.memory_space<hbm>> -> memref<1x8x1x8x432xf32, #tpu.memory_space<hbm>>
        %dma_wait3A_239 = tpu.memref_squeeze %dma_wait3A_238 : memref<1x8x1x8x432xf32, #tpu.memory_space<hbm>> -> memref<8x8x432xf32, #tpu.memory_space<hbm>>
        %dma_wait3A_240 = arith.constant 0 : i32
        %dma_wait3A_241 = arith.constant 0 : i32
        %dma_wait3A_242 = arith.constant 0 : i32
        %dma_wait3A_243 = tpu.memref_slice %arg4[%dma_wait3A_228, %dma_wait3A_240, %dma_wait3A_229, %dma_wait3A_241, %dma_wait3A_242] : memref<2x64x2x496x432xf32, #tpu.memory_space<hbm>> -> memref<1x8x1x8x432xf32, #tpu.memory_space<hbm>>
        %dma_wait3A_244 = tpu.memref_squeeze %dma_wait3A_243 : memref<1x8x1x8x432xf32, #tpu.memory_space<hbm>> -> memref<8x8x432xf32, #tpu.memory_space<hbm>>
        %dma_wait3A_245 = arith.constant 0 : i32
        %dma_wait3A_246 = arith.constant 0 : i32
        %dma_wait3A_247 = arith.constant 0 : i32
        %dma_wait3A_248 = tpu.memref_slice %arg11[%dma_wait3A_227, %dma_wait3A_245, %dma_wait3A_246, %dma_wait3A_247] : memref<2x8x8x432xf32, #tpu.memory_space<vmem>> -> memref<1x8x8x432xf32, #tpu.memory_space<vmem>>
        %dma_wait3A_249 = tpu.memref_squeeze %dma_wait3A_248 : memref<1x8x8x432xf32, #tpu.memory_space<vmem>> -> memref<8x8x432xf32, #tpu.memory_space<vmem>>
        tpu.wait_dma2 semaphore(%arg13 : memref<!tpu.dma_semaphore, #tpu.memory_space<semaphore_mem>>) src(%dma_wait3A_249 : memref<8x8x432xf32, #tpu.memory_space<vmem>>) dst(%dma_wait3A_244 : memref<8x8x432xf32, #tpu.memory_space<hbm>>)
        %dma_wait3A_250 = arith.constant 1 : i32
        %dma_wait3A_251 = arith.constant 0 : i32
        %dma_wait3A_252 = arith.constant 0 : i32
        %dma_wait3A_253 = arith.constant 0 : i32
        %dma_wait3A_254 = arith.constant 0 : i32
        %dma_wait3A_255 = arith.constant 0 : i32
        %dma_wait3A_256 = tpu.memref_slice %arg11[%dma_wait3A_250, %dma_wait3A_253, %dma_wait3A_254, %dma_wait3A_255] : memref<2x8x8x432xf32, #tpu.memory_space<vmem>> -> memref<1x8x8x432xf32, #tpu.memory_space<vmem>>
        %dma_wait3A_257 = tpu.memref_squeeze %dma_wait3A_256 : memref<1x8x8x432xf32, #tpu.memory_space<vmem>> -> memref<8x8x432xf32, #tpu.memory_space<vmem>>
        %dma_wait3A_258 = arith.constant 0 : i32
        %dma_wait3A_259 = arith.constant 0 : i32
        %dma_wait3A_260 = arith.constant 0 : i32
        %dma_wait3A_261 = tpu.memref_slice %arg4[%dma_wait3A_251, %dma_wait3A_258, %dma_wait3A_252, %dma_wait3A_259, %dma_wait3A_260] : memref<2x64x2x496x432xf32, #tpu.memory_space<hbm>> -> memref<1x8x1x8x432xf32, #tpu.memory_space<hbm>>
        %dma_wait3A_262 = tpu.memref_squeeze %dma_wait3A_261 : memref<1x8x1x8x432xf32, #tpu.memory_space<hbm>> -> memref<8x8x432xf32, #tpu.memory_space<hbm>>
        %dma_wait3A_263 = arith.constant 0 : i32
        %dma_wait3A_264 = arith.constant 0 : i32
        %dma_wait3A_265 = arith.constant 0 : i32
        %dma_wait3A_266 = tpu.memref_slice %arg4[%dma_wait3A_251, %dma_wait3A_263, %dma_wait3A_252, %dma_wait3A_264, %dma_wait3A_265] : memref<2x64x2x496x432xf32, #tpu.memory_space<hbm>> -> memref<1x8x1x8x432xf32, #tpu.memory_space<hbm>>
        %dma_wait3A_267 = tpu.memref_squeeze %dma_wait3A_266 : memref<1x8x1x8x432xf32, #tpu.memory_space<hbm>> -> memref<8x8x432xf32, #tpu.memory_space<hbm>>
        %dma_wait3A_268 = arith.constant 0 : i32
        %dma_wait3A_269 = arith.constant 0 : i32
        %dma_wait3A_270 = arith.constant 0 : i32
        %dma_wait3A_271 = tpu.memref_slice %arg11[%dma_wait3A_250, %dma_wait3A_268, %dma_wait3A_269, %dma_wait3A_270] : memref<2x8x8x432xf32, #tpu.memory_space<vmem>> -> memref<1x8x8x432xf32, #tpu.memory_space<vmem>>
        %dma_wait3A_272 = tpu.memref_squeeze %dma_wait3A_271 : memref<1x8x8x432xf32, #tpu.memory_space<vmem>> -> memref<8x8x432xf32, #tpu.memory_space<vmem>>
        tpu.wait_dma2 semaphore(%arg14 : memref<!tpu.dma_semaphore, #tpu.memory_space<semaphore_mem>>) src(%dma_wait3A_272 : memref<8x8x432xf32, #tpu.memory_space<vmem>>) dst(%dma_wait3A_267 : memref<8x8x432xf32, #tpu.memory_space<hbm>>)
        %add3A_273 = arith.constant 15 : i32
        %add3A_274 = arith.addi %while3A_98, %add3A_273 : i32
        %jit3A_275 = arith.constant 16 : i32
        %div3A_276 = arith.divsi %add3A_274, %jit3A_275 : i32
        %sign3A_277 = arith.constant 0 : i32
        %sign3A_278 = arith.cmpi sgt, %add3A_274, %sign3A_277 : i32
        %sign3A_279 = arith.extui %sign3A_278 : i1 to i32
        %sign3A_280 = arith.constant 0 : i32
        %sign3A_281 = arith.cmpi slt, %add3A_274, %sign3A_280 : i32
        %sign3A_282 = arith.extui %sign3A_281 : i1 to i32
        %sign3A_283 = arith.subi %sign3A_279, %sign3A_282 : i32
        %sign3A_284 = arith.constant 0 : i32
        %sign3A_285 = arith.cmpi sgt, %jit3A_275, %sign3A_284 : i32
        %sign3A_286 = arith.extui %sign3A_285 : i1 to i32
        %sign3A_287 = arith.constant 0 : i32
        %sign3A_288 = arith.cmpi slt, %jit3A_275, %sign3A_287 : i32
        %sign3A_289 = arith.extui %sign3A_288 : i1 to i32
        %sign3A_290 = arith.subi %sign3A_286, %sign3A_289 : i32
        %ne3A_291 = arith.cmpi ne, %sign3A_283, %sign3A_290 : i32
        %rem3A_292 = arith.remsi %add3A_274, %jit3A_275 : i32
        %ne3A_293 = arith.constant 0 : i32
        %ne3A_294 = arith.cmpi ne, %rem3A_292, %ne3A_293 : i32
        %and3A_295 = arith.andi %ne3A_291, %ne3A_294 : i1
        %sub3A_296 = arith.constant 1 : i32
        %sub3A_297 = arith.subi %div3A_276, %sub3A_296 : i32
        %select_n3A_298 = arith.select %and3A_295, %sub3A_297, %div3A_276 : i32
        %while3A_299 = arith.constant 0 : i32
        %while3A_300 = arith.constant 0 : i32
        %while3A_301 = arith.subi %select_n3A_298, %while3A_299 : i32
        %while3A_302 = arith.addi %while3A_299, %while3A_301 : i32
        %while3A_303 = arith.constant 1 : i32
        %while3A_304 = arith.divsi %while3A_301, %while3A_303 : i32
        %while3A_305 = arith.muli %while3A_304, %while3A_303 : i32
        %while3A_306 = arith.addi %while3A_299, %while3A_305 : i32
        %while3A_307 = arith.constant 1 : i32
        %while3A_308 = scf.for %while3A_311 = %while3A_299 to %while3A_306 step %while3A_307 iter_args(%while3A_312 = %while3A_300) -> (i32)  : i32 {
          %mul3A_313 = arith.constant 16 : i32
          %mul3A_314 = arith.muli %while3A_311, %mul3A_313 : i32
          %get3A = arith.index_cast %mul3A_314 : i32 to index
          %get3A_315 = tpu.vector_load %arg9[%get3A] {strides = array<i32>} : memref<3456xi32, #tpu.memory_space<vmem>>, vector<16xi32>,
          %shift_right_arithmetic3A = arith.constant 9 : i32
          %shift_right_arithmetic3A_316 = vector.broadcast %shift_right_arithmetic3A : i32 to vector<16xi32>
          %shift_right_arithmetic3A_317 = arith.shrsi %get3A_315, %shift_right_arithmetic3A_316 : vector<16xi32>
          %and3A_318 = arith.constant 511 : i32
          %and3A_319 = vector.broadcast %and3A_318 : i32 to vector<16xi32>
          %and3A_320 = arith.andi %get3A_315, %and3A_319 : vector<16xi32>
          %mul3A_321 = arith.constant 16 : i32
          %mul3A_322 = arith.muli %while3A_311, %mul3A_321 : i32
          %add3A_323 = vector.broadcast %mul3A_322 : i32 to vector<16xi32>
          %add3A_324 = arith.addi %add3A_323, %iota3A : vector<16xi32>
          %lt3A_325 = vector.broadcast %while3A_98 : i32 to vector<16xi32>
          %lt3A_326 = arith.cmpi slt, %add3A_324, %lt3A_325 : vector<16xi32>
          %add3A_327 = arith.constant 0 : i32
          %add3A_328 = vector.broadcast %add3A_327 : i32 to vector<16xi32>
          %add3A_329 = arith.addi %broadcast_in_dim3A_11, %add3A_328 : vector<16xi32>
          %add3A_330 = arith.constant 0 : i32
          %add3A_331 = vector.broadcast %add3A_330 : i32 to vector<16xi32>
          %add3A_332 = arith.addi %broadcast_in_dim3A_11, %add3A_331 : vector<16xi32>
          tpu.vector_store_idx %arg11[%add3A_329, %add3A_332, %shift_right_arithmetic3A_317, %and3A_320], %broadcast_in_dim3A_9 masked %lt3A_326 : memref<2x8x8x432xf32, #tpu.memory_space<vmem>>[vector<16xi32>, vector<16xi32>, vector<16xi32>, vector<16xi32>], vector<16xf32>, vector<16xi1>
          %add3A_333 = arith.constant 1 : i32
          %add3A_334 = vector.broadcast %add3A_333 : i32 to vector<16xi32>
          %add3A_335 = arith.addi %broadcast_in_dim3A_11, %add3A_334 : vector<16xi32>
          tpu.vector_store_idx %arg11[%add3A_329, %add3A_335, %shift_right_arithmetic3A_317, %and3A_320], %broadcast_in_dim3A_9 masked %lt3A_326 : memref<2x8x8x432xf32, #tpu.memory_space<vmem>>[vector<16xi32>, vector<16xi32>, vector<16xi32>, vector<16xi32>], vector<16xf32>, vector<16xi1>
          %add3A_336 = arith.constant 2 : i32
          %add3A_337 = vector.broadcast %add3A_336 : i32 to vector<16xi32>
          %add3A_338 = arith.addi %broadcast_in_dim3A_11, %add3A_337 : vector<16xi32>
          tpu.vector_store_idx %arg11[%add3A_329, %add3A_338, %shift_right_arithmetic3A_317, %and3A_320], %broadcast_in_dim3A_9 masked %lt3A_326 : memref<2x8x8x432xf32, #tpu.memory_space<vmem>>[vector<16xi32>, vector<16xi32>, vector<16xi32>, vector<16xi32>], vector<16xf32>, vector<16xi1>
          %add3A_339 = arith.constant 3 : i32
          %add3A_340 = vector.broadcast %add3A_339 : i32 to vector<16xi32>
          %add3A_341 = arith.addi %broadcast_in_dim3A_11, %add3A_340 : vector<16xi32>
          tpu.vector_store_idx %arg11[%add3A_329, %add3A_341, %shift_right_arithmetic3A_317, %and3A_320], %broadcast_in_dim3A_9 masked %lt3A_326 : memref<2x8x8x432xf32, #tpu.memory_space<vmem>>[vector<16xi32>, vector<16xi32>, vector<16xi32>, vector<16xi32>], vector<16xf32>, vector<16xi1>
          %add3A_342 = arith.constant 4 : i32
          %add3A_343 = vector.broadcast %add3A_342 : i32 to vector<16xi32>
          %add3A_344 = arith.addi %broadcast_in_dim3A_11, %add3A_343 : vector<16xi32>
          tpu.vector_store_idx %arg11[%add3A_329, %add3A_344, %shift_right_arithmetic3A_317, %and3A_320], %broadcast_in_dim3A_9 masked %lt3A_326 : memref<2x8x8x432xf32, #tpu.memory_space<vmem>>[vector<16xi32>, vector<16xi32>, vector<16xi32>, vector<16xi32>], vector<16xf32>, vector<16xi1>
          %add3A_345 = arith.constant 5 : i32
          %add3A_346 = vector.broadcast %add3A_345 : i32 to vector<16xi32>
          %add3A_347 = arith.addi %broadcast_in_dim3A_11, %add3A_346 : vector<16xi32>
          tpu.vector_store_idx %arg11[%add3A_329, %add3A_347, %shift_right_arithmetic3A_317, %and3A_320], %broadcast_in_dim3A_9 masked %lt3A_326 : memref<2x8x8x432xf32, #tpu.memory_space<vmem>>[vector<16xi32>, vector<16xi32>, vector<16xi32>, vector<16xi32>], vector<16xf32>, vector<16xi1>
          %add3A_348 = arith.constant 6 : i32
          %add3A_349 = vector.broadcast %add3A_348 : i32 to vector<16xi32>
          %add3A_350 = arith.addi %broadcast_in_dim3A_11, %add3A_349 : vector<16xi32>
          tpu.vector_store_idx %arg11[%add3A_329, %add3A_350, %shift_right_arithmetic3A_317, %and3A_320], %broadcast_in_dim3A_9 masked %lt3A_326 : memref<2x8x8x432xf32, #tpu.memory_space<vmem>>[vector<16xi32>, vector<16xi32>, vector<16xi32>, vector<16xi32>], vector<16xf32>, vector<16xi1>
          %add3A_351 = arith.constant 7 : i32
          %add3A_352 = vector.broadcast %add3A_351 : i32 to vector<16xi32>
          %add3A_353 = arith.addi %broadcast_in_dim3A_11, %add3A_352 : vector<16xi32>
          tpu.vector_store_idx %arg11[%add3A_329, %add3A_353, %shift_right_arithmetic3A_317, %and3A_320], %broadcast_in_dim3A_9 masked %lt3A_326 : memref<2x8x8x432xf32, #tpu.memory_space<vmem>>[vector<16xi32>, vector<16xi32>, vector<16xi32>, vector<16xi32>], vector<16xf32>, vector<16xi1>
          %add3A_354 = arith.constant 1 : i32
          %add3A_355 = vector.broadcast %add3A_354 : i32 to vector<16xi32>
          %add3A_356 = arith.addi %broadcast_in_dim3A_11, %add3A_355 : vector<16xi32>
          %add3A_357 = arith.constant 0 : i32
          %add3A_358 = vector.broadcast %add3A_357 : i32 to vector<16xi32>
          %add3A_359 = arith.addi %broadcast_in_dim3A_11, %add3A_358 : vector<16xi32>
          tpu.vector_store_idx %arg11[%add3A_356, %add3A_359, %shift_right_arithmetic3A_317, %and3A_320], %broadcast_in_dim3A_9 masked %lt3A_326 : memref<2x8x8x432xf32, #tpu.memory_space<vmem>>[vector<16xi32>, vector<16xi32>, vector<16xi32>, vector<16xi32>], vector<16xf32>, vector<16xi1>
          %add3A_360 = arith.constant 1 : i32
          %add3A_361 = vector.broadcast %add3A_360 : i32 to vector<16xi32>
          %add3A_362 = arith.addi %broadcast_in_dim3A_11, %add3A_361 : vector<16xi32>
          tpu.vector_store_idx %arg11[%add3A_356, %add3A_362, %shift_right_arithmetic3A_317, %and3A_320], %broadcast_in_dim3A_9 masked %lt3A_326 : memref<2x8x8x432xf32, #tpu.memory_space<vmem>>[vector<16xi32>, vector<16xi32>, vector<16xi32>, vector<16xi32>], vector<16xf32>, vector<16xi1>
          %add3A_363 = arith.constant 2 : i32
          %add3A_364 = vector.broadcast %add3A_363 : i32 to vector<16xi32>
          %add3A_365 = arith.addi %broadcast_in_dim3A_11, %add3A_364 : vector<16xi32>
          tpu.vector_store_idx %arg11[%add3A_356, %add3A_365, %shift_right_arithmetic3A_317, %and3A_320], %broadcast_in_dim3A_9 masked %lt3A_326 : memref<2x8x8x432xf32, #tpu.memory_space<vmem>>[vector<16xi32>, vector<16xi32>, vector<16xi32>, vector<16xi32>], vector<16xf32>, vector<16xi1>
          %add3A_366 = arith.constant 3 : i32
          %add3A_367 = vector.broadcast %add3A_366 : i32 to vector<16xi32>
          %add3A_368 = arith.addi %broadcast_in_dim3A_11, %add3A_367 : vector<16xi32>
          tpu.vector_store_idx %arg11[%add3A_356, %add3A_368, %shift_right_arithmetic3A_317, %and3A_320], %broadcast_in_dim3A_9 masked %lt3A_326 : memref<2x8x8x432xf32, #tpu.memory_space<vmem>>[vector<16xi32>, vector<16xi32>, vector<16xi32>, vector<16xi32>], vector<16xf32>, vector<16xi1>
          %add3A_369 = arith.constant 4 : i32
          %add3A_370 = vector.broadcast %add3A_369 : i32 to vector<16xi32>
          %add3A_371 = arith.addi %broadcast_in_dim3A_11, %add3A_370 : vector<16xi32>
          tpu.vector_store_idx %arg11[%add3A_356, %add3A_371, %shift_right_arithmetic3A_317, %and3A_320], %broadcast_in_dim3A_9 masked %lt3A_326 : memref<2x8x8x432xf32, #tpu.memory_space<vmem>>[vector<16xi32>, vector<16xi32>, vector<16xi32>, vector<16xi32>], vector<16xf32>, vector<16xi1>
          %add3A_372 = arith.constant 5 : i32
          %add3A_373 = vector.broadcast %add3A_372 : i32 to vector<16xi32>
          %add3A_374 = arith.addi %broadcast_in_dim3A_11, %add3A_373 : vector<16xi32>
          tpu.vector_store_idx %arg11[%add3A_356, %add3A_374, %shift_right_arithmetic3A_317, %and3A_320], %broadcast_in_dim3A_9 masked %lt3A_326 : memref<2x8x8x432xf32, #tpu.memory_space<vmem>>[vector<16xi32>, vector<16xi32>, vector<16xi32>, vector<16xi32>], vector<16xf32>, vector<16xi1>
          %add3A_375 = arith.constant 6 : i32
          %add3A_376 = vector.broadcast %add3A_375 : i32 to vector<16xi32>
          %add3A_377 = arith.addi %broadcast_in_dim3A_11, %add3A_376 : vector<16xi32>
          tpu.vector_store_idx %arg11[%add3A_356, %add3A_377, %shift_right_arithmetic3A_317, %and3A_320], %broadcast_in_dim3A_9 masked %lt3A_326 : memref<2x8x8x432xf32, #tpu.memory_space<vmem>>[vector<16xi32>, vector<16xi32>, vector<16xi32>, vector<16xi32>], vector<16xf32>, vector<16xi1>
          %add3A_378 = arith.constant 7 : i32
          %add3A_379 = vector.broadcast %add3A_378 : i32 to vector<16xi32>
          %add3A_380 = arith.addi %broadcast_in_dim3A_11, %add3A_379 : vector<16xi32>
          tpu.vector_store_idx %arg11[%add3A_356, %add3A_380, %shift_right_arithmetic3A_317, %and3A_320], %broadcast_in_dim3A_9 masked %lt3A_326 : memref<2x8x8x432xf32, #tpu.memory_space<vmem>>[vector<16xi32>, vector<16xi32>, vector<16xi32>, vector<16xi32>], vector<16xf32>, vector<16xi1>
          %while3A_381 = arith.constant 0 : i32
          scf.yield %while3A_381 : i32
        }
        %while3A_309 = arith.constant 1 : i32
        %while3A_310 = scf.for %while3A_311 = %while3A_306 to %while3A_302 step %while3A_309 iter_args(%while3A_312 = %while3A_308) -> (i32)  : i32 {
          %mul3A_313 = arith.constant 16 : i32
          %mul3A_314 = arith.muli %while3A_311, %mul3A_313 : i32
          %get3A = arith.index_cast %mul3A_314 : i32 to index
          %get3A_315 = tpu.vector_load %arg9[%get3A] {strides = array<i32>} : memref<3456xi32, #tpu.memory_space<vmem>>, vector<16xi32>,
          %shift_right_arithmetic3A = arith.constant 9 : i32
          %shift_right_arithmetic3A_316 = vector.broadcast %shift_right_arithmetic3A : i32 to vector<16xi32>
          %shift_right_arithmetic3A_317 = arith.shrsi %get3A_315, %shift_right_arithmetic3A_316 : vector<16xi32>
          %and3A_318 = arith.constant 511 : i32
          %and3A_319 = vector.broadcast %and3A_318 : i32 to vector<16xi32>
          %and3A_320 = arith.andi %get3A_315, %and3A_319 : vector<16xi32>
          %mul3A_321 = arith.constant 16 : i32
          %mul3A_322 = arith.muli %while3A_311, %mul3A_321 : i32
          %add3A_323 = vector.broadcast %mul3A_322 : i32 to vector<16xi32>
          %add3A_324 = arith.addi %add3A_323, %iota3A : vector<16xi32>
          %lt3A_325 = vector.broadcast %while3A_98 : i32 to vector<16xi32>
          %lt3A_326 = arith.cmpi slt, %add3A_324, %lt3A_325 : vector<16xi32>
          %add3A_327 = arith.constant 0 : i32
          %add3A_328 = vector.broadcast %add3A_327 : i32 to vector<16xi32>
          %add3A_329 = arith.addi %broadcast_in_dim3A_11, %add3A_328 : vector<16xi32>
          %add3A_330 = arith.constant 0 : i32
          %add3A_331 = vector.broadcast %add3A_330 : i32 to vector<16xi32>
          %add3A_332 = arith.addi %broadcast_in_dim3A_11, %add3A_331 : vector<16xi32>
          tpu.vector_store_idx %arg11[%add3A_329, %add3A_332, %shift_right_arithmetic3A_317, %and3A_320], %broadcast_in_dim3A_9 masked %lt3A_326 : memref<2x8x8x432xf32, #tpu.memory_space<vmem>>[vector<16xi32>, vector<16xi32>, vector<16xi32>, vector<16xi32>], vector<16xf32>, vector<16xi1>
          %add3A_333 = arith.constant 1 : i32
          %add3A_334 = vector.broadcast %add3A_333 : i32 to vector<16xi32>
          %add3A_335 = arith.addi %broadcast_in_dim3A_11, %add3A_334 : vector<16xi32>
          tpu.vector_store_idx %arg11[%add3A_329, %add3A_335, %shift_right_arithmetic3A_317, %and3A_320], %broadcast_in_dim3A_9 masked %lt3A_326 : memref<2x8x8x432xf32, #tpu.memory_space<vmem>>[vector<16xi32>, vector<16xi32>, vector<16xi32>, vector<16xi32>], vector<16xf32>, vector<16xi1>
          %add3A_336 = arith.constant 2 : i32
          %add3A_337 = vector.broadcast %add3A_336 : i32 to vector<16xi32>
          %add3A_338 = arith.addi %broadcast_in_dim3A_11, %add3A_337 : vector<16xi32>
          tpu.vector_store_idx %arg11[%add3A_329, %add3A_338, %shift_right_arithmetic3A_317, %and3A_320], %broadcast_in_dim3A_9 masked %lt3A_326 : memref<2x8x8x432xf32, #tpu.memory_space<vmem>>[vector<16xi32>, vector<16xi32>, vector<16xi32>, vector<16xi32>], vector<16xf32>, vector<16xi1>
          %add3A_339 = arith.constant 3 : i32
          %add3A_340 = vector.broadcast %add3A_339 : i32 to vector<16xi32>
          %add3A_341 = arith.addi %broadcast_in_dim3A_11, %add3A_340 : vector<16xi32>
          tpu.vector_store_idx %arg11[%add3A_329, %add3A_341, %shift_right_arithmetic3A_317, %and3A_320], %broadcast_in_dim3A_9 masked %lt3A_326 : memref<2x8x8x432xf32, #tpu.memory_space<vmem>>[vector<16xi32>, vector<16xi32>, vector<16xi32>, vector<16xi32>], vector<16xf32>, vector<16xi1>
          %add3A_342 = arith.constant 4 : i32
          %add3A_343 = vector.broadcast %add3A_342 : i32 to vector<16xi32>
          %add3A_344 = arith.addi %broadcast_in_dim3A_11, %add3A_343 : vector<16xi32>
          tpu.vector_store_idx %arg11[%add3A_329, %add3A_344, %shift_right_arithmetic3A_317, %and3A_320], %broadcast_in_dim3A_9 masked %lt3A_326 : memref<2x8x8x432xf32, #tpu.memory_space<vmem>>[vector<16xi32>, vector<16xi32>, vector<16xi32>, vector<16xi32>], vector<16xf32>, vector<16xi1>
          %add3A_345 = arith.constant 5 : i32
          %add3A_346 = vector.broadcast %add3A_345 : i32 to vector<16xi32>
          %add3A_347 = arith.addi %broadcast_in_dim3A_11, %add3A_346 : vector<16xi32>
          tpu.vector_store_idx %arg11[%add3A_329, %add3A_347, %shift_right_arithmetic3A_317, %and3A_320], %broadcast_in_dim3A_9 masked %lt3A_326 : memref<2x8x8x432xf32, #tpu.memory_space<vmem>>[vector<16xi32>, vector<16xi32>, vector<16xi32>, vector<16xi32>], vector<16xf32>, vector<16xi1>
          %add3A_348 = arith.constant 6 : i32
          %add3A_349 = vector.broadcast %add3A_348 : i32 to vector<16xi32>
          %add3A_350 = arith.addi %broadcast_in_dim3A_11, %add3A_349 : vector<16xi32>
          tpu.vector_store_idx %arg11[%add3A_329, %add3A_350, %shift_right_arithmetic3A_317, %and3A_320], %broadcast_in_dim3A_9 masked %lt3A_326 : memref<2x8x8x432xf32, #tpu.memory_space<vmem>>[vector<16xi32>, vector<16xi32>, vector<16xi32>, vector<16xi32>], vector<16xf32>, vector<16xi1>
          %add3A_351 = arith.constant 7 : i32
          %add3A_352 = vector.broadcast %add3A_351 : i32 to vector<16xi32>
          %add3A_353 = arith.addi %broadcast_in_dim3A_11, %add3A_352 : vector<16xi32>
          tpu.vector_store_idx %arg11[%add3A_329, %add3A_353, %shift_right_arithmetic3A_317, %and3A_320], %broadcast_in_dim3A_9 masked %lt3A_326 : memref<2x8x8x432xf32, #tpu.memory_space<vmem>>[vector<16xi32>, vector<16xi32>, vector<16xi32>, vector<16xi32>], vector<16xf32>, vector<16xi1>
          %add3A_354 = arith.constant 1 : i32
          %add3A_355 = vector.broadcast %add3A_354 : i32 to vector<16xi32>
          %add3A_356 = arith.addi %broadcast_in_dim3A_11, %add3A_355 : vector<16xi32>
          %add3A_357 = arith.constant 0 : i32
          %add3A_358 = vector.broadcast %add3A_357 : i32 to vector<16xi32>
          %add3A_359 = arith.addi %broadcast_in_dim3A_11, %add3A_358 : vector<16xi32>
          tpu.vector_store_idx %arg11[%add3A_356, %add3A_359, %shift_right_arithmetic3A_317, %and3A_320], %broadcast_in_dim3A_9 masked %lt3A_326 : memref<2x8x8x432xf32, #tpu.memory_space<vmem>>[vector<16xi32>, vector<16xi32>, vector<16xi32>, vector<16xi32>], vector<16xf32>, vector<16xi1>
          %add3A_360 = arith.constant 1 : i32
          %add3A_361 = vector.broadcast %add3A_360 : i32 to vector<16xi32>
          %add3A_362 = arith.addi %broadcast_in_dim3A_11, %add3A_361 : vector<16xi32>
          tpu.vector_store_idx %arg11[%add3A_356, %add3A_362, %shift_right_arithmetic3A_317, %and3A_320], %broadcast_in_dim3A_9 masked %lt3A_326 : memref<2x8x8x432xf32, #tpu.memory_space<vmem>>[vector<16xi32>, vector<16xi32>, vector<16xi32>, vector<16xi32>], vector<16xf32>, vector<16xi1>
          %add3A_363 = arith.constant 2 : i32
          %add3A_364 = vector.broadcast %add3A_363 : i32 to vector<16xi32>
          %add3A_365 = arith.addi %broadcast_in_dim3A_11, %add3A_364 : vector<16xi32>
          tpu.vector_store_idx %arg11[%add3A_356, %add3A_365, %shift_right_arithmetic3A_317, %and3A_320], %broadcast_in_dim3A_9 masked %lt3A_326 : memref<2x8x8x432xf32, #tpu.memory_space<vmem>>[vector<16xi32>, vector<16xi32>, vector<16xi32>, vector<16xi32>], vector<16xf32>, vector<16xi1>
          %add3A_366 = arith.constant 3 : i32
          %add3A_367 = vector.broadcast %add3A_366 : i32 to vector<16xi32>
          %add3A_368 = arith.addi %broadcast_in_dim3A_11, %add3A_367 : vector<16xi32>
          tpu.vector_store_idx %arg11[%add3A_356, %add3A_368, %shift_right_arithmetic3A_317, %and3A_320], %broadcast_in_dim3A_9 masked %lt3A_326 : memref<2x8x8x432xf32, #tpu.memory_space<vmem>>[vector<16xi32>, vector<16xi32>, vector<16xi32>, vector<16xi32>], vector<16xf32>, vector<16xi1>
          %add3A_369 = arith.constant 4 : i32
          %add3A_370 = vector.broadcast %add3A_369 : i32 to vector<16xi32>
          %add3A_371 = arith.addi %broadcast_in_dim3A_11, %add3A_370 : vector<16xi32>
          tpu.vector_store_idx %arg11[%add3A_356, %add3A_371, %shift_right_arithmetic3A_317, %and3A_320], %broadcast_in_dim3A_9 masked %lt3A_326 : memref<2x8x8x432xf32, #tpu.memory_space<vmem>>[vector<16xi32>, vector<16xi32>, vector<16xi32>, vector<16xi32>], vector<16xf32>, vector<16xi1>
          %add3A_372 = arith.constant 5 : i32
          %add3A_373 = vector.broadcast %add3A_372 : i32 to vector<16xi32>
          %add3A_374 = arith.addi %broadcast_in_dim3A_11, %add3A_373 : vector<16xi32>
          tpu.vector_store_idx %arg11[%add3A_356, %add3A_374, %shift_right_arithmetic3A_317, %and3A_320], %broadcast_in_dim3A_9 masked %lt3A_326 : memref<2x8x8x432xf32, #tpu.memory_space<vmem>>[vector<16xi32>, vector<16xi32>, vector<16xi32>, vector<16xi32>], vector<16xf32>, vector<16xi1>
          %add3A_375 = arith.constant 6 : i32
          %add3A_376 = vector.broadcast %add3A_375 : i32 to vector<16xi32>
          %add3A_377 = arith.addi %broadcast_in_dim3A_11, %add3A_376 : vector<16xi32>
          tpu.vector_store_idx %arg11[%add3A_356, %add3A_377, %shift_right_arithmetic3A_317, %and3A_320], %broadcast_in_dim3A_9 masked %lt3A_326 : memref<2x8x8x432xf32, #tpu.memory_space<vmem>>[vector<16xi32>, vector<16xi32>, vector<16xi32>, vector<16xi32>], vector<16xf32>, vector<16xi1>
          %add3A_378 = arith.constant 7 : i32
          %add3A_379 = vector.broadcast %add3A_378 : i32 to vector<16xi32>
          %add3A_380 = arith.addi %broadcast_in_dim3A_11, %add3A_379 : vector<16xi32>
          tpu.vector_store_idx %arg11[%add3A_356, %add3A_380, %shift_right_arithmetic3A_317, %and3A_320], %broadcast_in_dim3A_9 masked %lt3A_326 : memref<2x8x8x432xf32, #tpu.memory_space<vmem>>[vector<16xi32>, vector<16xi32>, vector<16xi32>, vector<16xi32>], vector<16xf32>, vector<16xi1>
          %while3A_381 = arith.constant 0 : i32
          scf.yield %while3A_381 : i32
        }
      } else {
      }
      %mul3A_177 = arith.constant 3456 : i32
      %mul3A_178 = arith.muli %while3A_97, %mul3A_177 : i32
      %scan3A_179 = arith.constant 0 : i32
      %scan3A_180 = arith.constant 216 : i32
      %scan3A_181 = arith.addi %scan3A_179, %scan3A_180 : i32
      %scan3A_182 = arith.constant 1 : i32
      %scan3A_183 = scf.for %scan3A_227 = %scan3A_179 to %scan3A_181 step %scan3A_182 iter_args(%scan3A_228 = %broadcast_in_dim3A_11) -> (vector<16xi32>)  : i32 {
        %mul3A_229 = arith.constant 16 : i32
        %mul3A_230 = arith.muli %scan3A_227, %mul3A_229 : i32
        %add3A_231 = arith.addi %mul3A_178, %mul3A_230 : i32
        %get3A = arith.index_cast %add3A_231 : i32 to index
        %get3A_232 = tpu.vector_load %arg5[%get3A] {strides = array<i32>} : memref<27648xi32, #tpu.memory_space<vmem>>, vector<16xi32>,
        %ge3A = arith.constant 0 : i32
        %ge3A_233 = vector.broadcast %ge3A : i32 to vector<16xi32>
        %ge3A_234 = arith.cmpi sge, %get3A_232, %ge3A_233 : vector<16xi32>
        %convert_element_type3A_235 = arith.extui %ge3A_234 : vector<16xi1> to vector<16xi32>
        %broadcast_in_dim3A_236 = arith.constant true
        %broadcast_in_dim3A_237 = vector.broadcast %broadcast_in_dim3A_236 : i1 to vector<16xi1>
        %masked_cumsum3A = tpu.scan <sum>, %convert_element_type3A_235 masked %broadcast_in_dim3A_237 : vector<16xi32>, vector<16xi1> -> vector<16xi32>
        %add3A_238 = arith.addi %scan3A_228, %masked_cumsum3A : vector<16xi32>
        %sub3A_239 = arith.constant 1 : i32
        %sub3A_240 = vector.broadcast %sub3A_239 : i32 to vector<16xi32>
        %sub3A_241 = arith.subi %add3A_238, %sub3A_240 : vector<16xi32>
        %jit3A_242 = arith.constant 3455 : i32
        %broadcast_in_dim3A_243 = vector.broadcast %jit3A_242 : i32 to vector<16xi32>
        %select_n3A_244 = arith.select %ge3A_234, %sub3A_241, %broadcast_in_dim3A_243 : vector<16xi1>, vector<16xi32>
        %shift_right_arithmetic3A = arith.constant 1 : i32
        %shift_right_arithmetic3A_245 = vector.broadcast %shift_right_arithmetic3A : i32 to vector<16xi32>
        %shift_right_arithmetic3A_246 = arith.shrsi %get3A_232, %shift_right_arithmetic3A_245 : vector<16xi32>
        tpu.vector_store_idx %arg7[%select_n3A_244], %shift_right_arithmetic3A_246 masked %ge3A_234 : memref<3456xi32, #tpu.memory_space<vmem>>[vector<16xi32>], vector<16xi32>, vector<16xi1>
        %and3A_247 = arith.constant 1 : i32
        %and3A_248 = vector.broadcast %and3A_247 : i32 to vector<16xi32>
        %and3A_249 = arith.andi %get3A_232, %and3A_248 : vector<16xi32>
        %mul3A_250 = arith.constant 64 : i32
        %mul3A_251 = vector.broadcast %mul3A_250 : i32 to vector<16xi32>
        %mul3A_252 = arith.muli %and3A_249, %mul3A_251 : vector<16xi32>
        tpu.vector_store_idx %arg8[%select_n3A_244], %mul3A_252 masked %ge3A_234 : memref<3456xi32, #tpu.memory_space<vmem>>[vector<16xi32>], vector<16xi32>, vector<16xi1>
        %jit3A_253 = arith.constant 27 : i32
        %div3A_254 = arith.divsi %scan3A_227, %jit3A_253 : i32
        %sign3A_255 = arith.constant 0 : i32
        %sign3A_256 = arith.cmpi sgt, %scan3A_227, %sign3A_255 : i32
        %sign3A_257 = arith.extui %sign3A_256 : i1 to i32
        %sign3A_258 = arith.constant 0 : i32
        %sign3A_259 = arith.cmpi slt, %scan3A_227, %sign3A_258 : i32
        %sign3A_260 = arith.extui %sign3A_259 : i1 to i32
        %sign3A_261 = arith.subi %sign3A_257, %sign3A_260 : i32
        %sign3A_262 = arith.constant 0 : i32
        %sign3A_263 = arith.cmpi sgt, %jit3A_253, %sign3A_262 : i32
        %sign3A_264 = arith.extui %sign3A_263 : i1 to i32
        %sign3A_265 = arith.constant 0 : i32
        %sign3A_266 = arith.cmpi slt, %jit3A_253, %sign3A_265 : i32
        %sign3A_267 = arith.extui %sign3A_266 : i1 to i32
        %sign3A_268 = arith.subi %sign3A_264, %sign3A_267 : i32
        %ne3A_269 = arith.cmpi ne, %sign3A_261, %sign3A_268 : i32
        %rem3A_270 = arith.remsi %scan3A_227, %jit3A_253 : i32
        %ne3A_271 = arith.constant 0 : i32
        %ne3A_272 = arith.cmpi ne, %rem3A_270, %ne3A_271 : i32
        %and3A_273 = arith.andi %ne3A_269, %ne3A_272 : i1
        %sub3A_274 = arith.constant 1 : i32
        %sub3A_275 = arith.subi %div3A_254, %sub3A_274 : i32
        %select_n3A_276 = arith.select %and3A_273, %sub3A_275, %div3A_254 : i32
        %mul3A_277 = arith.constant 512 : i32
        %mul3A_278 = arith.muli %select_n3A_276, %mul3A_277 : i32
        %jit3A_279 = arith.constant 27 : i32
        %eq3A_280 = arith.constant 0 : i32
        %eq3A_281 = arith.cmpi eq, %jit3A_279, %eq3A_280 : i32
        %jit3A_282 = arith.constant 1 : i32
        %select_n3A_283 = arith.select %eq3A_281, %jit3A_282, %jit3A_279 : i32
        %rem3A_284 = arith.remsi %scan3A_227, %select_n3A_283 : i32
        %ne3A_285 = arith.constant 0 : i32
        %ne3A_286 = arith.cmpi ne, %rem3A_284, %ne3A_285 : i32
        %lt3A_287 = arith.constant 0 : i32
        %lt3A_288 = arith.cmpi slt, %rem3A_284, %lt3A_287 : i32
        %lt3A_289 = arith.constant 0 : i32
        %lt3A_290 = arith.cmpi slt, %select_n3A_283, %lt3A_289 : i32
        %ne3A_291 = arith.xori %lt3A_288, %lt3A_290 : i1
        %and3A_292 = arith.andi %ne3A_291, %ne3A_286 : i1
        %add3A_293 = arith.addi %rem3A_284, %select_n3A_283 : i32
        %select_n3A_294 = arith.select %and3A_292, %add3A_293, %rem3A_284 : i32
        %mul3A_295 = arith.constant 16 : i32
        %mul3A_296 = arith.muli %select_n3A_294, %mul3A_295 : i32
        %add3A_297 = arith.addi %mul3A_278, %mul3A_296 : i32
        %add3A_298 = vector.broadcast %add3A_297 : i32 to vector<16xi32>
        %add3A_299 = arith.addi %add3A_298, %iota3A : vector<16xi32>
        tpu.vector_store_idx %arg9[%select_n3A_244], %add3A_299 masked %ge3A_234 : memref<3456xi32, #tpu.memory_space<vmem>>[vector<16xi32>], vector<16xi32>, vector<16xi1>
        %all_reduce_population_count3A = tpu.all_reduce %ge3A_234 {dim = 0 : i64, kind = #tpu.reduction_kind<sum>} : vector<16xi1> -> vector<16xi32>
        %add3A_300 = arith.addi %scan3A_228, %all_reduce_population_count3A : vector<16xi32>
        scf.yield %add3A_300 : vector<16xi32>
      }
      %scan3A_184 = arith.constant 216 : i32
      %reduce_max3A = arith.constant true
      %reduce_max3A_185 = vector.broadcast %reduce_max3A : i1 to vector<16xi1>
      %reduce_max3A_186 = arith.constant -2147483648 : i32
      %reduce_max3A_187 = vector.broadcast %reduce_max3A_186 : i32 to vector<16xi32>
      %reduce_max3A_188 = arith.xori %scan3A_183, %reduce_max3A_187 : vector<16xi32>
      %reduce_max3A_189 = tpu.scan <max>, %reduce_max3A_188 masked %reduce_max3A_185 : vector<16xi32>, vector<16xi1> -> vector<16xi32>
      %reduce_max3A_190 = arith.xori %reduce_max3A_189, %reduce_max3A_187 : vector<16xi32>
      %reduce_max3A_191 = vector.extract %reduce_max3A_190[15] : i32 from vector<16xi32>
      %add3A_192 = arith.constant 192 : i32
      %add3A_193 = arith.addi %reduce_max3A_191, %add3A_192 : i32
      %sub3A_194 = arith.constant 1 : i32
      %sub3A_195 = arith.subi %add3A_193, %sub3A_194 : i32
      %jit3A_196 = arith.constant 192 : i32
      %div3A_197 = arith.divsi %sub3A_195, %jit3A_196 : i32
      %sign3A_198 = arith.constant 0 : i32
      %sign3A_199 = arith.cmpi sgt, %sub3A_195, %sign3A_198 : i32
      %sign3A_200 = arith.extui %sign3A_199 : i1 to i32
      %sign3A_201 = arith.constant 0 : i32
      %sign3A_202 = arith.cmpi slt, %sub3A_195, %sign3A_201 : i32
      %sign3A_203 = arith.extui %sign3A_202 : i1 to i32
      %sign3A_204 = arith.subi %sign3A_200, %sign3A_203 : i32
      %sign3A_205 = arith.constant 0 : i32
      %sign3A_206 = arith.cmpi sgt, %jit3A_196, %sign3A_205 : i32
      %sign3A_207 = arith.extui %sign3A_206 : i1 to i32
      %sign3A_208 = arith.constant 0 : i32
      %sign3A_209 = arith.cmpi slt, %jit3A_196, %sign3A_208 : i32
      %sign3A_210 = arith.extui %sign3A_209 : i1 to i32
      %sign3A_211 = arith.subi %sign3A_207, %sign3A_210 : i32
      %ne3A_212 = arith.cmpi ne, %sign3A_204, %sign3A_211 : i32
      %rem3A_213 = arith.remsi %sub3A_195, %jit3A_196 : i32
      %ne3A_214 = arith.constant 0 : i32
      %ne3A_215 = arith.cmpi ne, %rem3A_213, %ne3A_214 : i32
      %and3A_216 = arith.andi %ne3A_212, %ne3A_215 : i1
      %sub3A_217 = arith.constant 1 : i32
      %sub3A_218 = arith.subi %div3A_197, %sub3A_217 : i32
      %select_n3A_219 = arith.select %and3A_216, %sub3A_218, %div3A_197 : i32
      %scan3A_220 = arith.constant 0 : i32
      %scan3A_221 = arith.constant 0 : i32
      %scan3A_222 = arith.constant 8 : i32
      %scan3A_223 = arith.addi %scan3A_221, %scan3A_222 : i32
      %scan3A_224 = arith.constant 1 : i32
      %scan3A_225 = scf.for %scan3A_227 = %scan3A_221 to %scan3A_223 step %scan3A_224 iter_args(%scan3A_228 = %scan3A_220) -> (i32)  : i32 {
        %jit3A_229 = arith.constant 2 : i32
        %eq3A_230 = arith.constant 0 : i32
        %eq3A_231 = arith.cmpi eq, %jit3A_229, %eq3A_230 : i32
        %jit3A_232 = arith.constant 1 : i32
        %select_n3A_233 = arith.select %eq3A_231, %jit3A_232, %jit3A_229 : i32
        %rem3A_234 = arith.remsi %scan3A_227, %select_n3A_233 : i32
        %ne3A_235 = arith.constant 0 : i32
        %ne3A_236 = arith.cmpi ne, %rem3A_234, %ne3A_235 : i32
        %lt3A_237 = arith.constant 0 : i32
        %lt3A_238 = arith.cmpi slt, %rem3A_234, %lt3A_237 : i32
        %lt3A_239 = arith.constant 0 : i32
        %lt3A_240 = arith.cmpi slt, %select_n3A_233, %lt3A_239 : i32
        %ne3A_241 = arith.xori %lt3A_238, %lt3A_240 : i1
        %and3A_242 = arith.andi %ne3A_241, %ne3A_236 : i1
        %add3A_243 = arith.addi %rem3A_234, %select_n3A_233 : i32
        %select_n3A_244 = arith.select %and3A_242, %add3A_243, %rem3A_234 : i32
        %add3A_245 = vector.broadcast %select_n3A_244 : i32 to vector<16xi32>
        %add3A_246 = arith.addi %broadcast_in_dim3A_11, %add3A_245 : vector<16xi32>
        %mul3A_247 = arith.constant 8 : i32
        %mul3A_248 = arith.muli %scan3A_227, %mul3A_247 : i32
        %ge3A = arith.constant 2 : i32
        %ge3A_249 = arith.cmpi sge, %scan3A_227, %ge3A : i32
        %eq3A_250 = arith.constant 0 : i32
        %eq3A_251 = arith.cmpi eq, %select_n3A_244, %eq3A_250 : i32
        %and3A_252 = arith.andi %ge3A_249, %eq3A_251 : i1
        %convert_element_type3A_253 = arith.extui %and3A_252 : i1 to i32
        %cond3A_254 = arith.constant 0 : i32
        %cond3A_255 = arith.cmpi ne, %convert_element_type3A_253, %cond3A_254 : i32
        scf.if %cond3A_255 {
          %dma_wait3A_287 = arith.constant 0 : i32
          %dma_wait3A_288 = arith.constant 0 : i32
          %dma_wait3A_289 = arith.constant 0 : i32
          %dma_wait3A_290 = arith.constant 0 : i32
          %dma_wait3A_291 = arith.constant 0 : i32
          %dma_wait3A_292 = arith.constant 0 : i32
          %dma_wait3A_293 = tpu.memref_slice %arg11[%dma_wait3A_287, %dma_wait3A_290, %dma_wait3A_291, %dma_wait3A_292] : memref<2x8x8x432xf32, #tpu.memory_space<vmem>> -> memref<1x8x8x432xf32, #tpu.memory_space<vmem>>
          %dma_wait3A_294 = tpu.memref_squeeze %dma_wait3A_293 : memref<1x8x8x432xf32, #tpu.memory_space<vmem>> -> memref<8x8x432xf32, #tpu.memory_space<vmem>>
          %dma_wait3A_295 = arith.constant 0 : i32
          %dma_wait3A_296 = arith.constant 0 : i32
          %dma_wait3A_297 = arith.constant 0 : i32
          %dma_wait3A_298 = tpu.memref_slice %arg4[%dma_wait3A_288, %dma_wait3A_295, %dma_wait3A_289, %dma_wait3A_296, %dma_wait3A_297] : memref<2x64x2x496x432xf32, #tpu.memory_space<hbm>> -> memref<1x8x1x8x432xf32, #tpu.memory_space<hbm>>
          %dma_wait3A_299 = tpu.memref_squeeze %dma_wait3A_298 : memref<1x8x1x8x432xf32, #tpu.memory_space<hbm>> -> memref<8x8x432xf32, #tpu.memory_space<hbm>>
          %dma_wait3A_300 = arith.constant 0 : i32
          %dma_wait3A_301 = arith.constant 0 : i32
          %dma_wait3A_302 = arith.constant 0 : i32
          %dma_wait3A_303 = tpu.memref_slice %arg4[%dma_wait3A_288, %dma_wait3A_300, %dma_wait3A_289, %dma_wait3A_301, %dma_wait3A_302] : memref<2x64x2x496x432xf32, #tpu.memory_space<hbm>> -> memref<1x8x1x8x432xf32, #tpu.memory_space<hbm>>
          %dma_wait3A_304 = tpu.memref_squeeze %dma_wait3A_303 : memref<1x8x1x8x432xf32, #tpu.memory_space<hbm>> -> memref<8x8x432xf32, #tpu.memory_space<hbm>>
          %dma_wait3A_305 = arith.constant 0 : i32
          %dma_wait3A_306 = arith.constant 0 : i32
          %dma_wait3A_307 = arith.constant 0 : i32
          %dma_wait3A_308 = tpu.memref_slice %arg11[%dma_wait3A_287, %dma_wait3A_305, %dma_wait3A_306, %dma_wait3A_307] : memref<2x8x8x432xf32, #tpu.memory_space<vmem>> -> memref<1x8x8x432xf32, #tpu.memory_space<vmem>>
          %dma_wait3A_309 = tpu.memref_squeeze %dma_wait3A_308 : memref<1x8x8x432xf32, #tpu.memory_space<vmem>> -> memref<8x8x432xf32, #tpu.memory_space<vmem>>
          tpu.wait_dma2 semaphore(%arg13 : memref<!tpu.dma_semaphore, #tpu.memory_space<semaphore_mem>>) src(%dma_wait3A_309 : memref<8x8x432xf32, #tpu.memory_space<vmem>>) dst(%dma_wait3A_304 : memref<8x8x432xf32, #tpu.memory_space<hbm>>)
          %add3A_310 = arith.constant 15 : i32
          %add3A_311 = arith.addi %reduce_max3A_191, %add3A_310 : i32
          %jit3A_312 = arith.constant 16 : i32
          %div3A_313 = arith.divsi %add3A_311, %jit3A_312 : i32
          %sign3A_314 = arith.constant 0 : i32
          %sign3A_315 = arith.cmpi sgt, %add3A_311, %sign3A_314 : i32
          %sign3A_316 = arith.extui %sign3A_315 : i1 to i32
          %sign3A_317 = arith.constant 0 : i32
          %sign3A_318 = arith.cmpi slt, %add3A_311, %sign3A_317 : i32
          %sign3A_319 = arith.extui %sign3A_318 : i1 to i32
          %sign3A_320 = arith.subi %sign3A_316, %sign3A_319 : i32
          %sign3A_321 = arith.constant 0 : i32
          %sign3A_322 = arith.cmpi sgt, %jit3A_312, %sign3A_321 : i32
          %sign3A_323 = arith.extui %sign3A_322 : i1 to i32
          %sign3A_324 = arith.constant 0 : i32
          %sign3A_325 = arith.cmpi slt, %jit3A_312, %sign3A_324 : i32
          %sign3A_326 = arith.extui %sign3A_325 : i1 to i32
          %sign3A_327 = arith.subi %sign3A_323, %sign3A_326 : i32
          %ne3A_328 = arith.cmpi ne, %sign3A_320, %sign3A_327 : i32
          %rem3A_329 = arith.remsi %add3A_311, %jit3A_312 : i32
          %ne3A_330 = arith.constant 0 : i32
          %ne3A_331 = arith.cmpi ne, %rem3A_329, %ne3A_330 : i32
          %and3A_332 = arith.andi %ne3A_328, %ne3A_331 : i1
          %sub3A_333 = arith.constant 1 : i32
          %sub3A_334 = arith.subi %div3A_313, %sub3A_333 : i32
          %select_n3A_335 = arith.select %and3A_332, %sub3A_334, %div3A_313 : i32
          %while3A_336 = arith.constant 0 : i32
          %while3A_337 = arith.constant 0 : i32
          %while3A_338 = arith.subi %select_n3A_335, %while3A_336 : i32
          %while3A_339 = arith.addi %while3A_336, %while3A_338 : i32
          %while3A_340 = arith.constant 1 : i32
          %while3A_341 = arith.divsi %while3A_338, %while3A_340 : i32
          %while3A_342 = arith.muli %while3A_341, %while3A_340 : i32
          %while3A_343 = arith.addi %while3A_336, %while3A_342 : i32
          %while3A_344 = arith.constant 1 : i32
          %while3A_345 = scf.for %while3A_348 = %while3A_336 to %while3A_343 step %while3A_344 iter_args(%while3A_349 = %while3A_337) -> (i32)  : i32 {
            %mul3A_350 = arith.constant 16 : i32
            %mul3A_351 = arith.muli %while3A_348, %mul3A_350 : i32
            %get3A = arith.index_cast %mul3A_351 : i32 to index
            %get3A_352 = tpu.vector_load %arg9[%get3A] {strides = array<i32>} : memref<3456xi32, #tpu.memory_space<vmem>>, vector<16xi32>,
            %mul3A_353 = arith.constant 16 : i32
            %mul3A_354 = arith.muli %while3A_348, %mul3A_353 : i32
            %add3A_355 = vector.broadcast %mul3A_354 : i32 to vector<16xi32>
            %add3A_356 = arith.addi %add3A_355, %iota3A : vector<16xi32>
            %lt3A_357 = vector.broadcast %reduce_max3A_191 : i32 to vector<16xi32>
            %lt3A_358 = arith.cmpi slt, %add3A_356, %lt3A_357 : vector<16xi32>
            %shift_right_arithmetic3A = arith.constant 9 : i32
            %shift_right_arithmetic3A_359 = vector.broadcast %shift_right_arithmetic3A : i32 to vector<16xi32>
            %shift_right_arithmetic3A_360 = arith.shrsi %get3A_352, %shift_right_arithmetic3A_359 : vector<16xi32>
            %and3A_361 = arith.constant 511 : i32
            %and3A_362 = vector.broadcast %and3A_361 : i32 to vector<16xi32>
            %and3A_363 = arith.andi %get3A_352, %and3A_362 : vector<16xi32>
            %add3A_364 = arith.constant 0 : i32
            %add3A_365 = vector.broadcast %add3A_364 : i32 to vector<16xi32>
            %add3A_366 = arith.addi %broadcast_in_dim3A_11, %add3A_365 : vector<16xi32>
            tpu.vector_store_idx %arg11[%broadcast_in_dim3A_11, %add3A_366, %shift_right_arithmetic3A_360, %and3A_363], %broadcast_in_dim3A_9 masked %lt3A_358 : memref<2x8x8x432xf32, #tpu.memory_space<vmem>>[vector<16xi32>, vector<16xi32>, vector<16xi32>, vector<16xi32>], vector<16xf32>, vector<16xi1>
            %add3A_367 = arith.constant 1 : i32
            %add3A_368 = vector.broadcast %add3A_367 : i32 to vector<16xi32>
            %add3A_369 = arith.addi %broadcast_in_dim3A_11, %add3A_368 : vector<16xi32>
            tpu.vector_store_idx %arg11[%broadcast_in_dim3A_11, %add3A_369, %shift_right_arithmetic3A_360, %and3A_363], %broadcast_in_dim3A_9 masked %lt3A_358 : memref<2x8x8x432xf32, #tpu.memory_space<vmem>>[vector<16xi32>, vector<16xi32>, vector<16xi32>, vector<16xi32>], vector<16xf32>, vector<16xi1>
            %add3A_370 = arith.constant 2 : i32
            %add3A_371 = vector.broadcast %add3A_370 : i32 to vector<16xi32>
            %add3A_372 = arith.addi %broadcast_in_dim3A_11, %add3A_371 : vector<16xi32>
            tpu.vector_store_idx %arg11[%broadcast_in_dim3A_11, %add3A_372, %shift_right_arithmetic3A_360, %and3A_363], %broadcast_in_dim3A_9 masked %lt3A_358 : memref<2x8x8x432xf32, #tpu.memory_space<vmem>>[vector<16xi32>, vector<16xi32>, vector<16xi32>, vector<16xi32>], vector<16xf32>, vector<16xi1>
            %add3A_373 = arith.constant 3 : i32
            %add3A_374 = vector.broadcast %add3A_373 : i32 to vector<16xi32>
            %add3A_375 = arith.addi %broadcast_in_dim3A_11, %add3A_374 : vector<16xi32>
            tpu.vector_store_idx %arg11[%broadcast_in_dim3A_11, %add3A_375, %shift_right_arithmetic3A_360, %and3A_363], %broadcast_in_dim3A_9 masked %lt3A_358 : memref<2x8x8x432xf32, #tpu.memory_space<vmem>>[vector<16xi32>, vector<16xi32>, vector<16xi32>, vector<16xi32>], vector<16xf32>, vector<16xi1>
            %add3A_376 = arith.constant 4 : i32
            %add3A_377 = vector.broadcast %add3A_376 : i32 to vector<16xi32>
            %add3A_378 = arith.addi %broadcast_in_dim3A_11, %add3A_377 : vector<16xi32>
            tpu.vector_store_idx %arg11[%broadcast_in_dim3A_11, %add3A_378, %shift_right_arithmetic3A_360, %and3A_363], %broadcast_in_dim3A_9 masked %lt3A_358 : memref<2x8x8x432xf32, #tpu.memory_space<vmem>>[vector<16xi32>, vector<16xi32>, vector<16xi32>, vector<16xi32>], vector<16xf32>, vector<16xi1>
            %add3A_379 = arith.constant 5 : i32
            %add3A_380 = vector.broadcast %add3A_379 : i32 to vector<16xi32>
            %add3A_381 = arith.addi %broadcast_in_dim3A_11, %add3A_380 : vector<16xi32>
            tpu.vector_store_idx %arg11[%broadcast_in_dim3A_11, %add3A_381, %shift_right_arithmetic3A_360, %and3A_363], %broadcast_in_dim3A_9 masked %lt3A_358 : memref<2x8x8x432xf32, #tpu.memory_space<vmem>>[vector<16xi32>, vector<16xi32>, vector<16xi32>, vector<16xi32>], vector<16xf32>, vector<16xi1>
            %add3A_382 = arith.constant 6 : i32
            %add3A_383 = vector.broadcast %add3A_382 : i32 to vector<16xi32>
            %add3A_384 = arith.addi %broadcast_in_dim3A_11, %add3A_383 : vector<16xi32>
            tpu.vector_store_idx %arg11[%broadcast_in_dim3A_11, %add3A_384, %shift_right_arithmetic3A_360, %and3A_363], %broadcast_in_dim3A_9 masked %lt3A_358 : memref<2x8x8x432xf32, #tpu.memory_space<vmem>>[vector<16xi32>, vector<16xi32>, vector<16xi32>, vector<16xi32>], vector<16xf32>, vector<16xi1>
            %add3A_385 = arith.constant 7 : i32
            %add3A_386 = vector.broadcast %add3A_385 : i32 to vector<16xi32>
            %add3A_387 = arith.addi %broadcast_in_dim3A_11, %add3A_386 : vector<16xi32>
            tpu.vector_store_idx %arg11[%broadcast_in_dim3A_11, %add3A_387, %shift_right_arithmetic3A_360, %and3A_363], %broadcast_in_dim3A_9 masked %lt3A_358 : memref<2x8x8x432xf32, #tpu.memory_space<vmem>>[vector<16xi32>, vector<16xi32>, vector<16xi32>, vector<16xi32>], vector<16xf32>, vector<16xi1>
            %while3A_388 = arith.constant 0 : i32
            scf.yield %while3A_388 : i32
          }
          %while3A_346 = arith.constant 1 : i32
          %while3A_347 = scf.for %while3A_348 = %while3A_343 to %while3A_339 step %while3A_346 iter_args(%while3A_349 = %while3A_345) -> (i32)  : i32 {
            %mul3A_350 = arith.constant 16 : i32
            %mul3A_351 = arith.muli %while3A_348, %mul3A_350 : i32
            %get3A = arith.index_cast %mul3A_351 : i32 to index
            %get3A_352 = tpu.vector_load %arg9[%get3A] {strides = array<i32>} : memref<3456xi32, #tpu.memory_space<vmem>>, vector<16xi32>,
            %mul3A_353 = arith.constant 16 : i32
            %mul3A_354 = arith.muli %while3A_348, %mul3A_353 : i32
            %add3A_355 = vector.broadcast %mul3A_354 : i32 to vector<16xi32>
            %add3A_356 = arith.addi %add3A_355, %iota3A : vector<16xi32>
            %lt3A_357 = vector.broadcast %reduce_max3A_191 : i32 to vector<16xi32>
            %lt3A_358 = arith.cmpi slt, %add3A_356, %lt3A_357 : vector<16xi32>
            %shift_right_arithmetic3A = arith.constant 9 : i32
            %shift_right_arithmetic3A_359 = vector.broadcast %shift_right_arithmetic3A : i32 to vector<16xi32>
            %shift_right_arithmetic3A_360 = arith.shrsi %get3A_352, %shift_right_arithmetic3A_359 : vector<16xi32>
            %and3A_361 = arith.constant 511 : i32
            %and3A_362 = vector.broadcast %and3A_361 : i32 to vector<16xi32>
            %and3A_363 = arith.andi %get3A_352, %and3A_362 : vector<16xi32>
            %add3A_364 = arith.constant 0 : i32
            %add3A_365 = vector.broadcast %add3A_364 : i32 to vector<16xi32>
            %add3A_366 = arith.addi %broadcast_in_dim3A_11, %add3A_365 : vector<16xi32>
            tpu.vector_store_idx %arg11[%broadcast_in_dim3A_11, %add3A_366, %shift_right_arithmetic3A_360, %and3A_363], %broadcast_in_dim3A_9 masked %lt3A_358 : memref<2x8x8x432xf32, #tpu.memory_space<vmem>>[vector<16xi32>, vector<16xi32>, vector<16xi32>, vector<16xi32>], vector<16xf32>, vector<16xi1>
            %add3A_367 = arith.constant 1 : i32
            %add3A_368 = vector.broadcast %add3A_367 : i32 to vector<16xi32>
            %add3A_369 = arith.addi %broadcast_in_dim3A_11, %add3A_368 : vector<16xi32>
            tpu.vector_store_idx %arg11[%broadcast_in_dim3A_11, %add3A_369, %shift_right_arithmetic3A_360, %and3A_363], %broadcast_in_dim3A_9 masked %lt3A_358 : memref<2x8x8x432xf32, #tpu.memory_space<vmem>>[vector<16xi32>, vector<16xi32>, vector<16xi32>, vector<16xi32>], vector<16xf32>, vector<16xi1>
            %add3A_370 = arith.constant 2 : i32
            %add3A_371 = vector.broadcast %add3A_370 : i32 to vector<16xi32>
            %add3A_372 = arith.addi %broadcast_in_dim3A_11, %add3A_371 : vector<16xi32>
            tpu.vector_store_idx %arg11[%broadcast_in_dim3A_11, %add3A_372, %shift_right_arithmetic3A_360, %and3A_363], %broadcast_in_dim3A_9 masked %lt3A_358 : memref<2x8x8x432xf32, #tpu.memory_space<vmem>>[vector<16xi32>, vector<16xi32>, vector<16xi32>, vector<16xi32>], vector<16xf32>, vector<16xi1>
            %add3A_373 = arith.constant 3 : i32
            %add3A_374 = vector.broadcast %add3A_373 : i32 to vector<16xi32>
            %add3A_375 = arith.addi %broadcast_in_dim3A_11, %add3A_374 : vector<16xi32>
            tpu.vector_store_idx %arg11[%broadcast_in_dim3A_11, %add3A_375, %shift_right_arithmetic3A_360, %and3A_363], %broadcast_in_dim3A_9 masked %lt3A_358 : memref<2x8x8x432xf32, #tpu.memory_space<vmem>>[vector<16xi32>, vector<16xi32>, vector<16xi32>, vector<16xi32>], vector<16xf32>, vector<16xi1>
            %add3A_376 = arith.constant 4 : i32
            %add3A_377 = vector.broadcast %add3A_376 : i32 to vector<16xi32>
            %add3A_378 = arith.addi %broadcast_in_dim3A_11, %add3A_377 : vector<16xi32>
            tpu.vector_store_idx %arg11[%broadcast_in_dim3A_11, %add3A_378, %shift_right_arithmetic3A_360, %and3A_363], %broadcast_in_dim3A_9 masked %lt3A_358 : memref<2x8x8x432xf32, #tpu.memory_space<vmem>>[vector<16xi32>, vector<16xi32>, vector<16xi32>, vector<16xi32>], vector<16xf32>, vector<16xi1>
            %add3A_379 = arith.constant 5 : i32
            %add3A_380 = vector.broadcast %add3A_379 : i32 to vector<16xi32>
            %add3A_381 = arith.addi %broadcast_in_dim3A_11, %add3A_380 : vector<16xi32>
            tpu.vector_store_idx %arg11[%broadcast_in_dim3A_11, %add3A_381, %shift_right_arithmetic3A_360, %and3A_363], %broadcast_in_dim3A_9 masked %lt3A_358 : memref<2x8x8x432xf32, #tpu.memory_space<vmem>>[vector<16xi32>, vector<16xi32>, vector<16xi32>, vector<16xi32>], vector<16xf32>, vector<16xi1>
            %add3A_382 = arith.constant 6 : i32
            %add3A_383 = vector.broadcast %add3A_382 : i32 to vector<16xi32>
            %add3A_384 = arith.addi %broadcast_in_dim3A_11, %add3A_383 : vector<16xi32>
            tpu.vector_store_idx %arg11[%broadcast_in_dim3A_11, %add3A_384, %shift_right_arithmetic3A_360, %and3A_363], %broadcast_in_dim3A_9 masked %lt3A_358 : memref<2x8x8x432xf32, #tpu.memory_space<vmem>>[vector<16xi32>, vector<16xi32>, vector<16xi32>, vector<16xi32>], vector<16xf32>, vector<16xi1>
            %add3A_385 = arith.constant 7 : i32
            %add3A_386 = vector.broadcast %add3A_385 : i32 to vector<16xi32>
            %add3A_387 = arith.addi %broadcast_in_dim3A_11, %add3A_386 : vector<16xi32>
            tpu.vector_store_idx %arg11[%broadcast_in_dim3A_11, %add3A_387, %shift_right_arithmetic3A_360, %and3A_363], %broadcast_in_dim3A_9 masked %lt3A_358 : memref<2x8x8x432xf32, #tpu.memory_space<vmem>>[vector<16xi32>, vector<16xi32>, vector<16xi32>, vector<16xi32>], vector<16xf32>, vector<16xi1>
            %while3A_388 = arith.constant 0 : i32
            scf.yield %while3A_388 : i32
          }
        } else {
        }
        %ge3A_256 = arith.constant 2 : i32
        %ge3A_257 = arith.cmpi sge, %scan3A_227, %ge3A_256 : i32
        %eq3A_258 = arith.constant 1 : i32
        %eq3A_259 = arith.cmpi eq, %select_n3A_244, %eq3A_258 : i32
        %and3A_260 = arith.andi %ge3A_257, %eq3A_259 : i1
        %convert_element_type3A_261 = arith.extui %and3A_260 : i1 to i32
        %cond3A_262 = arith.constant 0 : i32
        %cond3A_263 = arith.cmpi ne, %convert_element_type3A_261, %cond3A_262 : i32
        scf.if %cond3A_263 {
          %dma_wait3A_287 = arith.constant 1 : i32
          %dma_wait3A_288 = arith.constant 0 : i32
          %dma_wait3A_289 = arith.constant 0 : i32
          %dma_wait3A_290 = arith.constant 0 : i32
          %dma_wait3A_291 = arith.constant 0 : i32
          %dma_wait3A_292 = arith.constant 0 : i32
          %dma_wait3A_293 = tpu.memref_slice %arg11[%dma_wait3A_287, %dma_wait3A_290, %dma_wait3A_291, %dma_wait3A_292] : memref<2x8x8x432xf32, #tpu.memory_space<vmem>> -> memref<1x8x8x432xf32, #tpu.memory_space<vmem>>
          %dma_wait3A_294 = tpu.memref_squeeze %dma_wait3A_293 : memref<1x8x8x432xf32, #tpu.memory_space<vmem>> -> memref<8x8x432xf32, #tpu.memory_space<vmem>>
          %dma_wait3A_295 = arith.constant 0 : i32
          %dma_wait3A_296 = arith.constant 0 : i32
          %dma_wait3A_297 = arith.constant 0 : i32
          %dma_wait3A_298 = tpu.memref_slice %arg4[%dma_wait3A_288, %dma_wait3A_295, %dma_wait3A_289, %dma_wait3A_296, %dma_wait3A_297] : memref<2x64x2x496x432xf32, #tpu.memory_space<hbm>> -> memref<1x8x1x8x432xf32, #tpu.memory_space<hbm>>
          %dma_wait3A_299 = tpu.memref_squeeze %dma_wait3A_298 : memref<1x8x1x8x432xf32, #tpu.memory_space<hbm>> -> memref<8x8x432xf32, #tpu.memory_space<hbm>>
          %dma_wait3A_300 = arith.constant 0 : i32
          %dma_wait3A_301 = arith.constant 0 : i32
          %dma_wait3A_302 = arith.constant 0 : i32
          %dma_wait3A_303 = tpu.memref_slice %arg4[%dma_wait3A_288, %dma_wait3A_300, %dma_wait3A_289, %dma_wait3A_301, %dma_wait3A_302] : memref<2x64x2x496x432xf32, #tpu.memory_space<hbm>> -> memref<1x8x1x8x432xf32, #tpu.memory_space<hbm>>
          %dma_wait3A_304 = tpu.memref_squeeze %dma_wait3A_303 : memref<1x8x1x8x432xf32, #tpu.memory_space<hbm>> -> memref<8x8x432xf32, #tpu.memory_space<hbm>>
          %dma_wait3A_305 = arith.constant 0 : i32
          %dma_wait3A_306 = arith.constant 0 : i32
          %dma_wait3A_307 = arith.constant 0 : i32
          %dma_wait3A_308 = tpu.memref_slice %arg11[%dma_wait3A_287, %dma_wait3A_305, %dma_wait3A_306, %dma_wait3A_307] : memref<2x8x8x432xf32, #tpu.memory_space<vmem>> -> memref<1x8x8x432xf32, #tpu.memory_space<vmem>>
          %dma_wait3A_309 = tpu.memref_squeeze %dma_wait3A_308 : memref<1x8x8x432xf32, #tpu.memory_space<vmem>> -> memref<8x8x432xf32, #tpu.memory_space<vmem>>
          tpu.wait_dma2 semaphore(%arg14 : memref<!tpu.dma_semaphore, #tpu.memory_space<semaphore_mem>>) src(%dma_wait3A_309 : memref<8x8x432xf32, #tpu.memory_space<vmem>>) dst(%dma_wait3A_304 : memref<8x8x432xf32, #tpu.memory_space<hbm>>)
          %add3A_310 = arith.constant 15 : i32
          %add3A_311 = arith.addi %reduce_max3A_191, %add3A_310 : i32
          %jit3A_312 = arith.constant 16 : i32
          %div3A_313 = arith.divsi %add3A_311, %jit3A_312 : i32
          %sign3A_314 = arith.constant 0 : i32
          %sign3A_315 = arith.cmpi sgt, %add3A_311, %sign3A_314 : i32
          %sign3A_316 = arith.extui %sign3A_315 : i1 to i32
          %sign3A_317 = arith.constant 0 : i32
          %sign3A_318 = arith.cmpi slt, %add3A_311, %sign3A_317 : i32
          %sign3A_319 = arith.extui %sign3A_318 : i1 to i32
          %sign3A_320 = arith.subi %sign3A_316, %sign3A_319 : i32
          %sign3A_321 = arith.constant 0 : i32
          %sign3A_322 = arith.cmpi sgt, %jit3A_312, %sign3A_321 : i32
          %sign3A_323 = arith.extui %sign3A_322 : i1 to i32
          %sign3A_324 = arith.constant 0 : i32
          %sign3A_325 = arith.cmpi slt, %jit3A_312, %sign3A_324 : i32
          %sign3A_326 = arith.extui %sign3A_325 : i1 to i32
          %sign3A_327 = arith.subi %sign3A_323, %sign3A_326 : i32
          %ne3A_328 = arith.cmpi ne, %sign3A_320, %sign3A_327 : i32
          %rem3A_329 = arith.remsi %add3A_311, %jit3A_312 : i32
          %ne3A_330 = arith.constant 0 : i32
          %ne3A_331 = arith.cmpi ne, %rem3A_329, %ne3A_330 : i32
          %and3A_332 = arith.andi %ne3A_328, %ne3A_331 : i1
          %sub3A_333 = arith.constant 1 : i32
          %sub3A_334 = arith.subi %div3A_313, %sub3A_333 : i32
          %select_n3A_335 = arith.select %and3A_332, %sub3A_334, %div3A_313 : i32
          %while3A_336 = arith.constant 0 : i32
          %while3A_337 = arith.constant 0 : i32
          %while3A_338 = arith.subi %select_n3A_335, %while3A_336 : i32
          %while3A_339 = arith.addi %while3A_336, %while3A_338 : i32
          %while3A_340 = arith.constant 1 : i32
          %while3A_341 = arith.divsi %while3A_338, %while3A_340 : i32
          %while3A_342 = arith.muli %while3A_341, %while3A_340 : i32
          %while3A_343 = arith.addi %while3A_336, %while3A_342 : i32
          %while3A_344 = arith.constant 1 : i32
          %while3A_345 = scf.for %while3A_348 = %while3A_336 to %while3A_343 step %while3A_344 iter_args(%while3A_349 = %while3A_337) -> (i32)  : i32 {
            %mul3A_350 = arith.constant 16 : i32
            %mul3A_351 = arith.muli %while3A_348, %mul3A_350 : i32
            %get3A = arith.index_cast %mul3A_351 : i32 to index
            %get3A_352 = tpu.vector_load %arg9[%get3A] {strides = array<i32>} : memref<3456xi32, #tpu.memory_space<vmem>>, vector<16xi32>,
            %mul3A_353 = arith.constant 16 : i32
            %mul3A_354 = arith.muli %while3A_348, %mul3A_353 : i32
            %add3A_355 = vector.broadcast %mul3A_354 : i32 to vector<16xi32>
            %add3A_356 = arith.addi %add3A_355, %iota3A : vector<16xi32>
            %lt3A_357 = vector.broadcast %reduce_max3A_191 : i32 to vector<16xi32>
            %lt3A_358 = arith.cmpi slt, %add3A_356, %lt3A_357 : vector<16xi32>
            %shift_right_arithmetic3A = arith.constant 9 : i32
            %shift_right_arithmetic3A_359 = vector.broadcast %shift_right_arithmetic3A : i32 to vector<16xi32>
            %shift_right_arithmetic3A_360 = arith.shrsi %get3A_352, %shift_right_arithmetic3A_359 : vector<16xi32>
            %and3A_361 = arith.constant 511 : i32
            %and3A_362 = vector.broadcast %and3A_361 : i32 to vector<16xi32>
            %and3A_363 = arith.andi %get3A_352, %and3A_362 : vector<16xi32>
            %add3A_364 = arith.constant 0 : i32
            %add3A_365 = vector.broadcast %add3A_364 : i32 to vector<16xi32>
            %add3A_366 = arith.addi %broadcast_in_dim3A_11, %add3A_365 : vector<16xi32>
            %add3A_367 = arith.constant 1 : i32
            %add3A_368 = vector.broadcast %add3A_367 : i32 to vector<16xi32>
            %add3A_369 = arith.addi %broadcast_in_dim3A_11, %add3A_368 : vector<16xi32>
            tpu.vector_store_idx %arg11[%add3A_369, %add3A_366, %shift_right_arithmetic3A_360, %and3A_363], %broadcast_in_dim3A_9 masked %lt3A_358 : memref<2x8x8x432xf32, #tpu.memory_space<vmem>>[vector<16xi32>, vector<16xi32>, vector<16xi32>, vector<16xi32>], vector<16xf32>, vector<16xi1>
            %add3A_370 = arith.constant 1 : i32
            %add3A_371 = vector.broadcast %add3A_370 : i32 to vector<16xi32>
            %add3A_372 = arith.addi %broadcast_in_dim3A_11, %add3A_371 : vector<16xi32>
            %add3A_373 = arith.constant 1 : i32
            %add3A_374 = vector.broadcast %add3A_373 : i32 to vector<16xi32>
            %add3A_375 = arith.addi %broadcast_in_dim3A_11, %add3A_374 : vector<16xi32>
            tpu.vector_store_idx %arg11[%add3A_375, %add3A_372, %shift_right_arithmetic3A_360, %and3A_363], %broadcast_in_dim3A_9 masked %lt3A_358 : memref<2x8x8x432xf32, #tpu.memory_space<vmem>>[vector<16xi32>, vector<16xi32>, vector<16xi32>, vector<16xi32>], vector<16xf32>, vector<16xi1>
            %add3A_376 = arith.constant 2 : i32
            %add3A_377 = vector.broadcast %add3A_376 : i32 to vector<16xi32>
            %add3A_378 = arith.addi %broadcast_in_dim3A_11, %add3A_377 : vector<16xi32>
            %add3A_379 = arith.constant 1 : i32
            %add3A_380 = vector.broadcast %add3A_379 : i32 to vector<16xi32>
            %add3A_381 = arith.addi %broadcast_in_dim3A_11, %add3A_380 : vector<16xi32>
            tpu.vector_store_idx %arg11[%add3A_381, %add3A_378, %shift_right_arithmetic3A_360, %and3A_363], %broadcast_in_dim3A_9 masked %lt3A_358 : memref<2x8x8x432xf32, #tpu.memory_space<vmem>>[vector<16xi32>, vector<16xi32>, vector<16xi32>, vector<16xi32>], vector<16xf32>, vector<16xi1>
            %add3A_382 = arith.constant 3 : i32
            %add3A_383 = vector.broadcast %add3A_382 : i32 to vector<16xi32>
            %add3A_384 = arith.addi %broadcast_in_dim3A_11, %add3A_383 : vector<16xi32>
            %add3A_385 = arith.constant 1 : i32
            %add3A_386 = vector.broadcast %add3A_385 : i32 to vector<16xi32>
            %add3A_387 = arith.addi %broadcast_in_dim3A_11, %add3A_386 : vector<16xi32>
            tpu.vector_store_idx %arg11[%add3A_387, %add3A_384, %shift_right_arithmetic3A_360, %and3A_363], %broadcast_in_dim3A_9 masked %lt3A_358 : memref<2x8x8x432xf32, #tpu.memory_space<vmem>>[vector<16xi32>, vector<16xi32>, vector<16xi32>, vector<16xi32>], vector<16xf32>, vector<16xi1>
            %add3A_388 = arith.constant 4 : i32
            %add3A_389 = vector.broadcast %add3A_388 : i32 to vector<16xi32>
            %add3A_390 = arith.addi %broadcast_in_dim3A_11, %add3A_389 : vector<16xi32>
            %add3A_391 = arith.constant 1 : i32
            %add3A_392 = vector.broadcast %add3A_391 : i32 to vector<16xi32>
            %add3A_393 = arith.addi %broadcast_in_dim3A_11, %add3A_392 : vector<16xi32>
            tpu.vector_store_idx %arg11[%add3A_393, %add3A_390, %shift_right_arithmetic3A_360, %and3A_363], %broadcast_in_dim3A_9 masked %lt3A_358 : memref<2x8x8x432xf32, #tpu.memory_space<vmem>>[vector<16xi32>, vector<16xi32>, vector<16xi32>, vector<16xi32>], vector<16xf32>, vector<16xi1>
            %add3A_394 = arith.constant 5 : i32
            %add3A_395 = vector.broadcast %add3A_394 : i32 to vector<16xi32>
            %add3A_396 = arith.addi %broadcast_in_dim3A_11, %add3A_395 : vector<16xi32>
            %add3A_397 = arith.constant 1 : i32
            %add3A_398 = vector.broadcast %add3A_397 : i32 to vector<16xi32>
            %add3A_399 = arith.addi %broadcast_in_dim3A_11, %add3A_398 : vector<16xi32>
            tpu.vector_store_idx %arg11[%add3A_399, %add3A_396, %shift_right_arithmetic3A_360, %and3A_363], %broadcast_in_dim3A_9 masked %lt3A_358 : memref<2x8x8x432xf32, #tpu.memory_space<vmem>>[vector<16xi32>, vector<16xi32>, vector<16xi32>, vector<16xi32>], vector<16xf32>, vector<16xi1>
            %add3A_400 = arith.constant 6 : i32
            %add3A_401 = vector.broadcast %add3A_400 : i32 to vector<16xi32>
            %add3A_402 = arith.addi %broadcast_in_dim3A_11, %add3A_401 : vector<16xi32>
            %add3A_403 = arith.constant 1 : i32
            %add3A_404 = vector.broadcast %add3A_403 : i32 to vector<16xi32>
            %add3A_405 = arith.addi %broadcast_in_dim3A_11, %add3A_404 : vector<16xi32>
            tpu.vector_store_idx %arg11[%add3A_405, %add3A_402, %shift_right_arithmetic3A_360, %and3A_363], %broadcast_in_dim3A_9 masked %lt3A_358 : memref<2x8x8x432xf32, #tpu.memory_space<vmem>>[vector<16xi32>, vector<16xi32>, vector<16xi32>, vector<16xi32>], vector<16xf32>, vector<16xi1>
            %add3A_406 = arith.constant 7 : i32
            %add3A_407 = vector.broadcast %add3A_406 : i32 to vector<16xi32>
            %add3A_408 = arith.addi %broadcast_in_dim3A_11, %add3A_407 : vector<16xi32>
            %add3A_409 = arith.constant 1 : i32
            %add3A_410 = vector.broadcast %add3A_409 : i32 to vector<16xi32>
            %add3A_411 = arith.addi %broadcast_in_dim3A_11, %add3A_410 : vector<16xi32>
            tpu.vector_store_idx %arg11[%add3A_411, %add3A_408, %shift_right_arithmetic3A_360, %and3A_363], %broadcast_in_dim3A_9 masked %lt3A_358 : memref<2x8x8x432xf32, #tpu.memory_space<vmem>>[vector<16xi32>, vector<16xi32>, vector<16xi32>, vector<16xi32>], vector<16xf32>, vector<16xi1>
            %while3A_412 = arith.constant 0 : i32
            scf.yield %while3A_412 : i32
          }
          %while3A_346 = arith.constant 1 : i32
          %while3A_347 = scf.for %while3A_348 = %while3A_343 to %while3A_339 step %while3A_346 iter_args(%while3A_349 = %while3A_345) -> (i32)  : i32 {
            %mul3A_350 = arith.constant 16 : i32
            %mul3A_351 = arith.muli %while3A_348, %mul3A_350 : i32
            %get3A = arith.index_cast %mul3A_351 : i32 to index
            %get3A_352 = tpu.vector_load %arg9[%get3A] {strides = array<i32>} : memref<3456xi32, #tpu.memory_space<vmem>>, vector<16xi32>,
            %mul3A_353 = arith.constant 16 : i32
            %mul3A_354 = arith.muli %while3A_348, %mul3A_353 : i32
            %add3A_355 = vector.broadcast %mul3A_354 : i32 to vector<16xi32>
            %add3A_356 = arith.addi %add3A_355, %iota3A : vector<16xi32>
            %lt3A_357 = vector.broadcast %reduce_max3A_191 : i32 to vector<16xi32>
            %lt3A_358 = arith.cmpi slt, %add3A_356, %lt3A_357 : vector<16xi32>
            %shift_right_arithmetic3A = arith.constant 9 : i32
            %shift_right_arithmetic3A_359 = vector.broadcast %shift_right_arithmetic3A : i32 to vector<16xi32>
            %shift_right_arithmetic3A_360 = arith.shrsi %get3A_352, %shift_right_arithmetic3A_359 : vector<16xi32>
            %and3A_361 = arith.constant 511 : i32
            %and3A_362 = vector.broadcast %and3A_361 : i32 to vector<16xi32>
            %and3A_363 = arith.andi %get3A_352, %and3A_362 : vector<16xi32>
            %add3A_364 = arith.constant 0 : i32
            %add3A_365 = vector.broadcast %add3A_364 : i32 to vector<16xi32>
            %add3A_366 = arith.addi %broadcast_in_dim3A_11, %add3A_365 : vector<16xi32>
            %add3A_367 = arith.constant 1 : i32
            %add3A_368 = vector.broadcast %add3A_367 : i32 to vector<16xi32>
            %add3A_369 = arith.addi %broadcast_in_dim3A_11, %add3A_368 : vector<16xi32>
            tpu.vector_store_idx %arg11[%add3A_369, %add3A_366, %shift_right_arithmetic3A_360, %and3A_363], %broadcast_in_dim3A_9 masked %lt3A_358 : memref<2x8x8x432xf32, #tpu.memory_space<vmem>>[vector<16xi32>, vector<16xi32>, vector<16xi32>, vector<16xi32>], vector<16xf32>, vector<16xi1>
            %add3A_370 = arith.constant 1 : i32
            %add3A_371 = vector.broadcast %add3A_370 : i32 to vector<16xi32>
            %add3A_372 = arith.addi %broadcast_in_dim3A_11, %add3A_371 : vector<16xi32>
            %add3A_373 = arith.constant 1 : i32
            %add3A_374 = vector.broadcast %add3A_373 : i32 to vector<16xi32>
            %add3A_375 = arith.addi %broadcast_in_dim3A_11, %add3A_374 : vector<16xi32>
            tpu.vector_store_idx %arg11[%add3A_375, %add3A_372, %shift_right_arithmetic3A_360, %and3A_363], %broadcast_in_dim3A_9 masked %lt3A_358 : memref<2x8x8x432xf32, #tpu.memory_space<vmem>>[vector<16xi32>, vector<16xi32>, vector<16xi32>, vector<16xi32>], vector<16xf32>, vector<16xi1>
            %add3A_376 = arith.constant 2 : i32
            %add3A_377 = vector.broadcast %add3A_376 : i32 to vector<16xi32>
            %add3A_378 = arith.addi %broadcast_in_dim3A_11, %add3A_377 : vector<16xi32>
            %add3A_379 = arith.constant 1 : i32
            %add3A_380 = vector.broadcast %add3A_379 : i32 to vector<16xi32>
            %add3A_381 = arith.addi %broadcast_in_dim3A_11, %add3A_380 : vector<16xi32>
            tpu.vector_store_idx %arg11[%add3A_381, %add3A_378, %shift_right_arithmetic3A_360, %and3A_363], %broadcast_in_dim3A_9 masked %lt3A_358 : memref<2x8x8x432xf32, #tpu.memory_space<vmem>>[vector<16xi32>, vector<16xi32>, vector<16xi32>, vector<16xi32>], vector<16xf32>, vector<16xi1>
            %add3A_382 = arith.constant 3 : i32
            %add3A_383 = vector.broadcast %add3A_382 : i32 to vector<16xi32>
            %add3A_384 = arith.addi %broadcast_in_dim3A_11, %add3A_383 : vector<16xi32>
            %add3A_385 = arith.constant 1 : i32
            %add3A_386 = vector.broadcast %add3A_385 : i32 to vector<16xi32>
            %add3A_387 = arith.addi %broadcast_in_dim3A_11, %add3A_386 : vector<16xi32>
            tpu.vector_store_idx %arg11[%add3A_387, %add3A_384, %shift_right_arithmetic3A_360, %and3A_363], %broadcast_in_dim3A_9 masked %lt3A_358 : memref<2x8x8x432xf32, #tpu.memory_space<vmem>>[vector<16xi32>, vector<16xi32>, vector<16xi32>, vector<16xi32>], vector<16xf32>, vector<16xi1>
            %add3A_388 = arith.constant 4 : i32
            %add3A_389 = vector.broadcast %add3A_388 : i32 to vector<16xi32>
            %add3A_390 = arith.addi %broadcast_in_dim3A_11, %add3A_389 : vector<16xi32>
            %add3A_391 = arith.constant 1 : i32
            %add3A_392 = vector.broadcast %add3A_391 : i32 to vector<16xi32>
            %add3A_393 = arith.addi %broadcast_in_dim3A_11, %add3A_392 : vector<16xi32>
            tpu.vector_store_idx %arg11[%add3A_393, %add3A_390, %shift_right_arithmetic3A_360, %and3A_363], %broadcast_in_dim3A_9 masked %lt3A_358 : memref<2x8x8x432xf32, #tpu.memory_space<vmem>>[vector<16xi32>, vector<16xi32>, vector<16xi32>, vector<16xi32>], vector<16xf32>, vector<16xi1>
            %add3A_394 = arith.constant 5 : i32
            %add3A_395 = vector.broadcast %add3A_394 : i32 to vector<16xi32>
            %add3A_396 = arith.addi %broadcast_in_dim3A_11, %add3A_395 : vector<16xi32>
            %add3A_397 = arith.constant 1 : i32
            %add3A_398 = vector.broadcast %add3A_397 : i32 to vector<16xi32>
            %add3A_399 = arith.addi %broadcast_in_dim3A_11, %add3A_398 : vector<16xi32>
            tpu.vector_store_idx %arg11[%add3A_399, %add3A_396, %shift_right_arithmetic3A_360, %and3A_363], %broadcast_in_dim3A_9 masked %lt3A_358 : memref<2x8x8x432xf32, #tpu.memory_space<vmem>>[vector<16xi32>, vector<16xi32>, vector<16xi32>, vector<16xi32>], vector<16xf32>, vector<16xi1>
            %add3A_400 = arith.constant 6 : i32
            %add3A_401 = vector.broadcast %add3A_400 : i32 to vector<16xi32>
            %add3A_402 = arith.addi %broadcast_in_dim3A_11, %add3A_401 : vector<16xi32>
            %add3A_403 = arith.constant 1 : i32
            %add3A_404 = vector.broadcast %add3A_403 : i32 to vector<16xi32>
            %add3A_405 = arith.addi %broadcast_in_dim3A_11, %add3A_404 : vector<16xi32>
            tpu.vector_store_idx %arg11[%add3A_405, %add3A_402, %shift_right_arithmetic3A_360, %and3A_363], %broadcast_in_dim3A_9 masked %lt3A_358 : memref<2x8x8x432xf32, #tpu.memory_space<vmem>>[vector<16xi32>, vector<16xi32>, vector<16xi32>, vector<16xi32>], vector<16xf32>, vector<16xi1>
            %add3A_406 = arith.constant 7 : i32
            %add3A_407 = vector.broadcast %add3A_406 : i32 to vector<16xi32>
            %add3A_408 = arith.addi %broadcast_in_dim3A_11, %add3A_407 : vector<16xi32>
            %add3A_409 = arith.constant 1 : i32
            %add3A_410 = vector.broadcast %add3A_409 : i32 to vector<16xi32>
            %add3A_411 = arith.addi %broadcast_in_dim3A_11, %add3A_410 : vector<16xi32>
            tpu.vector_store_idx %arg11[%add3A_411, %add3A_408, %shift_right_arithmetic3A_360, %and3A_363], %broadcast_in_dim3A_9 masked %lt3A_358 : memref<2x8x8x432xf32, #tpu.memory_space<vmem>>[vector<16xi32>, vector<16xi32>, vector<16xi32>, vector<16xi32>], vector<16xf32>, vector<16xi1>
            %while3A_412 = arith.constant 0 : i32
            scf.yield %while3A_412 : i32
          }
        } else {
        }
        %while3A_264 = arith.constant 0 : i32
        %while3A_265 = arith.constant 0 : i32
        %while3A_266 = arith.subi %select_n3A_219, %while3A_264 : i32
        %while3A_267 = arith.addi %while3A_264, %while3A_266 : i32
        %while3A_268 = arith.constant 1 : i32
        %while3A_269 = arith.divsi %while3A_266, %while3A_268 : i32
        %while3A_270 = arith.muli %while3A_269, %while3A_268 : i32
        %while3A_271 = arith.addi %while3A_264, %while3A_270 : i32
        %while3A_272 = arith.constant 1 : i32
        %while3A_273 = scf.for %while3A_287 = %while3A_264 to %while3A_271 step %while3A_272 iter_args(%while3A_288 = %while3A_265) -> (i32)  : i32 {
          %mul3A_289 = arith.constant 192 : i32
          %mul3A_290 = arith.muli %while3A_287, %mul3A_289 : i32
          %sub3A_291 = arith.subi %reduce_max3A_191, %mul3A_290 : i32
          %min3A_292 = arith.constant 192 : i32
          %min3A_293 = arith.minsi %sub3A_291, %min3A_292 : i32
          %add3A_294 = arith.constant 15 : i32
          %add3A_295 = arith.addi %min3A_293, %add3A_294 : i32
          %jit3A_296 = arith.constant 16 : i32
          %div3A_297 = arith.divsi %add3A_295, %jit3A_296 : i32
          %sign3A_298 = arith.constant 0 : i32
          %sign3A_299 = arith.cmpi sgt, %add3A_295, %sign3A_298 : i32
          %sign3A_300 = arith.extui %sign3A_299 : i1 to i32
          %sign3A_301 = arith.constant 0 : i32
          %sign3A_302 = arith.cmpi slt, %add3A_295, %sign3A_301 : i32
          %sign3A_303 = arith.extui %sign3A_302 : i1 to i32
          %sign3A_304 = arith.subi %sign3A_300, %sign3A_303 : i32
          %sign3A_305 = arith.constant 0 : i32
          %sign3A_306 = arith.cmpi sgt, %jit3A_296, %sign3A_305 : i32
          %sign3A_307 = arith.extui %sign3A_306 : i1 to i32
          %sign3A_308 = arith.constant 0 : i32
          %sign3A_309 = arith.cmpi slt, %jit3A_296, %sign3A_308 : i32
          %sign3A_310 = arith.extui %sign3A_309 : i1 to i32
          %sign3A_311 = arith.subi %sign3A_307, %sign3A_310 : i32
          %ne3A_312 = arith.cmpi ne, %sign3A_304, %sign3A_311 : i32
          %rem3A_313 = arith.remsi %add3A_295, %jit3A_296 : i32
          %ne3A_314 = arith.constant 0 : i32
          %ne3A_315 = arith.cmpi ne, %rem3A_313, %ne3A_314 : i32
          %and3A_316 = arith.andi %ne3A_312, %ne3A_315 : i1
          %sub3A_317 = arith.constant 1 : i32
          %sub3A_318 = arith.subi %div3A_297, %sub3A_317 : i32
          %select_n3A_319 = arith.select %and3A_316, %sub3A_318, %div3A_297 : i32
          %eq3A_320 = arith.constant 0 : i32
          %eq3A_321 = arith.cmpi eq, %scan3A_227, %eq3A_320 : i32
          %gt3A_322 = arith.constant 192 : i32
          %gt3A_323 = arith.cmpi sgt, %reduce_max3A_191, %gt3A_322 : i32
          %or3A = arith.ori %eq3A_321, %gt3A_323 : i1
          %convert_element_type3A_324 = arith.extui %or3A : i1 to i32
          %cond3A_325 = arith.constant 0 : i32
          %cond3A_326 = arith.cmpi ne, %convert_element_type3A_324, %cond3A_325 : i32
          scf.if %cond3A_326 {
            %while3A_335 = arith.constant 0 : i32
            %while3A_336 = arith.constant 0 : i32
            %while3A_337 = arith.subi %select_n3A_319, %while3A_335 : i32
            %while3A_338 = arith.addi %while3A_335, %while3A_337 : i32
            %while3A_339 = arith.constant 1 : i32
            %while3A_340 = arith.divsi %while3A_337, %while3A_339 : i32
            %while3A_341 = arith.muli %while3A_340, %while3A_339 : i32
            %while3A_342 = arith.addi %while3A_335, %while3A_341 : i32
            %while3A_343 = arith.constant 1 : i32
            %while3A_344 = scf.for %while3A_359 = %while3A_335 to %while3A_342 step %while3A_343 iter_args(%while3A_360 = %while3A_336) -> (i32)  : i32 {
              %mul3A_361 = arith.constant 16 : i32
              %mul3A_362 = arith.muli %while3A_359, %mul3A_361 : i32
              %add3A_363 = arith.addi %mul3A_290, %mul3A_362 : i32
              %mul3A_364 = arith.constant 16 : i32
              %mul3A_365 = arith.muli %while3A_359, %mul3A_364 : i32
              %dma_start3A = arith.constant 0 : i32
              %dma_start3A_366 = tpu.memref_slice %arg10[%mul3A_365, %dma_start3A] : memref<192x128xf32, #tpu.memory_space<vmem>> -> memref<16x128xf32, #tpu.memory_space<vmem>>
              %dma_start3A_367 = tpu.memref_slice %arg7[%add3A_363] : memref<3456xi32, #tpu.memory_space<vmem>> -> memref<16xi32, #tpu.memory_space<vmem>>
              %dma_start3A_368 = arith.constant 0 : i32
              %dma_start3A_369 = arith.constant 0 : i32
              %dma_start3A_370 = tpu.memref_slice %arg2[%dma_start3A_368, %dma_start3A_369] : memref<16000x128xf32, #tpu.memory_space<hbm>> -> memref<16000x128xf32, #tpu.memory_space<hbm>>
              tpu.enqueue_indirect_dma source(%dma_start3A_370 : memref<16000x128xf32, #tpu.memory_space<hbm>>) target(%dma_start3A_366 : memref<16x128xf32, #tpu.memory_space<vmem>>) offsets(%dma_start3A_367 : memref<16xi32, #tpu.memory_space<vmem>>) semaphore(%arg12 : memref<!tpu.dma_semaphore, #tpu.memory_space<semaphore_mem>>)
              %while3A_371 = arith.constant 0 : i32
              scf.yield %while3A_371 : i32
            }
            %while3A_345 = arith.constant 1 : i32
            %while3A_346 = scf.for %while3A_359 = %while3A_342 to %while3A_338 step %while3A_345 iter_args(%while3A_360 = %while3A_344) -> (i32)  : i32 {
              %mul3A_361 = arith.constant 16 : i32
              %mul3A_362 = arith.muli %while3A_359, %mul3A_361 : i32
              %add3A_363 = arith.addi %mul3A_290, %mul3A_362 : i32
              %mul3A_364 = arith.constant 16 : i32
              %mul3A_365 = arith.muli %while3A_359, %mul3A_364 : i32
              %dma_start3A = arith.constant 0 : i32
              %dma_start3A_366 = tpu.memref_slice %arg10[%mul3A_365, %dma_start3A] : memref<192x128xf32, #tpu.memory_space<vmem>> -> memref<16x128xf32, #tpu.memory_space<vmem>>
              %dma_start3A_367 = tpu.memref_slice %arg7[%add3A_363] : memref<3456xi32, #tpu.memory_space<vmem>> -> memref<16xi32, #tpu.memory_space<vmem>>
              %dma_start3A_368 = arith.constant 0 : i32
              %dma_start3A_369 = arith.constant 0 : i32
              %dma_start3A_370 = tpu.memref_slice %arg2[%dma_start3A_368, %dma_start3A_369] : memref<16000x128xf32, #tpu.memory_space<hbm>> -> memref<16000x128xf32, #tpu.memory_space<hbm>>
              tpu.enqueue_indirect_dma source(%dma_start3A_370 : memref<16000x128xf32, #tpu.memory_space<hbm>>) target(%dma_start3A_366 : memref<16x128xf32, #tpu.memory_space<vmem>>) offsets(%dma_start3A_367 : memref<16xi32, #tpu.memory_space<vmem>>) semaphore(%arg12 : memref<!tpu.dma_semaphore, #tpu.memory_space<semaphore_mem>>)
              %while3A_371 = arith.constant 0 : i32
              scf.yield %while3A_371 : i32
            }
            %while3A_347 = arith.constant 0 : i32
            %while3A_348 = arith.constant 0 : i32
            %while3A_349 = arith.subi %select_n3A_319, %while3A_347 : i32
            %while3A_350 = arith.addi %while3A_347, %while3A_349 : i32
            %while3A_351 = arith.constant 1 : i32
            %while3A_352 = arith.divsi %while3A_349, %while3A_351 : i32
            %while3A_353 = arith.muli %while3A_352, %while3A_351 : i32
            %while3A_354 = arith.addi %while3A_347, %while3A_353 : i32
            %while3A_355 = arith.constant 1 : i32
            %while3A_356 = scf.for %while3A_359 = %while3A_347 to %while3A_354 step %while3A_355 iter_args(%while3A_360 = %while3A_348) -> (i32)  : i32 {
              %dma_wait3A_361 = arith.constant 0 : i32
              %dma_wait3A_362 = arith.constant 0 : i32
              %dma_wait3A_363 = tpu.memref_slice %arg10[%dma_wait3A_361, %dma_wait3A_362] : memref<192x128xf32, #tpu.memory_space<vmem>> -> memref<16x128xf32, #tpu.memory_space<vmem>>
              %dma_wait3A_364 = arith.constant 0 : i32
              %dma_wait3A_365 = tpu.memref_slice %arg7[%dma_wait3A_364] : memref<3456xi32, #tpu.memory_space<vmem>> -> memref<16xi32, #tpu.memory_space<vmem>>
              %dma_wait3A_366 = arith.constant 0 : i32
              %dma_wait3A_367 = arith.constant 0 : i32
              %dma_wait3A_368 = tpu.memref_slice %arg2[%dma_wait3A_366, %dma_wait3A_367] : memref<16000x128xf32, #tpu.memory_space<hbm>> -> memref<16000x128xf32, #tpu.memory_space<hbm>>
              tpu.wait_indirect_dma semaphore(%arg12 : memref<!tpu.dma_semaphore, #tpu.memory_space<semaphore_mem>>) src(%dma_wait3A_368 : memref<16000x128xf32, #tpu.memory_space<hbm>>) dst(%dma_wait3A_363 : memref<16x128xf32, #tpu.memory_space<vmem>>)
              %while3A_369 = arith.constant 0 : i32
              scf.yield %while3A_369 : i32
            }
            %while3A_357 = arith.constant 1 : i32
            %while3A_358 = scf.for %while3A_359 = %while3A_354 to %while3A_350 step %while3A_357 iter_args(%while3A_360 = %while3A_356) -> (i32)  : i32 {
              %dma_wait3A_361 = arith.constant 0 : i32
              %dma_wait3A_362 = arith.constant 0 : i32
              %dma_wait3A_363 = tpu.memref_slice %arg10[%dma_wait3A_361, %dma_wait3A_362] : memref<192x128xf32, #tpu.memory_space<vmem>> -> memref<16x128xf32, #tpu.memory_space<vmem>>
              %dma_wait3A_364 = arith.constant 0 : i32
              %dma_wait3A_365 = tpu.memref_slice %arg7[%dma_wait3A_364] : memref<3456xi32, #tpu.memory_space<vmem>> -> memref<16xi32, #tpu.memory_space<vmem>>
              %dma_wait3A_366 = arith.constant 0 : i32
              %dma_wait3A_367 = arith.constant 0 : i32
              %dma_wait3A_368 = tpu.memref_slice %arg2[%dma_wait3A_366, %dma_wait3A_367] : memref<16000x128xf32, #tpu.memory_space<hbm>> -> memref<16000x128xf32, #tpu.memory_space<hbm>>
              tpu.wait_indirect_dma semaphore(%arg12 : memref<!tpu.dma_semaphore, #tpu.memory_space<semaphore_mem>>) src(%dma_wait3A_368 : memref<16000x128xf32, #tpu.memory_space<hbm>>) dst(%dma_wait3A_363 : memref<16x128xf32, #tpu.memory_space<vmem>>)
              %while3A_369 = arith.constant 0 : i32
              scf.yield %while3A_369 : i32
            }
          } else {
          }
          %scan3A_327 = arith.constant 0 : i32
          %scan3A_328 = arith.constant 0 : i32
          %scan3A_329 = arith.constant 12 : i32
          %scan3A_330 = arith.addi %scan3A_328, %scan3A_329 : i32
          %scan3A_331 = arith.constant 1 : i32
          %scan3A_332 = scf.for %scan3A_335 = %scan3A_328 to %scan3A_330 step %scan3A_331 iter_args(%scan3A_336 = %scan3A_327) -> (i32)  : i32 {
            %mul3A_337 = arith.constant 16 : i32
            %mul3A_338 = arith.muli %scan3A_335, %mul3A_337 : i32
            %add3A_339 = vector.broadcast %mul3A_338 : i32 to vector<16xi32>
            %add3A_340 = arith.addi %add3A_339, %iota3A : vector<16xi32>
            %add3A_341 = vector.broadcast %mul3A_290 : i32 to vector<16xi32>
            %add3A_342 = arith.addi %add3A_341, %add3A_340 : vector<16xi32>
            %lt3A_343 = vector.broadcast %reduce_max3A_191 : i32 to vector<16xi32>
            %lt3A_344 = arith.cmpi slt, %add3A_342, %lt3A_343 : vector<16xi32>
            %mul3A_345 = arith.constant 16 : i32
            %mul3A_346 = arith.muli %scan3A_335, %mul3A_345 : i32
            %add3A_347 = arith.addi %mul3A_290, %mul3A_346 : i32
            %get3A = arith.index_cast %add3A_347 : i32 to index
            %get3A_348 = tpu.vector_load %arg9[%get3A] {strides = array<i32>} : memref<3456xi32, #tpu.memory_space<vmem>>, vector<16xi32>,
            %mul3A_349 = arith.constant 16 : i32
            %mul3A_350 = arith.muli %scan3A_335, %mul3A_349 : i32
            %add3A_351 = arith.addi %mul3A_290, %mul3A_350 : i32
            %get3A_352 = arith.index_cast %add3A_351 : i32 to index
            %get3A_353 = tpu.vector_load %arg8[%get3A_352] {strides = array<i32>} : memref<3456xi32, #tpu.memory_space<vmem>>, vector<16xi32>,
            %shift_right_arithmetic3A = arith.constant 9 : i32
            %shift_right_arithmetic3A_354 = vector.broadcast %shift_right_arithmetic3A : i32 to vector<16xi32>
            %shift_right_arithmetic3A_355 = arith.shrsi %get3A_348, %shift_right_arithmetic3A_354 : vector<16xi32>
            %and3A_356 = arith.constant 511 : i32
            %and3A_357 = vector.broadcast %and3A_356 : i32 to vector<16xi32>
            %and3A_358 = arith.andi %get3A_348, %and3A_357 : vector<16xi32>
            %add3A_359 = arith.constant 0 : i32
            %add3A_360 = vector.broadcast %add3A_359 : i32 to vector<16xi32>
            %add3A_361 = arith.addi %broadcast_in_dim3A_11, %add3A_360 : vector<16xi32>
            %add3A_362 = arith.constant 0 : i32
            %add3A_363 = arith.addi %mul3A_248, %add3A_362 : i32
            %add3A_364 = vector.broadcast %add3A_363 : i32 to vector<16xi32>
            %add3A_365 = arith.addi %get3A_353, %add3A_364 : vector<16xi32>
            %gather3A = tpu.vector_load_idx %arg10[%add3A_340, %add3A_365] masked %lt3A_344 : memref<192x128xf32, #tpu.memory_space<vmem>>[vector<16xi32>, vector<16xi32>], vector<16xf32>, vector<16xi1>
            tpu.vector_store_idx %arg11[%add3A_246, %add3A_361, %shift_right_arithmetic3A_355, %and3A_358], %gather3A masked %lt3A_344 : memref<2x8x8x432xf32, #tpu.memory_space<vmem>>[vector<16xi32>, vector<16xi32>, vector<16xi32>, vector<16xi32>], vector<16xf32>, vector<16xi1>
            %add3A_366 = arith.constant 1 : i32
            %add3A_367 = vector.broadcast %add3A_366 : i32 to vector<16xi32>
            %add3A_368 = arith.addi %broadcast_in_dim3A_11, %add3A_367 : vector<16xi32>
            %add3A_369 = arith.constant 1 : i32
            %add3A_370 = arith.addi %mul3A_248, %add3A_369 : i32
            %add3A_371 = vector.broadcast %add3A_370 : i32 to vector<16xi32>
            %add3A_372 = arith.addi %get3A_353, %add3A_371 : vector<16xi32>
            %gather3A_373 = tpu.vector_load_idx %arg10[%add3A_340, %add3A_372] masked %lt3A_344 : memref<192x128xf32, #tpu.memory_space<vmem>>[vector<16xi32>, vector<16xi32>], vector<16xf32>, vector<16xi1>
            tpu.vector_store_idx %arg11[%add3A_246, %add3A_368, %shift_right_arithmetic3A_355, %and3A_358], %gather3A_373 masked %lt3A_344 : memref<2x8x8x432xf32, #tpu.memory_space<vmem>>[vector<16xi32>, vector<16xi32>, vector<16xi32>, vector<16xi32>], vector<16xf32>, vector<16xi1>
            %add3A_374 = arith.constant 2 : i32
            %add3A_375 = vector.broadcast %add3A_374 : i32 to vector<16xi32>
            %add3A_376 = arith.addi %broadcast_in_dim3A_11, %add3A_375 : vector<16xi32>
            %add3A_377 = arith.constant 2 : i32
            %add3A_378 = arith.addi %mul3A_248, %add3A_377 : i32
            %add3A_379 = vector.broadcast %add3A_378 : i32 to vector<16xi32>
            %add3A_380 = arith.addi %get3A_353, %add3A_379 : vector<16xi32>
            %gather3A_381 = tpu.vector_load_idx %arg10[%add3A_340, %add3A_380] masked %lt3A_344 : memref<192x128xf32, #tpu.memory_space<vmem>>[vector<16xi32>, vector<16xi32>], vector<16xf32>, vector<16xi1>
            tpu.vector_store_idx %arg11[%add3A_246, %add3A_376, %shift_right_arithmetic3A_355, %and3A_358], %gather3A_381 masked %lt3A_344 : memref<2x8x8x432xf32, #tpu.memory_space<vmem>>[vector<16xi32>, vector<16xi32>, vector<16xi32>, vector<16xi32>], vector<16xf32>, vector<16xi1>
            %add3A_382 = arith.constant 3 : i32
            %add3A_383 = vector.broadcast %add3A_382 : i32 to vector<16xi32>
            %add3A_384 = arith.addi %broadcast_in_dim3A_11, %add3A_383 : vector<16xi32>
            %add3A_385 = arith.constant 3 : i32
            %add3A_386 = arith.addi %mul3A_248, %add3A_385 : i32
            %add3A_387 = vector.broadcast %add3A_386 : i32 to vector<16xi32>
            %add3A_388 = arith.addi %get3A_353, %add3A_387 : vector<16xi32>
            %gather3A_389 = tpu.vector_load_idx %arg10[%add3A_340, %add3A_388] masked %lt3A_344 : memref<192x128xf32, #tpu.memory_space<vmem>>[vector<16xi32>, vector<16xi32>], vector<16xf32>, vector<16xi1>
            tpu.vector_store_idx %arg11[%add3A_246, %add3A_384, %shift_right_arithmetic3A_355, %and3A_358], %gather3A_389 masked %lt3A_344 : memref<2x8x8x432xf32, #tpu.memory_space<vmem>>[vector<16xi32>, vector<16xi32>, vector<16xi32>, vector<16xi32>], vector<16xf32>, vector<16xi1>
            %add3A_390 = arith.constant 4 : i32
            %add3A_391 = vector.broadcast %add3A_390 : i32 to vector<16xi32>
            %add3A_392 = arith.addi %broadcast_in_dim3A_11, %add3A_391 : vector<16xi32>
            %add3A_393 = arith.constant 4 : i32
            %add3A_394 = arith.addi %mul3A_248, %add3A_393 : i32
            %add3A_395 = vector.broadcast %add3A_394 : i32 to vector<16xi32>
            %add3A_396 = arith.addi %get3A_353, %add3A_395 : vector<16xi32>
            %gather3A_397 = tpu.vector_load_idx %arg10[%add3A_340, %add3A_396] masked %lt3A_344 : memref<192x128xf32, #tpu.memory_space<vmem>>[vector<16xi32>, vector<16xi32>], vector<16xf32>, vector<16xi1>
            tpu.vector_store_idx %arg11[%add3A_246, %add3A_392, %shift_right_arithmetic3A_355, %and3A_358], %gather3A_397 masked %lt3A_344 : memref<2x8x8x432xf32, #tpu.memory_space<vmem>>[vector<16xi32>, vector<16xi32>, vector<16xi32>, vector<16xi32>], vector<16xf32>, vector<16xi1>
            %add3A_398 = arith.constant 5 : i32
            %add3A_399 = vector.broadcast %add3A_398 : i32 to vector<16xi32>
            %add3A_400 = arith.addi %broadcast_in_dim3A_11, %add3A_399 : vector<16xi32>
            %add3A_401 = arith.constant 5 : i32
            %add3A_402 = arith.addi %mul3A_248, %add3A_401 : i32
            %add3A_403 = vector.broadcast %add3A_402 : i32 to vector<16xi32>
            %add3A_404 = arith.addi %get3A_353, %add3A_403 : vector<16xi32>
            %gather3A_405 = tpu.vector_load_idx %arg10[%add3A_340, %add3A_404] masked %lt3A_344 : memref<192x128xf32, #tpu.memory_space<vmem>>[vector<16xi32>, vector<16xi32>], vector<16xf32>, vector<16xi1>
            tpu.vector_store_idx %arg11[%add3A_246, %add3A_400, %shift_right_arithmetic3A_355, %and3A_358], %gather3A_405 masked %lt3A_344 : memref<2x8x8x432xf32, #tpu.memory_space<vmem>>[vector<16xi32>, vector<16xi32>, vector<16xi32>, vector<16xi32>], vector<16xf32>, vector<16xi1>
            %add3A_406 = arith.constant 6 : i32
            %add3A_407 = vector.broadcast %add3A_406 : i32 to vector<16xi32>
            %add3A_408 = arith.addi %broadcast_in_dim3A_11, %add3A_407 : vector<16xi32>
            %add3A_409 = arith.constant 6 : i32
            %add3A_410 = arith.addi %mul3A_248, %add3A_409 : i32
            %add3A_411 = vector.broadcast %add3A_410 : i32 to vector<16xi32>
            %add3A_412 = arith.addi %get3A_353, %add3A_411 : vector<16xi32>
            %gather3A_413 = tpu.vector_load_idx %arg10[%add3A_340, %add3A_412] masked %lt3A_344 : memref<192x128xf32, #tpu.memory_space<vmem>>[vector<16xi32>, vector<16xi32>], vector<16xf32>, vector<16xi1>
            tpu.vector_store_idx %arg11[%add3A_246, %add3A_408, %shift_right_arithmetic3A_355, %and3A_358], %gather3A_413 masked %lt3A_344 : memref<2x8x8x432xf32, #tpu.memory_space<vmem>>[vector<16xi32>, vector<16xi32>, vector<16xi32>, vector<16xi32>], vector<16xf32>, vector<16xi1>
            %add3A_414 = arith.constant 7 : i32
            %add3A_415 = vector.broadcast %add3A_414 : i32 to vector<16xi32>
            %add3A_416 = arith.addi %broadcast_in_dim3A_11, %add3A_415 : vector<16xi32>
            %add3A_417 = arith.constant 7 : i32
            %add3A_418 = arith.addi %mul3A_248, %add3A_417 : i32
            %add3A_419 = vector.broadcast %add3A_418 : i32 to vector<16xi32>
            %add3A_420 = arith.addi %get3A_353, %add3A_419 : vector<16xi32>
            %gather3A_421 = tpu.vector_load_idx %arg10[%add3A_340, %add3A_420] masked %lt3A_344 : memref<192x128xf32, #tpu.memory_space<vmem>>[vector<16xi32>, vector<16xi32>], vector<16xf32>, vector<16xi1>
            tpu.vector_store_idx %arg11[%add3A_246, %add3A_416, %shift_right_arithmetic3A_355, %and3A_358], %gather3A_421 masked %lt3A_344 : memref<2x8x8x432xf32, #tpu.memory_space<vmem>>[vector<16xi32>, vector<16xi32>, vector<16xi32>, vector<16xi32>], vector<16xf32>, vector<16xi1>
            %scan3A_422 = arith.constant 0 : i32
            scf.yield %scan3A_422 : i32
          }
          %scan3A_333 = arith.constant 12 : i32
          %while3A_334 = arith.constant 0 : i32
          scf.yield %while3A_334 : i32
        }
        %while3A_274 = arith.constant 1 : i32
        %while3A_275 = scf.for %while3A_287 = %while3A_271 to %while3A_267 step %while3A_274 iter_args(%while3A_288 = %while3A_273) -> (i32)  : i32 {
          %mul3A_289 = arith.constant 192 : i32
          %mul3A_290 = arith.muli %while3A_287, %mul3A_289 : i32
          %sub3A_291 = arith.subi %reduce_max3A_191, %mul3A_290 : i32
          %min3A_292 = arith.constant 192 : i32
          %min3A_293 = arith.minsi %sub3A_291, %min3A_292 : i32
          %add3A_294 = arith.constant 15 : i32
          %add3A_295 = arith.addi %min3A_293, %add3A_294 : i32
          %jit3A_296 = arith.constant 16 : i32
          %div3A_297 = arith.divsi %add3A_295, %jit3A_296 : i32
          %sign3A_298 = arith.constant 0 : i32
          %sign3A_299 = arith.cmpi sgt, %add3A_295, %sign3A_298 : i32
          %sign3A_300 = arith.extui %sign3A_299 : i1 to i32
          %sign3A_301 = arith.constant 0 : i32
          %sign3A_302 = arith.cmpi slt, %add3A_295, %sign3A_301 : i32
          %sign3A_303 = arith.extui %sign3A_302 : i1 to i32
          %sign3A_304 = arith.subi %sign3A_300, %sign3A_303 : i32
          %sign3A_305 = arith.constant 0 : i32
          %sign3A_306 = arith.cmpi sgt, %jit3A_296, %sign3A_305 : i32
          %sign3A_307 = arith.extui %sign3A_306 : i1 to i32
          %sign3A_308 = arith.constant 0 : i32
          %sign3A_309 = arith.cmpi slt, %jit3A_296, %sign3A_308 : i32
          %sign3A_310 = arith.extui %sign3A_309 : i1 to i32
          %sign3A_311 = arith.subi %sign3A_307, %sign3A_310 : i32
          %ne3A_312 = arith.cmpi ne, %sign3A_304, %sign3A_311 : i32
          %rem3A_313 = arith.remsi %add3A_295, %jit3A_296 : i32
          %ne3A_314 = arith.constant 0 : i32
          %ne3A_315 = arith.cmpi ne, %rem3A_313, %ne3A_314 : i32
          %and3A_316 = arith.andi %ne3A_312, %ne3A_315 : i1
          %sub3A_317 = arith.constant 1 : i32
          %sub3A_318 = arith.subi %div3A_297, %sub3A_317 : i32
          %select_n3A_319 = arith.select %and3A_316, %sub3A_318, %div3A_297 : i32
          %eq3A_320 = arith.constant 0 : i32
          %eq3A_321 = arith.cmpi eq, %scan3A_227, %eq3A_320 : i32
          %gt3A_322 = arith.constant 192 : i32
          %gt3A_323 = arith.cmpi sgt, %reduce_max3A_191, %gt3A_322 : i32
          %or3A = arith.ori %eq3A_321, %gt3A_323 : i1
          %convert_element_type3A_324 = arith.extui %or3A : i1 to i32
          %cond3A_325 = arith.constant 0 : i32
          %cond3A_326 = arith.cmpi ne, %convert_element_type3A_324, %cond3A_325 : i32
          scf.if %cond3A_326 {
            %while3A_335 = arith.constant 0 : i32
            %while3A_336 = arith.constant 0 : i32
            %while3A_337 = arith.subi %select_n3A_319, %while3A_335 : i32
            %while3A_338 = arith.addi %while3A_335, %while3A_337 : i32
            %while3A_339 = arith.constant 1 : i32
            %while3A_340 = arith.divsi %while3A_337, %while3A_339 : i32
            %while3A_341 = arith.muli %while3A_340, %while3A_339 : i32
            %while3A_342 = arith.addi %while3A_335, %while3A_341 : i32
            %while3A_343 = arith.constant 1 : i32
            %while3A_344 = scf.for %while3A_359 = %while3A_335 to %while3A_342 step %while3A_343 iter_args(%while3A_360 = %while3A_336) -> (i32)  : i32 {
              %mul3A_361 = arith.constant 16 : i32
              %mul3A_362 = arith.muli %while3A_359, %mul3A_361 : i32
              %add3A_363 = arith.addi %mul3A_290, %mul3A_362 : i32
              %mul3A_364 = arith.constant 16 : i32
              %mul3A_365 = arith.muli %while3A_359, %mul3A_364 : i32
              %dma_start3A = arith.constant 0 : i32
              %dma_start3A_366 = tpu.memref_slice %arg10[%mul3A_365, %dma_start3A] : memref<192x128xf32, #tpu.memory_space<vmem>> -> memref<16x128xf32, #tpu.memory_space<vmem>>
              %dma_start3A_367 = tpu.memref_slice %arg7[%add3A_363] : memref<3456xi32, #tpu.memory_space<vmem>> -> memref<16xi32, #tpu.memory_space<vmem>>
              %dma_start3A_368 = arith.constant 0 : i32
              %dma_start3A_369 = arith.constant 0 : i32
              %dma_start3A_370 = tpu.memref_slice %arg2[%dma_start3A_368, %dma_start3A_369] : memref<16000x128xf32, #tpu.memory_space<hbm>> -> memref<16000x128xf32, #tpu.memory_space<hbm>>
              tpu.enqueue_indirect_dma source(%dma_start3A_370 : memref<16000x128xf32, #tpu.memory_space<hbm>>) target(%dma_start3A_366 : memref<16x128xf32, #tpu.memory_space<vmem>>) offsets(%dma_start3A_367 : memref<16xi32, #tpu.memory_space<vmem>>) semaphore(%arg12 : memref<!tpu.dma_semaphore, #tpu.memory_space<semaphore_mem>>)
              %while3A_371 = arith.constant 0 : i32
              scf.yield %while3A_371 : i32
            }
            %while3A_345 = arith.constant 1 : i32
            %while3A_346 = scf.for %while3A_359 = %while3A_342 to %while3A_338 step %while3A_345 iter_args(%while3A_360 = %while3A_344) -> (i32)  : i32 {
              %mul3A_361 = arith.constant 16 : i32
              %mul3A_362 = arith.muli %while3A_359, %mul3A_361 : i32
              %add3A_363 = arith.addi %mul3A_290, %mul3A_362 : i32
              %mul3A_364 = arith.constant 16 : i32
              %mul3A_365 = arith.muli %while3A_359, %mul3A_364 : i32
              %dma_start3A = arith.constant 0 : i32
              %dma_start3A_366 = tpu.memref_slice %arg10[%mul3A_365, %dma_start3A] : memref<192x128xf32, #tpu.memory_space<vmem>> -> memref<16x128xf32, #tpu.memory_space<vmem>>
              %dma_start3A_367 = tpu.memref_slice %arg7[%add3A_363] : memref<3456xi32, #tpu.memory_space<vmem>> -> memref<16xi32, #tpu.memory_space<vmem>>
              %dma_start3A_368 = arith.constant 0 : i32
              %dma_start3A_369 = arith.constant 0 : i32
              %dma_start3A_370 = tpu.memref_slice %arg2[%dma_start3A_368, %dma_start3A_369] : memref<16000x128xf32, #tpu.memory_space<hbm>> -> memref<16000x128xf32, #tpu.memory_space<hbm>>
              tpu.enqueue_indirect_dma source(%dma_start3A_370 : memref<16000x128xf32, #tpu.memory_space<hbm>>) target(%dma_start3A_366 : memref<16x128xf32, #tpu.memory_space<vmem>>) offsets(%dma_start3A_367 : memref<16xi32, #tpu.memory_space<vmem>>) semaphore(%arg12 : memref<!tpu.dma_semaphore, #tpu.memory_space<semaphore_mem>>)
              %while3A_371 = arith.constant 0 : i32
              scf.yield %while3A_371 : i32
            }
            %while3A_347 = arith.constant 0 : i32
            %while3A_348 = arith.constant 0 : i32
            %while3A_349 = arith.subi %select_n3A_319, %while3A_347 : i32
            %while3A_350 = arith.addi %while3A_347, %while3A_349 : i32
            %while3A_351 = arith.constant 1 : i32
            %while3A_352 = arith.divsi %while3A_349, %while3A_351 : i32
            %while3A_353 = arith.muli %while3A_352, %while3A_351 : i32
            %while3A_354 = arith.addi %while3A_347, %while3A_353 : i32
            %while3A_355 = arith.constant 1 : i32
            %while3A_356 = scf.for %while3A_359 = %while3A_347 to %while3A_354 step %while3A_355 iter_args(%while3A_360 = %while3A_348) -> (i32)  : i32 {
              %dma_wait3A_361 = arith.constant 0 : i32
              %dma_wait3A_362 = arith.constant 0 : i32
              %dma_wait3A_363 = tpu.memref_slice %arg10[%dma_wait3A_361, %dma_wait3A_362] : memref<192x128xf32, #tpu.memory_space<vmem>> -> memref<16x128xf32, #tpu.memory_space<vmem>>
              %dma_wait3A_364 = arith.constant 0 : i32
              %dma_wait3A_365 = tpu.memref_slice %arg7[%dma_wait3A_364] : memref<3456xi32, #tpu.memory_space<vmem>> -> memref<16xi32, #tpu.memory_space<vmem>>
              %dma_wait3A_366 = arith.constant 0 : i32
              %dma_wait3A_367 = arith.constant 0 : i32
              %dma_wait3A_368 = tpu.memref_slice %arg2[%dma_wait3A_366, %dma_wait3A_367] : memref<16000x128xf32, #tpu.memory_space<hbm>> -> memref<16000x128xf32, #tpu.memory_space<hbm>>
              tpu.wait_indirect_dma semaphore(%arg12 : memref<!tpu.dma_semaphore, #tpu.memory_space<semaphore_mem>>) src(%dma_wait3A_368 : memref<16000x128xf32, #tpu.memory_space<hbm>>) dst(%dma_wait3A_363 : memref<16x128xf32, #tpu.memory_space<vmem>>)
              %while3A_369 = arith.constant 0 : i32
              scf.yield %while3A_369 : i32
            }
            %while3A_357 = arith.constant 1 : i32
            %while3A_358 = scf.for %while3A_359 = %while3A_354 to %while3A_350 step %while3A_357 iter_args(%while3A_360 = %while3A_356) -> (i32)  : i32 {
              %dma_wait3A_361 = arith.constant 0 : i32
              %dma_wait3A_362 = arith.constant 0 : i32
              %dma_wait3A_363 = tpu.memref_slice %arg10[%dma_wait3A_361, %dma_wait3A_362] : memref<192x128xf32, #tpu.memory_space<vmem>> -> memref<16x128xf32, #tpu.memory_space<vmem>>
              %dma_wait3A_364 = arith.constant 0 : i32
              %dma_wait3A_365 = tpu.memref_slice %arg7[%dma_wait3A_364] : memref<3456xi32, #tpu.memory_space<vmem>> -> memref<16xi32, #tpu.memory_space<vmem>>
              %dma_wait3A_366 = arith.constant 0 : i32
              %dma_wait3A_367 = arith.constant 0 : i32
              %dma_wait3A_368 = tpu.memref_slice %arg2[%dma_wait3A_366, %dma_wait3A_367] : memref<16000x128xf32, #tpu.memory_space<hbm>> -> memref<16000x128xf32, #tpu.memory_space<hbm>>
              tpu.wait_indirect_dma semaphore(%arg12 : memref<!tpu.dma_semaphore, #tpu.memory_space<semaphore_mem>>) src(%dma_wait3A_368 : memref<16000x128xf32, #tpu.memory_space<hbm>>) dst(%dma_wait3A_363 : memref<16x128xf32, #tpu.memory_space<vmem>>)
              %while3A_369 = arith.constant 0 : i32
              scf.yield %while3A_369 : i32
            }
          } else {
          }
          %scan3A_327 = arith.constant 0 : i32
          %scan3A_328 = arith.constant 0 : i32
          %scan3A_329 = arith.constant 12 : i32
          %scan3A_330 = arith.addi %scan3A_328, %scan3A_329 : i32
          %scan3A_331 = arith.constant 1 : i32
          %scan3A_332 = scf.for %scan3A_335 = %scan3A_328 to %scan3A_330 step %scan3A_331 iter_args(%scan3A_336 = %scan3A_327) -> (i32)  : i32 {
            %mul3A_337 = arith.constant 16 : i32
            %mul3A_338 = arith.muli %scan3A_335, %mul3A_337 : i32
            %add3A_339 = vector.broadcast %mul3A_338 : i32 to vector<16xi32>
            %add3A_340 = arith.addi %add3A_339, %iota3A : vector<16xi32>
            %add3A_341 = vector.broadcast %mul3A_290 : i32 to vector<16xi32>
            %add3A_342 = arith.addi %add3A_341, %add3A_340 : vector<16xi32>
            %lt3A_343 = vector.broadcast %reduce_max3A_191 : i32 to vector<16xi32>
            %lt3A_344 = arith.cmpi slt, %add3A_342, %lt3A_343 : vector<16xi32>
            %mul3A_345 = arith.constant 16 : i32
            %mul3A_346 = arith.muli %scan3A_335, %mul3A_345 : i32
            %add3A_347 = arith.addi %mul3A_290, %mul3A_346 : i32
            %get3A = arith.index_cast %add3A_347 : i32 to index
            %get3A_348 = tpu.vector_load %arg9[%get3A] {strides = array<i32>} : memref<3456xi32, #tpu.memory_space<vmem>>, vector<16xi32>,
            %mul3A_349 = arith.constant 16 : i32
            %mul3A_350 = arith.muli %scan3A_335, %mul3A_349 : i32
            %add3A_351 = arith.addi %mul3A_290, %mul3A_350 : i32
            %get3A_352 = arith.index_cast %add3A_351 : i32 to index
            %get3A_353 = tpu.vector_load %arg8[%get3A_352] {strides = array<i32>} : memref<3456xi32, #tpu.memory_space<vmem>>, vector<16xi32>,
            %shift_right_arithmetic3A = arith.constant 9 : i32
            %shift_right_arithmetic3A_354 = vector.broadcast %shift_right_arithmetic3A : i32 to vector<16xi32>
            %shift_right_arithmetic3A_355 = arith.shrsi %get3A_348, %shift_right_arithmetic3A_354 : vector<16xi32>
            %and3A_356 = arith.constant 511 : i32
            %and3A_357 = vector.broadcast %and3A_356 : i32 to vector<16xi32>
            %and3A_358 = arith.andi %get3A_348, %and3A_357 : vector<16xi32>
            %add3A_359 = arith.constant 0 : i32
            %add3A_360 = vector.broadcast %add3A_359 : i32 to vector<16xi32>
            %add3A_361 = arith.addi %broadcast_in_dim3A_11, %add3A_360 : vector<16xi32>
            %add3A_362 = arith.constant 0 : i32
            %add3A_363 = arith.addi %mul3A_248, %add3A_362 : i32
            %add3A_364 = vector.broadcast %add3A_363 : i32 to vector<16xi32>
            %add3A_365 = arith.addi %get3A_353, %add3A_364 : vector<16xi32>
            %gather3A = tpu.vector_load_idx %arg10[%add3A_340, %add3A_365] masked %lt3A_344 : memref<192x128xf32, #tpu.memory_space<vmem>>[vector<16xi32>, vector<16xi32>], vector<16xf32>, vector<16xi1>
            tpu.vector_store_idx %arg11[%add3A_246, %add3A_361, %shift_right_arithmetic3A_355, %and3A_358], %gather3A masked %lt3A_344 : memref<2x8x8x432xf32, #tpu.memory_space<vmem>>[vector<16xi32>, vector<16xi32>, vector<16xi32>, vector<16xi32>], vector<16xf32>, vector<16xi1>
            %add3A_366 = arith.constant 1 : i32
            %add3A_367 = vector.broadcast %add3A_366 : i32 to vector<16xi32>
            %add3A_368 = arith.addi %broadcast_in_dim3A_11, %add3A_367 : vector<16xi32>
            %add3A_369 = arith.constant 1 : i32
            %add3A_370 = arith.addi %mul3A_248, %add3A_369 : i32
            %add3A_371 = vector.broadcast %add3A_370 : i32 to vector<16xi32>
            %add3A_372 = arith.addi %get3A_353, %add3A_371 : vector<16xi32>
            %gather3A_373 = tpu.vector_load_idx %arg10[%add3A_340, %add3A_372] masked %lt3A_344 : memref<192x128xf32, #tpu.memory_space<vmem>>[vector<16xi32>, vector<16xi32>], vector<16xf32>, vector<16xi1>
            tpu.vector_store_idx %arg11[%add3A_246, %add3A_368, %shift_right_arithmetic3A_355, %and3A_358], %gather3A_373 masked %lt3A_344 : memref<2x8x8x432xf32, #tpu.memory_space<vmem>>[vector<16xi32>, vector<16xi32>, vector<16xi32>, vector<16xi32>], vector<16xf32>, vector<16xi1>
            %add3A_374 = arith.constant 2 : i32
            %add3A_375 = vector.broadcast %add3A_374 : i32 to vector<16xi32>
            %add3A_376 = arith.addi %broadcast_in_dim3A_11, %add3A_375 : vector<16xi32>
            %add3A_377 = arith.constant 2 : i32
            %add3A_378 = arith.addi %mul3A_248, %add3A_377 : i32
            %add3A_379 = vector.broadcast %add3A_378 : i32 to vector<16xi32>
            %add3A_380 = arith.addi %get3A_353, %add3A_379 : vector<16xi32>
            %gather3A_381 = tpu.vector_load_idx %arg10[%add3A_340, %add3A_380] masked %lt3A_344 : memref<192x128xf32, #tpu.memory_space<vmem>>[vector<16xi32>, vector<16xi32>], vector<16xf32>, vector<16xi1>
            tpu.vector_store_idx %arg11[%add3A_246, %add3A_376, %shift_right_arithmetic3A_355, %and3A_358], %gather3A_381 masked %lt3A_344 : memref<2x8x8x432xf32, #tpu.memory_space<vmem>>[vector<16xi32>, vector<16xi32>, vector<16xi32>, vector<16xi32>], vector<16xf32>, vector<16xi1>
            %add3A_382 = arith.constant 3 : i32
            %add3A_383 = vector.broadcast %add3A_382 : i32 to vector<16xi32>
            %add3A_384 = arith.addi %broadcast_in_dim3A_11, %add3A_383 : vector<16xi32>
            %add3A_385 = arith.constant 3 : i32
            %add3A_386 = arith.addi %mul3A_248, %add3A_385 : i32
            %add3A_387 = vector.broadcast %add3A_386 : i32 to vector<16xi32>
            %add3A_388 = arith.addi %get3A_353, %add3A_387 : vector<16xi32>
            %gather3A_389 = tpu.vector_load_idx %arg10[%add3A_340, %add3A_388] masked %lt3A_344 : memref<192x128xf32, #tpu.memory_space<vmem>>[vector<16xi32>, vector<16xi32>], vector<16xf32>, vector<16xi1>
            tpu.vector_store_idx %arg11[%add3A_246, %add3A_384, %shift_right_arithmetic3A_355, %and3A_358], %gather3A_389 masked %lt3A_344 : memref<2x8x8x432xf32, #tpu.memory_space<vmem>>[vector<16xi32>, vector<16xi32>, vector<16xi32>, vector<16xi32>], vector<16xf32>, vector<16xi1>
            %add3A_390 = arith.constant 4 : i32
            %add3A_391 = vector.broadcast %add3A_390 : i32 to vector<16xi32>
            %add3A_392 = arith.addi %broadcast_in_dim3A_11, %add3A_391 : vector<16xi32>
            %add3A_393 = arith.constant 4 : i32
            %add3A_394 = arith.addi %mul3A_248, %add3A_393 : i32
            %add3A_395 = vector.broadcast %add3A_394 : i32 to vector<16xi32>
            %add3A_396 = arith.addi %get3A_353, %add3A_395 : vector<16xi32>
            %gather3A_397 = tpu.vector_load_idx %arg10[%add3A_340, %add3A_396] masked %lt3A_344 : memref<192x128xf32, #tpu.memory_space<vmem>>[vector<16xi32>, vector<16xi32>], vector<16xf32>, vector<16xi1>
            tpu.vector_store_idx %arg11[%add3A_246, %add3A_392, %shift_right_arithmetic3A_355, %and3A_358], %gather3A_397 masked %lt3A_344 : memref<2x8x8x432xf32, #tpu.memory_space<vmem>>[vector<16xi32>, vector<16xi32>, vector<16xi32>, vector<16xi32>], vector<16xf32>, vector<16xi1>
            %add3A_398 = arith.constant 5 : i32
            %add3A_399 = vector.broadcast %add3A_398 : i32 to vector<16xi32>
            %add3A_400 = arith.addi %broadcast_in_dim3A_11, %add3A_399 : vector<16xi32>
            %add3A_401 = arith.constant 5 : i32
            %add3A_402 = arith.addi %mul3A_248, %add3A_401 : i32
            %add3A_403 = vector.broadcast %add3A_402 : i32 to vector<16xi32>
            %add3A_404 = arith.addi %get3A_353, %add3A_403 : vector<16xi32>
            %gather3A_405 = tpu.vector_load_idx %arg10[%add3A_340, %add3A_404] masked %lt3A_344 : memref<192x128xf32, #tpu.memory_space<vmem>>[vector<16xi32>, vector<16xi32>], vector<16xf32>, vector<16xi1>
            tpu.vector_store_idx %arg11[%add3A_246, %add3A_400, %shift_right_arithmetic3A_355, %and3A_358], %gather3A_405 masked %lt3A_344 : memref<2x8x8x432xf32, #tpu.memory_space<vmem>>[vector<16xi32>, vector<16xi32>, vector<16xi32>, vector<16xi32>], vector<16xf32>, vector<16xi1>
            %add3A_406 = arith.constant 6 : i32
            %add3A_407 = vector.broadcast %add3A_406 : i32 to vector<16xi32>
            %add3A_408 = arith.addi %broadcast_in_dim3A_11, %add3A_407 : vector<16xi32>
            %add3A_409 = arith.constant 6 : i32
            %add3A_410 = arith.addi %mul3A_248, %add3A_409 : i32
            %add3A_411 = vector.broadcast %add3A_410 : i32 to vector<16xi32>
            %add3A_412 = arith.addi %get3A_353, %add3A_411 : vector<16xi32>
            %gather3A_413 = tpu.vector_load_idx %arg10[%add3A_340, %add3A_412] masked %lt3A_344 : memref<192x128xf32, #tpu.memory_space<vmem>>[vector<16xi32>, vector<16xi32>], vector<16xf32>, vector<16xi1>
            tpu.vector_store_idx %arg11[%add3A_246, %add3A_408, %shift_right_arithmetic3A_355, %and3A_358], %gather3A_413 masked %lt3A_344 : memref<2x8x8x432xf32, #tpu.memory_space<vmem>>[vector<16xi32>, vector<16xi32>, vector<16xi32>, vector<16xi32>], vector<16xf32>, vector<16xi1>
            %add3A_414 = arith.constant 7 : i32
            %add3A_415 = vector.broadcast %add3A_414 : i32 to vector<16xi32>
            %add3A_416 = arith.addi %broadcast_in_dim3A_11, %add3A_415 : vector<16xi32>
            %add3A_417 = arith.constant 7 : i32
            %add3A_418 = arith.addi %mul3A_248, %add3A_417 : i32
            %add3A_419 = vector.broadcast %add3A_418 : i32 to vector<16xi32>
            %add3A_420 = arith.addi %get3A_353, %add3A_419 : vector<16xi32>
            %gather3A_421 = tpu.vector_load_idx %arg10[%add3A_340, %add3A_420] masked %lt3A_344 : memref<192x128xf32, #tpu.memory_space<vmem>>[vector<16xi32>, vector<16xi32>], vector<16xf32>, vector<16xi1>
            tpu.vector_store_idx %arg11[%add3A_246, %add3A_416, %shift_right_arithmetic3A_355, %and3A_358], %gather3A_421 masked %lt3A_344 : memref<2x8x8x432xf32, #tpu.memory_space<vmem>>[vector<16xi32>, vector<16xi32>, vector<16xi32>, vector<16xi32>], vector<16xf32>, vector<16xi1>
            %scan3A_422 = arith.constant 0 : i32
            scf.yield %scan3A_422 : i32
          }
          %scan3A_333 = arith.constant 12 : i32
          %while3A_334 = arith.constant 0 : i32
          scf.yield %while3A_334 : i32
        }
        %eq3A_276 = arith.constant 0 : i32
        %eq3A_277 = arith.cmpi eq, %select_n3A_244, %eq3A_276 : i32
        %convert_element_type3A_278 = arith.extui %eq3A_277 : i1 to i32
        %cond3A_279 = arith.constant 0 : i32
        %cond3A_280 = arith.cmpi ne, %convert_element_type3A_278, %cond3A_279 : i32
        scf.if %cond3A_280 {
          %dma_start3A = arith.constant 0 : i32
          %dma_start3A_287 = arith.constant 0 : i32
          %dma_start3A_288 = arith.constant 0 : i32
          %dma_start3A_289 = arith.constant 0 : i32
          %dma_start3A_290 = tpu.memref_slice %arg11[%dma_start3A, %dma_start3A_287, %dma_start3A_288, %dma_start3A_289] : memref<2x8x8x432xf32, #tpu.memory_space<vmem>> -> memref<1x8x8x432xf32, #tpu.memory_space<vmem>>
          %dma_start3A_291 = tpu.memref_squeeze %dma_start3A_290 : memref<1x8x8x432xf32, #tpu.memory_space<vmem>> -> memref<8x8x432xf32, #tpu.memory_space<vmem>>
          %dma_start3A_292 = arith.constant 0 : i32
          %dma_start3A_293 = tpu.memref_slice %arg4[%select_n3A_117, %mul3A_248, %select_n3A_156, %mul3A_174, %dma_start3A_292] : memref<2x64x2x496x432xf32, #tpu.memory_space<hbm>> -> memref<1x8x1x8x432xf32, #tpu.memory_space<hbm>>
          %dma_start3A_294 = tpu.memref_squeeze %dma_start3A_293 : memref<1x8x1x8x432xf32, #tpu.memory_space<hbm>> -> memref<8x8x432xf32, #tpu.memory_space<hbm>>
          %dma_start3A_295 = arith.constant 0 : i32
          %dma_start3A_296 = tpu.memref_slice %arg4[%select_n3A_117, %mul3A_248, %select_n3A_156, %mul3A_174, %dma_start3A_295] : memref<2x64x2x496x432xf32, #tpu.memory_space<hbm>> -> memref<1x8x1x8x432xf32, #tpu.memory_space<hbm>>
          %dma_start3A_297 = tpu.memref_squeeze %dma_start3A_296 : memref<1x8x1x8x432xf32, #tpu.memory_space<hbm>> -> memref<8x8x432xf32, #tpu.memory_space<hbm>>
          %dma_start3A_298 = arith.constant 0 : i32
          %dma_start3A_299 = arith.constant 0 : i32
          %dma_start3A_300 = arith.constant 0 : i32
          %dma_start3A_301 = tpu.memref_slice %arg11[%dma_start3A, %dma_start3A_298, %dma_start3A_299, %dma_start3A_300] : memref<2x8x8x432xf32, #tpu.memory_space<vmem>> -> memref<1x8x8x432xf32, #tpu.memory_space<vmem>>
          %dma_start3A_302 = tpu.memref_squeeze %dma_start3A_301 : memref<1x8x8x432xf32, #tpu.memory_space<vmem>> -> memref<8x8x432xf32, #tpu.memory_space<vmem>>
          tpu.enqueue_dma source(%dma_start3A_302 : memref<8x8x432xf32, #tpu.memory_space<vmem>>) target(%dma_start3A_297 : memref<8x8x432xf32, #tpu.memory_space<hbm>>) target_semaphore(%arg13 : memref<!tpu.dma_semaphore, #tpu.memory_space<semaphore_mem>>)
        } else {
        }
        %eq3A_281 = arith.constant 1 : i32
        %eq3A_282 = arith.cmpi eq, %select_n3A_244, %eq3A_281 : i32
        %convert_element_type3A_283 = arith.extui %eq3A_282 : i1 to i32
        %cond3A_284 = arith.constant 0 : i32
        %cond3A_285 = arith.cmpi ne, %convert_element_type3A_283, %cond3A_284 : i32
        scf.if %cond3A_285 {
          %dma_start3A = arith.constant 1 : i32
          %dma_start3A_287 = arith.constant 0 : i32
          %dma_start3A_288 = arith.constant 0 : i32
          %dma_start3A_289 = arith.constant 0 : i32
          %dma_start3A_290 = tpu.memref_slice %arg11[%dma_start3A, %dma_start3A_287, %dma_start3A_288, %dma_start3A_289] : memref<2x8x8x432xf32, #tpu.memory_space<vmem>> -> memref<1x8x8x432xf32, #tpu.memory_space<vmem>>
          %dma_start3A_291 = tpu.memref_squeeze %dma_start3A_290 : memref<1x8x8x432xf32, #tpu.memory_space<vmem>> -> memref<8x8x432xf32, #tpu.memory_space<vmem>>
          %dma_start3A_292 = arith.constant 0 : i32
          %dma_start3A_293 = tpu.memref_slice %arg4[%select_n3A_117, %mul3A_248, %select_n3A_156, %mul3A_174, %dma_start3A_292] : memref<2x64x2x496x432xf32, #tpu.memory_space<hbm>> -> memref<1x8x1x8x432xf32, #tpu.memory_space<hbm>>
          %dma_start3A_294 = tpu.memref_squeeze %dma_start3A_293 : memref<1x8x1x8x432xf32, #tpu.memory_space<hbm>> -> memref<8x8x432xf32, #tpu.memory_space<hbm>>
          %dma_start3A_295 = arith.constant 0 : i32
          %dma_start3A_296 = tpu.memref_slice %arg4[%select_n3A_117, %mul3A_248, %select_n3A_156, %mul3A_174, %dma_start3A_295] : memref<2x64x2x496x432xf32, #tpu.memory_space<hbm>> -> memref<1x8x1x8x432xf32, #tpu.memory_space<hbm>>
          %dma_start3A_297 = tpu.memref_squeeze %dma_start3A_296 : memref<1x8x1x8x432xf32, #tpu.memory_space<hbm>> -> memref<8x8x432xf32, #tpu.memory_space<hbm>>
          %dma_start3A_298 = arith.constant 0 : i32
          %dma_start3A_299 = arith.constant 0 : i32
          %dma_start3A_300 = arith.constant 0 : i32
          %dma_start3A_301 = tpu.memref_slice %arg11[%dma_start3A, %dma_start3A_298, %dma_start3A_299, %dma_start3A_300] : memref<2x8x8x432xf32, #tpu.memory_space<vmem>> -> memref<1x8x8x432xf32, #tpu.memory_space<vmem>>
          %dma_start3A_302 = tpu.memref_squeeze %dma_start3A_301 : memref<1x8x8x432xf32, #tpu.memory_space<vmem>> -> memref<8x8x432xf32, #tpu.memory_space<vmem>>
          tpu.enqueue_dma source(%dma_start3A_302 : memref<8x8x432xf32, #tpu.memory_space<vmem>>) target(%dma_start3A_297 : memref<8x8x432xf32, #tpu.memory_space<hbm>>) target_semaphore(%arg14 : memref<!tpu.dma_semaphore, #tpu.memory_space<semaphore_mem>>)
        } else {
        }
        %scan3A_286 = arith.constant 0 : i32
        scf.yield %scan3A_286 : i32
      }
      %scan3A_226 = arith.constant 8 : i32
      scf.yield %reduce_max3A_191 : i32
    }
    %while3A_50 = arith.constant 1 : i32
    %while3A_51 = scf.for %while3A_97 = %while3A_47 to %while3A_43 step %while3A_50 iter_args(%while3A_98 = %while3A_49) -> (i32)  : i32 {
      %add3A_99 = arith.addi %add3A_4, %while3A_97 : i32
      %jit3A_100 = arith.constant 124 : i32
      %div3A = arith.divsi %add3A_99, %jit3A_100 : i32
      %sign3A = arith.constant 0 : i32
      %sign3A_101 = arith.cmpi sgt, %add3A_99, %sign3A : i32
      %sign3A_102 = arith.extui %sign3A_101 : i1 to i32
      %sign3A_103 = arith.constant 0 : i32
      %sign3A_104 = arith.cmpi slt, %add3A_99, %sign3A_103 : i32
      %sign3A_105 = arith.extui %sign3A_104 : i1 to i32
      %sign3A_106 = arith.subi %sign3A_102, %sign3A_105 : i32
      %sign3A_107 = arith.constant 0 : i32
      %sign3A_108 = arith.cmpi sgt, %jit3A_100, %sign3A_107 : i32
      %sign3A_109 = arith.extui %sign3A_108 : i1 to i32
      %sign3A_110 = arith.constant 0 : i32
      %sign3A_111 = arith.cmpi slt, %jit3A_100, %sign3A_110 : i32
      %sign3A_112 = arith.extui %sign3A_111 : i1 to i32
      %sign3A_113 = arith.subi %sign3A_109, %sign3A_112 : i32
      %ne3A = arith.cmpi ne, %sign3A_106, %sign3A_113 : i32
      %rem3A = arith.remsi %add3A_99, %jit3A_100 : i32
      %ne3A_114 = arith.constant 0 : i32
      %ne3A_115 = arith.cmpi ne, %rem3A, %ne3A_114 : i32
      %and3A = arith.andi %ne3A, %ne3A_115 : i1
      %sub3A = arith.constant 1 : i32
      %sub3A_116 = arith.subi %div3A, %sub3A : i32
      %select_n3A_117 = arith.select %and3A, %sub3A_116, %div3A : i32
      %jit3A_118 = arith.constant 124 : i32
      %eq3A = arith.constant 0 : i32
      %eq3A_119 = arith.cmpi eq, %jit3A_118, %eq3A : i32
      %jit3A_120 = arith.constant 1 : i32
      %select_n3A_121 = arith.select %eq3A_119, %jit3A_120, %jit3A_118 : i32
      %rem3A_122 = arith.remsi %add3A_99, %select_n3A_121 : i32
      %ne3A_123 = arith.constant 0 : i32
      %ne3A_124 = arith.cmpi ne, %rem3A_122, %ne3A_123 : i32
      %lt3A_125 = arith.constant 0 : i32
      %lt3A_126 = arith.cmpi slt, %rem3A_122, %lt3A_125 : i32
      %lt3A_127 = arith.constant 0 : i32
      %lt3A_128 = arith.cmpi slt, %select_n3A_121, %lt3A_127 : i32
      %ne3A_129 = arith.xori %lt3A_126, %lt3A_128 : i1
      %and3A_130 = arith.andi %ne3A_129, %ne3A_124 : i1
      %add3A_131 = arith.addi %rem3A_122, %select_n3A_121 : i32
      %select_n3A_132 = arith.select %and3A_130, %add3A_131, %rem3A_122 : i32
      %jit3A_133 = arith.constant 62 : i32
      %div3A_134 = arith.divsi %select_n3A_132, %jit3A_133 : i32
      %sign3A_135 = arith.constant 0 : i32
      %sign3A_136 = arith.cmpi sgt, %select_n3A_132, %sign3A_135 : i32
      %sign3A_137 = arith.extui %sign3A_136 : i1 to i32
      %sign3A_138 = arith.constant 0 : i32
      %sign3A_139 = arith.cmpi slt, %select_n3A_132, %sign3A_138 : i32
      %sign3A_140 = arith.extui %sign3A_139 : i1 to i32
      %sign3A_141 = arith.subi %sign3A_137, %sign3A_140 : i32
      %sign3A_142 = arith.constant 0 : i32
      %sign3A_143 = arith.cmpi sgt, %jit3A_133, %sign3A_142 : i32
      %sign3A_144 = arith.extui %sign3A_143 : i1 to i32
      %sign3A_145 = arith.constant 0 : i32
      %sign3A_146 = arith.cmpi slt, %jit3A_133, %sign3A_145 : i32
      %sign3A_147 = arith.extui %sign3A_146 : i1 to i32
      %sign3A_148 = arith.subi %sign3A_144, %sign3A_147 : i32
      %ne3A_149 = arith.cmpi ne, %sign3A_141, %sign3A_148 : i32
      %rem3A_150 = arith.remsi %select_n3A_132, %jit3A_133 : i32
      %ne3A_151 = arith.constant 0 : i32
      %ne3A_152 = arith.cmpi ne, %rem3A_150, %ne3A_151 : i32
      %and3A_153 = arith.andi %ne3A_149, %ne3A_152 : i1
      %sub3A_154 = arith.constant 1 : i32
      %sub3A_155 = arith.subi %div3A_134, %sub3A_154 : i32
      %select_n3A_156 = arith.select %and3A_153, %sub3A_155, %div3A_134 : i32
      %jit3A_157 = arith.constant 62 : i32
      %eq3A_158 = arith.constant 0 : i32
      %eq3A_159 = arith.cmpi eq, %jit3A_157, %eq3A_158 : i32
      %jit3A_160 = arith.constant 1 : i32
      %select_n3A_161 = arith.select %eq3A_159, %jit3A_160, %jit3A_157 : i32
      %rem3A_162 = arith.remsi %add3A_99, %select_n3A_161 : i32
      %ne3A_163 = arith.constant 0 : i32
      %ne3A_164 = arith.cmpi ne, %rem3A_162, %ne3A_163 : i32
      %lt3A_165 = arith.constant 0 : i32
      %lt3A_166 = arith.cmpi slt, %rem3A_162, %lt3A_165 : i32
      %lt3A_167 = arith.constant 0 : i32
      %lt3A_168 = arith.cmpi slt, %select_n3A_161, %lt3A_167 : i32
      %ne3A_169 = arith.xori %lt3A_166, %lt3A_168 : i1
      %and3A_170 = arith.andi %ne3A_169, %ne3A_164 : i1
      %add3A_171 = arith.addi %rem3A_162, %select_n3A_161 : i32
      %select_n3A_172 = arith.select %and3A_170, %add3A_171, %rem3A_162 : i32
      %mul3A_173 = arith.constant 8 : i32
      %mul3A_174 = arith.muli %select_n3A_172, %mul3A_173 : i32
      %gt3A = arith.constant 0 : i32
      %gt3A_175 = arith.cmpi sgt, %while3A_97, %gt3A : i32
      %convert_element_type3A = arith.extui %gt3A_175 : i1 to i32
      %cond3A = arith.constant 0 : i32
      %cond3A_176 = arith.cmpi ne, %convert_element_type3A, %cond3A : i32
      scf.if %cond3A_176 {
        %dma_wait3A_227 = arith.constant 0 : i32
        %dma_wait3A_228 = arith.constant 0 : i32
        %dma_wait3A_229 = arith.constant 0 : i32
        %dma_wait3A_230 = arith.constant 0 : i32
        %dma_wait3A_231 = arith.constant 0 : i32
        %dma_wait3A_232 = arith.constant 0 : i32
        %dma_wait3A_233 = tpu.memref_slice %arg11[%dma_wait3A_227, %dma_wait3A_230, %dma_wait3A_231, %dma_wait3A_232] : memref<2x8x8x432xf32, #tpu.memory_space<vmem>> -> memref<1x8x8x432xf32, #tpu.memory_space<vmem>>
        %dma_wait3A_234 = tpu.memref_squeeze %dma_wait3A_233 : memref<1x8x8x432xf32, #tpu.memory_space<vmem>> -> memref<8x8x432xf32, #tpu.memory_space<vmem>>
        %dma_wait3A_235 = arith.constant 0 : i32
        %dma_wait3A_236 = arith.constant 0 : i32
        %dma_wait3A_237 = arith.constant 0 : i32
        %dma_wait3A_238 = tpu.memref_slice %arg4[%dma_wait3A_228, %dma_wait3A_235, %dma_wait3A_229, %dma_wait3A_236, %dma_wait3A_237] : memref<2x64x2x496x432xf32, #tpu.memory_space<hbm>> -> memref<1x8x1x8x432xf32, #tpu.memory_space<hbm>>
        %dma_wait3A_239 = tpu.memref_squeeze %dma_wait3A_238 : memref<1x8x1x8x432xf32, #tpu.memory_space<hbm>> -> memref<8x8x432xf32, #tpu.memory_space<hbm>>
        %dma_wait3A_240 = arith.constant 0 : i32
        %dma_wait3A_241 = arith.constant 0 : i32
        %dma_wait3A_242 = arith.constant 0 : i32
        %dma_wait3A_243 = tpu.memref_slice %arg4[%dma_wait3A_228, %dma_wait3A_240, %dma_wait3A_229, %dma_wait3A_241, %dma_wait3A_242] : memref<2x64x2x496x432xf32, #tpu.memory_space<hbm>> -> memref<1x8x1x8x432xf32, #tpu.memory_space<hbm>>
        %dma_wait3A_244 = tpu.memref_squeeze %dma_wait3A_243 : memref<1x8x1x8x432xf32, #tpu.memory_space<hbm>> -> memref<8x8x432xf32, #tpu.memory_space<hbm>>
        %dma_wait3A_245 = arith.constant 0 : i32
        %dma_wait3A_246 = arith.constant 0 : i32
        %dma_wait3A_247 = arith.constant 0 : i32
        %dma_wait3A_248 = tpu.memref_slice %arg11[%dma_wait3A_227, %dma_wait3A_245, %dma_wait3A_246, %dma_wait3A_247] : memref<2x8x8x432xf32, #tpu.memory_space<vmem>> -> memref<1x8x8x432xf32, #tpu.memory_space<vmem>>
        %dma_wait3A_249 = tpu.memref_squeeze %dma_wait3A_248 : memref<1x8x8x432xf32, #tpu.memory_space<vmem>> -> memref<8x8x432xf32, #tpu.memory_space<vmem>>
        tpu.wait_dma2 semaphore(%arg13 : memref<!tpu.dma_semaphore, #tpu.memory_space<semaphore_mem>>) src(%dma_wait3A_249 : memref<8x8x432xf32, #tpu.memory_space<vmem>>) dst(%dma_wait3A_244 : memref<8x8x432xf32, #tpu.memory_space<hbm>>)
        %dma_wait3A_250 = arith.constant 1 : i32
        %dma_wait3A_251 = arith.constant 0 : i32
        %dma_wait3A_252 = arith.constant 0 : i32
        %dma_wait3A_253 = arith.constant 0 : i32
        %dma_wait3A_254 = arith.constant 0 : i32
        %dma_wait3A_255 = arith.constant 0 : i32
        %dma_wait3A_256 = tpu.memref_slice %arg11[%dma_wait3A_250, %dma_wait3A_253, %dma_wait3A_254, %dma_wait3A_255] : memref<2x8x8x432xf32, #tpu.memory_space<vmem>> -> memref<1x8x8x432xf32, #tpu.memory_space<vmem>>
        %dma_wait3A_257 = tpu.memref_squeeze %dma_wait3A_256 : memref<1x8x8x432xf32, #tpu.memory_space<vmem>> -> memref<8x8x432xf32, #tpu.memory_space<vmem>>
        %dma_wait3A_258 = arith.constant 0 : i32
        %dma_wait3A_259 = arith.constant 0 : i32
        %dma_wait3A_260 = arith.constant 0 : i32
        %dma_wait3A_261 = tpu.memref_slice %arg4[%dma_wait3A_251, %dma_wait3A_258, %dma_wait3A_252, %dma_wait3A_259, %dma_wait3A_260] : memref<2x64x2x496x432xf32, #tpu.memory_space<hbm>> -> memref<1x8x1x8x432xf32, #tpu.memory_space<hbm>>
        %dma_wait3A_262 = tpu.memref_squeeze %dma_wait3A_261 : memref<1x8x1x8x432xf32, #tpu.memory_space<hbm>> -> memref<8x8x432xf32, #tpu.memory_space<hbm>>
        %dma_wait3A_263 = arith.constant 0 : i32
        %dma_wait3A_264 = arith.constant 0 : i32
        %dma_wait3A_265 = arith.constant 0 : i32
        %dma_wait3A_266 = tpu.memref_slice %arg4[%dma_wait3A_251, %dma_wait3A_263, %dma_wait3A_252, %dma_wait3A_264, %dma_wait3A_265] : memref<2x64x2x496x432xf32, #tpu.memory_space<hbm>> -> memref<1x8x1x8x432xf32, #tpu.memory_space<hbm>>
        %dma_wait3A_267 = tpu.memref_squeeze %dma_wait3A_266 : memref<1x8x1x8x432xf32, #tpu.memory_space<hbm>> -> memref<8x8x432xf32, #tpu.memory_space<hbm>>
        %dma_wait3A_268 = arith.constant 0 : i32
        %dma_wait3A_269 = arith.constant 0 : i32
        %dma_wait3A_270 = arith.constant 0 : i32
        %dma_wait3A_271 = tpu.memref_slice %arg11[%dma_wait3A_250, %dma_wait3A_268, %dma_wait3A_269, %dma_wait3A_270] : memref<2x8x8x432xf32, #tpu.memory_space<vmem>> -> memref<1x8x8x432xf32, #tpu.memory_space<vmem>>
        %dma_wait3A_272 = tpu.memref_squeeze %dma_wait3A_271 : memref<1x8x8x432xf32, #tpu.memory_space<vmem>> -> memref<8x8x432xf32, #tpu.memory_space<vmem>>
        tpu.wait_dma2 semaphore(%arg14 : memref<!tpu.dma_semaphore, #tpu.memory_space<semaphore_mem>>) src(%dma_wait3A_272 : memref<8x8x432xf32, #tpu.memory_space<vmem>>) dst(%dma_wait3A_267 : memref<8x8x432xf32, #tpu.memory_space<hbm>>)
        %add3A_273 = arith.constant 15 : i32
        %add3A_274 = arith.addi %while3A_98, %add3A_273 : i32
        %jit3A_275 = arith.constant 16 : i32
        %div3A_276 = arith.divsi %add3A_274, %jit3A_275 : i32
        %sign3A_277 = arith.constant 0 : i32
        %sign3A_278 = arith.cmpi sgt, %add3A_274, %sign3A_277 : i32
        %sign3A_279 = arith.extui %sign3A_278 : i1 to i32
        %sign3A_280 = arith.constant 0 : i32
        %sign3A_281 = arith.cmpi slt, %add3A_274, %sign3A_280 : i32
        %sign3A_282 = arith.extui %sign3A_281 : i1 to i32
        %sign3A_283 = arith.subi %sign3A_279, %sign3A_282 : i32
        %sign3A_284 = arith.constant 0 : i32
        %sign3A_285 = arith.cmpi sgt, %jit3A_275, %sign3A_284 : i32
        %sign3A_286 = arith.extui %sign3A_285 : i1 to i32
        %sign3A_287 = arith.constant 0 : i32
        %sign3A_288 = arith.cmpi slt, %jit3A_275, %sign3A_287 : i32
        %sign3A_289 = arith.extui %sign3A_288 : i1 to i32
        %sign3A_290 = arith.subi %sign3A_286, %sign3A_289 : i32
        %ne3A_291 = arith.cmpi ne, %sign3A_283, %sign3A_290 : i32
        %rem3A_292 = arith.remsi %add3A_274, %jit3A_275 : i32
        %ne3A_293 = arith.constant 0 : i32
        %ne3A_294 = arith.cmpi ne, %rem3A_292, %ne3A_293 : i32
        %and3A_295 = arith.andi %ne3A_291, %ne3A_294 : i1
        %sub3A_296 = arith.constant 1 : i32
        %sub3A_297 = arith.subi %div3A_276, %sub3A_296 : i32
        %select_n3A_298 = arith.select %and3A_295, %sub3A_297, %div3A_276 : i32
        %while3A_299 = arith.constant 0 : i32
        %while3A_300 = arith.constant 0 : i32
        %while3A_301 = arith.subi %select_n3A_298, %while3A_299 : i32
        %while3A_302 = arith.addi %while3A_299, %while3A_301 : i32
        %while3A_303 = arith.constant 1 : i32
        %while3A_304 = arith.divsi %while3A_301, %while3A_303 : i32
        %while3A_305 = arith.muli %while3A_304, %while3A_303 : i32
        %while3A_306 = arith.addi %while3A_299, %while3A_305 : i32
        %while3A_307 = arith.constant 1 : i32
        %while3A_308 = scf.for %while3A_311 = %while3A_299 to %while3A_306 step %while3A_307 iter_args(%while3A_312 = %while3A_300) -> (i32)  : i32 {
          %mul3A_313 = arith.constant 16 : i32
          %mul3A_314 = arith.muli %while3A_311, %mul3A_313 : i32
          %get3A = arith.index_cast %mul3A_314 : i32 to index
          %get3A_315 = tpu.vector_load %arg9[%get3A] {strides = array<i32>} : memref<3456xi32, #tpu.memory_space<vmem>>, vector<16xi32>,
          %shift_right_arithmetic3A = arith.constant 9 : i32
          %shift_right_arithmetic3A_316 = vector.broadcast %shift_right_arithmetic3A : i32 to vector<16xi32>
          %shift_right_arithmetic3A_317 = arith.shrsi %get3A_315, %shift_right_arithmetic3A_316 : vector<16xi32>
          %and3A_318 = arith.constant 511 : i32
          %and3A_319 = vector.broadcast %and3A_318 : i32 to vector<16xi32>
          %and3A_320 = arith.andi %get3A_315, %and3A_319 : vector<16xi32>
          %mul3A_321 = arith.constant 16 : i32
          %mul3A_322 = arith.muli %while3A_311, %mul3A_321 : i32
          %add3A_323 = vector.broadcast %mul3A_322 : i32 to vector<16xi32>
          %add3A_324 = arith.addi %add3A_323, %iota3A : vector<16xi32>
          %lt3A_325 = vector.broadcast %while3A_98 : i32 to vector<16xi32>
          %lt3A_326 = arith.cmpi slt, %add3A_324, %lt3A_325 : vector<16xi32>
          %add3A_327 = arith.constant 0 : i32
          %add3A_328 = vector.broadcast %add3A_327 : i32 to vector<16xi32>
          %add3A_329 = arith.addi %broadcast_in_dim3A_11, %add3A_328 : vector<16xi32>
          %add3A_330 = arith.constant 0 : i32
          %add3A_331 = vector.broadcast %add3A_330 : i32 to vector<16xi32>
          %add3A_332 = arith.addi %broadcast_in_dim3A_11, %add3A_331 : vector<16xi32>
          tpu.vector_store_idx %arg11[%add3A_329, %add3A_332, %shift_right_arithmetic3A_317, %and3A_320], %broadcast_in_dim3A_9 masked %lt3A_326 : memref<2x8x8x432xf32, #tpu.memory_space<vmem>>[vector<16xi32>, vector<16xi32>, vector<16xi32>, vector<16xi32>], vector<16xf32>, vector<16xi1>
          %add3A_333 = arith.constant 1 : i32
          %add3A_334 = vector.broadcast %add3A_333 : i32 to vector<16xi32>
          %add3A_335 = arith.addi %broadcast_in_dim3A_11, %add3A_334 : vector<16xi32>
          tpu.vector_store_idx %arg11[%add3A_329, %add3A_335, %shift_right_arithmetic3A_317, %and3A_320], %broadcast_in_dim3A_9 masked %lt3A_326 : memref<2x8x8x432xf32, #tpu.memory_space<vmem>>[vector<16xi32>, vector<16xi32>, vector<16xi32>, vector<16xi32>], vector<16xf32>, vector<16xi1>
          %add3A_336 = arith.constant 2 : i32
          %add3A_337 = vector.broadcast %add3A_336 : i32 to vector<16xi32>
          %add3A_338 = arith.addi %broadcast_in_dim3A_11, %add3A_337 : vector<16xi32>
          tpu.vector_store_idx %arg11[%add3A_329, %add3A_338, %shift_right_arithmetic3A_317, %and3A_320], %broadcast_in_dim3A_9 masked %lt3A_326 : memref<2x8x8x432xf32, #tpu.memory_space<vmem>>[vector<16xi32>, vector<16xi32>, vector<16xi32>, vector<16xi32>], vector<16xf32>, vector<16xi1>
          %add3A_339 = arith.constant 3 : i32
          %add3A_340 = vector.broadcast %add3A_339 : i32 to vector<16xi32>
          %add3A_341 = arith.addi %broadcast_in_dim3A_11, %add3A_340 : vector<16xi32>
          tpu.vector_store_idx %arg11[%add3A_329, %add3A_341, %shift_right_arithmetic3A_317, %and3A_320], %broadcast_in_dim3A_9 masked %lt3A_326 : memref<2x8x8x432xf32, #tpu.memory_space<vmem>>[vector<16xi32>, vector<16xi32>, vector<16xi32>, vector<16xi32>], vector<16xf32>, vector<16xi1>
          %add3A_342 = arith.constant 4 : i32
          %add3A_343 = vector.broadcast %add3A_342 : i32 to vector<16xi32>
          %add3A_344 = arith.addi %broadcast_in_dim3A_11, %add3A_343 : vector<16xi32>
          tpu.vector_store_idx %arg11[%add3A_329, %add3A_344, %shift_right_arithmetic3A_317, %and3A_320], %broadcast_in_dim3A_9 masked %lt3A_326 : memref<2x8x8x432xf32, #tpu.memory_space<vmem>>[vector<16xi32>, vector<16xi32>, vector<16xi32>, vector<16xi32>], vector<16xf32>, vector<16xi1>
          %add3A_345 = arith.constant 5 : i32
          %add3A_346 = vector.broadcast %add3A_345 : i32 to vector<16xi32>
          %add3A_347 = arith.addi %broadcast_in_dim3A_11, %add3A_346 : vector<16xi32>
          tpu.vector_store_idx %arg11[%add3A_329, %add3A_347, %shift_right_arithmetic3A_317, %and3A_320], %broadcast_in_dim3A_9 masked %lt3A_326 : memref<2x8x8x432xf32, #tpu.memory_space<vmem>>[vector<16xi32>, vector<16xi32>, vector<16xi32>, vector<16xi32>], vector<16xf32>, vector<16xi1>
          %add3A_348 = arith.constant 6 : i32
          %add3A_349 = vector.broadcast %add3A_348 : i32 to vector<16xi32>
          %add3A_350 = arith.addi %broadcast_in_dim3A_11, %add3A_349 : vector<16xi32>
          tpu.vector_store_idx %arg11[%add3A_329, %add3A_350, %shift_right_arithmetic3A_317, %and3A_320], %broadcast_in_dim3A_9 masked %lt3A_326 : memref<2x8x8x432xf32, #tpu.memory_space<vmem>>[vector<16xi32>, vector<16xi32>, vector<16xi32>, vector<16xi32>], vector<16xf32>, vector<16xi1>
          %add3A_351 = arith.constant 7 : i32
          %add3A_352 = vector.broadcast %add3A_351 : i32 to vector<16xi32>
          %add3A_353 = arith.addi %broadcast_in_dim3A_11, %add3A_352 : vector<16xi32>
          tpu.vector_store_idx %arg11[%add3A_329, %add3A_353, %shift_right_arithmetic3A_317, %and3A_320], %broadcast_in_dim3A_9 masked %lt3A_326 : memref<2x8x8x432xf32, #tpu.memory_space<vmem>>[vector<16xi32>, vector<16xi32>, vector<16xi32>, vector<16xi32>], vector<16xf32>, vector<16xi1>
          %add3A_354 = arith.constant 1 : i32
          %add3A_355 = vector.broadcast %add3A_354 : i32 to vector<16xi32>
          %add3A_356 = arith.addi %broadcast_in_dim3A_11, %add3A_355 : vector<16xi32>
          %add3A_357 = arith.constant 0 : i32
          %add3A_358 = vector.broadcast %add3A_357 : i32 to vector<16xi32>
          %add3A_359 = arith.addi %broadcast_in_dim3A_11, %add3A_358 : vector<16xi32>
          tpu.vector_store_idx %arg11[%add3A_356, %add3A_359, %shift_right_arithmetic3A_317, %and3A_320], %broadcast_in_dim3A_9 masked %lt3A_326 : memref<2x8x8x432xf32, #tpu.memory_space<vmem>>[vector<16xi32>, vector<16xi32>, vector<16xi32>, vector<16xi32>], vector<16xf32>, vector<16xi1>
          %add3A_360 = arith.constant 1 : i32
          %add3A_361 = vector.broadcast %add3A_360 : i32 to vector<16xi32>
          %add3A_362 = arith.addi %broadcast_in_dim3A_11, %add3A_361 : vector<16xi32>
          tpu.vector_store_idx %arg11[%add3A_356, %add3A_362, %shift_right_arithmetic3A_317, %and3A_320], %broadcast_in_dim3A_9 masked %lt3A_326 : memref<2x8x8x432xf32, #tpu.memory_space<vmem>>[vector<16xi32>, vector<16xi32>, vector<16xi32>, vector<16xi32>], vector<16xf32>, vector<16xi1>
          %add3A_363 = arith.constant 2 : i32
          %add3A_364 = vector.broadcast %add3A_363 : i32 to vector<16xi32>
          %add3A_365 = arith.addi %broadcast_in_dim3A_11, %add3A_364 : vector<16xi32>
          tpu.vector_store_idx %arg11[%add3A_356, %add3A_365, %shift_right_arithmetic3A_317, %and3A_320], %broadcast_in_dim3A_9 masked %lt3A_326 : memref<2x8x8x432xf32, #tpu.memory_space<vmem>>[vector<16xi32>, vector<16xi32>, vector<16xi32>, vector<16xi32>], vector<16xf32>, vector<16xi1>
          %add3A_366 = arith.constant 3 : i32
          %add3A_367 = vector.broadcast %add3A_366 : i32 to vector<16xi32>
          %add3A_368 = arith.addi %broadcast_in_dim3A_11, %add3A_367 : vector<16xi32>
          tpu.vector_store_idx %arg11[%add3A_356, %add3A_368, %shift_right_arithmetic3A_317, %and3A_320], %broadcast_in_dim3A_9 masked %lt3A_326 : memref<2x8x8x432xf32, #tpu.memory_space<vmem>>[vector<16xi32>, vector<16xi32>, vector<16xi32>, vector<16xi32>], vector<16xf32>, vector<16xi1>
          %add3A_369 = arith.constant 4 : i32
          %add3A_370 = vector.broadcast %add3A_369 : i32 to vector<16xi32>
          %add3A_371 = arith.addi %broadcast_in_dim3A_11, %add3A_370 : vector<16xi32>
          tpu.vector_store_idx %arg11[%add3A_356, %add3A_371, %shift_right_arithmetic3A_317, %and3A_320], %broadcast_in_dim3A_9 masked %lt3A_326 : memref<2x8x8x432xf32, #tpu.memory_space<vmem>>[vector<16xi32>, vector<16xi32>, vector<16xi32>, vector<16xi32>], vector<16xf32>, vector<16xi1>
          %add3A_372 = arith.constant 5 : i32
          %add3A_373 = vector.broadcast %add3A_372 : i32 to vector<16xi32>
          %add3A_374 = arith.addi %broadcast_in_dim3A_11, %add3A_373 : vector<16xi32>
          tpu.vector_store_idx %arg11[%add3A_356, %add3A_374, %shift_right_arithmetic3A_317, %and3A_320], %broadcast_in_dim3A_9 masked %lt3A_326 : memref<2x8x8x432xf32, #tpu.memory_space<vmem>>[vector<16xi32>, vector<16xi32>, vector<16xi32>, vector<16xi32>], vector<16xf32>, vector<16xi1>
          %add3A_375 = arith.constant 6 : i32
          %add3A_376 = vector.broadcast %add3A_375 : i32 to vector<16xi32>
          %add3A_377 = arith.addi %broadcast_in_dim3A_11, %add3A_376 : vector<16xi32>
          tpu.vector_store_idx %arg11[%add3A_356, %add3A_377, %shift_right_arithmetic3A_317, %and3A_320], %broadcast_in_dim3A_9 masked %lt3A_326 : memref<2x8x8x432xf32, #tpu.memory_space<vmem>>[vector<16xi32>, vector<16xi32>, vector<16xi32>, vector<16xi32>], vector<16xf32>, vector<16xi1>
          %add3A_378 = arith.constant 7 : i32
          %add3A_379 = vector.broadcast %add3A_378 : i32 to vector<16xi32>
          %add3A_380 = arith.addi %broadcast_in_dim3A_11, %add3A_379 : vector<16xi32>
          tpu.vector_store_idx %arg11[%add3A_356, %add3A_380, %shift_right_arithmetic3A_317, %and3A_320], %broadcast_in_dim3A_9 masked %lt3A_326 : memref<2x8x8x432xf32, #tpu.memory_space<vmem>>[vector<16xi32>, vector<16xi32>, vector<16xi32>, vector<16xi32>], vector<16xf32>, vector<16xi1>
          %while3A_381 = arith.constant 0 : i32
          scf.yield %while3A_381 : i32
        }
        %while3A_309 = arith.constant 1 : i32
        %while3A_310 = scf.for %while3A_311 = %while3A_306 to %while3A_302 step %while3A_309 iter_args(%while3A_312 = %while3A_308) -> (i32)  : i32 {
          %mul3A_313 = arith.constant 16 : i32
          %mul3A_314 = arith.muli %while3A_311, %mul3A_313 : i32
          %get3A = arith.index_cast %mul3A_314 : i32 to index
          %get3A_315 = tpu.vector_load %arg9[%get3A] {strides = array<i32>} : memref<3456xi32, #tpu.memory_space<vmem>>, vector<16xi32>,
          %shift_right_arithmetic3A = arith.constant 9 : i32
          %shift_right_arithmetic3A_316 = vector.broadcast %shift_right_arithmetic3A : i32 to vector<16xi32>
          %shift_right_arithmetic3A_317 = arith.shrsi %get3A_315, %shift_right_arithmetic3A_316 : vector<16xi32>
          %and3A_318 = arith.constant 511 : i32
          %and3A_319 = vector.broadcast %and3A_318 : i32 to vector<16xi32>
          %and3A_320 = arith.andi %get3A_315, %and3A_319 : vector<16xi32>
          %mul3A_321 = arith.constant 16 : i32
          %mul3A_322 = arith.muli %while3A_311, %mul3A_321 : i32
          %add3A_323 = vector.broadcast %mul3A_322 : i32 to vector<16xi32>
          %add3A_324 = arith.addi %add3A_323, %iota3A : vector<16xi32>
          %lt3A_325 = vector.broadcast %while3A_98 : i32 to vector<16xi32>
          %lt3A_326 = arith.cmpi slt, %add3A_324, %lt3A_325 : vector<16xi32>
          %add3A_327 = arith.constant 0 : i32
          %add3A_328 = vector.broadcast %add3A_327 : i32 to vector<16xi32>
          %add3A_329 = arith.addi %broadcast_in_dim3A_11, %add3A_328 : vector<16xi32>
          %add3A_330 = arith.constant 0 : i32
          %add3A_331 = vector.broadcast %add3A_330 : i32 to vector<16xi32>
          %add3A_332 = arith.addi %broadcast_in_dim3A_11, %add3A_331 : vector<16xi32>
          tpu.vector_store_idx %arg11[%add3A_329, %add3A_332, %shift_right_arithmetic3A_317, %and3A_320], %broadcast_in_dim3A_9 masked %lt3A_326 : memref<2x8x8x432xf32, #tpu.memory_space<vmem>>[vector<16xi32>, vector<16xi32>, vector<16xi32>, vector<16xi32>], vector<16xf32>, vector<16xi1>
          %add3A_333 = arith.constant 1 : i32
          %add3A_334 = vector.broadcast %add3A_333 : i32 to vector<16xi32>
          %add3A_335 = arith.addi %broadcast_in_dim3A_11, %add3A_334 : vector<16xi32>
          tpu.vector_store_idx %arg11[%add3A_329, %add3A_335, %shift_right_arithmetic3A_317, %and3A_320], %broadcast_in_dim3A_9 masked %lt3A_326 : memref<2x8x8x432xf32, #tpu.memory_space<vmem>>[vector<16xi32>, vector<16xi32>, vector<16xi32>, vector<16xi32>], vector<16xf32>, vector<16xi1>
          %add3A_336 = arith.constant 2 : i32
          %add3A_337 = vector.broadcast %add3A_336 : i32 to vector<16xi32>
          %add3A_338 = arith.addi %broadcast_in_dim3A_11, %add3A_337 : vector<16xi32>
          tpu.vector_store_idx %arg11[%add3A_329, %add3A_338, %shift_right_arithmetic3A_317, %and3A_320], %broadcast_in_dim3A_9 masked %lt3A_326 : memref<2x8x8x432xf32, #tpu.memory_space<vmem>>[vector<16xi32>, vector<16xi32>, vector<16xi32>, vector<16xi32>], vector<16xf32>, vector<16xi1>
          %add3A_339 = arith.constant 3 : i32
          %add3A_340 = vector.broadcast %add3A_339 : i32 to vector<16xi32>
          %add3A_341 = arith.addi %broadcast_in_dim3A_11, %add3A_340 : vector<16xi32>
          tpu.vector_store_idx %arg11[%add3A_329, %add3A_341, %shift_right_arithmetic3A_317, %and3A_320], %broadcast_in_dim3A_9 masked %lt3A_326 : memref<2x8x8x432xf32, #tpu.memory_space<vmem>>[vector<16xi32>, vector<16xi32>, vector<16xi32>, vector<16xi32>], vector<16xf32>, vector<16xi1>
          %add3A_342 = arith.constant 4 : i32
          %add3A_343 = vector.broadcast %add3A_342 : i32 to vector<16xi32>
          %add3A_344 = arith.addi %broadcast_in_dim3A_11, %add3A_343 : vector<16xi32>
          tpu.vector_store_idx %arg11[%add3A_329, %add3A_344, %shift_right_arithmetic3A_317, %and3A_320], %broadcast_in_dim3A_9 masked %lt3A_326 : memref<2x8x8x432xf32, #tpu.memory_space<vmem>>[vector<16xi32>, vector<16xi32>, vector<16xi32>, vector<16xi32>], vector<16xf32>, vector<16xi1>
          %add3A_345 = arith.constant 5 : i32
          %add3A_346 = vector.broadcast %add3A_345 : i32 to vector<16xi32>
          %add3A_347 = arith.addi %broadcast_in_dim3A_11, %add3A_346 : vector<16xi32>
          tpu.vector_store_idx %arg11[%add3A_329, %add3A_347, %shift_right_arithmetic3A_317, %and3A_320], %broadcast_in_dim3A_9 masked %lt3A_326 : memref<2x8x8x432xf32, #tpu.memory_space<vmem>>[vector<16xi32>, vector<16xi32>, vector<16xi32>, vector<16xi32>], vector<16xf32>, vector<16xi1>
          %add3A_348 = arith.constant 6 : i32
          %add3A_349 = vector.broadcast %add3A_348 : i32 to vector<16xi32>
          %add3A_350 = arith.addi %broadcast_in_dim3A_11, %add3A_349 : vector<16xi32>
          tpu.vector_store_idx %arg11[%add3A_329, %add3A_350, %shift_right_arithmetic3A_317, %and3A_320], %broadcast_in_dim3A_9 masked %lt3A_326 : memref<2x8x8x432xf32, #tpu.memory_space<vmem>>[vector<16xi32>, vector<16xi32>, vector<16xi32>, vector<16xi32>], vector<16xf32>, vector<16xi1>
          %add3A_351 = arith.constant 7 : i32
          %add3A_352 = vector.broadcast %add3A_351 : i32 to vector<16xi32>
          %add3A_353 = arith.addi %broadcast_in_dim3A_11, %add3A_352 : vector<16xi32>
          tpu.vector_store_idx %arg11[%add3A_329, %add3A_353, %shift_right_arithmetic3A_317, %and3A_320], %broadcast_in_dim3A_9 masked %lt3A_326 : memref<2x8x8x432xf32, #tpu.memory_space<vmem>>[vector<16xi32>, vector<16xi32>, vector<16xi32>, vector<16xi32>], vector<16xf32>, vector<16xi1>
          %add3A_354 = arith.constant 1 : i32
          %add3A_355 = vector.broadcast %add3A_354 : i32 to vector<16xi32>
          %add3A_356 = arith.addi %broadcast_in_dim3A_11, %add3A_355 : vector<16xi32>
          %add3A_357 = arith.constant 0 : i32
          %add3A_358 = vector.broadcast %add3A_357 : i32 to vector<16xi32>
          %add3A_359 = arith.addi %broadcast_in_dim3A_11, %add3A_358 : vector<16xi32>
          tpu.vector_store_idx %arg11[%add3A_356, %add3A_359, %shift_right_arithmetic3A_317, %and3A_320], %broadcast_in_dim3A_9 masked %lt3A_326 : memref<2x8x8x432xf32, #tpu.memory_space<vmem>>[vector<16xi32>, vector<16xi32>, vector<16xi32>, vector<16xi32>], vector<16xf32>, vector<16xi1>
          %add3A_360 = arith.constant 1 : i32
          %add3A_361 = vector.broadcast %add3A_360 : i32 to vector<16xi32>
          %add3A_362 = arith.addi %broadcast_in_dim3A_11, %add3A_361 : vector<16xi32>
          tpu.vector_store_idx %arg11[%add3A_356, %add3A_362, %shift_right_arithmetic3A_317, %and3A_320], %broadcast_in_dim3A_9 masked %lt3A_326 : memref<2x8x8x432xf32, #tpu.memory_space<vmem>>[vector<16xi32>, vector<16xi32>, vector<16xi32>, vector<16xi32>], vector<16xf32>, vector<16xi1>
          %add3A_363 = arith.constant 2 : i32
          %add3A_364 = vector.broadcast %add3A_363 : i32 to vector<16xi32>
          %add3A_365 = arith.addi %broadcast_in_dim3A_11, %add3A_364 : vector<16xi32>
          tpu.vector_store_idx %arg11[%add3A_356, %add3A_365, %shift_right_arithmetic3A_317, %and3A_320], %broadcast_in_dim3A_9 masked %lt3A_326 : memref<2x8x8x432xf32, #tpu.memory_space<vmem>>[vector<16xi32>, vector<16xi32>, vector<16xi32>, vector<16xi32>], vector<16xf32>, vector<16xi1>
          %add3A_366 = arith.constant 3 : i32
          %add3A_367 = vector.broadcast %add3A_366 : i32 to vector<16xi32>
          %add3A_368 = arith.addi %broadcast_in_dim3A_11, %add3A_367 : vector<16xi32>
          tpu.vector_store_idx %arg11[%add3A_356, %add3A_368, %shift_right_arithmetic3A_317, %and3A_320], %broadcast_in_dim3A_9 masked %lt3A_326 : memref<2x8x8x432xf32, #tpu.memory_space<vmem>>[vector<16xi32>, vector<16xi32>, vector<16xi32>, vector<16xi32>], vector<16xf32>, vector<16xi1>
          %add3A_369 = arith.constant 4 : i32
          %add3A_370 = vector.broadcast %add3A_369 : i32 to vector<16xi32>
          %add3A_371 = arith.addi %broadcast_in_dim3A_11, %add3A_370 : vector<16xi32>
          tpu.vector_store_idx %arg11[%add3A_356, %add3A_371, %shift_right_arithmetic3A_317, %and3A_320], %broadcast_in_dim3A_9 masked %lt3A_326 : memref<2x8x8x432xf32, #tpu.memory_space<vmem>>[vector<16xi32>, vector<16xi32>, vector<16xi32>, vector<16xi32>], vector<16xf32>, vector<16xi1>
          %add3A_372 = arith.constant 5 : i32
          %add3A_373 = vector.broadcast %add3A_372 : i32 to vector<16xi32>
          %add3A_374 = arith.addi %broadcast_in_dim3A_11, %add3A_373 : vector<16xi32>
          tpu.vector_store_idx %arg11[%add3A_356, %add3A_374, %shift_right_arithmetic3A_317, %and3A_320], %broadcast_in_dim3A_9 masked %lt3A_326 : memref<2x8x8x432xf32, #tpu.memory_space<vmem>>[vector<16xi32>, vector<16xi32>, vector<16xi32>, vector<16xi32>], vector<16xf32>, vector<16xi1>
          %add3A_375 = arith.constant 6 : i32
          %add3A_376 = vector.broadcast %add3A_375 : i32 to vector<16xi32>
          %add3A_377 = arith.addi %broadcast_in_dim3A_11, %add3A_376 : vector<16xi32>
          tpu.vector_store_idx %arg11[%add3A_356, %add3A_377, %shift_right_arithmetic3A_317, %and3A_320], %broadcast_in_dim3A_9 masked %lt3A_326 : memref<2x8x8x432xf32, #tpu.memory_space<vmem>>[vector<16xi32>, vector<16xi32>, vector<16xi32>, vector<16xi32>], vector<16xf32>, vector<16xi1>
          %add3A_378 = arith.constant 7 : i32
          %add3A_379 = vector.broadcast %add3A_378 : i32 to vector<16xi32>
          %add3A_380 = arith.addi %broadcast_in_dim3A_11, %add3A_379 : vector<16xi32>
          tpu.vector_store_idx %arg11[%add3A_356, %add3A_380, %shift_right_arithmetic3A_317, %and3A_320], %broadcast_in_dim3A_9 masked %lt3A_326 : memref<2x8x8x432xf32, #tpu.memory_space<vmem>>[vector<16xi32>, vector<16xi32>, vector<16xi32>, vector<16xi32>], vector<16xf32>, vector<16xi1>
          %while3A_381 = arith.constant 0 : i32
          scf.yield %while3A_381 : i32
        }
      } else {
      }
      %mul3A_177 = arith.constant 3456 : i32
      %mul3A_178 = arith.muli %while3A_97, %mul3A_177 : i32
      %scan3A_179 = arith.constant 0 : i32
      %scan3A_180 = arith.constant 216 : i32
      %scan3A_181 = arith.addi %scan3A_179, %scan3A_180 : i32
      %scan3A_182 = arith.constant 1 : i32
      %scan3A_183 = scf.for %scan3A_227 = %scan3A_179 to %scan3A_181 step %scan3A_182 iter_args(%scan3A_228 = %broadcast_in_dim3A_11) -> (vector<16xi32>)  : i32 {
        %mul3A_229 = arith.constant 16 : i32
        %mul3A_230 = arith.muli %scan3A_227, %mul3A_229 : i32
        %add3A_231 = arith.addi %mul3A_178, %mul3A_230 : i32
        %get3A = arith.index_cast %add3A_231 : i32 to index
        %get3A_232 = tpu.vector_load %arg5[%get3A] {strides = array<i32>} : memref<27648xi32, #tpu.memory_space<vmem>>, vector<16xi32>,
        %ge3A = arith.constant 0 : i32
        %ge3A_233 = vector.broadcast %ge3A : i32 to vector<16xi32>
        %ge3A_234 = arith.cmpi sge, %get3A_232, %ge3A_233 : vector<16xi32>
        %convert_element_type3A_235 = arith.extui %ge3A_234 : vector<16xi1> to vector<16xi32>
        %broadcast_in_dim3A_236 = arith.constant true
        %broadcast_in_dim3A_237 = vector.broadcast %broadcast_in_dim3A_236 : i1 to vector<16xi1>
        %masked_cumsum3A = tpu.scan <sum>, %convert_element_type3A_235 masked %broadcast_in_dim3A_237 : vector<16xi32>, vector<16xi1> -> vector<16xi32>
        %add3A_238 = arith.addi %scan3A_228, %masked_cumsum3A : vector<16xi32>
        %sub3A_239 = arith.constant 1 : i32
        %sub3A_240 = vector.broadcast %sub3A_239 : i32 to vector<16xi32>
        %sub3A_241 = arith.subi %add3A_238, %sub3A_240 : vector<16xi32>
        %jit3A_242 = arith.constant 3455 : i32
        %broadcast_in_dim3A_243 = vector.broadcast %jit3A_242 : i32 to vector<16xi32>
        %select_n3A_244 = arith.select %ge3A_234, %sub3A_241, %broadcast_in_dim3A_243 : vector<16xi1>, vector<16xi32>
        %shift_right_arithmetic3A = arith.constant 1 : i32
        %shift_right_arithmetic3A_245 = vector.broadcast %shift_right_arithmetic3A : i32 to vector<16xi32>
        %shift_right_arithmetic3A_246 = arith.shrsi %get3A_232, %shift_right_arithmetic3A_245 : vector<16xi32>
        tpu.vector_store_idx %arg7[%select_n3A_244], %shift_right_arithmetic3A_246 masked %ge3A_234 : memref<3456xi32, #tpu.memory_space<vmem>>[vector<16xi32>], vector<16xi32>, vector<16xi1>
        %and3A_247 = arith.constant 1 : i32
        %and3A_248 = vector.broadcast %and3A_247 : i32 to vector<16xi32>
        %and3A_249 = arith.andi %get3A_232, %and3A_248 : vector<16xi32>
        %mul3A_250 = arith.constant 64 : i32
        %mul3A_251 = vector.broadcast %mul3A_250 : i32 to vector<16xi32>
        %mul3A_252 = arith.muli %and3A_249, %mul3A_251 : vector<16xi32>
        tpu.vector_store_idx %arg8[%select_n3A_244], %mul3A_252 masked %ge3A_234 : memref<3456xi32, #tpu.memory_space<vmem>>[vector<16xi32>], vector<16xi32>, vector<16xi1>
        %jit3A_253 = arith.constant 27 : i32
        %div3A_254 = arith.divsi %scan3A_227, %jit3A_253 : i32
        %sign3A_255 = arith.constant 0 : i32
        %sign3A_256 = arith.cmpi sgt, %scan3A_227, %sign3A_255 : i32
        %sign3A_257 = arith.extui %sign3A_256 : i1 to i32
        %sign3A_258 = arith.constant 0 : i32
        %sign3A_259 = arith.cmpi slt, %scan3A_227, %sign3A_258 : i32
        %sign3A_260 = arith.extui %sign3A_259 : i1 to i32
        %sign3A_261 = arith.subi %sign3A_257, %sign3A_260 : i32
        %sign3A_262 = arith.constant 0 : i32
        %sign3A_263 = arith.cmpi sgt, %jit3A_253, %sign3A_262 : i32
        %sign3A_264 = arith.extui %sign3A_263 : i1 to i32
        %sign3A_265 = arith.constant 0 : i32
        %sign3A_266 = arith.cmpi slt, %jit3A_253, %sign3A_265 : i32
        %sign3A_267 = arith.extui %sign3A_266 : i1 to i32
        %sign3A_268 = arith.subi %sign3A_264, %sign3A_267 : i32
        %ne3A_269 = arith.cmpi ne, %sign3A_261, %sign3A_268 : i32
        %rem3A_270 = arith.remsi %scan3A_227, %jit3A_253 : i32
        %ne3A_271 = arith.constant 0 : i32
        %ne3A_272 = arith.cmpi ne, %rem3A_270, %ne3A_271 : i32
        %and3A_273 = arith.andi %ne3A_269, %ne3A_272 : i1
        %sub3A_274 = arith.constant 1 : i32
        %sub3A_275 = arith.subi %div3A_254, %sub3A_274 : i32
        %select_n3A_276 = arith.select %and3A_273, %sub3A_275, %div3A_254 : i32
        %mul3A_277 = arith.constant 512 : i32
        %mul3A_278 = arith.muli %select_n3A_276, %mul3A_277 : i32
        %jit3A_279 = arith.constant 27 : i32
        %eq3A_280 = arith.constant 0 : i32
        %eq3A_281 = arith.cmpi eq, %jit3A_279, %eq3A_280 : i32
        %jit3A_282 = arith.constant 1 : i32
        %select_n3A_283 = arith.select %eq3A_281, %jit3A_282, %jit3A_279 : i32
        %rem3A_284 = arith.remsi %scan3A_227, %select_n3A_283 : i32
        %ne3A_285 = arith.constant 0 : i32
        %ne3A_286 = arith.cmpi ne, %rem3A_284, %ne3A_285 : i32
        %lt3A_287 = arith.constant 0 : i32
        %lt3A_288 = arith.cmpi slt, %rem3A_284, %lt3A_287 : i32
        %lt3A_289 = arith.constant 0 : i32
        %lt3A_290 = arith.cmpi slt, %select_n3A_283, %lt3A_289 : i32
        %ne3A_291 = arith.xori %lt3A_288, %lt3A_290 : i1
        %and3A_292 = arith.andi %ne3A_291, %ne3A_286 : i1
        %add3A_293 = arith.addi %rem3A_284, %select_n3A_283 : i32
        %select_n3A_294 = arith.select %and3A_292, %add3A_293, %rem3A_284 : i32
        %mul3A_295 = arith.constant 16 : i32
        %mul3A_296 = arith.muli %select_n3A_294, %mul3A_295 : i32
        %add3A_297 = arith.addi %mul3A_278, %mul3A_296 : i32
        %add3A_298 = vector.broadcast %add3A_297 : i32 to vector<16xi32>
        %add3A_299 = arith.addi %add3A_298, %iota3A : vector<16xi32>
        tpu.vector_store_idx %arg9[%select_n3A_244], %add3A_299 masked %ge3A_234 : memref<3456xi32, #tpu.memory_space<vmem>>[vector<16xi32>], vector<16xi32>, vector<16xi1>
        %all_reduce_population_count3A = tpu.all_reduce %ge3A_234 {dim = 0 : i64, kind = #tpu.reduction_kind<sum>} : vector<16xi1> -> vector<16xi32>
        %add3A_300 = arith.addi %scan3A_228, %all_reduce_population_count3A : vector<16xi32>
        scf.yield %add3A_300 : vector<16xi32>
      }
      %scan3A_184 = arith.constant 216 : i32
      %reduce_max3A = arith.constant true
      %reduce_max3A_185 = vector.broadcast %reduce_max3A : i1 to vector<16xi1>
      %reduce_max3A_186 = arith.constant -2147483648 : i32
      %reduce_max3A_187 = vector.broadcast %reduce_max3A_186 : i32 to vector<16xi32>
      %reduce_max3A_188 = arith.xori %scan3A_183, %reduce_max3A_187 : vector<16xi32>
      %reduce_max3A_189 = tpu.scan <max>, %reduce_max3A_188 masked %reduce_max3A_185 : vector<16xi32>, vector<16xi1> -> vector<16xi32>
      %reduce_max3A_190 = arith.xori %reduce_max3A_189, %reduce_max3A_187 : vector<16xi32>
      %reduce_max3A_191 = vector.extract %reduce_max3A_190[15] : i32 from vector<16xi32>
      %add3A_192 = arith.constant 192 : i32
      %add3A_193 = arith.addi %reduce_max3A_191, %add3A_192 : i32
      %sub3A_194 = arith.constant 1 : i32
      %sub3A_195 = arith.subi %add3A_193, %sub3A_194 : i32
      %jit3A_196 = arith.constant 192 : i32
      %div3A_197 = arith.divsi %sub3A_195, %jit3A_196 : i32
      %sign3A_198 = arith.constant 0 : i32
      %sign3A_199 = arith.cmpi sgt, %sub3A_195, %sign3A_198 : i32
      %sign3A_200 = arith.extui %sign3A_199 : i1 to i32
      %sign3A_201 = arith.constant 0 : i32
      %sign3A_202 = arith.cmpi slt, %sub3A_195, %sign3A_201 : i32
      %sign3A_203 = arith.extui %sign3A_202 : i1 to i32
      %sign3A_204 = arith.subi %sign3A_200, %sign3A_203 : i32
      %sign3A_205 = arith.constant 0 : i32
      %sign3A_206 = arith.cmpi sgt, %jit3A_196, %sign3A_205 : i32
      %sign3A_207 = arith.extui %sign3A_206 : i1 to i32
      %sign3A_208 = arith.constant 0 : i32
      %sign3A_209 = arith.cmpi slt, %jit3A_196, %sign3A_208 : i32
      %sign3A_210 = arith.extui %sign3A_209 : i1 to i32
      %sign3A_211 = arith.subi %sign3A_207, %sign3A_210 : i32
      %ne3A_212 = arith.cmpi ne, %sign3A_204, %sign3A_211 : i32
      %rem3A_213 = arith.remsi %sub3A_195, %jit3A_196 : i32
      %ne3A_214 = arith.constant 0 : i32
      %ne3A_215 = arith.cmpi ne, %rem3A_213, %ne3A_214 : i32
      %and3A_216 = arith.andi %ne3A_212, %ne3A_215 : i1
      %sub3A_217 = arith.constant 1 : i32
      %sub3A_218 = arith.subi %div3A_197, %sub3A_217 : i32
      %select_n3A_219 = arith.select %and3A_216, %sub3A_218, %div3A_197 : i32
      %scan3A_220 = arith.constant 0 : i32
      %scan3A_221 = arith.constant 0 : i32
      %scan3A_222 = arith.constant 8 : i32
      %scan3A_223 = arith.addi %scan3A_221, %scan3A_222 : i32
      %scan3A_224 = arith.constant 1 : i32
      %scan3A_225 = scf.for %scan3A_227 = %scan3A_221 to %scan3A_223 step %scan3A_224 iter_args(%scan3A_228 = %scan3A_220) -> (i32)  : i32 {
        %jit3A_229 = arith.constant 2 : i32
        %eq3A_230 = arith.constant 0 : i32
        %eq3A_231 = arith.cmpi eq, %jit3A_229, %eq3A_230 : i32
        %jit3A_232 = arith.constant 1 : i32
        %select_n3A_233 = arith.select %eq3A_231, %jit3A_232, %jit3A_229 : i32
        %rem3A_234 = arith.remsi %scan3A_227, %select_n3A_233 : i32
        %ne3A_235 = arith.constant 0 : i32
        %ne3A_236 = arith.cmpi ne, %rem3A_234, %ne3A_235 : i32
        %lt3A_237 = arith.constant 0 : i32
        %lt3A_238 = arith.cmpi slt, %rem3A_234, %lt3A_237 : i32
        %lt3A_239 = arith.constant 0 : i32
        %lt3A_240 = arith.cmpi slt, %select_n3A_233, %lt3A_239 : i32
        %ne3A_241 = arith.xori %lt3A_238, %lt3A_240 : i1
        %and3A_242 = arith.andi %ne3A_241, %ne3A_236 : i1
        %add3A_243 = arith.addi %rem3A_234, %select_n3A_233 : i32
        %select_n3A_244 = arith.select %and3A_242, %add3A_243, %rem3A_234 : i32
        %add3A_245 = vector.broadcast %select_n3A_244 : i32 to vector<16xi32>
        %add3A_246 = arith.addi %broadcast_in_dim3A_11, %add3A_245 : vector<16xi32>
        %mul3A_247 = arith.constant 8 : i32
        %mul3A_248 = arith.muli %scan3A_227, %mul3A_247 : i32
        %ge3A = arith.constant 2 : i32
        %ge3A_249 = arith.cmpi sge, %scan3A_227, %ge3A : i32
        %eq3A_250 = arith.constant 0 : i32
        %eq3A_251 = arith.cmpi eq, %select_n3A_244, %eq3A_250 : i32
        %and3A_252 = arith.andi %ge3A_249, %eq3A_251 : i1
        %convert_element_type3A_253 = arith.extui %and3A_252 : i1 to i32
        %cond3A_254 = arith.constant 0 : i32
        %cond3A_255 = arith.cmpi ne, %convert_element_type3A_253, %cond3A_254 : i32
        scf.if %cond3A_255 {
          %dma_wait3A_287 = arith.constant 0 : i32
          %dma_wait3A_288 = arith.constant 0 : i32
          %dma_wait3A_289 = arith.constant 0 : i32
          %dma_wait3A_290 = arith.constant 0 : i32
          %dma_wait3A_291 = arith.constant 0 : i32
          %dma_wait3A_292 = arith.constant 0 : i32
          %dma_wait3A_293 = tpu.memref_slice %arg11[%dma_wait3A_287, %dma_wait3A_290, %dma_wait3A_291, %dma_wait3A_292] : memref<2x8x8x432xf32, #tpu.memory_space<vmem>> -> memref<1x8x8x432xf32, #tpu.memory_space<vmem>>
          %dma_wait3A_294 = tpu.memref_squeeze %dma_wait3A_293 : memref<1x8x8x432xf32, #tpu.memory_space<vmem>> -> memref<8x8x432xf32, #tpu.memory_space<vmem>>
          %dma_wait3A_295 = arith.constant 0 : i32
          %dma_wait3A_296 = arith.constant 0 : i32
          %dma_wait3A_297 = arith.constant 0 : i32
          %dma_wait3A_298 = tpu.memref_slice %arg4[%dma_wait3A_288, %dma_wait3A_295, %dma_wait3A_289, %dma_wait3A_296, %dma_wait3A_297] : memref<2x64x2x496x432xf32, #tpu.memory_space<hbm>> -> memref<1x8x1x8x432xf32, #tpu.memory_space<hbm>>
          %dma_wait3A_299 = tpu.memref_squeeze %dma_wait3A_298 : memref<1x8x1x8x432xf32, #tpu.memory_space<hbm>> -> memref<8x8x432xf32, #tpu.memory_space<hbm>>
          %dma_wait3A_300 = arith.constant 0 : i32
          %dma_wait3A_301 = arith.constant 0 : i32
          %dma_wait3A_302 = arith.constant 0 : i32
          %dma_wait3A_303 = tpu.memref_slice %arg4[%dma_wait3A_288, %dma_wait3A_300, %dma_wait3A_289, %dma_wait3A_301, %dma_wait3A_302] : memref<2x64x2x496x432xf32, #tpu.memory_space<hbm>> -> memref<1x8x1x8x432xf32, #tpu.memory_space<hbm>>
          %dma_wait3A_304 = tpu.memref_squeeze %dma_wait3A_303 : memref<1x8x1x8x432xf32, #tpu.memory_space<hbm>> -> memref<8x8x432xf32, #tpu.memory_space<hbm>>
          %dma_wait3A_305 = arith.constant 0 : i32
          %dma_wait3A_306 = arith.constant 0 : i32
          %dma_wait3A_307 = arith.constant 0 : i32
          %dma_wait3A_308 = tpu.memref_slice %arg11[%dma_wait3A_287, %dma_wait3A_305, %dma_wait3A_306, %dma_wait3A_307] : memref<2x8x8x432xf32, #tpu.memory_space<vmem>> -> memref<1x8x8x432xf32, #tpu.memory_space<vmem>>
          %dma_wait3A_309 = tpu.memref_squeeze %dma_wait3A_308 : memref<1x8x8x432xf32, #tpu.memory_space<vmem>> -> memref<8x8x432xf32, #tpu.memory_space<vmem>>
          tpu.wait_dma2 semaphore(%arg13 : memref<!tpu.dma_semaphore, #tpu.memory_space<semaphore_mem>>) src(%dma_wait3A_309 : memref<8x8x432xf32, #tpu.memory_space<vmem>>) dst(%dma_wait3A_304 : memref<8x8x432xf32, #tpu.memory_space<hbm>>)
          %add3A_310 = arith.constant 15 : i32
          %add3A_311 = arith.addi %reduce_max3A_191, %add3A_310 : i32
          %jit3A_312 = arith.constant 16 : i32
          %div3A_313 = arith.divsi %add3A_311, %jit3A_312 : i32
          %sign3A_314 = arith.constant 0 : i32
          %sign3A_315 = arith.cmpi sgt, %add3A_311, %sign3A_314 : i32
          %sign3A_316 = arith.extui %sign3A_315 : i1 to i32
          %sign3A_317 = arith.constant 0 : i32
          %sign3A_318 = arith.cmpi slt, %add3A_311, %sign3A_317 : i32
          %sign3A_319 = arith.extui %sign3A_318 : i1 to i32
          %sign3A_320 = arith.subi %sign3A_316, %sign3A_319 : i32
          %sign3A_321 = arith.constant 0 : i32
          %sign3A_322 = arith.cmpi sgt, %jit3A_312, %sign3A_321 : i32
          %sign3A_323 = arith.extui %sign3A_322 : i1 to i32
          %sign3A_324 = arith.constant 0 : i32
          %sign3A_325 = arith.cmpi slt, %jit3A_312, %sign3A_324 : i32
          %sign3A_326 = arith.extui %sign3A_325 : i1 to i32
          %sign3A_327 = arith.subi %sign3A_323, %sign3A_326 : i32
          %ne3A_328 = arith.cmpi ne, %sign3A_320, %sign3A_327 : i32
          %rem3A_329 = arith.remsi %add3A_311, %jit3A_312 : i32
          %ne3A_330 = arith.constant 0 : i32
          %ne3A_331 = arith.cmpi ne, %rem3A_329, %ne3A_330 : i32
          %and3A_332 = arith.andi %ne3A_328, %ne3A_331 : i1
          %sub3A_333 = arith.constant 1 : i32
          %sub3A_334 = arith.subi %div3A_313, %sub3A_333 : i32
          %select_n3A_335 = arith.select %and3A_332, %sub3A_334, %div3A_313 : i32
          %while3A_336 = arith.constant 0 : i32
          %while3A_337 = arith.constant 0 : i32
          %while3A_338 = arith.subi %select_n3A_335, %while3A_336 : i32
          %while3A_339 = arith.addi %while3A_336, %while3A_338 : i32
          %while3A_340 = arith.constant 1 : i32
          %while3A_341 = arith.divsi %while3A_338, %while3A_340 : i32
          %while3A_342 = arith.muli %while3A_341, %while3A_340 : i32
          %while3A_343 = arith.addi %while3A_336, %while3A_342 : i32
          %while3A_344 = arith.constant 1 : i32
          %while3A_345 = scf.for %while3A_348 = %while3A_336 to %while3A_343 step %while3A_344 iter_args(%while3A_349 = %while3A_337) -> (i32)  : i32 {
            %mul3A_350 = arith.constant 16 : i32
            %mul3A_351 = arith.muli %while3A_348, %mul3A_350 : i32
            %get3A = arith.index_cast %mul3A_351 : i32 to index
            %get3A_352 = tpu.vector_load %arg9[%get3A] {strides = array<i32>} : memref<3456xi32, #tpu.memory_space<vmem>>, vector<16xi32>,
            %mul3A_353 = arith.constant 16 : i32
            %mul3A_354 = arith.muli %while3A_348, %mul3A_353 : i32
            %add3A_355 = vector.broadcast %mul3A_354 : i32 to vector<16xi32>
            %add3A_356 = arith.addi %add3A_355, %iota3A : vector<16xi32>
            %lt3A_357 = vector.broadcast %reduce_max3A_191 : i32 to vector<16xi32>
            %lt3A_358 = arith.cmpi slt, %add3A_356, %lt3A_357 : vector<16xi32>
            %shift_right_arithmetic3A = arith.constant 9 : i32
            %shift_right_arithmetic3A_359 = vector.broadcast %shift_right_arithmetic3A : i32 to vector<16xi32>
            %shift_right_arithmetic3A_360 = arith.shrsi %get3A_352, %shift_right_arithmetic3A_359 : vector<16xi32>
            %and3A_361 = arith.constant 511 : i32
            %and3A_362 = vector.broadcast %and3A_361 : i32 to vector<16xi32>
            %and3A_363 = arith.andi %get3A_352, %and3A_362 : vector<16xi32>
            %add3A_364 = arith.constant 0 : i32
            %add3A_365 = vector.broadcast %add3A_364 : i32 to vector<16xi32>
            %add3A_366 = arith.addi %broadcast_in_dim3A_11, %add3A_365 : vector<16xi32>
            tpu.vector_store_idx %arg11[%broadcast_in_dim3A_11, %add3A_366, %shift_right_arithmetic3A_360, %and3A_363], %broadcast_in_dim3A_9 masked %lt3A_358 : memref<2x8x8x432xf32, #tpu.memory_space<vmem>>[vector<16xi32>, vector<16xi32>, vector<16xi32>, vector<16xi32>], vector<16xf32>, vector<16xi1>
            %add3A_367 = arith.constant 1 : i32
            %add3A_368 = vector.broadcast %add3A_367 : i32 to vector<16xi32>
            %add3A_369 = arith.addi %broadcast_in_dim3A_11, %add3A_368 : vector<16xi32>
            tpu.vector_store_idx %arg11[%broadcast_in_dim3A_11, %add3A_369, %shift_right_arithmetic3A_360, %and3A_363], %broadcast_in_dim3A_9 masked %lt3A_358 : memref<2x8x8x432xf32, #tpu.memory_space<vmem>>[vector<16xi32>, vector<16xi32>, vector<16xi32>, vector<16xi32>], vector<16xf32>, vector<16xi1>
            %add3A_370 = arith.constant 2 : i32
            %add3A_371 = vector.broadcast %add3A_370 : i32 to vector<16xi32>
            %add3A_372 = arith.addi %broadcast_in_dim3A_11, %add3A_371 : vector<16xi32>
            tpu.vector_store_idx %arg11[%broadcast_in_dim3A_11, %add3A_372, %shift_right_arithmetic3A_360, %and3A_363], %broadcast_in_dim3A_9 masked %lt3A_358 : memref<2x8x8x432xf32, #tpu.memory_space<vmem>>[vector<16xi32>, vector<16xi32>, vector<16xi32>, vector<16xi32>], vector<16xf32>, vector<16xi1>
            %add3A_373 = arith.constant 3 : i32
            %add3A_374 = vector.broadcast %add3A_373 : i32 to vector<16xi32>
            %add3A_375 = arith.addi %broadcast_in_dim3A_11, %add3A_374 : vector<16xi32>
            tpu.vector_store_idx %arg11[%broadcast_in_dim3A_11, %add3A_375, %shift_right_arithmetic3A_360, %and3A_363], %broadcast_in_dim3A_9 masked %lt3A_358 : memref<2x8x8x432xf32, #tpu.memory_space<vmem>>[vector<16xi32>, vector<16xi32>, vector<16xi32>, vector<16xi32>], vector<16xf32>, vector<16xi1>
            %add3A_376 = arith.constant 4 : i32
            %add3A_377 = vector.broadcast %add3A_376 : i32 to vector<16xi32>
            %add3A_378 = arith.addi %broadcast_in_dim3A_11, %add3A_377 : vector<16xi32>
            tpu.vector_store_idx %arg11[%broadcast_in_dim3A_11, %add3A_378, %shift_right_arithmetic3A_360, %and3A_363], %broadcast_in_dim3A_9 masked %lt3A_358 : memref<2x8x8x432xf32, #tpu.memory_space<vmem>>[vector<16xi32>, vector<16xi32>, vector<16xi32>, vector<16xi32>], vector<16xf32>, vector<16xi1>
            %add3A_379 = arith.constant 5 : i32
            %add3A_380 = vector.broadcast %add3A_379 : i32 to vector<16xi32>
            %add3A_381 = arith.addi %broadcast_in_dim3A_11, %add3A_380 : vector<16xi32>
            tpu.vector_store_idx %arg11[%broadcast_in_dim3A_11, %add3A_381, %shift_right_arithmetic3A_360, %and3A_363], %broadcast_in_dim3A_9 masked %lt3A_358 : memref<2x8x8x432xf32, #tpu.memory_space<vmem>>[vector<16xi32>, vector<16xi32>, vector<16xi32>, vector<16xi32>], vector<16xf32>, vector<16xi1>
            %add3A_382 = arith.constant 6 : i32
            %add3A_383 = vector.broadcast %add3A_382 : i32 to vector<16xi32>
            %add3A_384 = arith.addi %broadcast_in_dim3A_11, %add3A_383 : vector<16xi32>
            tpu.vector_store_idx %arg11[%broadcast_in_dim3A_11, %add3A_384, %shift_right_arithmetic3A_360, %and3A_363], %broadcast_in_dim3A_9 masked %lt3A_358 : memref<2x8x8x432xf32, #tpu.memory_space<vmem>>[vector<16xi32>, vector<16xi32>, vector<16xi32>, vector<16xi32>], vector<16xf32>, vector<16xi1>
            %add3A_385 = arith.constant 7 : i32
            %add3A_386 = vector.broadcast %add3A_385 : i32 to vector<16xi32>
            %add3A_387 = arith.addi %broadcast_in_dim3A_11, %add3A_386 : vector<16xi32>
            tpu.vector_store_idx %arg11[%broadcast_in_dim3A_11, %add3A_387, %shift_right_arithmetic3A_360, %and3A_363], %broadcast_in_dim3A_9 masked %lt3A_358 : memref<2x8x8x432xf32, #tpu.memory_space<vmem>>[vector<16xi32>, vector<16xi32>, vector<16xi32>, vector<16xi32>], vector<16xf32>, vector<16xi1>
            %while3A_388 = arith.constant 0 : i32
            scf.yield %while3A_388 : i32
          }
          %while3A_346 = arith.constant 1 : i32
          %while3A_347 = scf.for %while3A_348 = %while3A_343 to %while3A_339 step %while3A_346 iter_args(%while3A_349 = %while3A_345) -> (i32)  : i32 {
            %mul3A_350 = arith.constant 16 : i32
            %mul3A_351 = arith.muli %while3A_348, %mul3A_350 : i32
            %get3A = arith.index_cast %mul3A_351 : i32 to index
            %get3A_352 = tpu.vector_load %arg9[%get3A] {strides = array<i32>} : memref<3456xi32, #tpu.memory_space<vmem>>, vector<16xi32>,
            %mul3A_353 = arith.constant 16 : i32
            %mul3A_354 = arith.muli %while3A_348, %mul3A_353 : i32
            %add3A_355 = vector.broadcast %mul3A_354 : i32 to vector<16xi32>
            %add3A_356 = arith.addi %add3A_355, %iota3A : vector<16xi32>
            %lt3A_357 = vector.broadcast %reduce_max3A_191 : i32 to vector<16xi32>
            %lt3A_358 = arith.cmpi slt, %add3A_356, %lt3A_357 : vector<16xi32>
            %shift_right_arithmetic3A = arith.constant 9 : i32
            %shift_right_arithmetic3A_359 = vector.broadcast %shift_right_arithmetic3A : i32 to vector<16xi32>
            %shift_right_arithmetic3A_360 = arith.shrsi %get3A_352, %shift_right_arithmetic3A_359 : vector<16xi32>
            %and3A_361 = arith.constant 511 : i32
            %and3A_362 = vector.broadcast %and3A_361 : i32 to vector<16xi32>
            %and3A_363 = arith.andi %get3A_352, %and3A_362 : vector<16xi32>
            %add3A_364 = arith.constant 0 : i32
            %add3A_365 = vector.broadcast %add3A_364 : i32 to vector<16xi32>
            %add3A_366 = arith.addi %broadcast_in_dim3A_11, %add3A_365 : vector<16xi32>
            tpu.vector_store_idx %arg11[%broadcast_in_dim3A_11, %add3A_366, %shift_right_arithmetic3A_360, %and3A_363], %broadcast_in_dim3A_9 masked %lt3A_358 : memref<2x8x8x432xf32, #tpu.memory_space<vmem>>[vector<16xi32>, vector<16xi32>, vector<16xi32>, vector<16xi32>], vector<16xf32>, vector<16xi1>
            %add3A_367 = arith.constant 1 : i32
            %add3A_368 = vector.broadcast %add3A_367 : i32 to vector<16xi32>
            %add3A_369 = arith.addi %broadcast_in_dim3A_11, %add3A_368 : vector<16xi32>
            tpu.vector_store_idx %arg11[%broadcast_in_dim3A_11, %add3A_369, %shift_right_arithmetic3A_360, %and3A_363], %broadcast_in_dim3A_9 masked %lt3A_358 : memref<2x8x8x432xf32, #tpu.memory_space<vmem>>[vector<16xi32>, vector<16xi32>, vector<16xi32>, vector<16xi32>], vector<16xf32>, vector<16xi1>
            %add3A_370 = arith.constant 2 : i32
            %add3A_371 = vector.broadcast %add3A_370 : i32 to vector<16xi32>
            %add3A_372 = arith.addi %broadcast_in_dim3A_11, %add3A_371 : vector<16xi32>
            tpu.vector_store_idx %arg11[%broadcast_in_dim3A_11, %add3A_372, %shift_right_arithmetic3A_360, %and3A_363], %broadcast_in_dim3A_9 masked %lt3A_358 : memref<2x8x8x432xf32, #tpu.memory_space<vmem>>[vector<16xi32>, vector<16xi32>, vector<16xi32>, vector<16xi32>], vector<16xf32>, vector<16xi1>
            %add3A_373 = arith.constant 3 : i32
            %add3A_374 = vector.broadcast %add3A_373 : i32 to vector<16xi32>
            %add3A_375 = arith.addi %broadcast_in_dim3A_11, %add3A_374 : vector<16xi32>
            tpu.vector_store_idx %arg11[%broadcast_in_dim3A_11, %add3A_375, %shift_right_arithmetic3A_360, %and3A_363], %broadcast_in_dim3A_9 masked %lt3A_358 : memref<2x8x8x432xf32, #tpu.memory_space<vmem>>[vector<16xi32>, vector<16xi32>, vector<16xi32>, vector<16xi32>], vector<16xf32>, vector<16xi1>
            %add3A_376 = arith.constant 4 : i32
            %add3A_377 = vector.broadcast %add3A_376 : i32 to vector<16xi32>
            %add3A_378 = arith.addi %broadcast_in_dim3A_11, %add3A_377 : vector<16xi32>
            tpu.vector_store_idx %arg11[%broadcast_in_dim3A_11, %add3A_378, %shift_right_arithmetic3A_360, %and3A_363], %broadcast_in_dim3A_9 masked %lt3A_358 : memref<2x8x8x432xf32, #tpu.memory_space<vmem>>[vector<16xi32>, vector<16xi32>, vector<16xi32>, vector<16xi32>], vector<16xf32>, vector<16xi1>
            %add3A_379 = arith.constant 5 : i32
            %add3A_380 = vector.broadcast %add3A_379 : i32 to vector<16xi32>
            %add3A_381 = arith.addi %broadcast_in_dim3A_11, %add3A_380 : vector<16xi32>
            tpu.vector_store_idx %arg11[%broadcast_in_dim3A_11, %add3A_381, %shift_right_arithmetic3A_360, %and3A_363], %broadcast_in_dim3A_9 masked %lt3A_358 : memref<2x8x8x432xf32, #tpu.memory_space<vmem>>[vector<16xi32>, vector<16xi32>, vector<16xi32>, vector<16xi32>], vector<16xf32>, vector<16xi1>
            %add3A_382 = arith.constant 6 : i32
            %add3A_383 = vector.broadcast %add3A_382 : i32 to vector<16xi32>
            %add3A_384 = arith.addi %broadcast_in_dim3A_11, %add3A_383 : vector<16xi32>
            tpu.vector_store_idx %arg11[%broadcast_in_dim3A_11, %add3A_384, %shift_right_arithmetic3A_360, %and3A_363], %broadcast_in_dim3A_9 masked %lt3A_358 : memref<2x8x8x432xf32, #tpu.memory_space<vmem>>[vector<16xi32>, vector<16xi32>, vector<16xi32>, vector<16xi32>], vector<16xf32>, vector<16xi1>
            %add3A_385 = arith.constant 7 : i32
            %add3A_386 = vector.broadcast %add3A_385 : i32 to vector<16xi32>
            %add3A_387 = arith.addi %broadcast_in_dim3A_11, %add3A_386 : vector<16xi32>
            tpu.vector_store_idx %arg11[%broadcast_in_dim3A_11, %add3A_387, %shift_right_arithmetic3A_360, %and3A_363], %broadcast_in_dim3A_9 masked %lt3A_358 : memref<2x8x8x432xf32, #tpu.memory_space<vmem>>[vector<16xi32>, vector<16xi32>, vector<16xi32>, vector<16xi32>], vector<16xf32>, vector<16xi1>
            %while3A_388 = arith.constant 0 : i32
            scf.yield %while3A_388 : i32
          }
        } else {
        }
        %ge3A_256 = arith.constant 2 : i32
        %ge3A_257 = arith.cmpi sge, %scan3A_227, %ge3A_256 : i32
        %eq3A_258 = arith.constant 1 : i32
        %eq3A_259 = arith.cmpi eq, %select_n3A_244, %eq3A_258 : i32
        %and3A_260 = arith.andi %ge3A_257, %eq3A_259 : i1
        %convert_element_type3A_261 = arith.extui %and3A_260 : i1 to i32
        %cond3A_262 = arith.constant 0 : i32
        %cond3A_263 = arith.cmpi ne, %convert_element_type3A_261, %cond3A_262 : i32
        scf.if %cond3A_263 {
          %dma_wait3A_287 = arith.constant 1 : i32
          %dma_wait3A_288 = arith.constant 0 : i32
          %dma_wait3A_289 = arith.constant 0 : i32
          %dma_wait3A_290 = arith.constant 0 : i32
          %dma_wait3A_291 = arith.constant 0 : i32
          %dma_wait3A_292 = arith.constant 0 : i32
          %dma_wait3A_293 = tpu.memref_slice %arg11[%dma_wait3A_287, %dma_wait3A_290, %dma_wait3A_291, %dma_wait3A_292] : memref<2x8x8x432xf32, #tpu.memory_space<vmem>> -> memref<1x8x8x432xf32, #tpu.memory_space<vmem>>
          %dma_wait3A_294 = tpu.memref_squeeze %dma_wait3A_293 : memref<1x8x8x432xf32, #tpu.memory_space<vmem>> -> memref<8x8x432xf32, #tpu.memory_space<vmem>>
          %dma_wait3A_295 = arith.constant 0 : i32
          %dma_wait3A_296 = arith.constant 0 : i32
          %dma_wait3A_297 = arith.constant 0 : i32
          %dma_wait3A_298 = tpu.memref_slice %arg4[%dma_wait3A_288, %dma_wait3A_295, %dma_wait3A_289, %dma_wait3A_296, %dma_wait3A_297] : memref<2x64x2x496x432xf32, #tpu.memory_space<hbm>> -> memref<1x8x1x8x432xf32, #tpu.memory_space<hbm>>
          %dma_wait3A_299 = tpu.memref_squeeze %dma_wait3A_298 : memref<1x8x1x8x432xf32, #tpu.memory_space<hbm>> -> memref<8x8x432xf32, #tpu.memory_space<hbm>>
          %dma_wait3A_300 = arith.constant 0 : i32
          %dma_wait3A_301 = arith.constant 0 : i32
          %dma_wait3A_302 = arith.constant 0 : i32
          %dma_wait3A_303 = tpu.memref_slice %arg4[%dma_wait3A_288, %dma_wait3A_300, %dma_wait3A_289, %dma_wait3A_301, %dma_wait3A_302] : memref<2x64x2x496x432xf32, #tpu.memory_space<hbm>> -> memref<1x8x1x8x432xf32, #tpu.memory_space<hbm>>
          %dma_wait3A_304 = tpu.memref_squeeze %dma_wait3A_303 : memref<1x8x1x8x432xf32, #tpu.memory_space<hbm>> -> memref<8x8x432xf32, #tpu.memory_space<hbm>>
          %dma_wait3A_305 = arith.constant 0 : i32
          %dma_wait3A_306 = arith.constant 0 : i32
          %dma_wait3A_307 = arith.constant 0 : i32
          %dma_wait3A_308 = tpu.memref_slice %arg11[%dma_wait3A_287, %dma_wait3A_305, %dma_wait3A_306, %dma_wait3A_307] : memref<2x8x8x432xf32, #tpu.memory_space<vmem>> -> memref<1x8x8x432xf32, #tpu.memory_space<vmem>>
          %dma_wait3A_309 = tpu.memref_squeeze %dma_wait3A_308 : memref<1x8x8x432xf32, #tpu.memory_space<vmem>> -> memref<8x8x432xf32, #tpu.memory_space<vmem>>
          tpu.wait_dma2 semaphore(%arg14 : memref<!tpu.dma_semaphore, #tpu.memory_space<semaphore_mem>>) src(%dma_wait3A_309 : memref<8x8x432xf32, #tpu.memory_space<vmem>>) dst(%dma_wait3A_304 : memref<8x8x432xf32, #tpu.memory_space<hbm>>)
          %add3A_310 = arith.constant 15 : i32
          %add3A_311 = arith.addi %reduce_max3A_191, %add3A_310 : i32
          %jit3A_312 = arith.constant 16 : i32
          %div3A_313 = arith.divsi %add3A_311, %jit3A_312 : i32
          %sign3A_314 = arith.constant 0 : i32
          %sign3A_315 = arith.cmpi sgt, %add3A_311, %sign3A_314 : i32
          %sign3A_316 = arith.extui %sign3A_315 : i1 to i32
          %sign3A_317 = arith.constant 0 : i32
          %sign3A_318 = arith.cmpi slt, %add3A_311, %sign3A_317 : i32
          %sign3A_319 = arith.extui %sign3A_318 : i1 to i32
          %sign3A_320 = arith.subi %sign3A_316, %sign3A_319 : i32
          %sign3A_321 = arith.constant 0 : i32
          %sign3A_322 = arith.cmpi sgt, %jit3A_312, %sign3A_321 : i32
          %sign3A_323 = arith.extui %sign3A_322 : i1 to i32
          %sign3A_324 = arith.constant 0 : i32
          %sign3A_325 = arith.cmpi slt, %jit3A_312, %sign3A_324 : i32
          %sign3A_326 = arith.extui %sign3A_325 : i1 to i32
          %sign3A_327 = arith.subi %sign3A_323, %sign3A_326 : i32
          %ne3A_328 = arith.cmpi ne, %sign3A_320, %sign3A_327 : i32
          %rem3A_329 = arith.remsi %add3A_311, %jit3A_312 : i32
          %ne3A_330 = arith.constant 0 : i32
          %ne3A_331 = arith.cmpi ne, %rem3A_329, %ne3A_330 : i32
          %and3A_332 = arith.andi %ne3A_328, %ne3A_331 : i1
          %sub3A_333 = arith.constant 1 : i32
          %sub3A_334 = arith.subi %div3A_313, %sub3A_333 : i32
          %select_n3A_335 = arith.select %and3A_332, %sub3A_334, %div3A_313 : i32
          %while3A_336 = arith.constant 0 : i32
          %while3A_337 = arith.constant 0 : i32
          %while3A_338 = arith.subi %select_n3A_335, %while3A_336 : i32
          %while3A_339 = arith.addi %while3A_336, %while3A_338 : i32
          %while3A_340 = arith.constant 1 : i32
          %while3A_341 = arith.divsi %while3A_338, %while3A_340 : i32
          %while3A_342 = arith.muli %while3A_341, %while3A_340 : i32
          %while3A_343 = arith.addi %while3A_336, %while3A_342 : i32
          %while3A_344 = arith.constant 1 : i32
          %while3A_345 = scf.for %while3A_348 = %while3A_336 to %while3A_343 step %while3A_344 iter_args(%while3A_349 = %while3A_337) -> (i32)  : i32 {
            %mul3A_350 = arith.constant 16 : i32
            %mul3A_351 = arith.muli %while3A_348, %mul3A_350 : i32
            %get3A = arith.index_cast %mul3A_351 : i32 to index
            %get3A_352 = tpu.vector_load %arg9[%get3A] {strides = array<i32>} : memref<3456xi32, #tpu.memory_space<vmem>>, vector<16xi32>,
            %mul3A_353 = arith.constant 16 : i32
            %mul3A_354 = arith.muli %while3A_348, %mul3A_353 : i32
            %add3A_355 = vector.broadcast %mul3A_354 : i32 to vector<16xi32>
            %add3A_356 = arith.addi %add3A_355, %iota3A : vector<16xi32>
            %lt3A_357 = vector.broadcast %reduce_max3A_191 : i32 to vector<16xi32>
            %lt3A_358 = arith.cmpi slt, %add3A_356, %lt3A_357 : vector<16xi32>
            %shift_right_arithmetic3A = arith.constant 9 : i32
            %shift_right_arithmetic3A_359 = vector.broadcast %shift_right_arithmetic3A : i32 to vector<16xi32>
            %shift_right_arithmetic3A_360 = arith.shrsi %get3A_352, %shift_right_arithmetic3A_359 : vector<16xi32>
            %and3A_361 = arith.constant 511 : i32
            %and3A_362 = vector.broadcast %and3A_361 : i32 to vector<16xi32>
            %and3A_363 = arith.andi %get3A_352, %and3A_362 : vector<16xi32>
            %add3A_364 = arith.constant 0 : i32
            %add3A_365 = vector.broadcast %add3A_364 : i32 to vector<16xi32>
            %add3A_366 = arith.addi %broadcast_in_dim3A_11, %add3A_365 : vector<16xi32>
            %add3A_367 = arith.constant 1 : i32
            %add3A_368 = vector.broadcast %add3A_367 : i32 to vector<16xi32>
            %add3A_369 = arith.addi %broadcast_in_dim3A_11, %add3A_368 : vector<16xi32>
            tpu.vector_store_idx %arg11[%add3A_369, %add3A_366, %shift_right_arithmetic3A_360, %and3A_363], %broadcast_in_dim3A_9 masked %lt3A_358 : memref<2x8x8x432xf32, #tpu.memory_space<vmem>>[vector<16xi32>, vector<16xi32>, vector<16xi32>, vector<16xi32>], vector<16xf32>, vector<16xi1>
            %add3A_370 = arith.constant 1 : i32
            %add3A_371 = vector.broadcast %add3A_370 : i32 to vector<16xi32>
            %add3A_372 = arith.addi %broadcast_in_dim3A_11, %add3A_371 : vector<16xi32>
            %add3A_373 = arith.constant 1 : i32
            %add3A_374 = vector.broadcast %add3A_373 : i32 to vector<16xi32>
            %add3A_375 = arith.addi %broadcast_in_dim3A_11, %add3A_374 : vector<16xi32>
            tpu.vector_store_idx %arg11[%add3A_375, %add3A_372, %shift_right_arithmetic3A_360, %and3A_363], %broadcast_in_dim3A_9 masked %lt3A_358 : memref<2x8x8x432xf32, #tpu.memory_space<vmem>>[vector<16xi32>, vector<16xi32>, vector<16xi32>, vector<16xi32>], vector<16xf32>, vector<16xi1>
            %add3A_376 = arith.constant 2 : i32
            %add3A_377 = vector.broadcast %add3A_376 : i32 to vector<16xi32>
            %add3A_378 = arith.addi %broadcast_in_dim3A_11, %add3A_377 : vector<16xi32>
            %add3A_379 = arith.constant 1 : i32
            %add3A_380 = vector.broadcast %add3A_379 : i32 to vector<16xi32>
            %add3A_381 = arith.addi %broadcast_in_dim3A_11, %add3A_380 : vector<16xi32>
            tpu.vector_store_idx %arg11[%add3A_381, %add3A_378, %shift_right_arithmetic3A_360, %and3A_363], %broadcast_in_dim3A_9 masked %lt3A_358 : memref<2x8x8x432xf32, #tpu.memory_space<vmem>>[vector<16xi32>, vector<16xi32>, vector<16xi32>, vector<16xi32>], vector<16xf32>, vector<16xi1>
            %add3A_382 = arith.constant 3 : i32
            %add3A_383 = vector.broadcast %add3A_382 : i32 to vector<16xi32>
            %add3A_384 = arith.addi %broadcast_in_dim3A_11, %add3A_383 : vector<16xi32>
            %add3A_385 = arith.constant 1 : i32
            %add3A_386 = vector.broadcast %add3A_385 : i32 to vector<16xi32>
            %add3A_387 = arith.addi %broadcast_in_dim3A_11, %add3A_386 : vector<16xi32>
            tpu.vector_store_idx %arg11[%add3A_387, %add3A_384, %shift_right_arithmetic3A_360, %and3A_363], %broadcast_in_dim3A_9 masked %lt3A_358 : memref<2x8x8x432xf32, #tpu.memory_space<vmem>>[vector<16xi32>, vector<16xi32>, vector<16xi32>, vector<16xi32>], vector<16xf32>, vector<16xi1>
            %add3A_388 = arith.constant 4 : i32
            %add3A_389 = vector.broadcast %add3A_388 : i32 to vector<16xi32>
            %add3A_390 = arith.addi %broadcast_in_dim3A_11, %add3A_389 : vector<16xi32>
            %add3A_391 = arith.constant 1 : i32
            %add3A_392 = vector.broadcast %add3A_391 : i32 to vector<16xi32>
            %add3A_393 = arith.addi %broadcast_in_dim3A_11, %add3A_392 : vector<16xi32>
            tpu.vector_store_idx %arg11[%add3A_393, %add3A_390, %shift_right_arithmetic3A_360, %and3A_363], %broadcast_in_dim3A_9 masked %lt3A_358 : memref<2x8x8x432xf32, #tpu.memory_space<vmem>>[vector<16xi32>, vector<16xi32>, vector<16xi32>, vector<16xi32>], vector<16xf32>, vector<16xi1>
            %add3A_394 = arith.constant 5 : i32
            %add3A_395 = vector.broadcast %add3A_394 : i32 to vector<16xi32>
            %add3A_396 = arith.addi %broadcast_in_dim3A_11, %add3A_395 : vector<16xi32>
            %add3A_397 = arith.constant 1 : i32
            %add3A_398 = vector.broadcast %add3A_397 : i32 to vector<16xi32>
            %add3A_399 = arith.addi %broadcast_in_dim3A_11, %add3A_398 : vector<16xi32>
            tpu.vector_store_idx %arg11[%add3A_399, %add3A_396, %shift_right_arithmetic3A_360, %and3A_363], %broadcast_in_dim3A_9 masked %lt3A_358 : memref<2x8x8x432xf32, #tpu.memory_space<vmem>>[vector<16xi32>, vector<16xi32>, vector<16xi32>, vector<16xi32>], vector<16xf32>, vector<16xi1>
            %add3A_400 = arith.constant 6 : i32
            %add3A_401 = vector.broadcast %add3A_400 : i32 to vector<16xi32>
            %add3A_402 = arith.addi %broadcast_in_dim3A_11, %add3A_401 : vector<16xi32>
            %add3A_403 = arith.constant 1 : i32
            %add3A_404 = vector.broadcast %add3A_403 : i32 to vector<16xi32>
            %add3A_405 = arith.addi %broadcast_in_dim3A_11, %add3A_404 : vector<16xi32>
            tpu.vector_store_idx %arg11[%add3A_405, %add3A_402, %shift_right_arithmetic3A_360, %and3A_363], %broadcast_in_dim3A_9 masked %lt3A_358 : memref<2x8x8x432xf32, #tpu.memory_space<vmem>>[vector<16xi32>, vector<16xi32>, vector<16xi32>, vector<16xi32>], vector<16xf32>, vector<16xi1>
            %add3A_406 = arith.constant 7 : i32
            %add3A_407 = vector.broadcast %add3A_406 : i32 to vector<16xi32>
            %add3A_408 = arith.addi %broadcast_in_dim3A_11, %add3A_407 : vector<16xi32>
            %add3A_409 = arith.constant 1 : i32
            %add3A_410 = vector.broadcast %add3A_409 : i32 to vector<16xi32>
            %add3A_411 = arith.addi %broadcast_in_dim3A_11, %add3A_410 : vector<16xi32>
            tpu.vector_store_idx %arg11[%add3A_411, %add3A_408, %shift_right_arithmetic3A_360, %and3A_363], %broadcast_in_dim3A_9 masked %lt3A_358 : memref<2x8x8x432xf32, #tpu.memory_space<vmem>>[vector<16xi32>, vector<16xi32>, vector<16xi32>, vector<16xi32>], vector<16xf32>, vector<16xi1>
            %while3A_412 = arith.constant 0 : i32
            scf.yield %while3A_412 : i32
          }
          %while3A_346 = arith.constant 1 : i32
          %while3A_347 = scf.for %while3A_348 = %while3A_343 to %while3A_339 step %while3A_346 iter_args(%while3A_349 = %while3A_345) -> (i32)  : i32 {
            %mul3A_350 = arith.constant 16 : i32
            %mul3A_351 = arith.muli %while3A_348, %mul3A_350 : i32
            %get3A = arith.index_cast %mul3A_351 : i32 to index
            %get3A_352 = tpu.vector_load %arg9[%get3A] {strides = array<i32>} : memref<3456xi32, #tpu.memory_space<vmem>>, vector<16xi32>,
            %mul3A_353 = arith.constant 16 : i32
            %mul3A_354 = arith.muli %while3A_348, %mul3A_353 : i32
            %add3A_355 = vector.broadcast %mul3A_354 : i32 to vector<16xi32>
            %add3A_356 = arith.addi %add3A_355, %iota3A : vector<16xi32>
            %lt3A_357 = vector.broadcast %reduce_max3A_191 : i32 to vector<16xi32>
            %lt3A_358 = arith.cmpi slt, %add3A_356, %lt3A_357 : vector<16xi32>
            %shift_right_arithmetic3A = arith.constant 9 : i32
            %shift_right_arithmetic3A_359 = vector.broadcast %shift_right_arithmetic3A : i32 to vector<16xi32>
            %shift_right_arithmetic3A_360 = arith.shrsi %get3A_352, %shift_right_arithmetic3A_359 : vector<16xi32>
            %and3A_361 = arith.constant 511 : i32
            %and3A_362 = vector.broadcast %and3A_361 : i32 to vector<16xi32>
            %and3A_363 = arith.andi %get3A_352, %and3A_362 : vector<16xi32>
            %add3A_364 = arith.constant 0 : i32
            %add3A_365 = vector.broadcast %add3A_364 : i32 to vector<16xi32>
            %add3A_366 = arith.addi %broadcast_in_dim3A_11, %add3A_365 : vector<16xi32>
            %add3A_367 = arith.constant 1 : i32
            %add3A_368 = vector.broadcast %add3A_367 : i32 to vector<16xi32>
            %add3A_369 = arith.addi %broadcast_in_dim3A_11, %add3A_368 : vector<16xi32>
            tpu.vector_store_idx %arg11[%add3A_369, %add3A_366, %shift_right_arithmetic3A_360, %and3A_363], %broadcast_in_dim3A_9 masked %lt3A_358 : memref<2x8x8x432xf32, #tpu.memory_space<vmem>>[vector<16xi32>, vector<16xi32>, vector<16xi32>, vector<16xi32>], vector<16xf32>, vector<16xi1>
            %add3A_370 = arith.constant 1 : i32
            %add3A_371 = vector.broadcast %add3A_370 : i32 to vector<16xi32>
            %add3A_372 = arith.addi %broadcast_in_dim3A_11, %add3A_371 : vector<16xi32>
            %add3A_373 = arith.constant 1 : i32
            %add3A_374 = vector.broadcast %add3A_373 : i32 to vector<16xi32>
            %add3A_375 = arith.addi %broadcast_in_dim3A_11, %add3A_374 : vector<16xi32>
            tpu.vector_store_idx %arg11[%add3A_375, %add3A_372, %shift_right_arithmetic3A_360, %and3A_363], %broadcast_in_dim3A_9 masked %lt3A_358 : memref<2x8x8x432xf32, #tpu.memory_space<vmem>>[vector<16xi32>, vector<16xi32>, vector<16xi32>, vector<16xi32>], vector<16xf32>, vector<16xi1>
            %add3A_376 = arith.constant 2 : i32
            %add3A_377 = vector.broadcast %add3A_376 : i32 to vector<16xi32>
            %add3A_378 = arith.addi %broadcast_in_dim3A_11, %add3A_377 : vector<16xi32>
            %add3A_379 = arith.constant 1 : i32
            %add3A_380 = vector.broadcast %add3A_379 : i32 to vector<16xi32>
            %add3A_381 = arith.addi %broadcast_in_dim3A_11, %add3A_380 : vector<16xi32>
            tpu.vector_store_idx %arg11[%add3A_381, %add3A_378, %shift_right_arithmetic3A_360, %and3A_363], %broadcast_in_dim3A_9 masked %lt3A_358 : memref<2x8x8x432xf32, #tpu.memory_space<vmem>>[vector<16xi32>, vector<16xi32>, vector<16xi32>, vector<16xi32>], vector<16xf32>, vector<16xi1>
            %add3A_382 = arith.constant 3 : i32
            %add3A_383 = vector.broadcast %add3A_382 : i32 to vector<16xi32>
            %add3A_384 = arith.addi %broadcast_in_dim3A_11, %add3A_383 : vector<16xi32>
            %add3A_385 = arith.constant 1 : i32
            %add3A_386 = vector.broadcast %add3A_385 : i32 to vector<16xi32>
            %add3A_387 = arith.addi %broadcast_in_dim3A_11, %add3A_386 : vector<16xi32>
            tpu.vector_store_idx %arg11[%add3A_387, %add3A_384, %shift_right_arithmetic3A_360, %and3A_363], %broadcast_in_dim3A_9 masked %lt3A_358 : memref<2x8x8x432xf32, #tpu.memory_space<vmem>>[vector<16xi32>, vector<16xi32>, vector<16xi32>, vector<16xi32>], vector<16xf32>, vector<16xi1>
            %add3A_388 = arith.constant 4 : i32
            %add3A_389 = vector.broadcast %add3A_388 : i32 to vector<16xi32>
            %add3A_390 = arith.addi %broadcast_in_dim3A_11, %add3A_389 : vector<16xi32>
            %add3A_391 = arith.constant 1 : i32
            %add3A_392 = vector.broadcast %add3A_391 : i32 to vector<16xi32>
            %add3A_393 = arith.addi %broadcast_in_dim3A_11, %add3A_392 : vector<16xi32>
            tpu.vector_store_idx %arg11[%add3A_393, %add3A_390, %shift_right_arithmetic3A_360, %and3A_363], %broadcast_in_dim3A_9 masked %lt3A_358 : memref<2x8x8x432xf32, #tpu.memory_space<vmem>>[vector<16xi32>, vector<16xi32>, vector<16xi32>, vector<16xi32>], vector<16xf32>, vector<16xi1>
            %add3A_394 = arith.constant 5 : i32
            %add3A_395 = vector.broadcast %add3A_394 : i32 to vector<16xi32>
            %add3A_396 = arith.addi %broadcast_in_dim3A_11, %add3A_395 : vector<16xi32>
            %add3A_397 = arith.constant 1 : i32
            %add3A_398 = vector.broadcast %add3A_397 : i32 to vector<16xi32>
            %add3A_399 = arith.addi %broadcast_in_dim3A_11, %add3A_398 : vector<16xi32>
            tpu.vector_store_idx %arg11[%add3A_399, %add3A_396, %shift_right_arithmetic3A_360, %and3A_363], %broadcast_in_dim3A_9 masked %lt3A_358 : memref<2x8x8x432xf32, #tpu.memory_space<vmem>>[vector<16xi32>, vector<16xi32>, vector<16xi32>, vector<16xi32>], vector<16xf32>, vector<16xi1>
            %add3A_400 = arith.constant 6 : i32
            %add3A_401 = vector.broadcast %add3A_400 : i32 to vector<16xi32>
            %add3A_402 = arith.addi %broadcast_in_dim3A_11, %add3A_401 : vector<16xi32>
            %add3A_403 = arith.constant 1 : i32
            %add3A_404 = vector.broadcast %add3A_403 : i32 to vector<16xi32>
            %add3A_405 = arith.addi %broadcast_in_dim3A_11, %add3A_404 : vector<16xi32>
            tpu.vector_store_idx %arg11[%add3A_405, %add3A_402, %shift_right_arithmetic3A_360, %and3A_363], %broadcast_in_dim3A_9 masked %lt3A_358 : memref<2x8x8x432xf32, #tpu.memory_space<vmem>>[vector<16xi32>, vector<16xi32>, vector<16xi32>, vector<16xi32>], vector<16xf32>, vector<16xi1>
            %add3A_406 = arith.constant 7 : i32
            %add3A_407 = vector.broadcast %add3A_406 : i32 to vector<16xi32>
            %add3A_408 = arith.addi %broadcast_in_dim3A_11, %add3A_407 : vector<16xi32>
            %add3A_409 = arith.constant 1 : i32
            %add3A_410 = vector.broadcast %add3A_409 : i32 to vector<16xi32>
            %add3A_411 = arith.addi %broadcast_in_dim3A_11, %add3A_410 : vector<16xi32>
            tpu.vector_store_idx %arg11[%add3A_411, %add3A_408, %shift_right_arithmetic3A_360, %and3A_363], %broadcast_in_dim3A_9 masked %lt3A_358 : memref<2x8x8x432xf32, #tpu.memory_space<vmem>>[vector<16xi32>, vector<16xi32>, vector<16xi32>, vector<16xi32>], vector<16xf32>, vector<16xi1>
            %while3A_412 = arith.constant 0 : i32
            scf.yield %while3A_412 : i32
          }
        } else {
        }
        %while3A_264 = arith.constant 0 : i32
        %while3A_265 = arith.constant 0 : i32
        %while3A_266 = arith.subi %select_n3A_219, %while3A_264 : i32
        %while3A_267 = arith.addi %while3A_264, %while3A_266 : i32
        %while3A_268 = arith.constant 1 : i32
        %while3A_269 = arith.divsi %while3A_266, %while3A_268 : i32
        %while3A_270 = arith.muli %while3A_269, %while3A_268 : i32
        %while3A_271 = arith.addi %while3A_264, %while3A_270 : i32
        %while3A_272 = arith.constant 1 : i32
        %while3A_273 = scf.for %while3A_287 = %while3A_264 to %while3A_271 step %while3A_272 iter_args(%while3A_288 = %while3A_265) -> (i32)  : i32 {
          %mul3A_289 = arith.constant 192 : i32
          %mul3A_290 = arith.muli %while3A_287, %mul3A_289 : i32
          %sub3A_291 = arith.subi %reduce_max3A_191, %mul3A_290 : i32
          %min3A_292 = arith.constant 192 : i32
          %min3A_293 = arith.minsi %sub3A_291, %min3A_292 : i32
          %add3A_294 = arith.constant 15 : i32
          %add3A_295 = arith.addi %min3A_293, %add3A_294 : i32
          %jit3A_296 = arith.constant 16 : i32
          %div3A_297 = arith.divsi %add3A_295, %jit3A_296 : i32
          %sign3A_298 = arith.constant 0 : i32
          %sign3A_299 = arith.cmpi sgt, %add3A_295, %sign3A_298 : i32
          %sign3A_300 = arith.extui %sign3A_299 : i1 to i32
          %sign3A_301 = arith.constant 0 : i32
          %sign3A_302 = arith.cmpi slt, %add3A_295, %sign3A_301 : i32
          %sign3A_303 = arith.extui %sign3A_302 : i1 to i32
          %sign3A_304 = arith.subi %sign3A_300, %sign3A_303 : i32
          %sign3A_305 = arith.constant 0 : i32
          %sign3A_306 = arith.cmpi sgt, %jit3A_296, %sign3A_305 : i32
          %sign3A_307 = arith.extui %sign3A_306 : i1 to i32
          %sign3A_308 = arith.constant 0 : i32
          %sign3A_309 = arith.cmpi slt, %jit3A_296, %sign3A_308 : i32
          %sign3A_310 = arith.extui %sign3A_309 : i1 to i32
          %sign3A_311 = arith.subi %sign3A_307, %sign3A_310 : i32
          %ne3A_312 = arith.cmpi ne, %sign3A_304, %sign3A_311 : i32
          %rem3A_313 = arith.remsi %add3A_295, %jit3A_296 : i32
          %ne3A_314 = arith.constant 0 : i32
          %ne3A_315 = arith.cmpi ne, %rem3A_313, %ne3A_314 : i32
          %and3A_316 = arith.andi %ne3A_312, %ne3A_315 : i1
          %sub3A_317 = arith.constant 1 : i32
          %sub3A_318 = arith.subi %div3A_297, %sub3A_317 : i32
          %select_n3A_319 = arith.select %and3A_316, %sub3A_318, %div3A_297 : i32
          %eq3A_320 = arith.constant 0 : i32
          %eq3A_321 = arith.cmpi eq, %scan3A_227, %eq3A_320 : i32
          %gt3A_322 = arith.constant 192 : i32
          %gt3A_323 = arith.cmpi sgt, %reduce_max3A_191, %gt3A_322 : i32
          %or3A = arith.ori %eq3A_321, %gt3A_323 : i1
          %convert_element_type3A_324 = arith.extui %or3A : i1 to i32
          %cond3A_325 = arith.constant 0 : i32
          %cond3A_326 = arith.cmpi ne, %convert_element_type3A_324, %cond3A_325 : i32
          scf.if %cond3A_326 {
            %while3A_335 = arith.constant 0 : i32
            %while3A_336 = arith.constant 0 : i32
            %while3A_337 = arith.subi %select_n3A_319, %while3A_335 : i32
            %while3A_338 = arith.addi %while3A_335, %while3A_337 : i32
            %while3A_339 = arith.constant 1 : i32
            %while3A_340 = arith.divsi %while3A_337, %while3A_339 : i32
            %while3A_341 = arith.muli %while3A_340, %while3A_339 : i32
            %while3A_342 = arith.addi %while3A_335, %while3A_341 : i32
            %while3A_343 = arith.constant 1 : i32
            %while3A_344 = scf.for %while3A_359 = %while3A_335 to %while3A_342 step %while3A_343 iter_args(%while3A_360 = %while3A_336) -> (i32)  : i32 {
              %mul3A_361 = arith.constant 16 : i32
              %mul3A_362 = arith.muli %while3A_359, %mul3A_361 : i32
              %add3A_363 = arith.addi %mul3A_290, %mul3A_362 : i32
              %mul3A_364 = arith.constant 16 : i32
              %mul3A_365 = arith.muli %while3A_359, %mul3A_364 : i32
              %dma_start3A = arith.constant 0 : i32
              %dma_start3A_366 = tpu.memref_slice %arg10[%mul3A_365, %dma_start3A] : memref<192x128xf32, #tpu.memory_space<vmem>> -> memref<16x128xf32, #tpu.memory_space<vmem>>
              %dma_start3A_367 = tpu.memref_slice %arg7[%add3A_363] : memref<3456xi32, #tpu.memory_space<vmem>> -> memref<16xi32, #tpu.memory_space<vmem>>
              %dma_start3A_368 = arith.constant 0 : i32
              %dma_start3A_369 = arith.constant 0 : i32
              %dma_start3A_370 = tpu.memref_slice %arg2[%dma_start3A_368, %dma_start3A_369] : memref<16000x128xf32, #tpu.memory_space<hbm>> -> memref<16000x128xf32, #tpu.memory_space<hbm>>
              tpu.enqueue_indirect_dma source(%dma_start3A_370 : memref<16000x128xf32, #tpu.memory_space<hbm>>) target(%dma_start3A_366 : memref<16x128xf32, #tpu.memory_space<vmem>>) offsets(%dma_start3A_367 : memref<16xi32, #tpu.memory_space<vmem>>) semaphore(%arg12 : memref<!tpu.dma_semaphore, #tpu.memory_space<semaphore_mem>>)
              %while3A_371 = arith.constant 0 : i32
              scf.yield %while3A_371 : i32
            }
            %while3A_345 = arith.constant 1 : i32
            %while3A_346 = scf.for %while3A_359 = %while3A_342 to %while3A_338 step %while3A_345 iter_args(%while3A_360 = %while3A_344) -> (i32)  : i32 {
              %mul3A_361 = arith.constant 16 : i32
              %mul3A_362 = arith.muli %while3A_359, %mul3A_361 : i32
              %add3A_363 = arith.addi %mul3A_290, %mul3A_362 : i32
              %mul3A_364 = arith.constant 16 : i32
              %mul3A_365 = arith.muli %while3A_359, %mul3A_364 : i32
              %dma_start3A = arith.constant 0 : i32
              %dma_start3A_366 = tpu.memref_slice %arg10[%mul3A_365, %dma_start3A] : memref<192x128xf32, #tpu.memory_space<vmem>> -> memref<16x128xf32, #tpu.memory_space<vmem>>
              %dma_start3A_367 = tpu.memref_slice %arg7[%add3A_363] : memref<3456xi32, #tpu.memory_space<vmem>> -> memref<16xi32, #tpu.memory_space<vmem>>
              %dma_start3A_368 = arith.constant 0 : i32
              %dma_start3A_369 = arith.constant 0 : i32
              %dma_start3A_370 = tpu.memref_slice %arg2[%dma_start3A_368, %dma_start3A_369] : memref<16000x128xf32, #tpu.memory_space<hbm>> -> memref<16000x128xf32, #tpu.memory_space<hbm>>
              tpu.enqueue_indirect_dma source(%dma_start3A_370 : memref<16000x128xf32, #tpu.memory_space<hbm>>) target(%dma_start3A_366 : memref<16x128xf32, #tpu.memory_space<vmem>>) offsets(%dma_start3A_367 : memref<16xi32, #tpu.memory_space<vmem>>) semaphore(%arg12 : memref<!tpu.dma_semaphore, #tpu.memory_space<semaphore_mem>>)
              %while3A_371 = arith.constant 0 : i32
              scf.yield %while3A_371 : i32
            }
            %while3A_347 = arith.constant 0 : i32
            %while3A_348 = arith.constant 0 : i32
            %while3A_349 = arith.subi %select_n3A_319, %while3A_347 : i32
            %while3A_350 = arith.addi %while3A_347, %while3A_349 : i32
            %while3A_351 = arith.constant 1 : i32
            %while3A_352 = arith.divsi %while3A_349, %while3A_351 : i32
            %while3A_353 = arith.muli %while3A_352, %while3A_351 : i32
            %while3A_354 = arith.addi %while3A_347, %while3A_353 : i32
            %while3A_355 = arith.constant 1 : i32
            %while3A_356 = scf.for %while3A_359 = %while3A_347 to %while3A_354 step %while3A_355 iter_args(%while3A_360 = %while3A_348) -> (i32)  : i32 {
              %dma_wait3A_361 = arith.constant 0 : i32
              %dma_wait3A_362 = arith.constant 0 : i32
              %dma_wait3A_363 = tpu.memref_slice %arg10[%dma_wait3A_361, %dma_wait3A_362] : memref<192x128xf32, #tpu.memory_space<vmem>> -> memref<16x128xf32, #tpu.memory_space<vmem>>
              %dma_wait3A_364 = arith.constant 0 : i32
              %dma_wait3A_365 = tpu.memref_slice %arg7[%dma_wait3A_364] : memref<3456xi32, #tpu.memory_space<vmem>> -> memref<16xi32, #tpu.memory_space<vmem>>
              %dma_wait3A_366 = arith.constant 0 : i32
              %dma_wait3A_367 = arith.constant 0 : i32
              %dma_wait3A_368 = tpu.memref_slice %arg2[%dma_wait3A_366, %dma_wait3A_367] : memref<16000x128xf32, #tpu.memory_space<hbm>> -> memref<16000x128xf32, #tpu.memory_space<hbm>>
              tpu.wait_indirect_dma semaphore(%arg12 : memref<!tpu.dma_semaphore, #tpu.memory_space<semaphore_mem>>) src(%dma_wait3A_368 : memref<16000x128xf32, #tpu.memory_space<hbm>>) dst(%dma_wait3A_363 : memref<16x128xf32, #tpu.memory_space<vmem>>)
              %while3A_369 = arith.constant 0 : i32
              scf.yield %while3A_369 : i32
            }
            %while3A_357 = arith.constant 1 : i32
            %while3A_358 = scf.for %while3A_359 = %while3A_354 to %while3A_350 step %while3A_357 iter_args(%while3A_360 = %while3A_356) -> (i32)  : i32 {
              %dma_wait3A_361 = arith.constant 0 : i32
              %dma_wait3A_362 = arith.constant 0 : i32
              %dma_wait3A_363 = tpu.memref_slice %arg10[%dma_wait3A_361, %dma_wait3A_362] : memref<192x128xf32, #tpu.memory_space<vmem>> -> memref<16x128xf32, #tpu.memory_space<vmem>>
              %dma_wait3A_364 = arith.constant 0 : i32
              %dma_wait3A_365 = tpu.memref_slice %arg7[%dma_wait3A_364] : memref<3456xi32, #tpu.memory_space<vmem>> -> memref<16xi32, #tpu.memory_space<vmem>>
              %dma_wait3A_366 = arith.constant 0 : i32
              %dma_wait3A_367 = arith.constant 0 : i32
              %dma_wait3A_368 = tpu.memref_slice %arg2[%dma_wait3A_366, %dma_wait3A_367] : memref<16000x128xf32, #tpu.memory_space<hbm>> -> memref<16000x128xf32, #tpu.memory_space<hbm>>
              tpu.wait_indirect_dma semaphore(%arg12 : memref<!tpu.dma_semaphore, #tpu.memory_space<semaphore_mem>>) src(%dma_wait3A_368 : memref<16000x128xf32, #tpu.memory_space<hbm>>) dst(%dma_wait3A_363 : memref<16x128xf32, #tpu.memory_space<vmem>>)
              %while3A_369 = arith.constant 0 : i32
              scf.yield %while3A_369 : i32
            }
          } else {
          }
          %scan3A_327 = arith.constant 0 : i32
          %scan3A_328 = arith.constant 0 : i32
          %scan3A_329 = arith.constant 12 : i32
          %scan3A_330 = arith.addi %scan3A_328, %scan3A_329 : i32
          %scan3A_331 = arith.constant 1 : i32
          %scan3A_332 = scf.for %scan3A_335 = %scan3A_328 to %scan3A_330 step %scan3A_331 iter_args(%scan3A_336 = %scan3A_327) -> (i32)  : i32 {
            %mul3A_337 = arith.constant 16 : i32
            %mul3A_338 = arith.muli %scan3A_335, %mul3A_337 : i32
            %add3A_339 = vector.broadcast %mul3A_338 : i32 to vector<16xi32>
            %add3A_340 = arith.addi %add3A_339, %iota3A : vector<16xi32>
            %add3A_341 = vector.broadcast %mul3A_290 : i32 to vector<16xi32>
            %add3A_342 = arith.addi %add3A_341, %add3A_340 : vector<16xi32>
            %lt3A_343 = vector.broadcast %reduce_max3A_191 : i32 to vector<16xi32>
            %lt3A_344 = arith.cmpi slt, %add3A_342, %lt3A_343 : vector<16xi32>
            %mul3A_345 = arith.constant 16 : i32
            %mul3A_346 = arith.muli %scan3A_335, %mul3A_345 : i32
            %add3A_347 = arith.addi %mul3A_290, %mul3A_346 : i32
            %get3A = arith.index_cast %add3A_347 : i32 to index
            %get3A_348 = tpu.vector_load %arg9[%get3A] {strides = array<i32>} : memref<3456xi32, #tpu.memory_space<vmem>>, vector<16xi32>,
            %mul3A_349 = arith.constant 16 : i32
            %mul3A_350 = arith.muli %scan3A_335, %mul3A_349 : i32
            %add3A_351 = arith.addi %mul3A_290, %mul3A_350 : i32
            %get3A_352 = arith.index_cast %add3A_351 : i32 to index
            %get3A_353 = tpu.vector_load %arg8[%get3A_352] {strides = array<i32>} : memref<3456xi32, #tpu.memory_space<vmem>>, vector<16xi32>,
            %shift_right_arithmetic3A = arith.constant 9 : i32
            %shift_right_arithmetic3A_354 = vector.broadcast %shift_right_arithmetic3A : i32 to vector<16xi32>
            %shift_right_arithmetic3A_355 = arith.shrsi %get3A_348, %shift_right_arithmetic3A_354 : vector<16xi32>
            %and3A_356 = arith.constant 511 : i32
            %and3A_357 = vector.broadcast %and3A_356 : i32 to vector<16xi32>
            %and3A_358 = arith.andi %get3A_348, %and3A_357 : vector<16xi32>
            %add3A_359 = arith.constant 0 : i32
            %add3A_360 = vector.broadcast %add3A_359 : i32 to vector<16xi32>
            %add3A_361 = arith.addi %broadcast_in_dim3A_11, %add3A_360 : vector<16xi32>
            %add3A_362 = arith.constant 0 : i32
            %add3A_363 = arith.addi %mul3A_248, %add3A_362 : i32
            %add3A_364 = vector.broadcast %add3A_363 : i32 to vector<16xi32>
            %add3A_365 = arith.addi %get3A_353, %add3A_364 : vector<16xi32>
            %gather3A = tpu.vector_load_idx %arg10[%add3A_340, %add3A_365] masked %lt3A_344 : memref<192x128xf32, #tpu.memory_space<vmem>>[vector<16xi32>, vector<16xi32>], vector<16xf32>, vector<16xi1>
            tpu.vector_store_idx %arg11[%add3A_246, %add3A_361, %shift_right_arithmetic3A_355, %and3A_358], %gather3A masked %lt3A_344 : memref<2x8x8x432xf32, #tpu.memory_space<vmem>>[vector<16xi32>, vector<16xi32>, vector<16xi32>, vector<16xi32>], vector<16xf32>, vector<16xi1>
            %add3A_366 = arith.constant 1 : i32
            %add3A_367 = vector.broadcast %add3A_366 : i32 to vector<16xi32>
            %add3A_368 = arith.addi %broadcast_in_dim3A_11, %add3A_367 : vector<16xi32>
            %add3A_369 = arith.constant 1 : i32
            %add3A_370 = arith.addi %mul3A_248, %add3A_369 : i32
            %add3A_371 = vector.broadcast %add3A_370 : i32 to vector<16xi32>
            %add3A_372 = arith.addi %get3A_353, %add3A_371 : vector<16xi32>
            %gather3A_373 = tpu.vector_load_idx %arg10[%add3A_340, %add3A_372] masked %lt3A_344 : memref<192x128xf32, #tpu.memory_space<vmem>>[vector<16xi32>, vector<16xi32>], vector<16xf32>, vector<16xi1>
            tpu.vector_store_idx %arg11[%add3A_246, %add3A_368, %shift_right_arithmetic3A_355, %and3A_358], %gather3A_373 masked %lt3A_344 : memref<2x8x8x432xf32, #tpu.memory_space<vmem>>[vector<16xi32>, vector<16xi32>, vector<16xi32>, vector<16xi32>], vector<16xf32>, vector<16xi1>
            %add3A_374 = arith.constant 2 : i32
            %add3A_375 = vector.broadcast %add3A_374 : i32 to vector<16xi32>
            %add3A_376 = arith.addi %broadcast_in_dim3A_11, %add3A_375 : vector<16xi32>
            %add3A_377 = arith.constant 2 : i32
            %add3A_378 = arith.addi %mul3A_248, %add3A_377 : i32
            %add3A_379 = vector.broadcast %add3A_378 : i32 to vector<16xi32>
            %add3A_380 = arith.addi %get3A_353, %add3A_379 : vector<16xi32>
            %gather3A_381 = tpu.vector_load_idx %arg10[%add3A_340, %add3A_380] masked %lt3A_344 : memref<192x128xf32, #tpu.memory_space<vmem>>[vector<16xi32>, vector<16xi32>], vector<16xf32>, vector<16xi1>
            tpu.vector_store_idx %arg11[%add3A_246, %add3A_376, %shift_right_arithmetic3A_355, %and3A_358], %gather3A_381 masked %lt3A_344 : memref<2x8x8x432xf32, #tpu.memory_space<vmem>>[vector<16xi32>, vector<16xi32>, vector<16xi32>, vector<16xi32>], vector<16xf32>, vector<16xi1>
            %add3A_382 = arith.constant 3 : i32
            %add3A_383 = vector.broadcast %add3A_382 : i32 to vector<16xi32>
            %add3A_384 = arith.addi %broadcast_in_dim3A_11, %add3A_383 : vector<16xi32>
            %add3A_385 = arith.constant 3 : i32
            %add3A_386 = arith.addi %mul3A_248, %add3A_385 : i32
            %add3A_387 = vector.broadcast %add3A_386 : i32 to vector<16xi32>
            %add3A_388 = arith.addi %get3A_353, %add3A_387 : vector<16xi32>
            %gather3A_389 = tpu.vector_load_idx %arg10[%add3A_340, %add3A_388] masked %lt3A_344 : memref<192x128xf32, #tpu.memory_space<vmem>>[vector<16xi32>, vector<16xi32>], vector<16xf32>, vector<16xi1>
            tpu.vector_store_idx %arg11[%add3A_246, %add3A_384, %shift_right_arithmetic3A_355, %and3A_358], %gather3A_389 masked %lt3A_344 : memref<2x8x8x432xf32, #tpu.memory_space<vmem>>[vector<16xi32>, vector<16xi32>, vector<16xi32>, vector<16xi32>], vector<16xf32>, vector<16xi1>
            %add3A_390 = arith.constant 4 : i32
            %add3A_391 = vector.broadcast %add3A_390 : i32 to vector<16xi32>
            %add3A_392 = arith.addi %broadcast_in_dim3A_11, %add3A_391 : vector<16xi32>
            %add3A_393 = arith.constant 4 : i32
            %add3A_394 = arith.addi %mul3A_248, %add3A_393 : i32
            %add3A_395 = vector.broadcast %add3A_394 : i32 to vector<16xi32>
            %add3A_396 = arith.addi %get3A_353, %add3A_395 : vector<16xi32>
            %gather3A_397 = tpu.vector_load_idx %arg10[%add3A_340, %add3A_396] masked %lt3A_344 : memref<192x128xf32, #tpu.memory_space<vmem>>[vector<16xi32>, vector<16xi32>], vector<16xf32>, vector<16xi1>
            tpu.vector_store_idx %arg11[%add3A_246, %add3A_392, %shift_right_arithmetic3A_355, %and3A_358], %gather3A_397 masked %lt3A_344 : memref<2x8x8x432xf32, #tpu.memory_space<vmem>>[vector<16xi32>, vector<16xi32>, vector<16xi32>, vector<16xi32>], vector<16xf32>, vector<16xi1>
            %add3A_398 = arith.constant 5 : i32
            %add3A_399 = vector.broadcast %add3A_398 : i32 to vector<16xi32>
            %add3A_400 = arith.addi %broadcast_in_dim3A_11, %add3A_399 : vector<16xi32>
            %add3A_401 = arith.constant 5 : i32
            %add3A_402 = arith.addi %mul3A_248, %add3A_401 : i32
            %add3A_403 = vector.broadcast %add3A_402 : i32 to vector<16xi32>
            %add3A_404 = arith.addi %get3A_353, %add3A_403 : vector<16xi32>
            %gather3A_405 = tpu.vector_load_idx %arg10[%add3A_340, %add3A_404] masked %lt3A_344 : memref<192x128xf32, #tpu.memory_space<vmem>>[vector<16xi32>, vector<16xi32>], vector<16xf32>, vector<16xi1>
            tpu.vector_store_idx %arg11[%add3A_246, %add3A_400, %shift_right_arithmetic3A_355, %and3A_358], %gather3A_405 masked %lt3A_344 : memref<2x8x8x432xf32, #tpu.memory_space<vmem>>[vector<16xi32>, vector<16xi32>, vector<16xi32>, vector<16xi32>], vector<16xf32>, vector<16xi1>
            %add3A_406 = arith.constant 6 : i32
            %add3A_407 = vector.broadcast %add3A_406 : i32 to vector<16xi32>
            %add3A_408 = arith.addi %broadcast_in_dim3A_11, %add3A_407 : vector<16xi32>
            %add3A_409 = arith.constant 6 : i32
            %add3A_410 = arith.addi %mul3A_248, %add3A_409 : i32
            %add3A_411 = vector.broadcast %add3A_410 : i32 to vector<16xi32>
            %add3A_412 = arith.addi %get3A_353, %add3A_411 : vector<16xi32>
            %gather3A_413 = tpu.vector_load_idx %arg10[%add3A_340, %add3A_412] masked %lt3A_344 : memref<192x128xf32, #tpu.memory_space<vmem>>[vector<16xi32>, vector<16xi32>], vector<16xf32>, vector<16xi1>
            tpu.vector_store_idx %arg11[%add3A_246, %add3A_408, %shift_right_arithmetic3A_355, %and3A_358], %gather3A_413 masked %lt3A_344 : memref<2x8x8x432xf32, #tpu.memory_space<vmem>>[vector<16xi32>, vector<16xi32>, vector<16xi32>, vector<16xi32>], vector<16xf32>, vector<16xi1>
            %add3A_414 = arith.constant 7 : i32
            %add3A_415 = vector.broadcast %add3A_414 : i32 to vector<16xi32>
            %add3A_416 = arith.addi %broadcast_in_dim3A_11, %add3A_415 : vector<16xi32>
            %add3A_417 = arith.constant 7 : i32
            %add3A_418 = arith.addi %mul3A_248, %add3A_417 : i32
            %add3A_419 = vector.broadcast %add3A_418 : i32 to vector<16xi32>
            %add3A_420 = arith.addi %get3A_353, %add3A_419 : vector<16xi32>
            %gather3A_421 = tpu.vector_load_idx %arg10[%add3A_340, %add3A_420] masked %lt3A_344 : memref<192x128xf32, #tpu.memory_space<vmem>>[vector<16xi32>, vector<16xi32>], vector<16xf32>, vector<16xi1>
            tpu.vector_store_idx %arg11[%add3A_246, %add3A_416, %shift_right_arithmetic3A_355, %and3A_358], %gather3A_421 masked %lt3A_344 : memref<2x8x8x432xf32, #tpu.memory_space<vmem>>[vector<16xi32>, vector<16xi32>, vector<16xi32>, vector<16xi32>], vector<16xf32>, vector<16xi1>
            %scan3A_422 = arith.constant 0 : i32
            scf.yield %scan3A_422 : i32
          }
          %scan3A_333 = arith.constant 12 : i32
          %while3A_334 = arith.constant 0 : i32
          scf.yield %while3A_334 : i32
        }
        %while3A_274 = arith.constant 1 : i32
        %while3A_275 = scf.for %while3A_287 = %while3A_271 to %while3A_267 step %while3A_274 iter_args(%while3A_288 = %while3A_273) -> (i32)  : i32 {
          %mul3A_289 = arith.constant 192 : i32
          %mul3A_290 = arith.muli %while3A_287, %mul3A_289 : i32
          %sub3A_291 = arith.subi %reduce_max3A_191, %mul3A_290 : i32
          %min3A_292 = arith.constant 192 : i32
          %min3A_293 = arith.minsi %sub3A_291, %min3A_292 : i32
          %add3A_294 = arith.constant 15 : i32
          %add3A_295 = arith.addi %min3A_293, %add3A_294 : i32
          %jit3A_296 = arith.constant 16 : i32
          %div3A_297 = arith.divsi %add3A_295, %jit3A_296 : i32
          %sign3A_298 = arith.constant 0 : i32
          %sign3A_299 = arith.cmpi sgt, %add3A_295, %sign3A_298 : i32
          %sign3A_300 = arith.extui %sign3A_299 : i1 to i32
          %sign3A_301 = arith.constant 0 : i32
          %sign3A_302 = arith.cmpi slt, %add3A_295, %sign3A_301 : i32
          %sign3A_303 = arith.extui %sign3A_302 : i1 to i32
          %sign3A_304 = arith.subi %sign3A_300, %sign3A_303 : i32
          %sign3A_305 = arith.constant 0 : i32
          %sign3A_306 = arith.cmpi sgt, %jit3A_296, %sign3A_305 : i32
          %sign3A_307 = arith.extui %sign3A_306 : i1 to i32
          %sign3A_308 = arith.constant 0 : i32
          %sign3A_309 = arith.cmpi slt, %jit3A_296, %sign3A_308 : i32
          %sign3A_310 = arith.extui %sign3A_309 : i1 to i32
          %sign3A_311 = arith.subi %sign3A_307, %sign3A_310 : i32
          %ne3A_312 = arith.cmpi ne, %sign3A_304, %sign3A_311 : i32
          %rem3A_313 = arith.remsi %add3A_295, %jit3A_296 : i32
          %ne3A_314 = arith.constant 0 : i32
          %ne3A_315 = arith.cmpi ne, %rem3A_313, %ne3A_314 : i32
          %and3A_316 = arith.andi %ne3A_312, %ne3A_315 : i1
          %sub3A_317 = arith.constant 1 : i32
          %sub3A_318 = arith.subi %div3A_297, %sub3A_317 : i32
          %select_n3A_319 = arith.select %and3A_316, %sub3A_318, %div3A_297 : i32
          %eq3A_320 = arith.constant 0 : i32
          %eq3A_321 = arith.cmpi eq, %scan3A_227, %eq3A_320 : i32
          %gt3A_322 = arith.constant 192 : i32
          %gt3A_323 = arith.cmpi sgt, %reduce_max3A_191, %gt3A_322 : i32
          %or3A = arith.ori %eq3A_321, %gt3A_323 : i1
          %convert_element_type3A_324 = arith.extui %or3A : i1 to i32
          %cond3A_325 = arith.constant 0 : i32
          %cond3A_326 = arith.cmpi ne, %convert_element_type3A_324, %cond3A_325 : i32
          scf.if %cond3A_326 {
            %while3A_335 = arith.constant 0 : i32
            %while3A_336 = arith.constant 0 : i32
            %while3A_337 = arith.subi %select_n3A_319, %while3A_335 : i32
            %while3A_338 = arith.addi %while3A_335, %while3A_337 : i32
            %while3A_339 = arith.constant 1 : i32
            %while3A_340 = arith.divsi %while3A_337, %while3A_339 : i32
            %while3A_341 = arith.muli %while3A_340, %while3A_339 : i32
            %while3A_342 = arith.addi %while3A_335, %while3A_341 : i32
            %while3A_343 = arith.constant 1 : i32
            %while3A_344 = scf.for %while3A_359 = %while3A_335 to %while3A_342 step %while3A_343 iter_args(%while3A_360 = %while3A_336) -> (i32)  : i32 {
              %mul3A_361 = arith.constant 16 : i32
              %mul3A_362 = arith.muli %while3A_359, %mul3A_361 : i32
              %add3A_363 = arith.addi %mul3A_290, %mul3A_362 : i32
              %mul3A_364 = arith.constant 16 : i32
              %mul3A_365 = arith.muli %while3A_359, %mul3A_364 : i32
              %dma_start3A = arith.constant 0 : i32
              %dma_start3A_366 = tpu.memref_slice %arg10[%mul3A_365, %dma_start3A] : memref<192x128xf32, #tpu.memory_space<vmem>> -> memref<16x128xf32, #tpu.memory_space<vmem>>
              %dma_start3A_367 = tpu.memref_slice %arg7[%add3A_363] : memref<3456xi32, #tpu.memory_space<vmem>> -> memref<16xi32, #tpu.memory_space<vmem>>
              %dma_start3A_368 = arith.constant 0 : i32
              %dma_start3A_369 = arith.constant 0 : i32
              %dma_start3A_370 = tpu.memref_slice %arg2[%dma_start3A_368, %dma_start3A_369] : memref<16000x128xf32, #tpu.memory_space<hbm>> -> memref<16000x128xf32, #tpu.memory_space<hbm>>
              tpu.enqueue_indirect_dma source(%dma_start3A_370 : memref<16000x128xf32, #tpu.memory_space<hbm>>) target(%dma_start3A_366 : memref<16x128xf32, #tpu.memory_space<vmem>>) offsets(%dma_start3A_367 : memref<16xi32, #tpu.memory_space<vmem>>) semaphore(%arg12 : memref<!tpu.dma_semaphore, #tpu.memory_space<semaphore_mem>>)
              %while3A_371 = arith.constant 0 : i32
              scf.yield %while3A_371 : i32
            }
            %while3A_345 = arith.constant 1 : i32
            %while3A_346 = scf.for %while3A_359 = %while3A_342 to %while3A_338 step %while3A_345 iter_args(%while3A_360 = %while3A_344) -> (i32)  : i32 {
              %mul3A_361 = arith.constant 16 : i32
              %mul3A_362 = arith.muli %while3A_359, %mul3A_361 : i32
              %add3A_363 = arith.addi %mul3A_290, %mul3A_362 : i32
              %mul3A_364 = arith.constant 16 : i32
              %mul3A_365 = arith.muli %while3A_359, %mul3A_364 : i32
              %dma_start3A = arith.constant 0 : i32
              %dma_start3A_366 = tpu.memref_slice %arg10[%mul3A_365, %dma_start3A] : memref<192x128xf32, #tpu.memory_space<vmem>> -> memref<16x128xf32, #tpu.memory_space<vmem>>
              %dma_start3A_367 = tpu.memref_slice %arg7[%add3A_363] : memref<3456xi32, #tpu.memory_space<vmem>> -> memref<16xi32, #tpu.memory_space<vmem>>
              %dma_start3A_368 = arith.constant 0 : i32
              %dma_start3A_369 = arith.constant 0 : i32
              %dma_start3A_370 = tpu.memref_slice %arg2[%dma_start3A_368, %dma_start3A_369] : memref<16000x128xf32, #tpu.memory_space<hbm>> -> memref<16000x128xf32, #tpu.memory_space<hbm>>
              tpu.enqueue_indirect_dma source(%dma_start3A_370 : memref<16000x128xf32, #tpu.memory_space<hbm>>) target(%dma_start3A_366 : memref<16x128xf32, #tpu.memory_space<vmem>>) offsets(%dma_start3A_367 : memref<16xi32, #tpu.memory_space<vmem>>) semaphore(%arg12 : memref<!tpu.dma_semaphore, #tpu.memory_space<semaphore_mem>>)
              %while3A_371 = arith.constant 0 : i32
              scf.yield %while3A_371 : i32
            }
            %while3A_347 = arith.constant 0 : i32
            %while3A_348 = arith.constant 0 : i32
            %while3A_349 = arith.subi %select_n3A_319, %while3A_347 : i32
            %while3A_350 = arith.addi %while3A_347, %while3A_349 : i32
            %while3A_351 = arith.constant 1 : i32
            %while3A_352 = arith.divsi %while3A_349, %while3A_351 : i32
            %while3A_353 = arith.muli %while3A_352, %while3A_351 : i32
            %while3A_354 = arith.addi %while3A_347, %while3A_353 : i32
            %while3A_355 = arith.constant 1 : i32
            %while3A_356 = scf.for %while3A_359 = %while3A_347 to %while3A_354 step %while3A_355 iter_args(%while3A_360 = %while3A_348) -> (i32)  : i32 {
              %dma_wait3A_361 = arith.constant 0 : i32
              %dma_wait3A_362 = arith.constant 0 : i32
              %dma_wait3A_363 = tpu.memref_slice %arg10[%dma_wait3A_361, %dma_wait3A_362] : memref<192x128xf32, #tpu.memory_space<vmem>> -> memref<16x128xf32, #tpu.memory_space<vmem>>
              %dma_wait3A_364 = arith.constant 0 : i32
              %dma_wait3A_365 = tpu.memref_slice %arg7[%dma_wait3A_364] : memref<3456xi32, #tpu.memory_space<vmem>> -> memref<16xi32, #tpu.memory_space<vmem>>
              %dma_wait3A_366 = arith.constant 0 : i32
              %dma_wait3A_367 = arith.constant 0 : i32
              %dma_wait3A_368 = tpu.memref_slice %arg2[%dma_wait3A_366, %dma_wait3A_367] : memref<16000x128xf32, #tpu.memory_space<hbm>> -> memref<16000x128xf32, #tpu.memory_space<hbm>>
              tpu.wait_indirect_dma semaphore(%arg12 : memref<!tpu.dma_semaphore, #tpu.memory_space<semaphore_mem>>) src(%dma_wait3A_368 : memref<16000x128xf32, #tpu.memory_space<hbm>>) dst(%dma_wait3A_363 : memref<16x128xf32, #tpu.memory_space<vmem>>)
              %while3A_369 = arith.constant 0 : i32
              scf.yield %while3A_369 : i32
            }
            %while3A_357 = arith.constant 1 : i32
            %while3A_358 = scf.for %while3A_359 = %while3A_354 to %while3A_350 step %while3A_357 iter_args(%while3A_360 = %while3A_356) -> (i32)  : i32 {
              %dma_wait3A_361 = arith.constant 0 : i32
              %dma_wait3A_362 = arith.constant 0 : i32
              %dma_wait3A_363 = tpu.memref_slice %arg10[%dma_wait3A_361, %dma_wait3A_362] : memref<192x128xf32, #tpu.memory_space<vmem>> -> memref<16x128xf32, #tpu.memory_space<vmem>>
              %dma_wait3A_364 = arith.constant 0 : i32
              %dma_wait3A_365 = tpu.memref_slice %arg7[%dma_wait3A_364] : memref<3456xi32, #tpu.memory_space<vmem>> -> memref<16xi32, #tpu.memory_space<vmem>>
              %dma_wait3A_366 = arith.constant 0 : i32
              %dma_wait3A_367 = arith.constant 0 : i32
              %dma_wait3A_368 = tpu.memref_slice %arg2[%dma_wait3A_366, %dma_wait3A_367] : memref<16000x128xf32, #tpu.memory_space<hbm>> -> memref<16000x128xf32, #tpu.memory_space<hbm>>
              tpu.wait_indirect_dma semaphore(%arg12 : memref<!tpu.dma_semaphore, #tpu.memory_space<semaphore_mem>>) src(%dma_wait3A_368 : memref<16000x128xf32, #tpu.memory_space<hbm>>) dst(%dma_wait3A_363 : memref<16x128xf32, #tpu.memory_space<vmem>>)
              %while3A_369 = arith.constant 0 : i32
              scf.yield %while3A_369 : i32
            }
          } else {
          }
          %scan3A_327 = arith.constant 0 : i32
          %scan3A_328 = arith.constant 0 : i32
          %scan3A_329 = arith.constant 12 : i32
          %scan3A_330 = arith.addi %scan3A_328, %scan3A_329 : i32
          %scan3A_331 = arith.constant 1 : i32
          %scan3A_332 = scf.for %scan3A_335 = %scan3A_328 to %scan3A_330 step %scan3A_331 iter_args(%scan3A_336 = %scan3A_327) -> (i32)  : i32 {
            %mul3A_337 = arith.constant 16 : i32
            %mul3A_338 = arith.muli %scan3A_335, %mul3A_337 : i32
            %add3A_339 = vector.broadcast %mul3A_338 : i32 to vector<16xi32>
            %add3A_340 = arith.addi %add3A_339, %iota3A : vector<16xi32>
            %add3A_341 = vector.broadcast %mul3A_290 : i32 to vector<16xi32>
            %add3A_342 = arith.addi %add3A_341, %add3A_340 : vector<16xi32>
            %lt3A_343 = vector.broadcast %reduce_max3A_191 : i32 to vector<16xi32>
            %lt3A_344 = arith.cmpi slt, %add3A_342, %lt3A_343 : vector<16xi32>
            %mul3A_345 = arith.constant 16 : i32
            %mul3A_346 = arith.muli %scan3A_335, %mul3A_345 : i32
            %add3A_347 = arith.addi %mul3A_290, %mul3A_346 : i32
            %get3A = arith.index_cast %add3A_347 : i32 to index
            %get3A_348 = tpu.vector_load %arg9[%get3A] {strides = array<i32>} : memref<3456xi32, #tpu.memory_space<vmem>>, vector<16xi32>,
            %mul3A_349 = arith.constant 16 : i32
            %mul3A_350 = arith.muli %scan3A_335, %mul3A_349 : i32
            %add3A_351 = arith.addi %mul3A_290, %mul3A_350 : i32
            %get3A_352 = arith.index_cast %add3A_351 : i32 to index
            %get3A_353 = tpu.vector_load %arg8[%get3A_352] {strides = array<i32>} : memref<3456xi32, #tpu.memory_space<vmem>>, vector<16xi32>,
            %shift_right_arithmetic3A = arith.constant 9 : i32
            %shift_right_arithmetic3A_354 = vector.broadcast %shift_right_arithmetic3A : i32 to vector<16xi32>
            %shift_right_arithmetic3A_355 = arith.shrsi %get3A_348, %shift_right_arithmetic3A_354 : vector<16xi32>
            %and3A_356 = arith.constant 511 : i32
            %and3A_357 = vector.broadcast %and3A_356 : i32 to vector<16xi32>
            %and3A_358 = arith.andi %get3A_348, %and3A_357 : vector<16xi32>
            %add3A_359 = arith.constant 0 : i32
            %add3A_360 = vector.broadcast %add3A_359 : i32 to vector<16xi32>
            %add3A_361 = arith.addi %broadcast_in_dim3A_11, %add3A_360 : vector<16xi32>
            %add3A_362 = arith.constant 0 : i32
            %add3A_363 = arith.addi %mul3A_248, %add3A_362 : i32
            %add3A_364 = vector.broadcast %add3A_363 : i32 to vector<16xi32>
            %add3A_365 = arith.addi %get3A_353, %add3A_364 : vector<16xi32>
            %gather3A = tpu.vector_load_idx %arg10[%add3A_340, %add3A_365] masked %lt3A_344 : memref<192x128xf32, #tpu.memory_space<vmem>>[vector<16xi32>, vector<16xi32>], vector<16xf32>, vector<16xi1>
            tpu.vector_store_idx %arg11[%add3A_246, %add3A_361, %shift_right_arithmetic3A_355, %and3A_358], %gather3A masked %lt3A_344 : memref<2x8x8x432xf32, #tpu.memory_space<vmem>>[vector<16xi32>, vector<16xi32>, vector<16xi32>, vector<16xi32>], vector<16xf32>, vector<16xi1>
            %add3A_366 = arith.constant 1 : i32
            %add3A_367 = vector.broadcast %add3A_366 : i32 to vector<16xi32>
            %add3A_368 = arith.addi %broadcast_in_dim3A_11, %add3A_367 : vector<16xi32>
            %add3A_369 = arith.constant 1 : i32
            %add3A_370 = arith.addi %mul3A_248, %add3A_369 : i32
            %add3A_371 = vector.broadcast %add3A_370 : i32 to vector<16xi32>
            %add3A_372 = arith.addi %get3A_353, %add3A_371 : vector<16xi32>
            %gather3A_373 = tpu.vector_load_idx %arg10[%add3A_340, %add3A_372] masked %lt3A_344 : memref<192x128xf32, #tpu.memory_space<vmem>>[vector<16xi32>, vector<16xi32>], vector<16xf32>, vector<16xi1>
            tpu.vector_store_idx %arg11[%add3A_246, %add3A_368, %shift_right_arithmetic3A_355, %and3A_358], %gather3A_373 masked %lt3A_344 : memref<2x8x8x432xf32, #tpu.memory_space<vmem>>[vector<16xi32>, vector<16xi32>, vector<16xi32>, vector<16xi32>], vector<16xf32>, vector<16xi1>
            %add3A_374 = arith.constant 2 : i32
            %add3A_375 = vector.broadcast %add3A_374 : i32 to vector<16xi32>
            %add3A_376 = arith.addi %broadcast_in_dim3A_11, %add3A_375 : vector<16xi32>
            %add3A_377 = arith.constant 2 : i32
            %add3A_378 = arith.addi %mul3A_248, %add3A_377 : i32
            %add3A_379 = vector.broadcast %add3A_378 : i32 to vector<16xi32>
            %add3A_380 = arith.addi %get3A_353, %add3A_379 : vector<16xi32>
            %gather3A_381 = tpu.vector_load_idx %arg10[%add3A_340, %add3A_380] masked %lt3A_344 : memref<192x128xf32, #tpu.memory_space<vmem>>[vector<16xi32>, vector<16xi32>], vector<16xf32>, vector<16xi1>
            tpu.vector_store_idx %arg11[%add3A_246, %add3A_376, %shift_right_arithmetic3A_355, %and3A_358], %gather3A_381 masked %lt3A_344 : memref<2x8x8x432xf32, #tpu.memory_space<vmem>>[vector<16xi32>, vector<16xi32>, vector<16xi32>, vector<16xi32>], vector<16xf32>, vector<16xi1>
            %add3A_382 = arith.constant 3 : i32
            %add3A_383 = vector.broadcast %add3A_382 : i32 to vector<16xi32>
            %add3A_384 = arith.addi %broadcast_in_dim3A_11, %add3A_383 : vector<16xi32>
            %add3A_385 = arith.constant 3 : i32
            %add3A_386 = arith.addi %mul3A_248, %add3A_385 : i32
            %add3A_387 = vector.broadcast %add3A_386 : i32 to vector<16xi32>
            %add3A_388 = arith.addi %get3A_353, %add3A_387 : vector<16xi32>
            %gather3A_389 = tpu.vector_load_idx %arg10[%add3A_340, %add3A_388] masked %lt3A_344 : memref<192x128xf32, #tpu.memory_space<vmem>>[vector<16xi32>, vector<16xi32>], vector<16xf32>, vector<16xi1>
            tpu.vector_store_idx %arg11[%add3A_246, %add3A_384, %shift_right_arithmetic3A_355, %and3A_358], %gather3A_389 masked %lt3A_344 : memref<2x8x8x432xf32, #tpu.memory_space<vmem>>[vector<16xi32>, vector<16xi32>, vector<16xi32>, vector<16xi32>], vector<16xf32>, vector<16xi1>
            %add3A_390 = arith.constant 4 : i32
            %add3A_391 = vector.broadcast %add3A_390 : i32 to vector<16xi32>
            %add3A_392 = arith.addi %broadcast_in_dim3A_11, %add3A_391 : vector<16xi32>
            %add3A_393 = arith.constant 4 : i32
            %add3A_394 = arith.addi %mul3A_248, %add3A_393 : i32
            %add3A_395 = vector.broadcast %add3A_394 : i32 to vector<16xi32>
            %add3A_396 = arith.addi %get3A_353, %add3A_395 : vector<16xi32>
            %gather3A_397 = tpu.vector_load_idx %arg10[%add3A_340, %add3A_396] masked %lt3A_344 : memref<192x128xf32, #tpu.memory_space<vmem>>[vector<16xi32>, vector<16xi32>], vector<16xf32>, vector<16xi1>
            tpu.vector_store_idx %arg11[%add3A_246, %add3A_392, %shift_right_arithmetic3A_355, %and3A_358], %gather3A_397 masked %lt3A_344 : memref<2x8x8x432xf32, #tpu.memory_space<vmem>>[vector<16xi32>, vector<16xi32>, vector<16xi32>, vector<16xi32>], vector<16xf32>, vector<16xi1>
            %add3A_398 = arith.constant 5 : i32
            %add3A_399 = vector.broadcast %add3A_398 : i32 to vector<16xi32>
            %add3A_400 = arith.addi %broadcast_in_dim3A_11, %add3A_399 : vector<16xi32>
            %add3A_401 = arith.constant 5 : i32
            %add3A_402 = arith.addi %mul3A_248, %add3A_401 : i32
            %add3A_403 = vector.broadcast %add3A_402 : i32 to vector<16xi32>
            %add3A_404 = arith.addi %get3A_353, %add3A_403 : vector<16xi32>
            %gather3A_405 = tpu.vector_load_idx %arg10[%add3A_340, %add3A_404] masked %lt3A_344 : memref<192x128xf32, #tpu.memory_space<vmem>>[vector<16xi32>, vector<16xi32>], vector<16xf32>, vector<16xi1>
            tpu.vector_store_idx %arg11[%add3A_246, %add3A_400, %shift_right_arithmetic3A_355, %and3A_358], %gather3A_405 masked %lt3A_344 : memref<2x8x8x432xf32, #tpu.memory_space<vmem>>[vector<16xi32>, vector<16xi32>, vector<16xi32>, vector<16xi32>], vector<16xf32>, vector<16xi1>
            %add3A_406 = arith.constant 6 : i32
            %add3A_407 = vector.broadcast %add3A_406 : i32 to vector<16xi32>
            %add3A_408 = arith.addi %broadcast_in_dim3A_11, %add3A_407 : vector<16xi32>
            %add3A_409 = arith.constant 6 : i32
            %add3A_410 = arith.addi %mul3A_248, %add3A_409 : i32
            %add3A_411 = vector.broadcast %add3A_410 : i32 to vector<16xi32>
            %add3A_412 = arith.addi %get3A_353, %add3A_411 : vector<16xi32>
            %gather3A_413 = tpu.vector_load_idx %arg10[%add3A_340, %add3A_412] masked %lt3A_344 : memref<192x128xf32, #tpu.memory_space<vmem>>[vector<16xi32>, vector<16xi32>], vector<16xf32>, vector<16xi1>
            tpu.vector_store_idx %arg11[%add3A_246, %add3A_408, %shift_right_arithmetic3A_355, %and3A_358], %gather3A_413 masked %lt3A_344 : memref<2x8x8x432xf32, #tpu.memory_space<vmem>>[vector<16xi32>, vector<16xi32>, vector<16xi32>, vector<16xi32>], vector<16xf32>, vector<16xi1>
            %add3A_414 = arith.constant 7 : i32
            %add3A_415 = vector.broadcast %add3A_414 : i32 to vector<16xi32>
            %add3A_416 = arith.addi %broadcast_in_dim3A_11, %add3A_415 : vector<16xi32>
            %add3A_417 = arith.constant 7 : i32
            %add3A_418 = arith.addi %mul3A_248, %add3A_417 : i32
            %add3A_419 = vector.broadcast %add3A_418 : i32 to vector<16xi32>
            %add3A_420 = arith.addi %get3A_353, %add3A_419 : vector<16xi32>
            %gather3A_421 = tpu.vector_load_idx %arg10[%add3A_340, %add3A_420] masked %lt3A_344 : memref<192x128xf32, #tpu.memory_space<vmem>>[vector<16xi32>, vector<16xi32>], vector<16xf32>, vector<16xi1>
            tpu.vector_store_idx %arg11[%add3A_246, %add3A_416, %shift_right_arithmetic3A_355, %and3A_358], %gather3A_421 masked %lt3A_344 : memref<2x8x8x432xf32, #tpu.memory_space<vmem>>[vector<16xi32>, vector<16xi32>, vector<16xi32>, vector<16xi32>], vector<16xf32>, vector<16xi1>
            %scan3A_422 = arith.constant 0 : i32
            scf.yield %scan3A_422 : i32
          }
          %scan3A_333 = arith.constant 12 : i32
          %while3A_334 = arith.constant 0 : i32
          scf.yield %while3A_334 : i32
        }
        %eq3A_276 = arith.constant 0 : i32
        %eq3A_277 = arith.cmpi eq, %select_n3A_244, %eq3A_276 : i32
        %convert_element_type3A_278 = arith.extui %eq3A_277 : i1 to i32
        %cond3A_279 = arith.constant 0 : i32
        %cond3A_280 = arith.cmpi ne, %convert_element_type3A_278, %cond3A_279 : i32
        scf.if %cond3A_280 {
          %dma_start3A = arith.constant 0 : i32
          %dma_start3A_287 = arith.constant 0 : i32
          %dma_start3A_288 = arith.constant 0 : i32
          %dma_start3A_289 = arith.constant 0 : i32
          %dma_start3A_290 = tpu.memref_slice %arg11[%dma_start3A, %dma_start3A_287, %dma_start3A_288, %dma_start3A_289] : memref<2x8x8x432xf32, #tpu.memory_space<vmem>> -> memref<1x8x8x432xf32, #tpu.memory_space<vmem>>
          %dma_start3A_291 = tpu.memref_squeeze %dma_start3A_290 : memref<1x8x8x432xf32, #tpu.memory_space<vmem>> -> memref<8x8x432xf32, #tpu.memory_space<vmem>>
          %dma_start3A_292 = arith.constant 0 : i32
          %dma_start3A_293 = tpu.memref_slice %arg4[%select_n3A_117, %mul3A_248, %select_n3A_156, %mul3A_174, %dma_start3A_292] : memref<2x64x2x496x432xf32, #tpu.memory_space<hbm>> -> memref<1x8x1x8x432xf32, #tpu.memory_space<hbm>>
          %dma_start3A_294 = tpu.memref_squeeze %dma_start3A_293 : memref<1x8x1x8x432xf32, #tpu.memory_space<hbm>> -> memref<8x8x432xf32, #tpu.memory_space<hbm>>
          %dma_start3A_295 = arith.constant 0 : i32
          %dma_start3A_296 = tpu.memref_slice %arg4[%select_n3A_117, %mul3A_248, %select_n3A_156, %mul3A_174, %dma_start3A_295] : memref<2x64x2x496x432xf32, #tpu.memory_space<hbm>> -> memref<1x8x1x8x432xf32, #tpu.memory_space<hbm>>
          %dma_start3A_297 = tpu.memref_squeeze %dma_start3A_296 : memref<1x8x1x8x432xf32, #tpu.memory_space<hbm>> -> memref<8x8x432xf32, #tpu.memory_space<hbm>>
          %dma_start3A_298 = arith.constant 0 : i32
          %dma_start3A_299 = arith.constant 0 : i32
          %dma_start3A_300 = arith.constant 0 : i32
          %dma_start3A_301 = tpu.memref_slice %arg11[%dma_start3A, %dma_start3A_298, %dma_start3A_299, %dma_start3A_300] : memref<2x8x8x432xf32, #tpu.memory_space<vmem>> -> memref<1x8x8x432xf32, #tpu.memory_space<vmem>>
          %dma_start3A_302 = tpu.memref_squeeze %dma_start3A_301 : memref<1x8x8x432xf32, #tpu.memory_space<vmem>> -> memref<8x8x432xf32, #tpu.memory_space<vmem>>
          tpu.enqueue_dma source(%dma_start3A_302 : memref<8x8x432xf32, #tpu.memory_space<vmem>>) target(%dma_start3A_297 : memref<8x8x432xf32, #tpu.memory_space<hbm>>) target_semaphore(%arg13 : memref<!tpu.dma_semaphore, #tpu.memory_space<semaphore_mem>>)
        } else {
        }
        %eq3A_281 = arith.constant 1 : i32
        %eq3A_282 = arith.cmpi eq, %select_n3A_244, %eq3A_281 : i32
        %convert_element_type3A_283 = arith.extui %eq3A_282 : i1 to i32
        %cond3A_284 = arith.constant 0 : i32
        %cond3A_285 = arith.cmpi ne, %convert_element_type3A_283, %cond3A_284 : i32
        scf.if %cond3A_285 {
          %dma_start3A = arith.constant 1 : i32
          %dma_start3A_287 = arith.constant 0 : i32
          %dma_start3A_288 = arith.constant 0 : i32
          %dma_start3A_289 = arith.constant 0 : i32
          %dma_start3A_290 = tpu.memref_slice %arg11[%dma_start3A, %dma_start3A_287, %dma_start3A_288, %dma_start3A_289] : memref<2x8x8x432xf32, #tpu.memory_space<vmem>> -> memref<1x8x8x432xf32, #tpu.memory_space<vmem>>
          %dma_start3A_291 = tpu.memref_squeeze %dma_start3A_290 : memref<1x8x8x432xf32, #tpu.memory_space<vmem>> -> memref<8x8x432xf32, #tpu.memory_space<vmem>>
          %dma_start3A_292 = arith.constant 0 : i32
          %dma_start3A_293 = tpu.memref_slice %arg4[%select_n3A_117, %mul3A_248, %select_n3A_156, %mul3A_174, %dma_start3A_292] : memref<2x64x2x496x432xf32, #tpu.memory_space<hbm>> -> memref<1x8x1x8x432xf32, #tpu.memory_space<hbm>>
          %dma_start3A_294 = tpu.memref_squeeze %dma_start3A_293 : memref<1x8x1x8x432xf32, #tpu.memory_space<hbm>> -> memref<8x8x432xf32, #tpu.memory_space<hbm>>
          %dma_start3A_295 = arith.constant 0 : i32
          %dma_start3A_296 = tpu.memref_slice %arg4[%select_n3A_117, %mul3A_248, %select_n3A_156, %mul3A_174, %dma_start3A_295] : memref<2x64x2x496x432xf32, #tpu.memory_space<hbm>> -> memref<1x8x1x8x432xf32, #tpu.memory_space<hbm>>
          %dma_start3A_297 = tpu.memref_squeeze %dma_start3A_296 : memref<1x8x1x8x432xf32, #tpu.memory_space<hbm>> -> memref<8x8x432xf32, #tpu.memory_space<hbm>>
          %dma_start3A_298 = arith.constant 0 : i32
          %dma_start3A_299 = arith.constant 0 : i32
          %dma_start3A_300 = arith.constant 0 : i32
          %dma_start3A_301 = tpu.memref_slice %arg11[%dma_start3A, %dma_start3A_298, %dma_start3A_299, %dma_start3A_300] : memref<2x8x8x432xf32, #tpu.memory_space<vmem>> -> memref<1x8x8x432xf32, #tpu.memory_space<vmem>>
          %dma_start3A_302 = tpu.memref_squeeze %dma_start3A_301 : memref<1x8x8x432xf32, #tpu.memory_space<vmem>> -> memref<8x8x432xf32, #tpu.memory_space<vmem>>
          tpu.enqueue_dma source(%dma_start3A_302 : memref<8x8x432xf32, #tpu.memory_space<vmem>>) target(%dma_start3A_297 : memref<8x8x432xf32, #tpu.memory_space<hbm>>) target_semaphore(%arg14 : memref<!tpu.dma_semaphore, #tpu.memory_space<semaphore_mem>>)
        } else {
        }
        %scan3A_286 = arith.constant 0 : i32
        scf.yield %scan3A_286 : i32
      }
      %scan3A_226 = arith.constant 8 : i32
      scf.yield %reduce_max3A_191 : i32
    }
    %dma_wait3A = arith.constant 0 : i32
    %dma_wait3A_52 = arith.constant 0 : i32
    %dma_wait3A_53 = arith.constant 0 : i32
    %dma_wait3A_54 = arith.constant 0 : i32
    %dma_wait3A_55 = arith.constant 0 : i32
    %dma_wait3A_56 = arith.constant 0 : i32
    %dma_wait3A_57 = tpu.memref_slice %arg11[%dma_wait3A, %dma_wait3A_54, %dma_wait3A_55, %dma_wait3A_56] : memref<2x8x8x432xf32, #tpu.memory_space<vmem>> -> memref<1x8x8x432xf32, #tpu.memory_space<vmem>>
    %dma_wait3A_58 = tpu.memref_squeeze %dma_wait3A_57 : memref<1x8x8x432xf32, #tpu.memory_space<vmem>> -> memref<8x8x432xf32, #tpu.memory_space<vmem>>
    %dma_wait3A_59 = arith.constant 0 : i32
    %dma_wait3A_60 = arith.constant 0 : i32
    %dma_wait3A_61 = arith.constant 0 : i32
    %dma_wait3A_62 = tpu.memref_slice %arg4[%dma_wait3A_52, %dma_wait3A_59, %dma_wait3A_53, %dma_wait3A_60, %dma_wait3A_61] : memref<2x64x2x496x432xf32, #tpu.memory_space<hbm>> -> memref<1x8x1x8x432xf32, #tpu.memory_space<hbm>>
    %dma_wait3A_63 = tpu.memref_squeeze %dma_wait3A_62 : memref<1x8x1x8x432xf32, #tpu.memory_space<hbm>> -> memref<8x8x432xf32, #tpu.memory_space<hbm>>
    %dma_wait3A_64 = arith.constant 0 : i32
    %dma_wait3A_65 = arith.constant 0 : i32
    %dma_wait3A_66 = arith.constant 0 : i32
    %dma_wait3A_67 = tpu.memref_slice %arg4[%dma_wait3A_52, %dma_wait3A_64, %dma_wait3A_53, %dma_wait3A_65, %dma_wait3A_66] : memref<2x64x2x496x432xf32, #tpu.memory_space<hbm>> -> memref<1x8x1x8x432xf32, #tpu.memory_space<hbm>>
    %dma_wait3A_68 = tpu.memref_squeeze %dma_wait3A_67 : memref<1x8x1x8x432xf32, #tpu.memory_space<hbm>> -> memref<8x8x432xf32, #tpu.memory_space<hbm>>
    %dma_wait3A_69 = arith.constant 0 : i32
    %dma_wait3A_70 = arith.constant 0 : i32
    %dma_wait3A_71 = arith.constant 0 : i32
    %dma_wait3A_72 = tpu.memref_slice %arg11[%dma_wait3A, %dma_wait3A_69, %dma_wait3A_70, %dma_wait3A_71] : memref<2x8x8x432xf32, #tpu.memory_space<vmem>> -> memref<1x8x8x432xf32, #tpu.memory_space<vmem>>
    %dma_wait3A_73 = tpu.memref_squeeze %dma_wait3A_72 : memref<1x8x8x432xf32, #tpu.memory_space<vmem>> -> memref<8x8x432xf32, #tpu.memory_space<vmem>>
    tpu.wait_dma2 semaphore(%arg13 : memref<!tpu.dma_semaphore, #tpu.memory_space<semaphore_mem>>) src(%dma_wait3A_73 : memref<8x8x432xf32, #tpu.memory_space<vmem>>) dst(%dma_wait3A_68 : memref<8x8x432xf32, #tpu.memory_space<hbm>>)
    %dma_wait3A_74 = arith.constant 1 : i32
    %dma_wait3A_75 = arith.constant 0 : i32
    %dma_wait3A_76 = arith.constant 0 : i32
    %dma_wait3A_77 = arith.constant 0 : i32
    %dma_wait3A_78 = arith.constant 0 : i32
    %dma_wait3A_79 = arith.constant 0 : i32
    %dma_wait3A_80 = tpu.memref_slice %arg11[%dma_wait3A_74, %dma_wait3A_77, %dma_wait3A_78, %dma_wait3A_79] : memref<2x8x8x432xf32, #tpu.memory_space<vmem>> -> memref<1x8x8x432xf32, #tpu.memory_space<vmem>>
    %dma_wait3A_81 = tpu.memref_squeeze %dma_wait3A_80 : memref<1x8x8x432xf32, #tpu.memory_space<vmem>> -> memref<8x8x432xf32, #tpu.memory_space<vmem>>
    %dma_wait3A_82 = arith.constant 0 : i32
    %dma_wait3A_83 = arith.constant 0 : i32
    %dma_wait3A_84 = arith.constant 0 : i32
    %dma_wait3A_85 = tpu.memref_slice %arg4[%dma_wait3A_75, %dma_wait3A_82, %dma_wait3A_76, %dma_wait3A_83, %dma_wait3A_84] : memref<2x64x2x496x432xf32, #tpu.memory_space<hbm>> -> memref<1x8x1x8x432xf32, #tpu.memory_space<hbm>>
    %dma_wait3A_86 = tpu.memref_squeeze %dma_wait3A_85 : memref<1x8x1x8x432xf32, #tpu.memory_space<hbm>> -> memref<8x8x432xf32, #tpu.memory_space<hbm>>
    %dma_wait3A_87 = arith.constant 0 : i32
    %dma_wait3A_88 = arith.constant 0 : i32
    %dma_wait3A_89 = arith.constant 0 : i32
    %dma_wait3A_90 = tpu.memref_slice %arg4[%dma_wait3A_75, %dma_wait3A_87, %dma_wait3A_76, %dma_wait3A_88, %dma_wait3A_89] : memref<2x64x2x496x432xf32, #tpu.memory_space<hbm>> -> memref<1x8x1x8x432xf32, #tpu.memory_space<hbm>>
    %dma_wait3A_91 = tpu.memref_squeeze %dma_wait3A_90 : memref<1x8x1x8x432xf32, #tpu.memory_space<hbm>> -> memref<8x8x432xf32, #tpu.memory_space<hbm>>
    %dma_wait3A_92 = arith.constant 0 : i32
    %dma_wait3A_93 = arith.constant 0 : i32
    %dma_wait3A_94 = arith.constant 0 : i32
    %dma_wait3A_95 = tpu.memref_slice %arg11[%dma_wait3A_74, %dma_wait3A_92, %dma_wait3A_93, %dma_wait3A_94] : memref<2x8x8x432xf32, #tpu.memory_space<vmem>> -> memref<1x8x8x432xf32, #tpu.memory_space<vmem>>
    %dma_wait3A_96 = tpu.memref_squeeze %dma_wait3A_95 : memref<1x8x8x432xf32, #tpu.memory_space<vmem>> -> memref<8x8x432xf32, #tpu.memory_space<vmem>>
    tpu.wait_dma2 semaphore(%arg14 : memref<!tpu.dma_semaphore, #tpu.memory_space<semaphore_mem>>) src(%dma_wait3A_96 : memref<8x8x432xf32, #tpu.memory_space<vmem>>) dst(%dma_wait3A_91 : memref<8x8x432xf32, #tpu.memory_space<hbm>>)
    return
  }
}

</mosaic_0001>

<sc_bundles>
// kernel: _voxel_scatter.3.cloned.1.call-start
scs
__scs_entry_jumppad:
0x0: {  	(pc) =	sbr.rel $0x88, $3  }
0x1: {  	(tag) =	ssettag $0x0;
	lr =	simm.s32 $0x1  }
0x2: {  	[smem:$0x3F9F] =	sst lr;
	_ =	strace $0xD0000000  }
0x3: {  	_ = 	snop  }
0x4: {  	_ = 	snop  }
0x5: {  	_ = 	snop  }
0x6: {  	_ = 	snop  }
0x7: {  	_ = 	snop  }
__scs_overlays_trampoline_lowered:
0x8: {  	[smem:$0x3FAE] =	sst s0  }
0x9: {  	[smem:$0x3FAF] =	sst s1  }
0xa: {  	[smem:$0x3FB0] =	sst s2  }
0xb: {  	[smem:$0x3FB1] =	sst s3  }
0xc: {  	[smem:$0x3FB2] =	sst s4  }
0xd: {  	[smem:$0x3FB3] =	sst s5  }
0xe: {  	[smem:$0x3FB4] =	sst s6  }
0xf: {  	[smem:$0x3FB5] =	sst s7  }
0x10: {  	[smem:$0x3FB6] =	sst s8  }
0x11: {  	[smem:$0x3FB7] =	sst s9;
	s0 =	simm.s32 @!p0 $0x0  }
0x12: {  	s1 =	sld [smem:$0x3F9D];
	s0 =	simm.s32 @p0 $0x1  }
0x13: {  	[smem:$0x3FB8] =	sst s0;
	s0 =	simm.s32 @!p1 $0x0  }
0x14: {  	s2 =	sld [smem:$0x3F9C];
	s0 =	simm.s32 @p1 $0x1  }
0x15: {  	[smem:$0x3FB9] =	sst s0;
	s0 =	simm.s32 @!p2 $0x0  }
0x16: {  	s3 =	sld [smem:$0x3FDB];
	s0 =	simm.s32 @p2 $0x1  }
0x17: {  	s4 =	simm.s32 $0x1BF5;
	[smem:$0x3FBB] =	sst s0  }
0x18: {  	s0 =	sld [smem:$0x3F9E];
	_ =	swait.ge [sflag:s4], $0x0  }
0x19: {  	s7 =	sld [smem:$0x3F9F]  }
0x1a: {  	s8 =	sadd.s32 $0xFFFFE003, lr  }
0x1b: {  	s9 =	sadd.s32 $0xFFFFFEF7, lr;
	s5 =	simm.s32 $0xFFFFFFFF;
	p2 =	slt.u32 s8, $0xFFFFF086  }
0x1c: {  	p1 =	slt.u32 s9, $0xF7A;
	s5 =	simm.s32 @!p2 $0x0  }
0x1d: {  	s5 =	simm.s32 @p1 $0x1;
	p0 =	seq.s32 s7, s2  }
0x1e: {  	s7 =	smul.u32 @!p0 $0xF7A, s2;
	p2 =	seq.s32 @!p0 s5, $0x0  }
0x1f: {  	s9 =	smul.u32 $0xF7A, s1;
	s8 =	simm.s32 @!p0 $0x1BF5;
	p2 =	por !p2, p0  }
0x20: {  	[sflag:s8] =	ssyncset.s32 @!p0 $0xFFFFF086;
	s6 =	sadd.s32 @!p0 s3, s7;
	s7 =	simm.s32 @!p0 $0x108  }
0x21: {  	s3 =	sadd.s32 s3, s9;
	s6 =	sadd.s32 @!p0 $0x88, s6;
	s7 =	simm.s32 @p2 $0x1082  }
0x22: {  	[simem:s7], [sflag:s8] =	dma.local @!p0 [hbm:s6], $0xF7A  }
0x23: {  	s9 =	sor.u32 $0xD0000000, s2;
	s6 =	simm.s32 $0x108;
	_ =	swait.ge @!p0 [sflag:s8], $0x0  }
0x24: {  	s3 =	sadd.s32 $0x88, s3;
	s6 =	simm.s32 @!p1 $0x1082;
	[sflag:s4] =	ssyncset.s32 $0xFFFFF086  }
0x25: {  	[simem:s6], [sflag:s4] =	dma.local [hbm:s3], $0xF7A  }
0x26: {  	[smem:$0x3F9F] =	sst s1;
	(tag) =	ssettag s2;
	_ =	strace s9  }
0x27: {  	s1 =	sld [smem:$0x3FAF]  }
0x28: {  	s2 =	sld [smem:$0x3FB0]  }
0x29: {  	s4 =	sld [smem:$0x3FB2]  }
0x2a: {  	p0 =	seq.s32 s5, $0x0;
	s5 =	sld [smem:$0x3FB3]  }
0x2b: {  	s6 =	sld [smem:$0x3FB4]  }
0x2c: {  	s7 =	sld [smem:$0x3FB5]  }
0x2d: {  	s3 =	simm.s32 $0x108;
	s8 =	sld [smem:$0x3FB6]  }
0x2e: {  	s3 =	simm.s32 @!p0 $0x1082;
	s9 =	sld [smem:$0x3FB7]  }
0x2f: {  	lr =	sadd.s32 s0, s3;
	s0 =	sld [smem:$0x3FAE]  }
0x30: {  	s3 =	sld [smem:$0x3FB1]  }
0x31: {  	[smem:$0x3FBA] =	sst s10  }
0x32: {  	s10 =	sld [smem:$0x3FB8];
	_ =	sdelay $0x3  }
0x33: {  	p0 =	seq.s32 s10, $0x1;
	s10 =	sld [smem:$0x3FBA];
	_ =	sdelay $0x3  }
0x34: {  	[smem:$0x3FBA] =	sst s10  }
0x35: {  	s10 =	sld [smem:$0x3FB9];
	_ =	sdelay $0x3  }
0x36: {  	p1 =	seq.s32 s10, $0x1;
	s10 =	sld [smem:$0x3FBA];
	_ =	sdelay $0x3  }
0x37: {  	[smem:$0x3FBA] =	sst s10  }
0x38: {  	s10 =	sld [smem:$0x3FBB]  }
0x39: {  	_ = 	snop;
	(pc) =	sbr.ind lr, $3  }
0x3a: {  	_ = 	snop  }
0x3b: {  	_ = 	snop  }
0x3c: {  	p2 =	seq.s32 s10, $0x1;
	s10 =	sld [smem:$0x3FBA]  }
0x3d: {  	_ =	shalt  }
0x3e: {  	_ =	shalt  }
0x3f: {  	_ =	shalt  }
0x40: {  	_ =	shalt  }
0x41: {  	_ =	shalt  }
0x42: {  	_ =	shalt  }
0x43: {  	_ =	shalt  }
0x44: {  	_ =	shalt  }
0x45: {  	_ =	shalt  }
0x46: {  	_ =	shalt  }
0x47: {  	_ =	shalt  }
0x48: {  	_ =	shalt  }
0x49: {  	_ =	shalt  }
0x4a: {  	_ =	shalt  }
0x4b: {  	_ =	shalt  }
0x4c: {  	_ =	shalt  }
0x4d: {  	_ =	shalt  }
0x4e: {  	_ =	shalt  }
0x4f: {  	_ =	shalt  }
0x50: {  	_ =	shalt  }
0x51: {  	_ =	shalt  }
0x52: {  	_ =	shalt  }
0x53: {  	_ =	shalt  }
0x54: {  	_ =	shalt  }
0x55: {  	_ =	shalt  }
0x56: {  	_ =	shalt  }
0x57: {  	_ =	shalt  }
0x58: {  	_ =	shalt  }
0x59: {  	_ =	shalt  }
0x5a: {  	_ =	shalt  }
0x5b: {  	_ =	shalt  }
0x5c: {  	_ =	shalt  }
0x5d: {  	_ =	shalt  }
0x5e: {  	_ =	shalt  }
0x5f: {  	_ =	shalt  }
0x60: {  	_ =	shalt  }
0x61: {  	_ =	shalt  }
0x62: {  	_ =	shalt  }
0x63: {  	_ =	shalt  }
0x64: {  	_ =	shalt  }
0x65: {  	_ =	shalt  }
0x66: {  	_ =	shalt  }
0x67: {  	_ =	shalt  }
0x68: {  	_ =	shalt  }
0x69: {  	_ =	shalt  }
0x6a: {  	_ =	shalt  }
0x6b: {  	_ =	shalt  }
0x6c: {  	_ =	shalt  }
0x6d: {  	_ =	shalt  }
0x6e: {  	_ =	shalt  }
0x6f: {  	_ =	shalt  }
0x70: {  	_ =	shalt  }
0x71: {  	_ =	shalt  }
0x72: {  	_ =	shalt  }
0x73: {  	_ =	shalt  }
0x74: {  	_ =	shalt  }
0x75: {  	_ =	shalt  }
0x76: {  	_ =	shalt  }
0x77: {  	_ =	shalt  }
0x78: {  	_ =	shalt  }
0x79: {  	_ =	shalt  }
0x7a: {  	_ =	shalt  }
0x7b: {  	_ =	shalt  }
0x7c: {  	_ =	shalt  }
0x7d: {  	_ =	shalt  }
0x7e: {  	_ =	shalt  }
0x7f: {  	_ =	shalt  }
0x80: {  	_ =	shalt  }
0x81: {  	_ =	shalt  }
0x82: {  	_ =	shalt  }
0x83: {  	_ =	shalt  }
0x84: {  	_ =	shalt  }
0x85: {  	_ =	shalt  }
0x86: {  	_ =	shalt  }
0x87: {  	_ =	shalt  }
.Lfunc_end0:
.L_simem_size_0:
called_computation_lowered:
.L_overlay_start_0:
0x88: {  	s2 =	sld [smem:$0x3FD9]  }
0x89: {  	s3 =	sld [smem:$0x3FFE];
	_ =	sdelay $0x1  }
0x8a: {  	s1 =	srdreg.scid  }
0x8b: {  	s0 =	sand.u32 $0x1, s1  }
0x8c: {  	s17 =	sshll.u32 s0, $0xA;
	s2 =	sadd.s32 s3, s2  }
0x8d: {  	s2 =	sadd.s32 s2, s17  }
0x8e: {  	[smem:$0x3FC6] =	sst s2  }
0x8f: {  	_ = 	snop  }
0x90: {  	s2 =	sld [smem:$0x3FC9]  }
0x91: {  	s18 =	sld [smem:$0x3FC8];
	(tm) =	ssettm $0x1  }
0x92: {  	s4 =	sld [smem:$0x3FFB];
	_ =	sdelay $0x3  }
0x93: {  	_ =	strace s4  }
0x94: {  	s4 =	sld [smem:$0x3FFC];
	_ =	sdelay $0x3  }
0x95: {  	_ =	strace s4  }
0x96: {  	s4 =	sld [smem:$0x3FFD];
	_ =	sdelay $0x3  }
0x97: {  	_ =	strace s4  }
0x98: {  	_ =	strace $0x8FFFFFFF  }
0x99: {  	s19 =	sld [smem:$0x3FDB];
	_ =	sdelay $0x1  }
0x9a: {  	s5 =	simm.s32 $_scs_section_size  }
0x9b: {  	s6 =	simm.s32 $_size__tile_overlayer_lowered;
	s7 =	simm.s32 $_tile_overlayer_lowered  }
0x9c: {  	s22 =	simm.s32 $0x1BFF;
	s21 =	sshll.u32 s7, $0x1;
	s4 =	sadd.s32 s5, s19  }
0x9d: {  	s8 =	simm.s32 $0x0;
	s20 =	sshll.u32 s6, $0x1;
	s6 =	sadd.s32 s21, s4  }
0x9e: {  	[timem:s8], [sflag:s22] =	dma.local [hbm:s6], s20  }
0x9f: {  	_ =	swait.ge [sflag:s22], s20  }
0xa0: {  	s5 =	ssub.s32 $0x0, s20;
	[sflag:s22] =	ssyncset.done $0x0  }
0xa1: {  	[sflag:s22] =	ssyncadd.s32 s5;
	_ =	sdelay $0x1  }
0xa2: {  	s23 =	simm.s32 $0x1B8B  }
0xa3: {  	_ =	swait.ge [sflag:s23], $0x1  }
0xa4: {  	[sflag:s23] =	ssyncset.done $0x0  }
0xa5: {  	s25 =	simm.s32 $0x1B8E;
	s24 =	sld [smem:$0x3FFE];
	[sflag:s23] =	ssyncadd.s32 $0xFFFFFFFF  }
0xa6: {  	s26 =	simm.s32 $execute0_lowered;
	[smem:$0x3FD2] =	sst s25  }
0xa7: {  	s6 =	sshll.u32 s26, $0x1;
	_ =	strace $0x80000046;
	[dreg:$0x1] =	wrdreg $0xFFFFFFFF  }
0xa8: {  	s28 =	simm.s32 $_size_execute0_lowered;
	s4 =	sadd.s32 s4, s6;
	[dreg:$0x0] =	wrdreg $0x0  }
0xa9: {  	s6 =	sshll.u32 s28, $0x1;
	[dreg:$0x2] =	wrdreg s4  }
0xaa: {  	[dreg:$0x3] =	wrdreg s6  }
0xab: {  	[dreg:$0x4] =	wrdreg $0xC0  }
0xac: {  	_ =	task [dreg:s8], $0x5FFFF  }
0xad: {  	[dreg:$0x1] =	wrdreg $0xFFFFFFFF  }
0xae: {  	[dreg:$0x0] =	wrdreg $0x60  }
0xaf: {  	[dreg:$0x2] =	wrdreg s2  }
0xb0: {  	[dreg:$0x3] =	wrdreg s18  }
0xb1: {  	[dreg:$0x4] =	wrdreg s24  }
0xb2: {  	[dreg:$0x5] =	wrdreg $0x9  }
0xb3: {  	_ =	task.clear_ibuf [dreg:s8], $0x6FFFF;
	_ =	strace $0x90000046  }
0xb4: {  	s29 =	simm.s32 $0x9;
	_ =	strace $0x80000048  }
0xb5: {  	_ =	swait.ge [sflag:s29], $0x1  }
0xb6: {  	[sflag:s29] =	ssyncadd.s32 $0xFFFFFFFF  }
0xb7: {  	_ =	strace $0x90000048  }
0xb8: {  	_ =	sfence  }
0xb9: {  	s30 =	sld [smem:$0x0];
	_ =	sdelay $0x2  }
0xba: {  	s31 =	sshll.u32 s1, $0xD;
	s1 =	sshrl.u32 s1, $0x2  }
0xbb: {  	s3 =	sand.u32 $0x4000, s31;
	s1 =	sadd.s32 s1, s30  }
0xbc: {  	s0 =	sor.u32 s3, s0;
	s1 =	sshll.u32 s1, $0x11  }
0xbd: {  	s0 =	sor.u32 s1, s0  }
0xbe: {  	s0 =	sadd.s32 $0x8F2B, s0  }
0xbf: {  	[sflag:s0] =	ssyncadd.remote.s32 $0x1  }
0xc0: {  	_ =	sfence.sel $0xFFFF  }
0xc1: {  	[dreg:$0x0] =	wrdreg $0xFFFFFFFF;
	(pc) =	sbr.abs _section_cstart, $3  }
0xc2: {  	[dreg:$0x1] =	wrdreg $0xFFFFFFFF  }
0xc3: {  	_ =	task.clear_ibuf [dreg:s8], $0x2FFFF;
	_ =	strace $0x9FFFFFFF  }
0xc4: {  	(tm) =	ssettm $0x7FFFFFFF  }
0xc5: {  	_ =	shalt  }
tec
execute0_lowered:
.L_overlay_start_1:
0x0: {  	(tag) =	ssettag $0x1  }
0x1: {  	s1 =	rddreg [dreg:$0x0]  }
0x2: {  	s0 =	rddreg [dreg:$0x2];
	s4 =	simm.s32 $0x0  }
0x3: {  	s2 =	srdreg.scid;
	s5 =	stileid.u32;
	s9 =	simm.s32 $0x6C00  }
0x4: {  	s10 =	simm.s32 $0x4;
	s11 =	simm.s32 $0xF980;
	s2 =	sand.u32 $0x1, s2  }
0x5: {  	s12 =	simm.s32 $0x7100;
	s3 =	ssub.s32 $0x2, s2;
	s2 =	sshll.u32 s2, $0x4  }
0x6: {  	s13 =	simm.s32 $0x7E80;
	s14 =	simm.s32 $0x8C00;
	s2 =	sor.u32 s5, s2  }
0x7: {  	s15 =	simm.s32 $0x1;
	s16 =	simm.s32 $0x10;
	s31 =	smul.u32 $0x7, s2  }
.Ltmp0:
0x8: {  	s17 =	simm.s32 $0x9980;
	s7 =	smin.u32 s2, $0x18;
	(pc) =	sbr.rel .LBB2_1-.Ltmp0, $4  }
0x9: {  	[smem:$0x7FF] =	sst s4;
	s6 =	sshrl.u32 s3, $0x1;
	s7 =	sadd.s32 s7, s31  }
0xa: {  	v2 =	vimm.s32 $0xFFFFFFFF;
	s30 =	ssub.s32 s3, s6;
	p0 =	slt.u32 s2, $0x18;
	s6 =	simm.s32 $0x8;
	v0 =	vmov s7  }
0xb: {  	v3 =	vlaneseq.u32;
	v4 =	vimm.f32 $0.0e+00;
	s5 =	sadd.s32 $0x400, s0;
	s6 =	simm.s32 @!p0 $0x7;
	s0 =	smax.u32 s30, $0x1;
	v0 =	vsub.s32 $0x0, v0  }
0xc: {  	v5 =	vimm.s32 $0x0;
	_ =	strace $0x80000047;
	s3 =	simm.s32 $0x0;
	[dreg:$0x4] =	wrdreg s0;
	v1 =	vmov s6;
	v0 =	vbroadcast v0, $0x0  }
.LBB2_44:
0xd: {  	s0 =	simm.s32 $0x2  }
0xe: {  	_ =	swait.ge [sflag:s0], $0x8000  }
0xf: {  	[sflag:s0] =	ssyncset.done $0x0  }
0x10: {  	s2 =	simm.s32 $0x3;
	[sflag:s0] =	ssyncadd.s32 $0xFFFF8000  }
0x11: {  	_ =	swait.ge [sflag:s2], $0x8000  }
0x12: {  	s3 =	rddreg [dreg:$0x5]  }
0x13: {  	s31 =	rddreg [dreg:$0x4];
	s3 =	sadd.s32 $0x1, s3  }
0x14: {  	p0 =	sne.s32 s3, s31  }
.Ltmp1:
0x15: {  	_ = 	snop;
	(pc) =	sbr.rel @!p0 .LBB2_45-.Ltmp1, $3  }
0x16: {  	_ =	sdelay $0x1  }
0x17: {  	[sflag:s2] =	ssyncset.done $0x0  }
0x18: {  	[sflag:s2] =	ssyncadd.s32 $0xFFFF8000  }
.LBB2_1:
0x19: {  	[dreg:$0x5] =	wrdreg s3;
	s0 =	simm.s32 $0x0  }
.LBB2_2:
0x1a: {  	p0 =	sne.s32 s0, $0x1AFC0  }
.Ltmp2:
0x1b: {  	_ = 	snop;
	(pc) =	sbr.rel @p0 .LBB2_2-.Ltmp2, $3  }
0x1c: {  	_ =	sdelay $0x1  }
0x1d: {  	s2 =	sshra.s32 s0, $0x2  }
0x1e: {  	s0 =	sadd.s32 $0x40, s0;
	[tilespmem:s2+$0x0] =	vst v2  }
0x1f: {  	s0 =	simm.s32 $0x0  }
0x20: {  	s3 =	simm.s32 $0x7100;
	v6 =	vor.u32 s0, v3  }
0x21: {  	s2 =	simm.s32 $0x10;
	[tilespmem:s3+$0x0] =	vst v6  }
.LBB2_4:
0x22: {  	p0 =	sne.s32 s2, $0xD70  }
.Ltmp3:
0x23: {  	_ = 	snop;
	(pc) =	sbr.rel @p0 .LBB2_4-.Ltmp3, $3  }
0x24: {  	_ =	sdelay $0x1  }
0x25: {  	v6 =	vor.u32 s2, v3;
	s2 =	sadd.s32 $0x10, s2;
	s3 =	sadd.s32 $0x10, s3  }
0x26: {  	[tilespmem:s3+$0x0] =	vst v6  }
0x27: {  	s2 =	simm.s32 $0xFFFFF940  }
0x28: {  	s2 =	smin.u32 s0, s2  }
0x29: {  	s3 =	sshrl.u32 s2, $0x3  }
0x2a: {  	s21 =	smulhi.u32 $0x97B425F, s3;
	_ =	sdelay $0x1  }
0x2b: {  	s3 =	smul.u32 $0xD8, s21;
	_ =	sdelay $0x1  }
0x2c: {  	s22 =	ssub.s32 s2, s3  }
0x2d: {  	s3 =	smul.u32 $0x13, s22  }
0x2e: {  	s18 =	simm.s32 $0x1;
	s31 =	simm.s32 $0xFFFFF941  }
0x2f: {  	s8 =	simm.s32 $0x2;
	s19 =	smin.u32 s18, s31;
	s2 =	sshrl.u32 s3, $0x9  }
.LBB2_6:
0x30: {  	p0 =	sne.s32 s8, $0xD7F;
	s20 =	sshrl.u32 s19, $0x3  }
0x31: {  	s2 =	smul.u32 $0x1B, s2;
	p1 =	sgt.u32 s0, $0x6BF;
	s0 =	smov.u32 s18  }
0x32: {  	s18 =	simm.s32 $0x8000;
	s21 =	sshll.u32 s21, $0xC;
	s20 =	smulhi.u32 $0x97B425F, s20  }
0x33: {  	s3 =	sshrl.u32 s3, $0x2;
	s18 =	simm.s32 @!p1 $0x0;
	s2 =	ssub.s32 s22, s2  }
0x34: {  	s21 =	sand.u32 $0x3FFFF000, s21;
	s22 =	smul.u32 $0xD8, s20;
	s23 =	sshll.u32 s2, $0x7  }
0x35: {  	s3 =	sand.u32 $0x380, s3;
	s18 =	sadd.s32 s21, s18;
	s23 =	sand.u32 $0xC00, s23  }
.Ltmp4:
0x36: {  	s2 =	sshll.u32 s2, $0x4;
	s18 =	sor.u32 s23, s18;
	(pc) =	sbr.rel @p0 .LBB2_6-.Ltmp4, $4  }
0x37: {  	s2 =	sand.u32 $0x70, s2;
	s22 =	ssub.s32 s19, s22;
	s18 =	sor.u32 s3, s18  }
0x38: {  	s21 =	smov.u32 s20;
	s3 =	smul.u32 $0x13, s22;
	s2 =	sor.u32 s2, s18  }
0x39: {  	s19 =	sadd.s32 $0xFFFFF940, s8;
	s18 =	smov.u32 s8;
	[tilespmem:s2+$0xF980] =	vst v4  }
0x3a: {  	s8 =	sadd.s32 $0x1, s8;
	s19 =	smin.u32 s18, s19;
	s2 =	sshrl.u32 s3, $0x9  }
0x3b: {  	s8 =	sshrl.u32 s19, $0x3  }
0x3c: {  	s8 =	smulhi.u32 $0x97B425F, s8  }
0x3d: {  	s2 =	smul.u32 $0x1B, s2  }
0x3e: {  	s20 =	smul.u32 $0xD8, s8  }
0x3f: {  	p0 =	sgt.u32 s0, $0x6BF;
	s0 =	simm.s32 $0x8000;
	s21 =	sshll.u32 s21, $0xC  }
0x40: {  	s3 =	sshrl.u32 s3, $0x2;
	s0 =	simm.s32 @!p0 $0x0;
	s31 =	ssub.s32 s19, s20  }
0x41: {  	p0 =	sgt.u32 s18, $0x6BF;
	s18 =	simm.s32 $0x8000;
	s23 =	smul.u32 $0x13, s31  }
0x42: {  	s3 =	sand.u32 $0x380, s3;
	s2 =	ssub.s32 s22, s2;
	s18 =	simm.s32 @!p0 $0x0  }
0x43: {  	s22 =	sshll.u32 s2, $0x7;
	s20 =	sand.u32 $0x3FFFF000, s21;
	s24 =	sshrl.u32 s23, $0x9  }
0x44: {  	s2 =	sshll.u32 s2, $0x4;
	s0 =	sadd.s32 s20, s0;
	s20 =	smul.u32 $0x1B, s24  }
0x45: {  	s8 =	sshll.u32 s8, $0xC;
	s2 =	sand.u32 $0x70, s2;
	s21 =	sand.u32 $0xC00, s22  }
0x46: {  	s8 =	sand.u32 $0x3FFFF000, s8;
	s0 =	sor.u32 s21, s0;
	s25 =	ssub.s32 s31, s20  }
0x47: {  	s8 =	sadd.s32 s8, s18;
	s0 =	sor.u32 s3, s0;
	s19 =	sshll.u32 s25, $0x7  }
.Ltmp5:
0x48: {  	s26 =	sshrl.u32 s23, $0x2;
	s19 =	sand.u32 $0xC00, s19;
	(pc) =	sbr.rel .LBB2_8-.Ltmp5, $4  }
0x49: {  	s28 =	sand.u32 $0x380, s26;
	s3 =	sshll.u32 s25, $0x4;
	s8 =	sor.u32 s19, s8  }
0x4a: {  	s0 =	sor.u32 s2, s0;
	s29 =	sand.u32 $0x70, s3;
	s30 =	sor.u32 s28, s8  }
0x4b: {  	[tilespmem:s0+$0xF980] =	vst v4;
	s31 =	sor.u32 s29, s30  }
0x4c: {  	s22 =	simm.s32 $0x0;
	s21 =	simm.s32 $0x0;
	s23 =	simm.s32 $0x0;
	[tilespmem:s31+$0xF980] =	vst v4  }
.LBB2_14:
0x4d: {  	s23 =	sadd.s32 $0x1, s23  }
0x4e: {  	p0 =	sne.s32 s23, $0x19  }
.Ltmp6:
0x4f: {  	_ = 	snop;
	(pc) =	sbr.rel @!p0 .LBB2_15-.Ltmp6, $2  }
0x50: {  	_ =	sdelay $0x2  }
0x51: {  	s22 =	sadd.s32 $0x500, s22  }
.LBB2_8:
0x52: {  	s24 =	smul.u32 $0x500, s23;
	_ =	sdelay $0x1  }
0x53: {  	s2 =	rddreg [dreg:$0x1];
	s0 =	sshrl.u32 s24, $0x3  }
0x54: {  	s0 =	sadd.s32 s2, s0  }
0x55: {  	[tilespmem:s9], [sflag:$0x4] =	stream.linear.gather [hbm4b:s0+s21], $0x500, $0x38;
	[tilespmem:$0x1F980] =	vst v63  }
0x56: {  	_ =	swait.ge [sflag:s10], $0x500  }
0x57: {  	[sflag:s10] =	ssyncset.done $0x0  }
0x58: {  	s28 =	simm.s32 $0x6C20;
	[sflag:s10] =	ssyncadd.s32 $0xFFFFFB00  }
0x59: {  	v6 =	vld [tilespmem:s28+$0xFFFFFFE0];
	_ =	sdelay $0x4  }
0x5a: {  	v7 =	vshra.s32 v6, $0x12;
	v8 =	vshrl.u32 v6, $0xC  }
0x5b: {  	v9 =	vshrl.u32 v6, $0x9;
	v7 =	vmul.u32 $0x3E, v7;
	v8 =	vand.u32 $0x3F, v8  }
0x5c: {  	v9 =	vand.u32 $0x7, v9;
	v8 =	vadd.s32 v0, v8  }
0x5d: {  	v9 =	vmul.u32 $0x1B0, v9;
	v7 =	vadd.s32 v7, v8  }
0x5e: {  	v6 =	vand.u32 $0x1FF, v6;
	v8 =	vmul.u32 $0xD80, v7  }
0x5f: {  	vm0 =	vgt.s32 v7, $0xFFFFFFFF;
	vm1 =	vlt.s32 v7, v1;
	v6 =	vadd.s32 v6, v9  }
0x60: {  	vm0 =	vmand vm0, vm1;
	v6 =	vadd.s32 v8, v6  }
0x61: {  	v6 =	vnsel vm0, $0x0, v6;
	_ =	sdelay $0x2  }
0x62: {  	s3 =	sadd.s32 $0x0, s22  }
0x63: {  	v7 =	vor.u32 s3, v3  }
0x64: {  	[tilespmem:v6+s4+$0x0] =	vst.idx.msk vm0, v7  }
0x65: {  	v8 =	vld [tilespmem:s28+$0xFFFFFFF0];
	_ =	sdelay $0x4  }
0x66: {  	v9 =	vshra.s32 v8, $0x12;
	v10 =	vshrl.u32 v8, $0xC  }
0x67: {  	v11 =	vshrl.u32 v8, $0x9;
	v9 =	vmul.u32 $0x3E, v9;
	v10 =	vand.u32 $0x3F, v10  }
0x68: {  	v11 =	vand.u32 $0x7, v11;
	v10 =	vadd.s32 v0, v10  }
0x69: {  	v11 =	vmul.u32 $0x1B0, v11;
	v9 =	vadd.s32 v9, v10  }
0x6a: {  	v8 =	vand.u32 $0x1FF, v8;
	v10 =	vmul.u32 $0xD80, v9  }
0x6b: {  	vm1 =	vgt.s32 v9, $0xFFFFFFFF;
	vm2 =	vlt.s32 v9, v1;
	v8 =	vadd.s32 v8, v11  }
0x6c: {  	vm1 =	vmand vm1, vm2;
	v8 =	vadd.s32 v10, v8  }
0x6d: {  	v8 =	vnsel vm1, $0x0, v8;
	_ =	sdelay $0x2  }
0x6e: {  	s29 =	sadd.s32 $0x10, s3  }
0x6f: {  	v9 =	vor.u32 s29, v3  }
0x70: {  	v6 =	vld.idx.msk [tilespmem:v6+s4+$0x0], vm0;
	[tilespmem:v8+s4+$0x0] =	vst.idx.msk vm1, v9  }
0x71: {  	v10 =	vld [tilespmem:s28+$0x0];
	_ =	sdelay $0x4  }
0x72: {  	v11 =	vshra.s32 v10, $0x12;
	v12 =	vshrl.u32 v10, $0xC  }
0x73: {  	v13 =	vshrl.u32 v10, $0x9;
	v11 =	vmul.u32 $0x3E, v11;
	v12 =	vand.u32 $0x3F, v12  }
0x74: {  	v13 =	vand.u32 $0x7, v13;
	v12 =	vadd.s32 v0, v12  }
0x75: {  	v13 =	vmul.u32 $0x1B0, v13;
	v11 =	vadd.s32 v11, v12  }
0x76: {  	v10 =	vand.u32 $0x1FF, v10;
	v12 =	vmul.u32 $0xD80, v11  }
0x77: {  	vm2 =	vgt.s32 v11, $0xFFFFFFFF;
	vm3 =	vlt.s32 v11, v1;
	v10 =	vadd.s32 v10, v13  }
0x78: {  	vm2 =	vmand vm2, vm3;
	v10 =	vadd.s32 v12, v10  }
0x79: {  	v10 =	vnsel vm2, $0x0, v10;
	_ =	sdelay $0x2  }
0x7a: {  	s30 =	sadd.s32 $0x20, s3  }
0x7b: {  	v11 =	vor.u32 s30, v3  }
0x7c: {  	v8 =	vld.idx.msk [tilespmem:v8+s4+$0x0], vm1;
	[tilespmem:v10+s4+$0x0] =	vst.idx.msk vm2, v11  }
0x7d: {  	v60 =	vld [tilespmem:s28+$0x10];
	_ =	sdelay $0x4  }
0x7e: {  	v61 =	vshra.s32 v60, $0x12;
	v14 =	vshrl.u32 v60, $0xC  }
0x7f: {  	v15 =	vshrl.u32 v60, $0x9;
	v13 =	vmul.u32 $0x3E, v61;
	v14 =	vand.u32 $0x3F, v14  }
0x80: {  	v15 =	vand.u32 $0x7, v15;
	v14 =	vadd.s32 v0, v14  }
0x81: {  	v15 =	vmul.u32 $0x1B0, v15;
	v13 =	vadd.s32 v13, v14  }
0x82: {  	v12 =	vand.u32 $0x1FF, v60;
	v14 =	vmul.u32 $0xD80, v13  }
0x83: {  	v12 =	vadd.s32 v12, v15;
	vm3 =	vgt.s32 v13, $0xFFFFFFFF;
	vm4 =	vlt.s32 v13, v1  }
0x84: {  	vm3 =	vmand vm3, vm4;
	v12 =	vadd.s32 v14, v12  }
0x85: {  	v12 =	vnsel vm3, $0x0, v12;
	_ =	sdelay $0x2  }
0x86: {  	s31 =	sadd.s32 $0x30, s3;
	v10 =	vld.idx.msk [tilespmem:v10+s4+$0x0], vm2  }
0x87: {  	v62 =	vor.u32 s31, v3  }
0x88: {  	s0 =	simm.s32 $0x6C60;
	[tilespmem:v12+s4+$0x0] =	vst.idx.msk vm3, v62  }
0x89: {  	v63 =	vld [tilespmem:s0+$0xFFFFFFE0]  }
0x8a: {  	vm14 =	vlt.s32 v6, v7;
	vm5 =	vlt.s32 v8, v9;
	v8 =	vld.idx.msk [tilespmem:v12+s4+$0x0], vm3  }
0x8b: {  	vm0 =	vmand vm0, vm14;
	vm1 =	vmand vm1, vm5;
	vm15 =	vlt.s32 v10, v11  }
0x8c: {  	vm0 =	vmor vm0, vm1;
	vm2 =	vmand vm2, vm15  }
0x8d: {  	v6 =	vimm.s32 $0x0;
	vm0 =	vmor vm0, vm2  }
0x8e: {  	v7 =	vshrl.u32 v63, $0x9;
	v9 =	vshra.s32 v63, $0x12;
	v10 =	vshrl.u32 v63, $0xC  }
0x8f: {  	vm1 =	vlt.s32 v8, v62;
	v9 =	vmul.u32 $0x3E, v9;
	v10 =	vand.u32 $0x3F, v10  }
0x90: {  	v8 =	vand.u32 $0x1FF, v63;
	v7 =	vand.u32 $0x7, v7;
	v10 =	vadd.s32 v0, v10  }
0x91: {  	vm2 =	vmand vm3, vm1;
	v7 =	vmul.u32 $0x1B0, v7;
	v10 =	vadd.s32 v9, v10  }
0x92: {  	s25 =	simm.s32 $0x80;
	s3 =	simm.s32 $0x40;
	vm0 =	vmor vm0, vm2;
	vm1 =	vgt.s32 v10, $0xFFFFFFFF;
	v9 =	vmul.u32 $0xD80, v10  }
.LBB2_9:
0x93: {  	p0 =	sne.s32 s25, $0x4C0;
	vm2 =	vlt.s32 v10, v1;
	v7 =	vadd.s32 v8, v7;
	v8 =	vsel vm0, $0x1, v5;
	s2 =	smov.u32 s25;
	s25 =	sadd.s32 $0x40, s25  }
0x94: {  	vm0 =	vmand vm1, vm2;
	v7 =	vadd.s32 v9, v7;
	v6 =	vor.u32 v8, v6  }
0x95: {  	v7 =	vnsel vm0, $0x0, v7;
	_ =	sdelay $0x2  }
0x96: {  	s8 =	sadd.s32 s3, s22;
	s3 =	smov.u32 s2  }
0x97: {  	v8 =	vor.u32 s8, v3;
	s2 =	sadd.s32 $0x10, s8;
	s18 =	sadd.s32 $0x20, s8;
	s8 =	sadd.s32 $0x30, s8  }
0x98: {  	[tilespmem:v7+s4+$0x0] =	vst.idx.msk vm0, v8  }
0x99: {  	v9 =	vld [tilespmem:s0+$0xFFFFFFF0];
	_ =	sdelay $0x4  }
0x9a: {  	v10 =	vshrl.u32 v9, $0x9;
	v11 =	vshra.s32 v9, $0x12;
	v12 =	vshrl.u32 v9, $0xC  }
0x9b: {  	v11 =	vmul.u32 $0x3E, v11;
	v12 =	vand.u32 $0x3F, v12;
	v10 =	vand.u32 $0x7, v10  }
0x9c: {  	v12 =	vadd.s32 v0, v12;
	v10 =	vmul.u32 $0x1B0, v10  }
0x9d: {  	v9 =	vand.u32 $0x1FF, v9;
	v11 =	vadd.s32 v11, v12  }
0x9e: {  	vm1 =	vgt.s32 v11, $0xFFFFFFFF;
	vm2 =	vlt.s32 v11, v1;
	v11 =	vmul.u32 $0xD80, v11  }
0x9f: {  	v9 =	vadd.s32 v9, v10  }
0xa0: {  	vm1 =	vmand vm1, vm2;
	v9 =	vadd.s32 v11, v9  }
0xa1: {  	v9 =	vnsel vm1, $0x0, v9;
	_ =	sdelay $0x3  }
0xa2: {  	v10 =	vor.u32 s2, v3;
	v7 =	vld.idx.msk [tilespmem:v7+s4+$0x0], vm0  }
0xa3: {  	[tilespmem:v9+s4+$0x0] =	vst.idx.msk vm1, v10  }
0xa4: {  	v11 =	vld [tilespmem:s0+$0x0]  }
0xa5: {  	v9 =	vld.idx.msk [tilespmem:v9+s4+$0x0], vm1;
	_ =	sdelay $0x2  }
0xa6: {  	vm2 =	vlt.s32 v7, v8  }
0xa7: {  	v7 =	vshrl.u32 v11, $0x9;
	v8 =	vshra.s32 v11, $0x12;
	v12 =	vshrl.u32 v11, $0xC  }
0xa8: {  	v8 =	vmul.u32 $0x3E, v8;
	v12 =	vand.u32 $0x3F, v12;
	v7 =	vand.u32 $0x7, v7  }
0xa9: {  	vm3 =	vlt.s32 v9, v10;
	v9 =	vadd.s32 v0, v12;
	v7 =	vmul.u32 $0x1B0, v7  }
0xaa: {  	v10 =	vand.u32 $0x1FF, v11;
	vm1 =	vmand vm1, vm3;
	v8 =	vadd.s32 v8, v9  }
0xab: {  	vm3 =	vgt.s32 v8, $0xFFFFFFFF;
	vm4 =	vlt.s32 v8, v1;
	v8 =	vmul.u32 $0xD80, v8  }
0xac: {  	vm0 =	vmand vm0, vm2;
	v7 =	vadd.s32 v10, v7  }
0xad: {  	vm2 =	vmand vm3, vm4;
	v7 =	vadd.s32 v8, v7  }
0xae: {  	v7 =	vnsel vm2, $0x0, v7;
	_ =	sdelay $0x3  }
0xaf: {  	v8 =	vor.u32 s18, v3  }
0xb0: {  	[tilespmem:v7+s4+$0x0] =	vst.idx.msk vm2, v8  }
0xb1: {  	v9 =	vld [tilespmem:s0+$0x10]  }
0xb2: {  	v7 =	vld.idx.msk [tilespmem:v7+s4+$0x0], vm2;
	_ =	sdelay $0x3  }
0xb3: {  	v10 =	vshrl.u32 v9, $0x9;
	v11 =	vshra.s32 v9, $0x12;
	v12 =	vshrl.u32 v9, $0xC  }
0xb4: {  	v11 =	vmul.u32 $0x3E, v11;
	v12 =	vand.u32 $0x3F, v12;
	v10 =	vand.u32 $0x7, v10  }
0xb5: {  	vm3 =	vlt.s32 v7, v8;
	v7 =	vadd.s32 v0, v12;
	v8 =	vmul.u32 $0x1B0, v10  }
0xb6: {  	v9 =	vand.u32 $0x1FF, v9;
	vm3 =	vmand vm2, vm3;
	v7 =	vadd.s32 v11, v7  }
0xb7: {  	vm2 =	vgt.s32 v7, $0xFFFFFFFF;
	vm4 =	vlt.s32 v7, v1;
	v7 =	vmul.u32 $0xD80, v7  }
0xb8: {  	v8 =	vadd.s32 v9, v8  }
0xb9: {  	vm2 =	vmand vm2, vm4;
	v7 =	vadd.s32 v7, v8  }
0xba: {  	v7 =	vnsel vm2, $0x0, v7;
	_ =	sdelay $0x3  }
0xbb: {  	v8 =	vor.u32 s8, v3  }
0xbc: {  	s0 =	sadd.s32 $0x40, s0;
	[tilespmem:v7+s4+$0x0] =	vst.idx.msk vm2, v8  }
0xbd: {  	v9 =	vld [tilespmem:s0+$0xFFFFFFE0]  }
0xbe: {  	v10 =	vld.idx.msk [tilespmem:v7+s4+$0x0], vm2;
	_ =	sdelay $0x1  }
0xbf: {  	vm0 =	vmor vm0, vm1  }
0xc0: {  	vm0 =	vmor vm0, vm3  }
.Ltmp7:
0xc1: {  	v7 =	vshrl.u32 v9, $0x9;
	v11 =	vshra.s32 v9, $0x12;
	v12 =	vshrl.u32 v9, $0xC;
	(pc) =	sbr.rel @p0 .LBB2_9-.Ltmp7, $4  }
0xc2: {  	v11 =	vmul.u32 $0x3E, v11;
	v12 =	vand.u32 $0x3F, v12;
	v7 =	vand.u32 $0x7, v7  }
0xc3: {  	vm1 =	vlt.s32 v10, v8;
	v12 =	vadd.s32 v0, v12;
	v7 =	vmul.u32 $0x1B0, v7  }
0xc4: {  	v8 =	vand.u32 $0x1FF, v9;
	vm2 =	vmand vm2, vm1;
	v10 =	vadd.s32 v11, v12  }
0xc5: {  	vm0 =	vmor vm0, vm2;
	vm1 =	vgt.s32 v10, $0xFFFFFFFF;
	v9 =	vmul.u32 $0xD80, v10  }
0xc6: {  	vm2 =	vlt.s32 v10, v1;
	v7 =	vadd.s32 v8, v7  }
0xc7: {  	vm1 =	vmand vm1, vm2;
	v7 =	vadd.s32 v9, v7  }
0xc8: {  	v7 =	vnsel vm1, $0x0, v7;
	_ =	sdelay $0x2  }
0xc9: {  	s3 =	sadd.s32 s3, s22  }
0xca: {  	v54 =	vor.u32 s3, v3  }
0xcb: {  	[tilespmem:v7+s4+$0x0] =	vst.idx.msk vm1, v54  }
0xcc: {  	v55 =	vld [tilespmem:s0+$0xFFFFFFF0];
	_ =	sdelay $0x4  }
0xcd: {  	v56 =	vshra.s32 v55, $0x12;
	v11 =	vshrl.u32 v55, $0xC  }
0xce: {  	v12 =	vshrl.u32 v55, $0x9;
	v10 =	vmul.u32 $0x3E, v56;
	v11 =	vand.u32 $0x3F, v11  }
0xcf: {  	v12 =	vand.u32 $0x7, v12;
	v11 =	vadd.s32 v0, v11  }
0xd0: {  	v12 =	vmul.u32 $0x1B0, v12;
	v10 =	vadd.s32 v10, v11  }
0xd1: {  	v9 =	vand.u32 $0x1FF, v55;
	v11 =	vmul.u32 $0xD80, v10  }
0xd2: {  	vm9 =	vgt.s32 v10, $0xFFFFFFFF;
	vm3 =	vlt.s32 v10, v1;
	v9 =	vadd.s32 v9, v12  }
0xd3: {  	vm2 =	vmand vm9, vm3;
	v9 =	vadd.s32 v11, v9  }
0xd4: {  	v9 =	vnsel vm2, $0x0, v9;
	_ =	sdelay $0x2  }
0xd5: {  	s2 =	sadd.s32 $0x10, s3  }
0xd6: {  	v57 =	vor.u32 s2, v3  }
0xd7: {  	v7 =	vld.idx.msk [tilespmem:v7+s4+$0x0], vm1;
	[tilespmem:v9+s4+$0x0] =	vst.idx.msk vm2, v57  }
0xd8: {  	v58 =	vld [tilespmem:s0+$0x0];
	_ =	sdelay $0x4  }
0xd9: {  	v59 =	vshra.s32 v58, $0x12;
	v13 =	vshrl.u32 v58, $0xC  }
0xda: {  	v14 =	vshrl.u32 v58, $0x9;
	v12 =	vmul.u32 $0x3E, v59;
	v13 =	vand.u32 $0x3F, v13  }
0xdb: {  	v14 =	vand.u32 $0x7, v14;
	v13 =	vadd.s32 v0, v13  }
0xdc: {  	v14 =	vmul.u32 $0x1B0, v14;
	v12 =	vadd.s32 v12, v13  }
0xdd: {  	v11 =	vand.u32 $0x1FF, v58;
	v13 =	vmul.u32 $0xD80, v12  }
0xde: {  	vm10 =	vgt.s32 v12, $0xFFFFFFFF;
	vm4 =	vlt.s32 v12, v1;
	v11 =	vadd.s32 v11, v14  }
0xdf: {  	vm3 =	vmand vm10, vm4;
	v11 =	vadd.s32 v13, v11  }
0xe0: {  	v11 =	vnsel vm3, $0x0, v11;
	_ =	sdelay $0x2  }
0xe1: {  	s29 =	sadd.s32 $0x20, s3  }
0xe2: {  	v60 =	vor.u32 s29, v3  }
0xe3: {  	v9 =	vld.idx.msk [tilespmem:v9+s4+$0x0], vm2;
	[tilespmem:v11+s4+$0x0] =	vst.idx.msk vm3, v60  }
0xe4: {  	v61 =	vld [tilespmem:s0+$0x10];
	_ =	sdelay $0x4  }
0xe5: {  	v62 =	vshra.s32 v61, $0x12;
	v15 =	vshrl.u32 v61, $0xC  }
0xe6: {  	v16 =	vshrl.u32 v61, $0x9;
	v14 =	vmul.u32 $0x3E, v62;
	v15 =	vand.u32 $0x3F, v15  }
0xe7: {  	v16 =	vand.u32 $0x7, v16;
	v15 =	vadd.s32 v0, v15  }
0xe8: {  	v16 =	vmul.u32 $0x1B0, v16;
	v14 =	vadd.s32 v14, v15  }
0xe9: {  	v13 =	vand.u32 $0x1FF, v61;
	v15 =	vmul.u32 $0xD80, v14  }
0xea: {  	vm11 =	vgt.s32 v14, $0xFFFFFFFF;
	vm5 =	vlt.s32 v14, v1;
	v13 =	vadd.s32 v13, v16  }
0xeb: {  	vm4 =	vmand vm11, vm5;
	v13 =	vadd.s32 v15, v13  }
0xec: {  	v13 =	vnsel vm4, $0x0, v13;
	_ =	sdelay $0x2  }
0xed: {  	s30 =	sadd.s32 $0x30, s3  }
0xee: {  	v63 =	vor.u32 s30, v3  }
0xef: {  	v11 =	vld.idx.msk [tilespmem:v11+s4+$0x0], vm3;
	[tilespmem:v13+s4+$0x0] =	vst.idx.msk vm4, v63  }
0xf0: {  	v13 =	vld.idx.msk [tilespmem:v13+s4+$0x0], vm4;
	_ =	sdelay $0x2  }
0xf1: {  	vm12 =	vlt.s32 v7, v54;
	vm6 =	vlt.s32 v9, v57  }
0xf2: {  	vm1 =	vmand vm1, vm12;
	vm2 =	vmand vm2, vm6;
	vm13 =	vlt.s32 v11, v60  }
0xf3: {  	vm1 =	vmor vm1, vm2;
	vm3 =	vmand vm3, vm13;
	vm14 =	vlt.s32 v13, v63  }
0xf4: {  	vm1 =	vmor vm1, vm3;
	vm2 =	vmand vm4, vm14  }
0xf5: {  	v7 =	vsel vm0, $0x1, v5;
	vm15 =	vmor vm1, vm2  }
0xf6: {  	v6 =	vor.u32 v7, v6;
	v7 =	vsel vm15, $0x1, v5  }
0xf7: {  	v6 =	vor.u32 v7, v6  }
0xf8: {  	v6 =	vxor.u32 $0x80000000, v6  }
0xf9: {  	(xrf0) =	vmax.scan.msk.u32 $0xffff, v6;
	_ =	sdelay $0x5  }
0xfa: {  	v6, _, _ =	vpop (xrf0)  }
0xfb: {  	(v2sf) =	vpush v6, $0xF;
	_ =	sdelay $0xe  }
0xfc: {  	s31 =	spop (v2sf)  }
0xfd: {  	p0 =	slt.u32 s31, $0x80000001  }
.Ltmp8:
0xfe: {  	_ = 	snop;
	(pc) =	sbr.rel @p0 .LBB2_14-.Ltmp8, $4  }
.Ltmp9:
0xff: {  	_ = 	snop;
	(pc) =	sbr.rel @!p0 .LBB2_11-.Ltmp9, $4  }
0x100: {  	_ = 	snop  }
0x101: {  	_ = 	snop  }
0x102: {  	s0 =	simm.s32 $0x0  }
0x103: {  	_ = 	snop  }
.LBB2_13:
0x104: {  	s0 =	sadd.s32 $0x1, s0  }
0x105: {  	p0 =	sne.s32 s0, $0x50  }
.Ltmp10:
0x106: {  	_ = 	snop;
	(pc) =	sbr.rel @!p0 .LBB2_14-.Ltmp10, $1  }
0x107: {  	_ =	sdelay $0x3  }
.LBB2_11:
0x108: {  	s2 =	sshll.u32 s0, $0x4  }
0x109: {  	v6 =	vld [tilespmem:s2+$0x6C00];
	_ =	sdelay $0x4  }
0x10a: {  	v7 =	vshra.s32 v6, $0x12;
	v8 =	vshrl.u32 v6, $0xC  }
0x10b: {  	v9 =	vshrl.u32 v6, $0x9;
	v7 =	vmul.u32 $0x3E, v7;
	v8 =	vand.u32 $0x3F, v8  }
0x10c: {  	v9 =	vand.u32 $0x7, v9;
	v8 =	vadd.s32 v0, v8  }
0x10d: {  	v7 =	vadd.s32 v7, v8;
	v8 =	vmul.u32 $0x1B0, v9  }
0x10e: {  	v6 =	vand.u32 $0x1FF, v6;
	v63 =	vmul.u32 $0xD80, v7  }
0x10f: {  	vm0 =	vgt.s32 v7, $0xFFFFFFFF;
	vm1 =	vlt.s32 v7, v1;
	v6 =	vadd.s32 v6, v8  }
0x110: {  	vm0 =	vmand vm0, vm1;
	v6 =	vadd.s32 v63, v6  }
0x111: {  	v6 =	vnsel vm0, $0x0, v6;
	_ =	sdelay $0x4  }
0x112: {  	s2 =	sadd.s32 s24, s2;
	v8 =	vld.idx.msk [tilespmem:v6+s4+$0x0], vm0  }
0x113: {  	v7 =	vmov s2  }
0x114: {  	v7 =	vbroadcast v7, $0x0;
	_ =	sdelay $0x1  }
0x115: {  	v7 =	vor.u32 v3, v7  }
0x116: {  	vm1 =	vlt.s32 v8, v7  }
0x117: {  	vm0 =	vmand vm0, vm1  }
0x118: {  	v8 =	vsel vm0, $0x1, v5  }
0x119: {  	v8 =	vor.u32 $0x80000000, v8  }
0x11a: {  	(xrf0) =	vmax.scan.msk.u32 $0xffff, v8;
	_ =	sdelay $0x5  }
0x11b: {  	v8, _, _ =	vpop (xrf0)  }
0x11c: {  	(v2sf) =	vpush v8, $0xF;
	_ =	sdelay $0xe  }
0x11d: {  	s31 =	spop (v2sf)  }
0x11e: {  	p0 =	slt.u32 s31, $0x80000001  }
.Ltmp11:
0x11f: {  	_ = 	snop;
	(pc) =	sbr.rel @p0 .LBB2_13-.Ltmp11, $1  }
0x120: {  	_ =	sdelay $0x3  }
.LBB2_12:
0x121: {  	[tilespmem:v6+s4+$0x0] =	vst.idx.msk vm0, v7  }
0x122: {  	v8 =	vld.idx.msk [tilespmem:v6+s4+$0x0], vm0;
	_ =	sdelay $0x4  }
0x123: {  	vm1 =	vlt.s32 v8, v7  }
0x124: {  	vm0 =	vmand vm0, vm1  }
0x125: {  	v8 =	vsel vm0, $0x1, v5  }
0x126: {  	v8 =	vor.u32 $0x80000000, v8  }
0x127: {  	(xrf0) =	vmax.scan.msk.u32 $0xffff, v8;
	_ =	sdelay $0x5  }
0x128: {  	v8, _, _ =	vpop (xrf0)  }
0x129: {  	(v2sf) =	vpush v8, $0xF;
	_ =	sdelay $0xe  }
0x12a: {  	s2 =	spop (v2sf)  }
0x12b: {  	p0 =	sgt.u32 s2, $0x80000000  }
.Ltmp12:
0x12c: {  	_ = 	snop;
	(pc) =	sbr.rel @p0 .LBB2_12-.Ltmp12, $1  }
0x12d: {  	_ =	sdelay $0x3  }
.Ltmp13:
0x12e: {  	_ = 	snop;
	(pc) =	sbr.rel .LBB2_13-.Ltmp13, $1  }
0x12f: {  	_ =	sdelay $0x3  }
.LBB2_15:
.Ltmp14:
0x130: {  	(pc) =	sbr.rel .LBB2_16-.Ltmp14, $2  }
0x131: {  	_ =	sdelay $0x2  }
0x132: {  	s21 =	simm.s32 $0x0;
	s23 =	simm.s32 $0x0;
	s22 =	simm.s32 $0x0  }
.LBB2_43:
0x133: {  	s22 =	sadd.s32 $0x1, s22  }
0x134: {  	p0 =	sne.s32 s22, s6  }
.Ltmp15:
0x135: {  	_ = 	snop;
	(pc) =	sbr.rel @!p0 .LBB2_44-.Ltmp15, $2  }
0x136: {  	_ =	sdelay $0x2  }
0x137: {  	s21 =	sadd.s32 $0xD80, s21  }
.LBB2_16:
0x138: {  	p0 =	seq.s32 s22, $0x0  }
0x139: {  	s0 =	sadd.s32 @!p0 $0xF, s23  }
0x13a: {  	s2 =	sand.u32 @!p0 $0xF, s0  }
0x13b: {  	p1 =	slt.s32 @!p0 s0, $0x1;
	p2 =	sne.s32 @!p0 s2, $0x0  }
0x13c: {  	s3 =	sshra.s32 @!p0 s0, $0x1F;
	p1 =	por @!p0 !p1, !p2  }
0x13d: {  	s3 =	sshrl.u32 @!p0 s3, $0x1C;
	p1 =	por @!p0 !p1, !p1  }
0x13e: {  	s0 =	sadd.s32 @!p0 s3, s0;
	s3 =	simm.s32 @!p0 $0x1;
	p1 =	por !p1, p0  }
0x13f: {  	s0 =	sshra.s32 @!p0 s0, $0x4;
	s3 =	simm.s32 @p1 $0x0  }
0x140: {  	s8 =	ssub.s32 @!p0 s0, s3  }
0x141: {  	s2 =	simm.s32 @!p0 $0x2;
	p1 =	slt.s32 @!p0 s8, $0x1  }
0x142: {  	_ =	swait.ge @!p0 [sflag:s2], $0x8000;
	p1 =	por p0, p1  }
.Ltmp16:
0x143: {  	[sflag:s2] =	ssyncset.done @!p0 $0x0;
	(pc) =	sbr.rel @p1 .LBB2_20-.Ltmp16, $4  }
0x144: {  	[sflag:s2] =	ssyncadd.s32 @!p0 $0xFFFF8000;
	s0 =	simm.s32 @!p0 $0x3  }
0x145: {  	_ =	swait.ge @!p0 [sflag:s0], $0x8000  }
0x146: {  	[sflag:s0] =	ssyncset.done @!p0 $0x0  }
0x147: {  	[sflag:s0] =	ssyncadd.s32 @!p0 $0xFFFF8000  }
0x148: {  	s0 =	simm.s32 $0x8C00  }
0x149: {  	v7 =	vld [tilespmem:s0+$0x0];
	_ =	sdelay $0x3  }
0x14a: {  	v6 =	vmov s23;
	s3 =	simm.s32 $0x0  }
0x14b: {  	v8 =	vor.u32 s3, v3;
	v9 =	vshll.u32 v7, $0x3;
	v10 =	vshrl.u32 v7, $0x2  }
0x14c: {  	v11 =	vand.u32 $0x7F, v7;
	v7 =	vand.u32 $0xFFFFF000, v7;
	v9 =	vand.u32 $0xC00, v9  }
0x14d: {  	v10 =	vand.u32 $0x380, v10;
	v12 =	vor.u32 v11, v9;
	v9 =	vor.u32 v9, v7  }
0x14e: {  	vm0 =	vlt.s32 v8, v6;
	v7 =	vor.u32 v7, v12;
	v8 =	vor.u32 v10, v9  }
0x14f: {  	v7 =	vor.u32 v10, v7;
	v8 =	vor.u32 v11, v8  }
0x150: {  	v53 =	vadd.s32 $0x1000, v8  }
0x151: {  	v54 =	vadd.s32 $0x2000, v8  }
0x152: {  	v11 =	vadd.s32 $0x3000, v8  }
0x153: {  	v55 =	vadd.s32 $0x4000, v8  }
0x154: {  	[tilespmem:v7+s11+$0x0] =	vst.idx.msk vm0, v4;
	v7 =	vadd.s32 $0x5000, v8  }
0x155: {  	v56 =	vadd.s32 $0x6000, v8;
	[tilespmem:v53+s11+$0x0] =	vst.idx.msk vm0, v4  }
0x156: {  	v57 =	vadd.s32 $0x7000, v8;
	[tilespmem:v54+s11+$0x0] =	vst.idx.msk vm0, v4  }
0x157: {  	v58 =	vadd.s32 $0x8000, v8;
	[tilespmem:v11+s11+$0x0] =	vst.idx.msk vm0, v4  }
0x158: {  	v59 =	vadd.s32 $0x9000, v8;
	[tilespmem:v55+s11+$0x0] =	vst.idx.msk vm0, v4  }
0x159: {  	[tilespmem:v7+s11+$0x0] =	vst.idx.msk vm0, v4;
	v7 =	vadd.s32 $0xA000, v8  }
0x15a: {  	v60 =	vadd.s32 $0xB000, v8;
	[tilespmem:v56+s11+$0x0] =	vst.idx.msk vm0, v4  }
0x15b: {  	v61 =	vadd.s32 $0xC000, v8;
	[tilespmem:v57+s11+$0x0] =	vst.idx.msk vm0, v4  }
0x15c: {  	v62 =	vadd.s32 $0xD000, v8;
	[tilespmem:v58+s11+$0x0] =	vst.idx.msk vm0, v4  }
0x15d: {  	p0 =	sne.s32 s8, $0x1;
	v63 =	vadd.s32 $0xE000, v8;
	[tilespmem:v59+s11+$0x0] =	vst.idx.msk vm0, v4  }
.Ltmp17:
0x15e: {  	[tilespmem:v7+s11+$0x0] =	vst.idx.msk vm0, v4;
	v7 =	vadd.s32 $0xF000, v8;
	(pc) =	sbr.rel @!p0 .LBB2_19-.Ltmp17, $4  }
0x15f: {  	[tilespmem:v60+s11+$0x0] =	vst.idx.msk vm0, v4  }
0x160: {  	[tilespmem:v61+s11+$0x0] =	vst.idx.msk vm0, v4  }
0x161: {  	[tilespmem:v62+s11+$0x0] =	vst.idx.msk vm0, v4  }
0x162: {  	s8 =	sadd.s32 $0xFFFFFFFF, s8;
	[tilespmem:v63+s11+$0x0] =	vst.idx.msk vm0, v4  }
.LBB2_18:
0x163: {  	p0 =	sne.s32 s8, $0x1;
	[tilespmem:v7+s11+$0x0] =	vst.idx.msk vm0, v4;
	s0 =	sadd.s32 $0x10, s0;
	s3 =	sadd.s32 $0x10, s3  }
0x164: {  	s8 =	sadd.s32 $0xFFFFFFFF, s8;
	v7 =	vld [tilespmem:s0+$0x0];
	_ =	sdelay $0x4  }
0x165: {  	v8 =	vor.u32 s3, v3;
	v9 =	vshll.u32 v7, $0x3;
	v10 =	vshrl.u32 v7, $0x2  }
0x166: {  	v11 =	vand.u32 $0x7F, v7;
	v7 =	vand.u32 $0xFFFFF000, v7;
	v9 =	vand.u32 $0xC00, v9  }
0x167: {  	v10 =	vand.u32 $0x380, v10;
	v12 =	vor.u32 v11, v9;
	v9 =	vor.u32 v9, v7  }
0x168: {  	vm0 =	vlt.s32 v8, v6;
	v7 =	vor.u32 v7, v12;
	v8 =	vor.u32 v10, v9  }
0x169: {  	v7 =	vor.u32 v10, v7;
	v8 =	vor.u32 v11, v8  }
0x16a: {  	v9 =	vadd.s32 $0x1000, v8  }
0x16b: {  	v10 =	vadd.s32 $0x2000, v8  }
0x16c: {  	v11 =	vadd.s32 $0x3000, v8  }
0x16d: {  	v12 =	vadd.s32 $0x4000, v8  }
0x16e: {  	[tilespmem:v7+s11+$0x0] =	vst.idx.msk vm0, v4;
	v7 =	vadd.s32 $0x5000, v8  }
0x16f: {  	[tilespmem:v9+s11+$0x0] =	vst.idx.msk vm0, v4;
	v9 =	vadd.s32 $0x6000, v8  }
0x170: {  	[tilespmem:v10+s11+$0x0] =	vst.idx.msk vm0, v4;
	v10 =	vadd.s32 $0x7000, v8  }
0x171: {  	[tilespmem:v11+s11+$0x0] =	vst.idx.msk vm0, v4;
	v11 =	vadd.s32 $0x8000, v8  }
0x172: {  	[tilespmem:v12+s11+$0x0] =	vst.idx.msk vm0, v4;
	v12 =	vadd.s32 $0x9000, v8  }
0x173: {  	[tilespmem:v7+s11+$0x0] =	vst.idx.msk vm0, v4;
	v7 =	vadd.s32 $0xA000, v8  }
0x174: {  	[tilespmem:v9+s11+$0x0] =	vst.idx.msk vm0, v4;
	v9 =	vadd.s32 $0xB000, v8  }
0x175: {  	[tilespmem:v10+s11+$0x0] =	vst.idx.msk vm0, v4;
	v10 =	vadd.s32 $0xC000, v8  }
0x176: {  	[tilespmem:v11+s11+$0x0] =	vst.idx.msk vm0, v4;
	v11 =	vadd.s32 $0xD000, v8  }
0x177: {  	[tilespmem:v12+s11+$0x0] =	vst.idx.msk vm0, v4;
	v12 =	vadd.s32 $0xE000, v8  }
.Ltmp18:
0x178: {  	[tilespmem:v7+s11+$0x0] =	vst.idx.msk vm0, v4;
	v7 =	vadd.s32 $0xF000, v8;
	(pc) =	sbr.rel @p0 .LBB2_18-.Ltmp18, $4  }
0x179: {  	[tilespmem:v9+s11+$0x0] =	vst.idx.msk vm0, v4  }
0x17a: {  	[tilespmem:v10+s11+$0x0] =	vst.idx.msk vm0, v4  }
0x17b: {  	[tilespmem:v11+s11+$0x0] =	vst.idx.msk vm0, v4  }
0x17c: {  	[tilespmem:v12+s11+$0x0] =	vst.idx.msk vm0, v4  }
.LBB2_19:
0x17d: {  	_ =	sdelay $0x4  }
0x17e: {  	[tilespmem:v7+s11+$0x0] =	vst.idx.msk vm0, v4  }
.LBB2_20:
0x17f: {  	s2 =	sadd.s32 s7, s22  }
0x180: {  	s0 =	sshrl.u32 s2, $0x2  }
0x181: {  	s3 =	sshrl.u32 s2, $0x1;
	s0 =	smulhi.u32 $0x21084211, s0  }
0x182: {  	s3 =	smulhi.u32 $0x84210843, s3  }
0x183: {  	s0 =	sshrl.u32 s0, $0x2  }
0x184: {  	s3 =	sshrl.u32 s3, $0x4;
	s8 =	smul.u32 $0x7C, s0  }
0x185: {  	s19 =	sadd.s32 $0x0, s21;
	s3 =	smul.u32 $0x3E, s3  }
0x186: {  	s18 =	simm.s32 $0x0;
	s23 =	simm.s32 $0x0;
	s30 =	sand.u32 $0x7FFFFF80, s19  }
0x187: {  	s31 =	sand.u32 $0x70, s18;
	s8 =	ssub.s32 s2, s8;
	s2 =	ssub.s32 s2, s3  }
0x188: {  	v7 =	vimm.s32 $0x0;
	v6 =	vimm.s32 $0x0;
	s19 =	simm.s32 $0x1;
	s3 =	sshll.u32 s2, $0xC;
	s2 =	sor.u32 s31, s30  }
.LBB2_21:
0x189: {  	p0 =	sne.s32 s19, $0xD7;
	v8 =	vld [tilespmem:s2+$0x0];
	_ =	sdelay $0x4  }
0x18a: {  	vm0 =	vgt.s32 v8, $0xFFFFFFFF  }
0x18b: {  	v9 =	vsel vm0, $0x1, v5;
	v10 =	vmpcnt.ones.xlane vm0  }
0x18c: {  	(xrf0) =	vadd.scan.msk.s32 $0xffff, v9  }
0x18d: {  	v7 =	vadd.s32 v7, v10;
	_ =	sdelay $0x3  }
0x18e: {  	s2 =	smul.u32 $0x13, s18  }
0x18f: {  	v9, _, _ =	vpop (xrf0)  }
0x190: {  	s20 =	sshrl.u32 s2, $0x9;
	v9 =	vadd.s32 v9, v6;
	v6 =	vmov v7  }
0x191: {  	s20 =	sand.u32 $0x7F, s20;
	v9 =	vadd.s32 $0xFFFFFFFF, v9  }
0x192: {  	s20 =	smul.u32 $0x1B, s20;
	v9 =	vnsel vm0, $0xD7F, v9;
	_ =	sdelay $0x1  }
0x193: {  	s20 =	ssub.s32 s18, s20;
	s18 =	smov.u32 s19  }
.Ltmp19:
0x194: {  	s20 =	sand.u32 $0xFF, s20;
	(pc) =	sbr.rel @p0 .LBB2_21-.Ltmp19, $4  }
0x195: {  	s23 =	sadd.s32 $0x10, s23;
	s2 =	sand.u32 $0xFE00, s2;
	v10 =	vshra.s32 v8, $0x1;
	v8 =	vshll.u32 v8, $0x6;
	s20 =	sshll.u32 s20, $0x4  }
0x196: {  	s24 =	sadd.s32 s23, s21;
	v8 =	vand.u32 $0x40, v8;
	s2 =	sor.u32 s20, s2;
	[tilespmem:v9+s12+$0x0] =	vst.idx.msk vm0, v10  }
0x197: {  	s20 =	sand.u32 $0x7FFFFF80, s24;
	s24 =	sand.u32 $0x70, s23;
	[tilespmem:v9+s13+$0x0] =	vst.idx.msk vm0, v8;
	v8 =	vor.u32 s2, v3  }
0x198: {  	s19 =	sadd.s32 $0x1, s19;
	s2 =	sor.u32 s24, s20;
	[tilespmem:v9+s14+$0x0] =	vst.idx.msk vm0, v8  }
0x199: {  	v8 =	vld [tilespmem:s2+$0x0];
	_ =	sdelay $0x4  }
0x19a: {  	vm0 =	vgt.s32 v8, $0xFFFFFFFF  }
0x19b: {  	v9 =	vmpcnt.ones.xlane vm0;
	_ =	sdelay $0x1  }
0x19c: {  	v10 =	vsel vm0, $0x1, v5;
	v7 =	vadd.s32 v7, v9  }
0x19d: {  	(xrf0) =	vadd.scan.msk.s32 $0xffff, v10;
	v7 =	vxor.u32 $0x80000000, v7  }
0x19e: {  	(xrf0) =	vmax.scan.msk.u32 $0xffff, v7;
	_ =	sdelay $0x4  }
0x19f: {  	v7, _, _ =	vpop (xrf0)  }
0x1a0: {  	v63, _, _ =	vpop (xrf0)  }
0x1a1: {  	(v2sf) =	vpush v63, $0xF;
	_ =	sdelay $0xe  }
0x1a2: {  	s24 =	smul.u32 $0x13, s18;
	s2 =	spop (v2sf)  }
0x1a3: {  	s0 =	smul.u32 $0x1F00000, s0;
	s19 =	sadd.s32 $0x800000BF, s2  }
0x1a4: {  	s20 =	smulhi.u32 $0x2AAAAAAB, s19;
	s23 =	sshra.s32 s19, $0x1F  }
0x1a5: {  	s28 =	simm.s32 $0x0;
	s25 =	sshrl.u32 s24, $0x9;
	s23 =	smul.u32 $0x2AAAAAAB, s23  }
0x1a6: {  	s0 =	sor.u32 s0, s3;
	s3 =	simm.s32 $0x3E000;
	s30 =	sand.u32 $0x7F, s25  }
0x1a7: {  	s26 =	ssub.s32 $0x7FFFFF41, s2;
	s25 =	sadd.s32 $0x8000000F, s2;
	s20 =	sadd.s32 s23, s20  }
0x1a8: {  	p1 =	slt.s32 s19, $0x1;
	s23 =	sshrl.u32 s20, $0x1F;
	s20 =	sshra.s32 s20, $0x5  }
0x1a9: {  	s29 =	sand.u32 $0xF, s25;
	s20 =	sadd.s32 s23, s20;
	s23 =	smul.u32 $0x1B, s30  }
0x1aa: {  	v6 =	vadd.s32 v7, v6;
	p6 =	slt.s32 s25, $0x1;
	p2 =	sne.s32 s29, $0x0;
	s31 =	smul.u32 $0xFFFFFF40, s20  }
0x1ab: {  	v6 =	vadd.s32 $0xFFFFFFFF, v6;
	s19 =	simm.s32 $0x1;
	p2 =	por !p6, !p2;
	s30 =	sand.u32 $0xFE00, s24  }
0x1ac: {  	v6 =	vnsel vm0, $0xD7F, v6;
	p0 =	sne.s32 s31, s26;
	s26 =	ssub.s32 s18, s23;
	s23 =	sxor.u32 $0x80000000, s2  }
0x1ad: {  	s31 =	sshra.s32 s25, $0x1F;
	s18 =	sand.u32 $0xFF, s26;
	p1 =	por !p1, !p0  }
0x1ae: {  	p0 =	sgt.u32 s8, $0x3D;
	s8 =	simm.s32 $0x1;
	s2 =	sshrl.u32 s31, $0x1C  }
.Ltmp20:
0x1af: {  	s18 =	sshll.u32 s18, $0x4;
	p1 =	por !p1, !p1;
	(pc) =	sbr.rel .LBB2_23-.Ltmp20, $4  }
0x1b0: {  	v7 =	vshra.s32 v8, $0x1;
	v8 =	vshll.u32 v8, $0x6;
	s2 =	sadd.s32 s2, s25;
	s3 =	simm.s32 @!p0 $0x0;
	s18 =	sor.u32 s18, s30  }
0x1b1: {  	[tilespmem:v6+s12+$0x0] =	vst.idx.msk vm0, v7;
	v7 =	vand.u32 $0x40, v8;
	s8 =	simm.s32 @!p1 $0x0;
	p1 =	por !p2, !p2;
	s2 =	sshra.s32 s2, $0x4  }
0x1b2: {  	[tilespmem:v6+s13+$0x0] =	vst.idx.msk vm0, v7;
	s26 =	sadd.s32 s3, s0;
	s19 =	simm.s32 @!p1 $0x0;
	v8 =	vor.u32 s18, v3;
	s24 =	ssub.s32 s20, s8  }
0x1b3: {  	p1 =	sgt.s32 s23, $0xC0;
	s25 =	ssub.s32 s2, s19;
	[tilespmem:v6+s14+$0x0] =	vst.idx.msk vm0, v8;
	v6 =	vmov s23;
	p0 =	slt.s32 s24, $0x1  }
.LBB2_42:
0x1b4: {  	p3 =	sne.s32 s29, $0x0  }
0x1b5: {  	s0 =	smul.u32 @!p3 $0x3E0000, s28;
	_ =	sdelay $0x1  }
0x1b6: {  	s0 =	sadd.s32 @!p3 s0, s26  }
0x1b7: {  	s18 =	smul.u32 @p2 $0x3E0000, s28;
	s2 =	simm.s32 @!p3 $0x1000;
	s0 =	sshrl.u32 @!p3 s0, $0x3  }
0x1b8: {  	s3 =	simm.s32 @!p3 $0x7C000;
	s8 =	simm.s32 @!p3 $0xF980;
	s0 =	sadd.s32 @!p3 s5, s0  }
0x1b9: {  	[hbm4b:s0+s2] =	stream.strided.scatter @!p3 [tilespmem:s8], [sflag:$0x2], $0x8000, s3, s2, $0x38;
	[tilespmem:$0x1F980] =	vst v63  }
0x1ba: {  	s0 =	sadd.s32 @p2 s18, s26  }
0x1bb: {  	s28 =	sadd.s32 $0x1, s28;
	s2 =	simm.s32 @p2 $0x1000;
	s0 =	sshrl.u32 @p2 s0, $0x3  }
0x1bc: {  	s3 =	simm.s32 @p2 $0x7C000;
	s8 =	simm.s32 @p2 $0x17980;
	s0 =	sadd.s32 @p2 s5, s0  }
0x1bd: {  	[hbm4b:s0+s2] =	stream.strided.scatter @p2 [tilespmem:s8], [sflag:$0x3], $0x8000, s3, s2, $0x38;
	[tilespmem:$0x1F980] =	vst v63  }
0x1be: {  	p2 =	sne.s32 s28, $0x8  }
.Ltmp21:
0x1bf: {  	_ = 	snop;
	(pc) =	sbr.rel @!p2 .LBB2_43-.Ltmp21, $1  }
0x1c0: {  	_ =	sdelay $0x3  }
.LBB2_23:
0x1c1: {  	s29 =	sand.u32 $0x1, s28;
	p3 =	slt.u32 s28, $0x2  }
0x1c2: {  	p2 =	sne.s32 @!p3 s29, $0x0  }
0x1c3: {  	p2 =	por p3, p2  }
0x1c4: {  	p4 =	slt.s32 @!p2 s25, $0x1  }
0x1c5: {  	p4 =	por p2, p4  }
.Ltmp22:
0x1c6: {  	_ = 	snop;
	(pc) =	sbr.rel @p4 .LBB2_27-.Ltmp22, $4  }
0x1c7: {  	s0 =	simm.s32 @!p2 $0x2  }
0x1c8: {  	_ =	swait.ge @!p2 [sflag:s0], $0x8000  }
0x1c9: {  	[sflag:s0] =	ssyncset.done @!p2 $0x0  }
0x1ca: {  	[sflag:s0] =	ssyncadd.s32 @!p2 $0xFFFF8000  }
0x1cb: {  	s0 =	simm.s32 @!p2 $0x8C00  }
0x1cc: {  	v7 =	vld [tilespmem:s0+$0x0];
	_ =	sdelay $0x3  }
0x1cd: {  	s3 =	simm.s32 @!p2 $0x0  }
0x1ce: {  	v8 =	vor.u32 s3, v3;
	v9 =	vshll.u32 v7, $0x3;
	v10 =	vshrl.u32 v7, $0x2  }
0x1cf: {  	v11 =	vand.u32 $0x7F, v7;
	v7 =	vand.u32 $0xFFFFF000, v7;
	v9 =	vand.u32 $0xC00, v9  }
0x1d0: {  	v10 =	vand.u32 $0x380, v10;
	v12 =	vor.u32 v11, v9;
	v9 =	vor.u32 v9, v7  }
0x1d1: {  	vm0 =	vlt.s32 v8, v6;
	v7 =	vor.u32 v7, v12;
	v8 =	vor.u32 v10, v9  }
0x1d2: {  	v7 =	vor.u32 v10, v7;
	v8 =	vor.u32 v11, v8  }
0x1d3: {  	v60 =	vadd.s32 $0x1000, v8  }
0x1d4: {  	v61 =	vadd.s32 $0x2000, v8  }
0x1d5: {  	v11 =	vadd.s32 $0x3000, v8  }
0x1d6: {  	v62 =	vadd.s32 $0x4000, v8  }
0x1d7: {  	[tilespmem:v7+s11+$0x0] =	vst.idx.msk vm0, v4;
	v7 =	vadd.s32 $0x5000, v8  }
0x1d8: {  	[tilespmem:v60+s11+$0x0] =	vst.idx.msk vm0, v4  }
0x1d9: {  	[tilespmem:v61+s11+$0x0] =	vst.idx.msk vm0, v4  }
0x1da: {  	[tilespmem:v11+s11+$0x0] =	vst.idx.msk vm0, v4  }
0x1db: {  	p2 =	sne.s32 s25, $0x1;
	v63 =	vadd.s32 $0x6000, v8;
	[tilespmem:v62+s11+$0x0] =	vst.idx.msk vm0, v4  }
.Ltmp23:
0x1dc: {  	[tilespmem:v7+s11+$0x0] =	vst.idx.msk vm0, v4;
	v7 =	vadd.s32 $0x7000, v8;
	(pc) =	sbr.rel @!p2 .LBB2_26-.Ltmp23, $2  }
0x1dd: {  	_ =	sdelay $0x2  }
0x1de: {  	s8 =	sadd.s32 $0xFFFFFFFF, s25;
	[tilespmem:v63+s11+$0x0] =	vst.idx.msk vm0, v4  }
.LBB2_25:
0x1df: {  	p2 =	sne.s32 s8, $0x1;
	[tilespmem:v7+s11+$0x0] =	vst.idx.msk vm0, v4;
	s0 =	sadd.s32 $0x10, s0;
	s3 =	sadd.s32 $0x10, s3  }
0x1e0: {  	s8 =	sadd.s32 $0xFFFFFFFF, s8;
	v7 =	vld [tilespmem:s0+$0x0];
	_ =	sdelay $0x4  }
0x1e1: {  	v8 =	vor.u32 s3, v3;
	v9 =	vshll.u32 v7, $0x3;
	v10 =	vshrl.u32 v7, $0x2  }
0x1e2: {  	v11 =	vand.u32 $0x7F, v7;
	v7 =	vand.u32 $0xFFFFF000, v7;
	v9 =	vand.u32 $0xC00, v9  }
0x1e3: {  	v10 =	vand.u32 $0x380, v10;
	v12 =	vor.u32 v11, v9;
	v9 =	vor.u32 v9, v7  }
0x1e4: {  	vm0 =	vlt.s32 v8, v6;
	v7 =	vor.u32 v7, v12;
	v8 =	vor.u32 v10, v9  }
0x1e5: {  	v7 =	vor.u32 v10, v7;
	v8 =	vor.u32 v11, v8  }
0x1e6: {  	v9 =	vadd.s32 $0x1000, v8  }
0x1e7: {  	v10 =	vadd.s32 $0x2000, v8  }
0x1e8: {  	v11 =	vadd.s32 $0x3000, v8  }
0x1e9: {  	v12 =	vadd.s32 $0x4000, v8  }
0x1ea: {  	v13 =	vadd.s32 $0x5000, v8;
	[tilespmem:v7+s11+$0x0] =	vst.idx.msk vm0, v4  }
0x1eb: {  	[tilespmem:v9+s11+$0x0] =	vst.idx.msk vm0, v4;
	v9 =	vadd.s32 $0x6000, v8  }
.Ltmp24:
0x1ec: {  	v7 =	vadd.s32 $0x7000, v8;
	[tilespmem:v10+s11+$0x0] =	vst.idx.msk vm0, v4;
	(pc) =	sbr.rel @p2 .LBB2_25-.Ltmp24, $4  }
0x1ed: {  	[tilespmem:v11+s11+$0x0] =	vst.idx.msk vm0, v4  }
0x1ee: {  	[tilespmem:v12+s11+$0x0] =	vst.idx.msk vm0, v4  }
0x1ef: {  	[tilespmem:v13+s11+$0x0] =	vst.idx.msk vm0, v4  }
0x1f0: {  	[tilespmem:v9+s11+$0x0] =	vst.idx.msk vm0, v4  }
.LBB2_26:
0x1f1: {  	_ =	sdelay $0x4  }
0x1f2: {  	[tilespmem:v7+s11+$0x0] =	vst.idx.msk vm0, v4  }
.LBB2_27:
0x1f3: {  	p2 =	seq.s32 s29, $0x1  }
0x1f4: {  	p3 =	por p3, !p2  }
0x1f5: {  	p4 =	slt.s32 @!p3 s25, $0x1  }
0x1f6: {  	p4 =	por p3, p4  }
.Ltmp25:
0x1f7: {  	_ = 	snop;
	(pc) =	sbr.rel @p4 .LBB2_31-.Ltmp25, $4  }
0x1f8: {  	s0 =	simm.s32 @!p3 $0x3  }
0x1f9: {  	_ =	swait.ge @!p3 [sflag:s0], $0x8000  }
0x1fa: {  	[sflag:s0] =	ssyncset.done @!p3 $0x0  }
0x1fb: {  	[sflag:s0] =	ssyncadd.s32 @!p3 $0xFFFF8000  }
0x1fc: {  	s0 =	simm.s32 @!p3 $0x8C00  }
0x1fd: {  	v7 =	vld [tilespmem:s0+$0x0];
	_ =	sdelay $0x4  }
0x1fe: {  	v8 =	vshll.u32 v7, $0x3  }
0x1ff: {  	v9 =	vshrl.u32 v7, $0x2;
	v10 =	vand.u32 $0xFFFFF000, v7;
	v8 =	vand.u32 $0xC00, v8  }
0x200: {  	s3 =	simm.s32 @!p3 $0x0;
	v9 =	vand.u32 $0x380, v9;
	v8 =	vor.u32 v8, v10  }
0x201: {  	v60 =	vor.u32 s3, v3;
	v7 =	vand.u32 $0x7F, v7;
	v8 =	vor.u32 v9, v8  }
0x202: {  	vm0 =	vlt.s32 v60, v6;
	v7 =	vor.u32 v7, v8  }
0x203: {  	v8 =	vadd.s32 $0x8000, v7  }
0x204: {  	v61 =	vadd.s32 $0x9000, v7  }
0x205: {  	v62 =	vadd.s32 $0xA000, v7  }
0x206: {  	v11 =	vadd.s32 $0xB000, v7  }
0x207: {  	v12 =	vadd.s32 $0xC000, v7  }
0x208: {  	[tilespmem:v8+s11+$0x0] =	vst.idx.msk vm0, v4;
	v8 =	vadd.s32 $0xD000, v7  }
0x209: {  	p3 =	sne.s32 s25, $0x1;
	v63 =	vadd.s32 $0xE000, v7;
	[tilespmem:v61+s11+$0x0] =	vst.idx.msk vm0, v4  }
.Ltmp26:
0x20a: {  	v7 =	vadd.s32 $0xF000, v7;
	[tilespmem:v62+s11+$0x0] =	vst.idx.msk vm0, v4;
	(pc) =	sbr.rel @!p3 .LBB2_30-.Ltmp26, $4  }
0x20b: {  	[tilespmem:v11+s11+$0x0] =	vst.idx.msk vm0, v4  }
0x20c: {  	[tilespmem:v12+s11+$0x0] =	vst.idx.msk vm0, v4  }
0x20d: {  	[tilespmem:v8+s11+$0x0] =	vst.idx.msk vm0, v4  }
0x20e: {  	s8 =	sadd.s32 $0xFFFFFFFF, s25;
	[tilespmem:v63+s11+$0x0] =	vst.idx.msk vm0, v4  }
.LBB2_29:
0x20f: {  	p3 =	sne.s32 s8, $0x1;
	[tilespmem:v7+s11+$0x0] =	vst.idx.msk vm0, v4;
	s0 =	sadd.s32 $0x10, s0;
	s3 =	sadd.s32 $0x10, s3  }
0x210: {  	s8 =	sadd.s32 $0xFFFFFFFF, s8;
	v7 =	vld [tilespmem:s0+$0x0];
	_ =	sdelay $0x4  }
0x211: {  	v8 =	vshll.u32 v7, $0x3;
	v9 =	vshrl.u32 v7, $0x2  }
0x212: {  	v10 =	vand.u32 $0xFFFFF000, v7;
	v8 =	vand.u32 $0xC00, v8  }
0x213: {  	v9 =	vand.u32 $0x380, v9;
	v8 =	vor.u32 v8, v10  }
0x214: {  	v7 =	vand.u32 $0x7F, v7;
	v10 =	vor.u32 s3, v3;
	v8 =	vor.u32 v9, v8  }
0x215: {  	vm0 =	vlt.s32 v10, v6;
	v7 =	vor.u32 v7, v8  }
0x216: {  	v8 =	vadd.s32 $0x8000, v7  }
0x217: {  	v9 =	vadd.s32 $0x9000, v7  }
0x218: {  	v10 =	vadd.s32 $0xA000, v7  }
0x219: {  	v11 =	vadd.s32 $0xB000, v7  }
0x21a: {  	v12 =	vadd.s32 $0xC000, v7  }
0x21b: {  	[tilespmem:v8+s11+$0x0] =	vst.idx.msk vm0, v4;
	v8 =	vadd.s32 $0xD000, v7  }
0x21c: {  	[tilespmem:v9+s11+$0x0] =	vst.idx.msk vm0, v4;
	v9 =	vadd.s32 $0xE000, v7  }
.Ltmp27:
0x21d: {  	v7 =	vadd.s32 $0xF000, v7;
	[tilespmem:v10+s11+$0x0] =	vst.idx.msk vm0, v4;
	(pc) =	sbr.rel @p3 .LBB2_29-.Ltmp27, $4  }
0x21e: {  	[tilespmem:v11+s11+$0x0] =	vst.idx.msk vm0, v4  }
0x21f: {  	[tilespmem:v12+s11+$0x0] =	vst.idx.msk vm0, v4  }
0x220: {  	[tilespmem:v8+s11+$0x0] =	vst.idx.msk vm0, v4  }
0x221: {  	[tilespmem:v9+s11+$0x0] =	vst.idx.msk vm0, v4  }
.LBB2_30:
0x222: {  	_ =	sdelay $0x4  }
0x223: {  	[tilespmem:v7+s11+$0x0] =	vst.idx.msk vm0, v4  }
.LBB2_31:
.Ltmp28:
0x224: {  	(pc) =	sbr.rel @p0 .LBB2_42-.Ltmp28, $1  }
0x225: {  	_ =	sdelay $0x3  }
0x226: {  	s0 =	sshll.u32 s28, $0x3;
	s2 =	sshll.u32 s29, $0xF  }
0x227: {  	v7 =	vmov s2;
	s8 =	sor.u32 $0x1, s0  }
0x228: {  	v8 =	vmov s0;
	s18 =	sor.u32 $0x2, s0;
	s3 =	sor.u32 $0x3, s0;
	v9 =	vmov s8;
	v10 =	vor.u32 $0x1000, v7  }
0x229: {  	s19 =	sor.u32 $0x4, s0;
	v11 =	vmov s18;
	v12 =	vor.u32 $0x2000, v7;
	v13 =	vmov s3  }
0x22a: {  	p3 =	seq.s32 s28, $0x0;
	s20 =	sor.u32 $0x5, s0;
	s31 =	sor.u32 $0x6, s0;
	v14 =	vor.u32 $0x3000, v7;
	v15 =	vmov s19;
	v16 =	vor.u32 $0x4000, v7  }
0x22b: {  	s30 =	simm.s32 $0x0;
	p3 =	por p1, p3;
	s0 =	sor.u32 $0x7, s0;
	v17 =	vmov s20;
	v18 =	vor.u32 $0x5000, v7;
	v19 =	vmov s31  }
0x22c: {  	s2 =	simm.s32 $0x7100;
	v20 =	vor.u32 $0x6000, v7;
	v21 =	vmov s0;
	v22 =	vor.u32 $0x7000, v7;
	s18 =	simm.s32 $0x8C00;
	s19 =	simm.s32 $0x7E80  }
.LBB2_33:
0x22d: {  	s0 =	smul.u32 $0xC0, s30;
	_ =	sdelay $0x1  }
0x22e: {  	s3 =	ssub.s32 s23, s0  }
0x22f: {  	p4 =	slt.s32 s3, $0xC0  }
0x230: {  	p5 =	slt.s32 s3, $0xFFFFFFF2;
	s3 =	simm.s32 @!p4 $0xC0  }
0x231: {  	s3 =	sadd.s32 $0xF, s3  }
0x232: {  	s8 =	sand.u32 $0xF, s3  }
0x233: {  	s31 =	sshra.s32 s3, $0x1F;
	p6 =	sne.s32 s8, $0x0  }
0x234: {  	s8 =	sshrl.u32 s31, $0x1C;
	p4 =	por !p5, !p6  }
0x235: {  	s3 =	sadd.s32 s8, s3;
	s8 =	simm.s32 $0x1;
	p4 =	por !p4, !p4  }
0x236: {  	s3 =	sshra.s32 s3, $0x4;
	s8 =	simm.s32 @!p4 $0x0  }
0x237: {  	s3 =	ssub.s32 s3, s8  }
0x238: {  	p6 =	sgt.s32 s3, $0x0  }
0x239: {  	p4 =	por !p3, !p6  }
0x23a: {  	p4 =	por !p4, !p4  }
.Ltmp29:
0x23b: {  	_ = 	snop;
	(pc) =	sbr.rel @!p4 .LBB2_39-.Ltmp29, $2  }
0x23c: {  	_ =	sdelay $0x2  }
0x23d: {  	s8 =	simm.s32 $0x9980  }
0x23e: {  	p4 =	sne.s32 s3, $0x1  }
.Ltmp30:
0x23f: {  	_ = 	snop;
	(pc) =	sbr.rel @!p4 .LBB2_36-.Ltmp30, $3  }
0x240: {  	_ =	sdelay $0x1  }
0x241: {  	[tilespmem:s8], [sflag:$0x1] =	stream.indirect.gather [hbm4b:s1+s16], $0x80, s2, s16, $0xb8;
	[tilespmem:$0x1F980] =	vst v63  }
0x242: {  	s20 =	sadd.s32 $0xFFFFFFFF, s3;
	s31 =	smov.u32 s2  }
.LBB2_35:
0x243: {  	p4 =	sne.s32 s20, $0x1  }
.Ltmp31:
0x244: {  	_ = 	snop;
	(pc) =	sbr.rel @p4 .LBB2_35-.Ltmp31, $4  }
0x245: {  	_ = 	snop  }
0x246: {  	s31 =	sadd.s32 $0x10, s31;
	s8 =	sadd.s32 $0x800, s8  }
0x247: {  	s20 =	sadd.s32 $0xFFFFFFFF, s20  }
0x248: {  	[tilespmem:s8], [sflag:$0x1] =	stream.indirect.gather [hbm4b:s1+s16], $0x80, s31, s16, $0xb8;
	[tilespmem:$0x1F980] =	vst v63  }
.LBB2_36:
0x249: {  	p4 =	sne.s32 s3, $0x1  }
.Ltmp32:
0x24a: {  	_ = 	snop;
	(pc) =	sbr.rel @!p4 .LBB2_38-.Ltmp32, $3  }
0x24b: {  	_ =	sdelay $0x1  }
0x24c: {  	_ =	swait.ge [sflag:s15], $0x800  }
0x24d: {  	s3 =	sadd.s32 $0xFFFFFFFF, s3;
	[sflag:s15] =	ssyncset.done $0x0  }
.LBB2_37:
0x24e: {  	p4 =	sne.s32 s3, $0x1;
	s3 =	sadd.s32 $0xFFFFFFFF, s3;
	[sflag:s15] =	ssyncadd.s32 $0xFFFFF800  }
.Ltmp33:
0x24f: {  	(pc) =	sbr.rel @p4 .LBB2_37-.Ltmp33, $3  }
0x250: {  	_ =	sdelay $0x1  }
0x251: {  	_ =	swait.ge [sflag:s15], $0x800  }
0x252: {  	[sflag:s15] =	ssyncset.done $0x0  }
.LBB2_38:
0x253: {  	[sflag:s15] =	ssyncadd.s32 $0xFFFFF800  }
.LBB2_39:
0x254: {  	v24 =	vld [tilespmem:s19+$0x0];
	_ =	sdelay $0x2  }
0x255: {  	s3 =	simm.s32 $0x0  }
0x256: {  	v23 =	vmov s0;
	v26 =	vld [tilespmem:s18+$0x0];
	v25 =	vor.u32 s3, v3  }
0x257: {  	v27 =	vadd.s32 v23, v25;
	v28 =	vadd.s32 v8, v24  }
0x258: {  	vm0 =	vlt.s32 v27, v6;
	v27 =	vshll.u32 v25, $0x7;
	v25 =	vand.u32 $0xFFFFFF80, v28  }
0x259: {  	vm0 =	vmmov vm0;
	v28 =	vand.u32 $0x7F, v28;
	v25 =	vadd.s32 v27, v25  }
0x25a: {  	v25 =	vor.u32 v28, v25  }
0x25b: {  	v29 =	vshll.u32 v26, $0x3;
	v28 =	vand.u32 $0xFFFFF000, v26  }
0x25c: {  	v31 =	vshrl.u32 v26, $0x2;
	v29 =	vand.u32 $0xC00, v29;
	v30 =	vadd.s32 v7, v28  }
0x25d: {  	v32 =	vadd.s32 v9, v24;
	v31 =	vand.u32 $0x380, v31;
	v30 =	vor.u32 v29, v30  }
0x25e: {  	v33 =	vand.u32 $0xFFFFFF80, v32;
	v26 =	vand.u32 $0x7F, v26;
	v30 =	vor.u32 v31, v30  }
0x25f: {  	v32 =	vand.u32 $0x7F, v32;
	v33 =	vadd.s32 v27, v33;
	v30 =	vor.u32 v26, v30;
	v25 =	vld.idx.msk [tilespmem:v25+s17+$0x0], vm0  }
0x260: {  	v32 =	vor.u32 v32, v33;
	_ =	sdelay $0x1  }
0x261: {  	v42 =	vadd.s32 v28, v10  }
0x262: {  	v34 =	vadd.s32 v11, v24;
	v33 =	vor.u32 v26, v42  }
0x263: {  	v35 =	vand.u32 $0xFFFFFF80, v34;
	[tilespmem:v30+s11+$0x0] =	vst.idx.msk vm0, v25;
	v25 =	vor.u32 v29, v33  }
0x264: {  	v43 =	vand.u32 $0x7F, v34;
	v30 =	vadd.s32 v27, v35;
	v32 =	vld.idx.msk [tilespmem:v32+s17+$0x0], vm0;
	v25 =	vor.u32 v31, v25  }
0x265: {  	v30 =	vor.u32 v43, v30;
	_ =	sdelay $0x1  }
0x266: {  	v44 =	vadd.s32 v28, v12  }
0x267: {  	v45 =	vadd.s32 v13, v24;
	v33 =	vor.u32 v26, v44  }
0x268: {  	v46 =	vand.u32 $0xFFFFFF80, v45;
	v33 =	vor.u32 v29, v33;
	[tilespmem:v25+s11+$0x0] =	vst.idx.msk vm0, v32  }
0x269: {  	v48 =	vand.u32 $0x7F, v45;
	v47 =	vor.u32 v31, v33;
	v25 =	vadd.s32 v27, v46;
	v30 =	vld.idx.msk [tilespmem:v30+s17+$0x0], vm0  }
0x26a: {  	v25 =	vor.u32 v48, v25;
	_ =	sdelay $0x1  }
0x26b: {  	v49 =	vadd.s32 v28, v14  }
0x26c: {  	v50 =	vadd.s32 v15, v24;
	v33 =	vor.u32 v26, v49  }
0x26d: {  	v51 =	vand.u32 $0xFFFFFF80, v50;
	v33 =	vor.u32 v29, v33;
	[tilespmem:v47+s11+$0x0] =	vst.idx.msk vm0, v30  }
0x26e: {  	v53 =	vand.u32 $0x7F, v50;
	v52 =	vadd.s32 v27, v51;
	v30 =	vor.u32 v31, v33;
	v25 =	vld.idx.msk [tilespmem:v25+s17+$0x0], vm0  }
0x26f: {  	v32 =	vor.u32 v53, v52;
	_ =	sdelay $0x1  }
0x270: {  	v54 =	vadd.s32 v28, v16  }
0x271: {  	v33 =	vor.u32 v26, v54  }
0x272: {  	v55 =	vadd.s32 v17, v24;
	v33 =	vor.u32 v29, v33;
	[tilespmem:v30+s11+$0x0] =	vst.idx.msk vm0, v25  }
0x273: {  	v56 =	vand.u32 $0xFFFFFF80, v55;
	v25 =	vor.u32 v31, v33;
	v32 =	vld.idx.msk [tilespmem:v32+s17+$0x0], vm0  }
0x274: {  	v57 =	vand.u32 $0x7F, v55;
	v30 =	vadd.s32 v27, v56  }
0x275: {  	v58 =	vadd.s32 v28, v18;
	v30 =	vor.u32 v57, v30  }
0x276: {  	v62 =	vadd.s32 v19, v24;
	v33 =	vor.u32 v26, v58  }
0x277: {  	v59 =	vadd.s32 v28, v20;
	v28 =	vadd.s32 v28, v22;
	v33 =	vor.u32 v29, v33  }
0x278: {  	v63 =	vand.u32 $0xFFFFFF80, v62;
	v60 =	vor.u32 v31, v33;
	[tilespmem:v25+s11+$0x0] =	vst.idx.msk vm0, v32;
	v25 =	vor.u32 v26, v59  }
0x279: {  	v61 =	vor.u32 v29, v25;
	v25 =	vadd.s32 v21, v24;
	v24 =	vor.u32 v26, v28  }
0x27a: {  	v30 =	vld.idx.msk [tilespmem:v30+s17+$0x0], vm0;
	v28 =	vadd.s32 v27, v63;
	v24 =	vor.u32 v29, v24;
	v29 =	vand.u32 $0x7F, v62  }
0x27b: {  	v28 =	vor.u32 v29, v28;
	_ =	sdelay $0x1  }
0x27c: {  	v26 =	vand.u32 $0xFFFFFF80, v25  }
0x27d: {  	v27 =	vadd.s32 v27, v26  }
0x27e: {  	s8 =	simm.s32 $0x10;
	s0 =	smov.u32 s18;
	s3 =	smov.u32 s19;
	v26 =	vor.u32 v31, v61;
	v24 =	vor.u32 v31, v24;
	[tilespmem:v60+s11+$0x0] =	vst.idx.msk vm0, v30  }
.LBB2_40:
0x27f: {  	p4 =	sne.s32 s8, $0xB0;
	v28 =	vld.idx.msk [tilespmem:v28+s17+$0x0], vm0;
	s0 =	sadd.s32 $0x10, s0;
	s3 =	sadd.s32 $0x10, s3  }
0x280: {  	v25 =	vand.u32 $0x7F, v25;
	s20 =	smov.u32 s8;
	s8 =	sadd.s32 $0x10, s8  }
0x281: {  	v25 =	vor.u32 v25, v27;
	_ =	sdelay $0x3  }
0x282: {  	v27 =	vor.u32 s20, v3;
	[tilespmem:v26+s11+$0x0] =	vst.idx.msk vm0, v28  }
0x283: {  	v26 =	vadd.s32 v23, v27;
	v25 =	vld.idx.msk [tilespmem:v25+s17+$0x0], vm0  }
0x284: {  	vm1 =	vlt.s32 v26, v6;
	v26 =	vshll.u32 v27, $0x7;
	_ =	sdelay $0x4  }
0x285: {  	[tilespmem:v24+s11+$0x0] =	vst.idx.msk vm0, v25;
	vm0 =	vmmov vm1  }
0x286: {  	v24 =	vld [tilespmem:s3+$0x0];
	_ =	sdelay $0x3  }
0x287: {  	v25 =	vld [tilespmem:s0+$0x0]  }
0x288: {  	v27 =	vadd.s32 v8, v24;
	v28 =	vadd.s32 v9, v24;
	v29 =	vadd.s32 v11, v24  }
0x289: {  	v30 =	vand.u32 $0xFFFFFF80, v27;
	v27 =	vand.u32 $0x7F, v27;
	v31 =	vand.u32 $0xFFFFFF80, v29  }
0x28a: {  	v33 =	vadd.s32 v13, v24;
	v32 =	vand.u32 $0xFFFFFF80, v28;
	v30 =	vadd.s32 v26, v30  }
0x28b: {  	v27 =	vor.u32 v27, v30;
	v30 =	vadd.s32 v26, v31;
	v31 =	vadd.s32 v15, v24  }
0x28c: {  	v32 =	vadd.s32 v26, v32;
	v34 =	vand.u32 $0xFFFFF000, v25;
	v35 =	vshll.u32 v25, $0x3  }
0x28d: {  	v36 =	vadd.s32 v7, v34;
	v35 =	vand.u32 $0xC00, v35;
	v37 =	vadd.s32 v34, v22  }
0x28e: {  	v38 =	vshrl.u32 v25, $0x2;
	v36 =	vor.u32 v35, v36  }
0x28f: {  	v39 =	vand.u32 $0x7F, v25;
	v38 =	vand.u32 $0x380, v38;
	v25 =	vadd.s32 v34, v18  }
0x290: {  	v28 =	vand.u32 $0x7F, v28;
	v40 =	vand.u32 $0xFFFFFF80, v33;
	v36 =	vor.u32 v38, v36;
	v27 =	vld.idx.msk [tilespmem:v27+s17+$0x0], vm1  }
0x291: {  	v41 =	vadd.s32 v34, v10;
	v42 =	vadd.s32 v34, v12;
	v36 =	vor.u32 v39, v36  }
0x292: {  	v28 =	vor.u32 v28, v32;
	v32 =	vadd.s32 v26, v40;
	v40 =	vadd.s32 v34, v16  }
0x293: {  	v43 =	vadd.s32 v34, v14;
	v42 =	vor.u32 v39, v42;
	v40 =	vor.u32 v39, v40  }
0x294: {  	v41 =	vor.u32 v39, v41;
	v43 =	vor.u32 v39, v43;
	v40 =	vor.u32 v35, v40  }
0x295: {  	v44 =	vand.u32 $0xFFFFFF80, v31;
	v25 =	vor.u32 v39, v25;
	v43 =	vor.u32 v35, v43  }
0x296: {  	[tilespmem:v36+s11+$0x0] =	vst.idx.msk vm0, v27;
	v36 =	vor.u32 v38, v43;
	v43 =	vadd.s32 v26, v44  }
0x297: {  	v29 =	vand.u32 $0x7F, v29;
	v27 =	vld.idx.msk [tilespmem:v28+s17+$0x0], vm0;
	v28 =	vor.u32 v35, v41;
	v41 =	vor.u32 v35, v25  }
0x298: {  	v29 =	vor.u32 v29, v30;
	v25 =	vadd.s32 v34, v20;
	v28 =	vor.u32 v38, v28  }
0x299: {  	v30 =	vor.u32 v35, v42;
	v34 =	vadd.s32 v17, v24;
	v25 =	vor.u32 v39, v25  }
0x29a: {  	v30 =	vor.u32 v38, v30;
	v42 =	vand.u32 $0xFFFFFF80, v34;
	v44 =	vor.u32 v35, v25  }
0x29b: {  	v45 =	vadd.s32 v19, v24;
	v40 =	vor.u32 v38, v40;
	v42 =	vadd.s32 v26, v42  }
0x29c: {  	v46 =	vand.u32 $0xFFFFFF80, v45;
	v25 =	vadd.s32 v21, v24;
	v24 =	vor.u32 v39, v37  }
0x29d: {  	v24 =	vor.u32 v35, v24;
	[tilespmem:v28+s11+$0x0] =	vst.idx.msk vm0, v27;
	v28 =	vadd.s32 v26, v46;
	v27 =	vand.u32 $0xFFFFFF80, v25  }
0x29e: {  	v33 =	vand.u32 $0x7F, v33;
	v35 =	vor.u32 v38, v41;
	v29 =	vld.idx.msk [tilespmem:v29+s17+$0x0], vm0;
	v27 =	vadd.s32 v26, v27  }
0x29f: {  	v32 =	vor.u32 v33, v32;
	v24 =	vor.u32 v38, v24;
	v26 =	vor.u32 v38, v44;
	_ =	sdelay $0x4  }
0x2a0: {  	[tilespmem:v30+s11+$0x0] =	vst.idx.msk vm0, v29  }
0x2a1: {  	v30 =	vand.u32 $0x7F, v31;
	v29 =	vld.idx.msk [tilespmem:v32+s17+$0x0], vm0  }
0x2a2: {  	v30 =	vor.u32 v30, v43;
	_ =	sdelay $0x4  }
0x2a3: {  	[tilespmem:v36+s11+$0x0] =	vst.idx.msk vm0, v29  }
0x2a4: {  	v29 =	vld.idx.msk [tilespmem:v30+s17+$0x0], vm0  }
0x2a5: {  	v30 =	vand.u32 $0x7F, v34  }
0x2a6: {  	v30 =	vor.u32 v30, v42;
	_ =	sdelay $0x3  }
0x2a7: {  	[tilespmem:v40+s11+$0x0] =	vst.idx.msk vm0, v29  }
0x2a8: {  	v29 =	vld.idx.msk [tilespmem:v30+s17+$0x0], vm0  }
0x2a9: {  	v30 =	vand.u32 $0x7F, v45  }
.Ltmp34:
0x2aa: {  	v28 =	vor.u32 v30, v28;
	(pc) =	sbr.rel @p4 .LBB2_40-.Ltmp34, $2  }
0x2ab: {  	_ =	sdelay $0x2  }
0x2ac: {  	[tilespmem:v35+s11+$0x0] =	vst.idx.msk vm0, v29  }
0x2ad: {  	_ =	sdelay $0x4  }
0x2ae: {  	v23 =	vld.idx.msk [tilespmem:v28+s17+$0x0], vm0;
	v25 =	vand.u32 $0x7F, v25  }
0x2af: {  	v25 =	vor.u32 v25, v27;
	_ =	sdelay $0x3  }
0x2b0: {  	s30 =	sadd.s32 $0x1, s30;
	[tilespmem:v26+s11+$0x0] =	vst.idx.msk vm0, v23  }
0x2b1: {  	p4 =	sne.s32 s30, s24;
	v23 =	vld.idx.msk [tilespmem:v25+s17+$0x0], vm0  }
.Ltmp35:
0x2b2: {  	_ = 	snop;
	(pc) =	sbr.rel @p4 .LBB2_33-.Ltmp35, $4  }
.Ltmp36:
0x2b3: {  	_ = 	snop;
	(pc) =	sbr.rel @!p4 .LBB2_42-.Ltmp36, $4  }
0x2b4: {  	_ = 	snop  }
0x2b5: {  	_ = 	snop  }
0x2b6: {  	s2 =	sadd.s32 $0xC0, s2;
	s18 =	sadd.s32 $0xC0, s18;
	s19 =	sadd.s32 $0xC0, s19;
	[tilespmem:v24+s11+$0x0] =	vst.idx.msk vm0, v23  }
0x2b7: {  	_ = 	snop  }
.LBB2_45:
0x2b8: {  	_ =	sfence.sel $0x180000  }
0x2b9: {  	[bflag:$0x0] =	sbarrier.arrive $0xFFFF  }
0x2ba: {  	_ =	strace $0x90000047  }
0x2bb: {  	s0 =	stileid.u32;
	[bflag:$0x2] =	sbarrier.arrive $0xFFFF  }
0x2bc: {  	p0 =	sne.s32 s0, $0x0;
	s0 =	rddreg [dreg:$0x3]  }
0x2bd: {  	s0 =	sadd.s32 @!p0 $0x100000, s0  }
0x2be: {  	[sflag:s0] =	ssyncadd.tile.s32 @!p0 $0x1;
	_ =	shalt  }
.Lfunc_end2:
_tile_overlayer_lowered:
.L_overlay_start_2:
0x2bf: {  	(tag) =	ssettag $0x2  }
0x2c0: {  	s0 =	rddreg [dreg:$0x0];
	s2 =	stileid.u32  }
0x2c1: {  	s1 =	rddreg [dreg:$0x1];
	p0 =	sne.s32 s2, $0x0  }
0x2c2: {  	s3 =	rddreg [dreg:$0x2];
	[bflag:$0x3] =	sbarrier.arrive $0xFFFF;
	s2 =	simm.s32 @!p0 $0x1C04  }
0x2c3: {  	[timem:s3], [sflag:s2] =	dma.local @!p0 [hbm:s0], s1  }
0x2c4: {  	s0 =	simm.s32 @!p0 $0x4  }
0x2c5: {  	_ =	swait.ge @!p0 [sflag:s0], s1  }
0x2c6: {  	s1 =	ssub.s32 @!p0 $0x0, s1;
	[sflag:s0] =	ssyncset.done @!p0 $0x0  }
0x2c7: {  	[sflag:s0] =	ssyncadd.s32 @!p0 s1  }
0x2c8: {  	[bflag:$0x3] =	sbarrier.arrive $0xFFFF  }
0x2c9: {  	_ =	shalt  }

</sc_bundles>
